<compile_context>
chip_gen: v7x
topology: tpu7x:2x2x1
jax: 0.10.2.dev20260603
libtpu: 0.0.44.dev20260713+nightly
codegen_flags: <defaults>
</compile_context>

<pallas_src>
import functools
import math

import jax
import jax.numpy as jnp
from jax import lax
from jax.experimental import pallas as pl
from jax.experimental.pallas import tpu as pltpu
from jax.experimental.pallas import tpu_sc as plsc

N = 10000
E = 160000
D = 256
H = 4
C = D // H

NSUB = 16
EB = 40
E_PER_SUB = E // NSUB
NBLK = E_PER_SUB // EB
N_PAD = 10112
N_PER_SUB = N_PAD // NSUB


def _proj_body(x_ref, w_ref, b_ref, q0, q1, k0, k1, v0, v1, skip):
    acc = jnp.dot(x_ref[...], w_ref[...], preferred_element_type=jnp.float32)
    acc = acc + b_ref[...]
    q0[...] = acc[:, 0:128]
    q1[...] = acc[:, 128:256]
    k0[...] = acc[:, 256:384]
    k1[...] = acc[:, 384:512]
    v0[...] = acc[:, 512:640]
    v1[...] = acc[:, 640:768]
    skip[...] = acc[:, 768:1024]


def _proj(x, w, b):
    blk = 2000
    grid = N // blk
    half = jax.ShapeDtypeStruct((N, 128), jnp.float32)
    return pl.pallas_call(
        _proj_body,
        grid=(grid,),
        in_specs=[
            pl.BlockSpec((blk, D), lambda i: (i, 0)),
            pl.BlockSpec((D, 4 * D), lambda i: (0, 0)),
            pl.BlockSpec((1, 4 * D), lambda i: (0, 0)),
        ],
        out_specs=[pl.BlockSpec((blk, 128), lambda i: (i, 0))] * 6
        + [pl.BlockSpec((blk, D), lambda i: (i, 0))],
        out_shape=[half] * 6 + [jax.ShapeDtypeStruct((N, D), jnp.float32)],
    )(x, w, b)


def _eproj_body(emb_ref, w_ref, e0, e1):
    acc = jnp.dot(emb_ref[...], w_ref[...], preferred_element_type=jnp.float32)
    e0[...] = acc[:, 0:128]
    e1[...] = acc[:, 128:256]


def _eproj(emb, we):
    blk = 2000
    grid = E // blk
    half = jax.ShapeDtypeStruct((E, 128), jnp.float32)
    return pl.pallas_call(
        _eproj_body,
        grid=(grid,),
        in_specs=[
            pl.BlockSpec((blk, D), lambda i: (i, 0)),
            pl.BlockSpec((D, D), lambda i: (0, 0)),
        ],
        out_specs=[pl.BlockSpec((blk, 128), lambda i: (i, 0))] * 2,
        out_shape=[half, half],
    )(emb, we)


def _sc_core_work(s, src_h, dst_h, qt, kt, vt, et, num_out, den_out,
                  sidx, didx, qb, kjb, vjb, exb,
                  acc, dacc, gsem, esem, sa, sd):
    zeros16 = jnp.zeros((16,), jnp.float32)
    lo = s * N_PER_SUB
    ebase = s * E_PER_SUB

    def _zrow(i, _):
        for cc in range(8):
            kjb[0, i, pl.ds(cc * 16, 16)] = zeros16
        exb[0, i, :] = zeros16
        return 0

    lax.fori_loop(0, EB, _zrow, 0)

    for t in range(N_PER_SUB // EB):
        pltpu.sync_copy(kjb.at[0], acc.at[pl.ds(lo + t * EB, EB)])
        pltpu.sync_copy(exb.at[0], dacc.at[pl.ds(lo + t * EB, EB)])
    rem = N_PER_SUB % EB
    if rem:
        tt = (N_PER_SUB // EB) * EB
        pltpu.sync_copy(kjb.at[0, pl.ds(0, rem)], acc.at[pl.ds(lo + tt, rem)])
        pltpu.sync_copy(exb.at[0, pl.ds(0, rem)], dacc.at[pl.ds(lo + tt, rem)])

    plsc.subcore_barrier()

    lane = lax.iota(jnp.int32, 16)
    m0 = lane == 0
    m1 = lane == 1

    pltpu.sync_copy(src_h.at[pl.ds(ebase, EB)], sidx.at[0])
    pltpu.sync_copy(dst_h.at[pl.ds(ebase, EB)], didx.at[0])
    pltpu.sync_copy(et.at[pl.ds(ebase, EB)], kjb.at[0])
    pltpu.sync_copy(et.at[pl.ds(ebase, EB)], vjb.at[0])
    pltpu.async_copy(qt.at[didx.at[0]], qb.at[0], gsem)
    pltpu.async_copy(kt.at[sidx.at[0]], kjb.at[0], gsem, add=False)
    pltpu.async_copy(vt.at[sidx.at[0]], vjb.at[0], gsem, add=False)

    def _block(j, _):
        p = lax.rem(j, 2)
        q = 1 - p
        base1 = ebase + (j + 1) * EB
        not_last = j < NBLK - 1

        @pl.when(not_last)
        def _():
            pltpu.async_copy(src_h.at[pl.ds(base1, EB)], sidx.at[q], esem)

        @pl.when(j >= 1)
        def _():
            pltpu.make_async_copy(et.at[pl.ds(0, EB)], vjb.at[q], sa).wait()
            pltpu.make_async_copy(den_out.at[pl.ds(0, EB)], exb.at[q], sd).wait()

        @pl.when(not_last)
        def _():
            pltpu.async_copy(dst_h.at[pl.ds(base1, EB)], didx.at[q], esem)
            pltpu.async_copy(et.at[pl.ds(base1, EB)], kjb.at[q], esem)
            pltpu.async_copy(et.at[pl.ds(base1, EB)], vjb.at[q], esem)

        pltpu.make_async_copy(et.at[pl.ds(0, EB)], qb.at[p], gsem).wait()
        pltpu.make_async_copy(et.at[pl.ds(0, EB)], kjb.at[p], gsem).wait()
        pltpu.make_async_copy(et.at[pl.ds(0, EB)], vjb.at[p], gsem).wait()

        @pl.when(not_last)
        def _():
            pltpu.make_async_copy(src_h.at[pl.ds(0, EB)], sidx.at[q], esem).wait()
            pltpu.make_async_copy(src_h.at[pl.ds(0, EB)], didx.at[q], esem).wait()
            pltpu.make_async_copy(et.at[pl.ds(0, EB)], kjb.at[q], esem).wait()
            pltpu.make_async_copy(et.at[pl.ds(0, EB)], vjb.at[q], esem).wait()
            pltpu.async_copy(qt.at[didx.at[q]], qb.at[q], gsem)
            pltpu.async_copy(kt.at[sidx.at[q]], kjb.at[q], gsem, add=False)
            pltpu.async_copy(vt.at[sidx.at[q]], vjb.at[q], gsem, add=False)

        def _edge(i, _):
            exs = []
            for h in range(2):
                off = h * 64
                dot = jnp.zeros((16,), jnp.float32)
                for cc in range(4):
                    qv = qb[p, i, pl.ds(off + cc * 16, 16)]
                    kv = kjb[p, i, pl.ds(off + cc * 16, 16)]
                    dot = dot + qv * kv
                alpha = jnp.sum(dot) * 0.125
                exv = jnp.exp(jnp.broadcast_to(alpha, (16,)))
                for cc in range(4):
                    sl = pl.ds(off + cc * 16, 16)
                    vjb[p, i, sl] = vjb[p, i, sl] * exv
                exs.append(exv)
            exrow = jnp.where(m0, exs[0], jnp.where(m1, exs[1], zeros16))
            exb[p, i, :] = exrow
            return 0

        lax.fori_loop(0, EB, _edge, 0)

        pltpu.async_copy(vjb.at[p], acc.at[didx.at[p]], sa, add=True)
        pltpu.async_copy(exb.at[p], dacc.at[didx.at[p]], sd, add=True)
        return 0

    lax.fori_loop(0, NBLK, _block, 0)

    pltpu.make_async_copy(et.at[pl.ds(0, EB)], vjb.at[1], sa).wait()
    pltpu.make_async_copy(den_out.at[pl.ds(0, EB)], exb.at[1], sd).wait()

    plsc.subcore_barrier()

    pltpu.sync_copy(acc.at[pl.ds(lo, N_PER_SUB)], num_out.at[pl.ds(lo, N_PER_SUB)])
    pltpu.sync_copy(dacc.at[pl.ds(lo, N_PER_SUB)], den_out.at[pl.ds(lo, N_PER_SUB)])


def _sc_edge(src, dst, q0, k0, v0, e0, q1, k1, v1, e1):
    mesh = plsc.VectorSubcoreMesh(core_axis_name="c", subcore_axis_name="s")

    @functools.partial(
        pl.kernel,
        mesh=mesh,
        compiler_params=pltpu.CompilerParams(
            needs_layout_passes=False, use_tc_tiling_on_sc=False),
        out_type=[
            jax.ShapeDtypeStruct((N_PAD, 128), jnp.float32),
            jax.ShapeDtypeStruct((N_PAD, 128), jnp.float32),
            jax.ShapeDtypeStruct((N_PAD, 16), jnp.float32),
            jax.ShapeDtypeStruct((N_PAD, 16), jnp.float32),
        ],
        scratch_types=[
            pltpu.VMEM((2, EB), jnp.int32),
            pltpu.VMEM((2, EB), jnp.int32),
            pltpu.VMEM((2, EB, 128), jnp.float32),
            pltpu.VMEM((2, EB, 128), jnp.float32),
            pltpu.VMEM((2, EB, 128), jnp.float32),
            pltpu.VMEM((2, EB, 16), jnp.float32),
            pltpu.VMEM_SHARED((N_PAD, 128), jnp.float32),
            pltpu.VMEM_SHARED((N_PAD, 16), jnp.float32),
            pltpu.SemaphoreType.DMA,
            pltpu.SemaphoreType.DMA,
            pltpu.SemaphoreType.DMA,
            pltpu.SemaphoreType.DMA,
        ],
    )
    def k(src_h, dst_h, q0_h, k0_h, v0_h, e0_h, q1_h, k1_h, v1_h, e1_h,
          num0, num1, den0, den1, *scr):
        c = lax.axis_index("c")
        s = lax.axis_index("s")

        @pl.when(c == 0)
        def _():
            _sc_core_work(s, src_h, dst_h, q0_h, k0_h, v0_h, e0_h, num0, den0, *scr)

        @pl.when(c == 1)
        def _():
            _sc_core_work(s, src_h, dst_h, q1_h, k1_h, v1_h, e1_h, num1, den1, *scr)

    return k(src, dst, q0, k0, v0, e0, q1, k1, v1, e1)


def _final_body(x_ref, n0_ref, n1_ref, d0_ref, d1_ref, skip_ref,
                g1_ref, b1n_ref, w1_ref, bf1_ref, w2_ref, bf2_ref,
                g2_ref, b2n_ref, out_ref):
    rows = x_ref.shape[0]
    eps = 1e-16

    d0 = d0_ref[...]
    d1 = d1_ref[...]
    div0 = jnp.concatenate(
        [jnp.broadcast_to(d0[:, 0:1], (rows, 64)),
         jnp.broadcast_to(d0[:, 1:2], (rows, 64))], axis=1)
    div1 = jnp.concatenate(
        [jnp.broadcast_to(d1[:, 0:1], (rows, 64)),
         jnp.broadcast_to(d1[:, 1:2], (rows, 64))], axis=1)
    agg = jnp.concatenate(
        [n0_ref[...] / (div0 + eps), n1_ref[...] / (div1 + eps)], axis=1)

    x = x_ref[...]
    attended = agg + skip_ref[...]
    pre = x + attended
    mu = jnp.mean(pre, axis=1, keepdims=True)
    var = jnp.mean((pre - mu) ** 2, axis=1, keepdims=True)
    h = (pre - mu) * lax.rsqrt(var + 1e-5) * g1_ref[...] + b1n_ref[...]

    t = jnp.dot(h, w1_ref[...], preferred_element_type=jnp.float32) + bf1_ref[...]
    t = jnp.where(t >= 0, t, 0.01 * t)
    ffn = jnp.dot(t, w2_ref[...], preferred_element_type=jnp.float32) + bf2_ref[...]

    pre2 = h + ffn
    mu2 = jnp.mean(pre2, axis=1, keepdims=True)
    var2 = jnp.mean((pre2 - mu2) ** 2, axis=1, keepdims=True)
    out_ref[...] = (pre2 - mu2) * lax.rsqrt(var2 + 1e-5) * g2_ref[...] + b2n_ref[...]


def _final(x, n0, n1, d0, d1, skip, g1, b1n, w1, bf1, w2, bf2, g2, b2n):
    blk = 2000
    grid = N // blk
    return pl.pallas_call(
        _final_body,
        grid=(grid,),
        in_specs=[
            pl.BlockSpec((blk, D), lambda i: (i, 0)),
            pl.BlockSpec((blk, 128), lambda i: (i, 0)),
            pl.BlockSpec((blk, 128), lambda i: (i, 0)),
            pl.BlockSpec((blk, 16), lambda i: (i, 0)),
            pl.BlockSpec((blk, 16), lambda i: (i, 0)),
            pl.BlockSpec((blk, D), lambda i: (i, 0)),
            pl.BlockSpec((1, D), lambda i: (0, 0)),
            pl.BlockSpec((1, D), lambda i: (0, 0)),
            pl.BlockSpec((D, 2 * D), lambda i: (0, 0)),
            pl.BlockSpec((1, 2 * D), lambda i: (0, 0)),
            pl.BlockSpec((2 * D, D), lambda i: (0, 0)),
            pl.BlockSpec((1, D), lambda i: (0, 0)),
            pl.BlockSpec((1, D), lambda i: (0, 0)),
            pl.BlockSpec((1, D), lambda i: (0, 0)),
        ],
        out_specs=pl.BlockSpec((blk, D), lambda i: (i, 0)),
        out_shape=jax.ShapeDtypeStruct((N, D), jnp.float32),
    )(x, n0, n1, d0, d1, skip, g1, b1n, w1, bf1, w2, bf2, g2, b2n)


def kernel(x, edge_index, edge_embedding, Wq, bq, Wk, bk, Wv, bv, We,
           Wskip, bskip, ln1_g, ln1_b, W1, b1, W2, b2, ln2_g, ln2_b):
    ei = edge_index.astype(jnp.int32)
    src = ei[0]
    dst = ei[1]
    w = jnp.concatenate([Wq, Wk, Wv, Wskip], axis=1)
    b = jnp.concatenate([bq, bk, bv, bskip])[None, :]

    q0, q1, k0, k1, v0, v1, skip = _proj(x, w, b)
    e0, e1 = _eproj(edge_embedding, We)
    num0, num1, den0, den1 = _sc_edge(src, dst, q0, k0, v0, e0, q1, k1, v1, e1)
    out = _final(x, num0, num1, den0, den1, skip,
                 ln1_g[None, :], ln1_b[None, :], W1, b1[None, :],
                 W2, b2[None, :], ln2_g[None, :], ln2_b[None, :])
    return out

# --- scband reference (transcript-rebuilt; emitter-appended) ---
"""Pipeline reference for scband-transformer-conv-block-19885698580756 (READ-ONLY COPY).

The authoritative reference and input builder live on the scoring server;
editing this copy changes nothing except your own understanding.
"""

import jax, jax.numpy as jnp
import numpy as np
import math

N = 10000
E = 160000
D = 256
H = 4
C = D // H

def setup_inputs(seed: int = 0) -> dict:
    key = jax.random.key(seed)
    ks = jax.random.split(key, 24)
    s = 0.05
    inp = {
        'x': jax.random.normal(ks[0], (N, D), jnp.float32),
        'edge_index': jax.random.randint(ks[1], (2, E), 0, N, dtype=jnp.int64),
        'edge_embedding': jax.random.normal(ks[2], (E, D), jnp.float32),
        'Wq': jax.random.normal(ks[3], (D, H * C), jnp.float32) * s,
        'bq': jnp.zeros((H * C,), jnp.float32),
        'Wk': jax.random.normal(ks[4], (D, H * C), jnp.float32) * s,
        'bk': jnp.zeros((H * C,), jnp.float32),
        'Wv': jax.random.normal(ks[5], (D, H * C), jnp.float32) * s,
        'bv': jnp.zeros((H * C,), jnp.float32),
        'We': jax.random.normal(ks[6], (D, H * C), jnp.float32) * s,
        'Wskip': jax.random.normal(ks[7], (D, H * C), jnp.float32) * s,
        'bskip': jnp.zeros((H * C,), jnp.float32),
        'ln1_g': jnp.ones((D,), jnp.float32),
        'ln1_b': jnp.zeros((D,), jnp.float32),
        'W1': jax.random.normal(ks[8], (D, 2 * D), jnp.float32) * s,
        'b1': jnp.zeros((2 * D,), jnp.float32),
        'W2': jax.random.normal(ks[9], (2 * D, D), jnp.float32) * s,
        'b2': jnp.zeros((D,), jnp.float32),
        'ln2_g': jnp.ones((D,), jnp.float32),
        'ln2_b': jnp.zeros((D,), jnp.float32),
    }
    return inp

def _layer_norm(x, g, b, eps=1e-5):
    mu = jnp.mean(x, axis=-1, keepdims=True)
    var = jnp.mean((x - mu) ** 2, axis=-1, keepdims=True)
    return (x - mu) * jax.lax.rsqrt(var + eps) * g + b

def reference(x, edge_index, edge_embedding, Wq, bq, Wk, bk, Wv, bv, We, Wskip, bskip, ln1_g, ln1_b, W1, b1, W2, b2, ln2_g, ln2_b):
    src = edge_index[0]
    dst = edge_index[1]
    q = (x @ Wq + bq).reshape(N, H, C)
    k = (x @ Wk + bk).reshape(N, H, C)
    v = (x @ Wv + bv).reshape(N, H, C)
    e = (edge_embedding @ We).reshape(E, H, C)
    q_i = q[dst]
    k_j = k[src] + e
    v_j = v[src] + e
    alpha = jnp.sum(q_i * k_j, axis=-1) / math.sqrt(C)  # [E, H]
    amax = jax.ops.segment_max(alpha, dst, num_segments=N)
    amax = jnp.where(jnp.isfinite(amax), amax, 0.0)
    ex = jnp.exp(alpha - amax[dst])
    denom = jax.ops.segment_sum(ex, dst, num_segments=N)
    attn = ex / (denom[dst] + 1e-16)
    msg = v_j * attn[..., None]  # [E, H, C]
    agg = jax.ops.segment_sum(msg, dst, num_segments=N).reshape(N, H * C)
    attended = agg + x @ Wskip + bskip  # root/skip weight
    h = _layer_norm(x + attended, ln1_g, ln1_b)
    ffn = jax.nn.leaky_relu(h @ W1 + b1, negative_slope=0.01) @ W2 + b2
    out = _layer_norm(h + ffn, ln2_g, ln2_b)
    return out

if __name__ == "__main__":
    import jax
    _d = setup_inputs()
    print(jax.jit(kernel)(*tuple(_d.values())))

</pallas_src>

<mosaic_0001>
#map = affine_map<(d0, d1) -> (0)>
#map1 = affine_map<(d0, d1) -> (0, 0)>
module attributes {stable_mosaic.version = 14 : i64} {
  func.func @k(%arg0: i32, %arg1: i32, %arg2: memref<160000xi32, #tpu.memory_space<hbm>>, %arg3: memref<160000xi32, #tpu.memory_space<hbm>>, %arg4: memref<10000x128xf32, #tpu.memory_space<hbm>>, %arg5: memref<10000x128xf32, #tpu.memory_space<hbm>>, %arg6: memref<10000x128xf32, #tpu.memory_space<hbm>>, %arg7: memref<160000x128xf32, #tpu.memory_space<hbm>>, %arg8: memref<10000x128xf32, #tpu.memory_space<hbm>>, %arg9: memref<10000x128xf32, #tpu.memory_space<hbm>>, %arg10: memref<10000x128xf32, #tpu.memory_space<hbm>>, %arg11: memref<160000x128xf32, #tpu.memory_space<hbm>>, %arg12: memref<10112x128xf32, #tpu.memory_space<hbm>>, %arg13: memref<10112x128xf32, #tpu.memory_space<hbm>>, %arg14: memref<10112x16xf32, #tpu.memory_space<hbm>>, %arg15: memref<10112x16xf32, #tpu.memory_space<hbm>>, %arg16: memref<2x40xi32, #tpu.memory_space<vmem>>, %arg17: memref<2x40xi32, #tpu.memory_space<vmem>>, %arg18: memref<2x40x128xf32, #tpu.memory_space<vmem>>, %arg19: memref<2x40x128xf32, #tpu.memory_space<vmem>>, %arg20: memref<2x40x128xf32, #tpu.memory_space<vmem>>, %arg21: memref<2x40x16xf32, #tpu.memory_space<vmem>>, %arg22: memref<10112x128xf32, #tpu.memory_space<vmem_shared>>, %arg23: memref<10112x16xf32, #tpu.memory_space<vmem_shared>>, %arg24: memref<!tpu.dma_semaphore, #tpu.memory_space<semaphore_mem>>, %arg25: memref<!tpu.dma_semaphore, #tpu.memory_space<semaphore_mem>>, %arg26: memref<!tpu.dma_semaphore, #tpu.memory_space<semaphore_mem>>, %arg27: memref<!tpu.dma_semaphore, #tpu.memory_space<semaphore_mem>>) attributes {dimension_semantics = [#tpu.dimension_semantics<core_parallel>, #tpu.dimension_semantics<subcore_parallel>], iteration_bounds = array<i64: 2, 16>, scalar_prefetch = 0 : i64, scratch_operands = 12 : i64, tpu.core_type = #tpu.core_type<sc_vector_subcore>, window_params = [{transform_indices = #map}, {transform_indices = #map}, {transform_indices = #map1}, {transform_indices = #map1}, {transform_indices = #map1}, {transform_indices = #map1}, {transform_indices = #map1}, {transform_indices = #map1}, {transform_indices = #map1}, {transform_indices = #map1}, {transform_indices = #map1}, {transform_indices = #map1}, {transform_indices = #map1}, {transform_indices = #map1}]} {
    %eq3A = arith.constant 0 : i32
    %eq3A_0 = arith.cmpi eq, %arg0, %eq3A : i32
    %convert_element_type3A = arith.extui %eq3A_0 : i1 to i32
    %cond3A = arith.constant 0 : i32
    %cond3A_1 = arith.cmpi ne, %convert_element_type3A, %cond3A : i32
    scf.if %cond3A_1 {
      %broadcast_in_dim3A = arith.constant 0.000000e+00 : f32
      %broadcast_in_dim3A_7 = vector.broadcast %broadcast_in_dim3A : f32 to vector<16xf32>
      %mul3A = arith.constant 632 : i32
      %mul3A_8 = arith.muli %arg1, %mul3A : i32
      %mul3A_9 = arith.constant 10000 : i32
      %mul3A_10 = arith.muli %arg1, %mul3A_9 : i32
      %scan3A = arith.constant 0 : i32
      %scan3A_11 = arith.constant 0 : i32
      %scan3A_12 = arith.constant 40 : i32
      %scan3A_13 = arith.addi %scan3A_11, %scan3A_12 : i32
      %scan3A_14 = arith.constant 1 : i32
      %scan3A_15 = scf.for %scan3A_193 = %scan3A_11 to %scan3A_13 step %scan3A_14 iter_args(%scan3A_194 = %scan3A) -> (i32)  : i32 {
        %swap3A = arith.constant 0 : i32
        %swap3A_195 = arith.index_cast %swap3A : i32 to index
        %swap3A_196 = arith.index_cast %scan3A_193 : i32 to index
        %swap3A_197 = arith.constant 0 : index
        %swap3A_198 = tpu.vector_load %arg19[%swap3A_195, %swap3A_196, %swap3A_197] {strides = array<i32>} : memref<2x40x128xf32, #tpu.memory_space<vmem>>, vector<16xf32>,
        tpu.vector_store %arg19[%swap3A_195, %swap3A_196, %swap3A_197], %broadcast_in_dim3A_7 {strides = array<i32>} : memref<2x40x128xf32, #tpu.memory_space<vmem>>, vector<16xf32>,
        %swap3A_199 = arith.constant 0 : i32
        %swap3A_200 = arith.index_cast %swap3A_199 : i32 to index
        %swap3A_201 = arith.index_cast %scan3A_193 : i32 to index
        %swap3A_202 = arith.constant 16 : index
        %swap3A_203 = tpu.vector_load %arg19[%swap3A_200, %swap3A_201, %swap3A_202] {strides = array<i32>} : memref<2x40x128xf32, #tpu.memory_space<vmem>>, vector<16xf32>,
        tpu.vector_store %arg19[%swap3A_200, %swap3A_201, %swap3A_202], %broadcast_in_dim3A_7 {strides = array<i32>} : memref<2x40x128xf32, #tpu.memory_space<vmem>>, vector<16xf32>,
        %swap3A_204 = arith.constant 0 : i32
        %swap3A_205 = arith.index_cast %swap3A_204 : i32 to index
        %swap3A_206 = arith.index_cast %scan3A_193 : i32 to index
        %swap3A_207 = arith.constant 32 : index
        %swap3A_208 = tpu.vector_load %arg19[%swap3A_205, %swap3A_206, %swap3A_207] {strides = array<i32>} : memref<2x40x128xf32, #tpu.memory_space<vmem>>, vector<16xf32>,
        tpu.vector_store %arg19[%swap3A_205, %swap3A_206, %swap3A_207], %broadcast_in_dim3A_7 {strides = array<i32>} : memref<2x40x128xf32, #tpu.memory_space<vmem>>, vector<16xf32>,
        %swap3A_209 = arith.constant 0 : i32
        %swap3A_210 = arith.index_cast %swap3A_209 : i32 to index
        %swap3A_211 = arith.index_cast %scan3A_193 : i32 to index
        %swap3A_212 = arith.constant 48 : index
        %swap3A_213 = tpu.vector_load %arg19[%swap3A_210, %swap3A_211, %swap3A_212] {strides = array<i32>} : memref<2x40x128xf32, #tpu.memory_space<vmem>>, vector<16xf32>,
        tpu.vector_store %arg19[%swap3A_210, %swap3A_211, %swap3A_212], %broadcast_in_dim3A_7 {strides = array<i32>} : memref<2x40x128xf32, #tpu.memory_space<vmem>>, vector<16xf32>,
        %swap3A_214 = arith.constant 0 : i32
        %swap3A_215 = arith.index_cast %swap3A_214 : i32 to index
        %swap3A_216 = arith.index_cast %scan3A_193 : i32 to index
        %swap3A_217 = arith.constant 64 : index
        %swap3A_218 = tpu.vector_load %arg19[%swap3A_215, %swap3A_216, %swap3A_217] {strides = array<i32>} : memref<2x40x128xf32, #tpu.memory_space<vmem>>, vector<16xf32>,
        tpu.vector_store %arg19[%swap3A_215, %swap3A_216, %swap3A_217], %broadcast_in_dim3A_7 {strides = array<i32>} : memref<2x40x128xf32, #tpu.memory_space<vmem>>, vector<16xf32>,
        %swap3A_219 = arith.constant 0 : i32
        %swap3A_220 = arith.index_cast %swap3A_219 : i32 to index
        %swap3A_221 = arith.index_cast %scan3A_193 : i32 to index
        %swap3A_222 = arith.constant 80 : index
        %swap3A_223 = tpu.vector_load %arg19[%swap3A_220, %swap3A_221, %swap3A_222] {strides = array<i32>} : memref<2x40x128xf32, #tpu.memory_space<vmem>>, vector<16xf32>,
        tpu.vector_store %arg19[%swap3A_220, %swap3A_221, %swap3A_222], %broadcast_in_dim3A_7 {strides = array<i32>} : memref<2x40x128xf32, #tpu.memory_space<vmem>>, vector<16xf32>,
        %swap3A_224 = arith.constant 0 : i32
        %swap3A_225 = arith.index_cast %swap3A_224 : i32 to index
        %swap3A_226 = arith.index_cast %scan3A_193 : i32 to index
        %swap3A_227 = arith.constant 96 : index
        %swap3A_228 = tpu.vector_load %arg19[%swap3A_225, %swap3A_226, %swap3A_227] {strides = array<i32>} : memref<2x40x128xf32, #tpu.memory_space<vmem>>, vector<16xf32>,
        tpu.vector_store %arg19[%swap3A_225, %swap3A_226, %swap3A_227], %broadcast_in_dim3A_7 {strides = array<i32>} : memref<2x40x128xf32, #tpu.memory_space<vmem>>, vector<16xf32>,
        %swap3A_229 = arith.constant 0 : i32
        %swap3A_230 = arith.index_cast %swap3A_229 : i32 to index
        %swap3A_231 = arith.index_cast %scan3A_193 : i32 to index
        %swap3A_232 = arith.constant 112 : index
        %swap3A_233 = tpu.vector_load %arg19[%swap3A_230, %swap3A_231, %swap3A_232] {strides = array<i32>} : memref<2x40x128xf32, #tpu.memory_space<vmem>>, vector<16xf32>,
        tpu.vector_store %arg19[%swap3A_230, %swap3A_231, %swap3A_232], %broadcast_in_dim3A_7 {strides = array<i32>} : memref<2x40x128xf32, #tpu.memory_space<vmem>>, vector<16xf32>,
        %swap3A_234 = arith.constant 0 : i32
        %swap3A_235 = arith.index_cast %swap3A_234 : i32 to index
        %swap3A_236 = arith.index_cast %scan3A_193 : i32 to index
        %swap3A_237 = arith.constant 0 : index
        %swap3A_238 = tpu.vector_load %arg21[%swap3A_235, %swap3A_236, %swap3A_237] {strides = array<i32>} : memref<2x40x16xf32, #tpu.memory_space<vmem>>, vector<16xf32>,
        tpu.vector_store %arg21[%swap3A_235, %swap3A_236, %swap3A_237], %broadcast_in_dim3A_7 {strides = array<i32>} : memref<2x40x16xf32, #tpu.memory_space<vmem>>, vector<16xf32>,
        %scan3A_239 = arith.constant 0 : i32
        scf.yield %scan3A_239 : i32
      }
      %scan3A_16 = arith.constant 40 : i32
      %add3A = arith.constant 0 : i32
      %add3A_17 = arith.addi %mul3A_8, %add3A : i32
      %run_scoped3A = arith.constant 0 : i32
      "tpu.region"() ({
        %run_scoped3A_193 = tpu.sem_alloc : memref<!tpu.dma_semaphore, #tpu.memory_space<semaphore_mem>>
        %dma_start3A_194 = arith.constant 0 : i32
        %dma_start3A_195 = arith.constant 0 : i32
        %dma_start3A_196 = tpu.memref_slice %arg19[%run_scoped3A, %dma_start3A_194, %dma_start3A_195] : memref<2x40x128xf32, #tpu.memory_space<vmem>> -> memref<1x40x128xf32, #tpu.memory_space<vmem>>
        %dma_start3A_197 = tpu.memref_squeeze %dma_start3A_196 : memref<1x40x128xf32, #tpu.memory_space<vmem>> -> memref<40x128xf32, #tpu.memory_space<vmem>>
        %dma_start3A_198 = arith.constant 0 : i32
        %dma_start3A_199 = tpu.memref_slice %arg22[%add3A_17, %dma_start3A_198] : memref<10112x128xf32, #tpu.memory_space<vmem_shared>> -> memref<40x128xf32, #tpu.memory_space<vmem_shared>>
        %dma_start3A_200 = arith.constant 0 : i32
        %dma_start3A_201 = tpu.memref_slice %arg22[%add3A_17, %dma_start3A_200] : memref<10112x128xf32, #tpu.memory_space<vmem_shared>> -> memref<40x128xf32, #tpu.memory_space<vmem_shared>>
        %dma_start3A_202 = arith.constant 0 : i32
        %dma_start3A_203 = arith.constant 0 : i32
        %dma_start3A_204 = tpu.memref_slice %arg19[%run_scoped3A, %dma_start3A_202, %dma_start3A_203] : memref<2x40x128xf32, #tpu.memory_space<vmem>> -> memref<1x40x128xf32, #tpu.memory_space<vmem>>
        %dma_start3A_205 = tpu.memref_squeeze %dma_start3A_204 : memref<1x40x128xf32, #tpu.memory_space<vmem>> -> memref<40x128xf32, #tpu.memory_space<vmem>>
        tpu.enqueue_dma source(%dma_start3A_205 : memref<40x128xf32, #tpu.memory_space<vmem>>) target(%dma_start3A_201 : memref<40x128xf32, #tpu.memory_space<vmem_shared>>) target_semaphore(%run_scoped3A_193 : memref<!tpu.dma_semaphore, #tpu.memory_space<semaphore_mem>>)
        %dma_wait3A_206 = arith.constant 0 : i32
        %dma_wait3A_207 = arith.constant 0 : i32
        %dma_wait3A_208 = tpu.memref_slice %arg19[%run_scoped3A, %dma_wait3A_206, %dma_wait3A_207] : memref<2x40x128xf32, #tpu.memory_space<vmem>> -> memref<1x40x128xf32, #tpu.memory_space<vmem>>
        %dma_wait3A_209 = tpu.memref_squeeze %dma_wait3A_208 : memref<1x40x128xf32, #tpu.memory_space<vmem>> -> memref<40x128xf32, #tpu.memory_space<vmem>>
        %dma_wait3A_210 = arith.constant 0 : i32
        %dma_wait3A_211 = tpu.memref_slice %arg22[%add3A_17, %dma_wait3A_210] : memref<10112x128xf32, #tpu.memory_space<vmem_shared>> -> memref<40x128xf32, #tpu.memory_space<vmem_shared>>
        %dma_wait3A_212 = arith.constant 0 : i32
        %dma_wait3A_213 = tpu.memref_slice %arg22[%add3A_17, %dma_wait3A_212] : memref<10112x128xf32, #tpu.memory_space<vmem_shared>> -> memref<40x128xf32, #tpu.memory_space<vmem_shared>>
        %dma_wait3A_214 = arith.constant 0 : i32
        %dma_wait3A_215 = arith.constant 0 : i32
        %dma_wait3A_216 = tpu.memref_slice %arg19[%run_scoped3A, %dma_wait3A_214, %dma_wait3A_215] : memref<2x40x128xf32, #tpu.memory_space<vmem>> -> memref<1x40x128xf32, #tpu.memory_space<vmem>>
        %dma_wait3A_217 = tpu.memref_squeeze %dma_wait3A_216 : memref<1x40x128xf32, #tpu.memory_space<vmem>> -> memref<40x128xf32, #tpu.memory_space<vmem>>
        tpu.wait_dma2 semaphore(%run_scoped3A_193 : memref<!tpu.dma_semaphore, #tpu.memory_space<semaphore_mem>>) src(%dma_wait3A_217 : memref<40x128xf32, #tpu.memory_space<vmem>>) dst(%dma_wait3A_213 : memref<40x128xf32, #tpu.memory_space<vmem_shared>>)
        tpu.yield
      }) : () -> ()
      %add3A_18 = arith.constant 0 : i32
      %add3A_19 = arith.addi %mul3A_8, %add3A_18 : i32
      %run_scoped3A_20 = arith.constant 0 : i32
      "tpu.region"() ({
        %run_scoped3A_193 = tpu.sem_alloc : memref<!tpu.dma_semaphore, #tpu.memory_space<semaphore_mem>>
        %dma_start3A_194 = arith.constant 0 : i32
        %dma_start3A_195 = arith.constant 0 : i32
        %dma_start3A_196 = tpu.memref_slice %arg21[%run_scoped3A_20, %dma_start3A_194, %dma_start3A_195] : memref<2x40x16xf32, #tpu.memory_space<vmem>> -> memref<1x40x16xf32, #tpu.memory_space<vmem>>
        %dma_start3A_197 = tpu.memref_squeeze %dma_start3A_196 : memref<1x40x16xf32, #tpu.memory_space<vmem>> -> memref<40x16xf32, #tpu.memory_space<vmem>>
        %dma_start3A_198 = arith.constant 0 : i32
        %dma_start3A_199 = tpu.memref_slice %arg23[%add3A_19, %dma_start3A_198] : memref<10112x16xf32, #tpu.memory_space<vmem_shared>> -> memref<40x16xf32, #tpu.memory_space<vmem_shared>>
        %dma_start3A_200 = arith.constant 0 : i32
        %dma_start3A_201 = tpu.memref_slice %arg23[%add3A_19, %dma_start3A_200] : memref<10112x16xf32, #tpu.memory_space<vmem_shared>> -> memref<40x16xf32, #tpu.memory_space<vmem_shared>>
        %dma_start3A_202 = arith.constant 0 : i32
        %dma_start3A_203 = arith.constant 0 : i32
        %dma_start3A_204 = tpu.memref_slice %arg21[%run_scoped3A_20, %dma_start3A_202, %dma_start3A_203] : memref<2x40x16xf32, #tpu.memory_space<vmem>> -> memref<1x40x16xf32, #tpu.memory_space<vmem>>
        %dma_start3A_205 = tpu.memref_squeeze %dma_start3A_204 : memref<1x40x16xf32, #tpu.memory_space<vmem>> -> memref<40x16xf32, #tpu.memory_space<vmem>>
        tpu.enqueue_dma source(%dma_start3A_205 : memref<40x16xf32, #tpu.memory_space<vmem>>) target(%dma_start3A_201 : memref<40x16xf32, #tpu.memory_space<vmem_shared>>) target_semaphore(%run_scoped3A_193 : memref<!tpu.dma_semaphore, #tpu.memory_space<semaphore_mem>>)
        %dma_wait3A_206 = arith.constant 0 : i32
        %dma_wait3A_207 = arith.constant 0 : i32
        %dma_wait3A_208 = tpu.memref_slice %arg21[%run_scoped3A_20, %dma_wait3A_206, %dma_wait3A_207] : memref<2x40x16xf32, #tpu.memory_space<vmem>> -> memref<1x40x16xf32, #tpu.memory_space<vmem>>
        %dma_wait3A_209 = tpu.memref_squeeze %dma_wait3A_208 : memref<1x40x16xf32, #tpu.memory_space<vmem>> -> memref<40x16xf32, #tpu.memory_space<vmem>>
        %dma_wait3A_210 = arith.constant 0 : i32
        %dma_wait3A_211 = tpu.memref_slice %arg23[%add3A_19, %dma_wait3A_210] : memref<10112x16xf32, #tpu.memory_space<vmem_shared>> -> memref<40x16xf32, #tpu.memory_space<vmem_shared>>
        %dma_wait3A_212 = arith.constant 0 : i32
        %dma_wait3A_213 = tpu.memref_slice %arg23[%add3A_19, %dma_wait3A_212] : memref<10112x16xf32, #tpu.memory_space<vmem_shared>> -> memref<40x16xf32, #tpu.memory_space<vmem_shared>>
        %dma_wait3A_214 = arith.constant 0 : i32
        %dma_wait3A_215 = arith.constant 0 : i32
        %dma_wait3A_216 = tpu.memref_slice %arg21[%run_scoped3A_20, %dma_wait3A_214, %dma_wait3A_215] : memref<2x40x16xf32, #tpu.memory_space<vmem>> -> memref<1x40x16xf32, #tpu.memory_space<vmem>>
        %dma_wait3A_217 = tpu.memref_squeeze %dma_wait3A_216 : memref<1x40x16xf32, #tpu.memory_space<vmem>> -> memref<40x16xf32, #tpu.memory_space<vmem>>
        tpu.wait_dma2 semaphore(%run_scoped3A_193 : memref<!tpu.dma_semaphore, #tpu.memory_space<semaphore_mem>>) src(%dma_wait3A_217 : memref<40x16xf32, #tpu.memory_space<vmem>>) dst(%dma_wait3A_213 : memref<40x16xf32, #tpu.memory_space<vmem_shared>>)
        tpu.yield
      }) : () -> ()
      %add3A_21 = arith.constant 40 : i32
      %add3A_22 = arith.addi %mul3A_8, %add3A_21 : i32
      %run_scoped3A_23 = arith.constant 0 : i32
      "tpu.region"() ({
        %run_scoped3A_193 = tpu.sem_alloc : memref<!tpu.dma_semaphore, #tpu.memory_space<semaphore_mem>>
        %dma_start3A_194 = arith.constant 0 : i32
        %dma_start3A_195 = arith.constant 0 : i32
        %dma_start3A_196 = tpu.memref_slice %arg19[%run_scoped3A_23, %dma_start3A_194, %dma_start3A_195] : memref<2x40x128xf32, #tpu.memory_space<vmem>> -> memref<1x40x128xf32, #tpu.memory_space<vmem>>
        %dma_start3A_197 = tpu.memref_squeeze %dma_start3A_196 : memref<1x40x128xf32, #tpu.memory_space<vmem>> -> memref<40x128xf32, #tpu.memory_space<vmem>>
        %dma_start3A_198 = arith.constant 0 : i32
        %dma_start3A_199 = tpu.memref_slice %arg22[%add3A_22, %dma_start3A_198] : memref<10112x128xf32, #tpu.memory_space<vmem_shared>> -> memref<40x128xf32, #tpu.memory_space<vmem_shared>>
        %dma_start3A_200 = arith.constant 0 : i32
        %dma_start3A_201 = tpu.memref_slice %arg22[%add3A_22, %dma_start3A_200] : memref<10112x128xf32, #tpu.memory_space<vmem_shared>> -> memref<40x128xf32, #tpu.memory_space<vmem_shared>>
        %dma_start3A_202 = arith.constant 0 : i32
        %dma_start3A_203 = arith.constant 0 : i32
        %dma_start3A_204 = tpu.memref_slice %arg19[%run_scoped3A_23, %dma_start3A_202, %dma_start3A_203] : memref<2x40x128xf32, #tpu.memory_space<vmem>> -> memref<1x40x128xf32, #tpu.memory_space<vmem>>
        %dma_start3A_205 = tpu.memref_squeeze %dma_start3A_204 : memref<1x40x128xf32, #tpu.memory_space<vmem>> -> memref<40x128xf32, #tpu.memory_space<vmem>>
        tpu.enqueue_dma source(%dma_start3A_205 : memref<40x128xf32, #tpu.memory_space<vmem>>) target(%dma_start3A_201 : memref<40x128xf32, #tpu.memory_space<vmem_shared>>) target_semaphore(%run_scoped3A_193 : memref<!tpu.dma_semaphore, #tpu.memory_space<semaphore_mem>>)
        %dma_wait3A_206 = arith.constant 0 : i32
        %dma_wait3A_207 = arith.constant 0 : i32
        %dma_wait3A_208 = tpu.memref_slice %arg19[%run_scoped3A_23, %dma_wait3A_206, %dma_wait3A_207] : memref<2x40x128xf32, #tpu.memory_space<vmem>> -> memref<1x40x128xf32, #tpu.memory_space<vmem>>
        %dma_wait3A_209 = tpu.memref_squeeze %dma_wait3A_208 : memref<1x40x128xf32, #tpu.memory_space<vmem>> -> memref<40x128xf32, #tpu.memory_space<vmem>>
        %dma_wait3A_210 = arith.constant 0 : i32
        %dma_wait3A_211 = tpu.memref_slice %arg22[%add3A_22, %dma_wait3A_210] : memref<10112x128xf32, #tpu.memory_space<vmem_shared>> -> memref<40x128xf32, #tpu.memory_space<vmem_shared>>
        %dma_wait3A_212 = arith.constant 0 : i32
        %dma_wait3A_213 = tpu.memref_slice %arg22[%add3A_22, %dma_wait3A_212] : memref<10112x128xf32, #tpu.memory_space<vmem_shared>> -> memref<40x128xf32, #tpu.memory_space<vmem_shared>>
        %dma_wait3A_214 = arith.constant 0 : i32
        %dma_wait3A_215 = arith.constant 0 : i32
        %dma_wait3A_216 = tpu.memref_slice %arg19[%run_scoped3A_23, %dma_wait3A_214, %dma_wait3A_215] : memref<2x40x128xf32, #tpu.memory_space<vmem>> -> memref<1x40x128xf32, #tpu.memory_space<vmem>>
        %dma_wait3A_217 = tpu.memref_squeeze %dma_wait3A_216 : memref<1x40x128xf32, #tpu.memory_space<vmem>> -> memref<40x128xf32, #tpu.memory_space<vmem>>
        tpu.wait_dma2 semaphore(%run_scoped3A_193 : memref<!tpu.dma_semaphore, #tpu.memory_space<semaphore_mem>>) src(%dma_wait3A_217 : memref<40x128xf32, #tpu.memory_space<vmem>>) dst(%dma_wait3A_213 : memref<40x128xf32, #tpu.memory_space<vmem_shared>>)
        tpu.yield
      }) : () -> ()
      %add3A_24 = arith.constant 40 : i32
      %add3A_25 = arith.addi %mul3A_8, %add3A_24 : i32
      %run_scoped3A_26 = arith.constant 0 : i32
      "tpu.region"() ({
        %run_scoped3A_193 = tpu.sem_alloc : memref<!tpu.dma_semaphore, #tpu.memory_space<semaphore_mem>>
        %dma_start3A_194 = arith.constant 0 : i32
        %dma_start3A_195 = arith.constant 0 : i32
        %dma_start3A_196 = tpu.memref_slice %arg21[%run_scoped3A_26, %dma_start3A_194, %dma_start3A_195] : memref<2x40x16xf32, #tpu.memory_space<vmem>> -> memref<1x40x16xf32, #tpu.memory_space<vmem>>
        %dma_start3A_197 = tpu.memref_squeeze %dma_start3A_196 : memref<1x40x16xf32, #tpu.memory_space<vmem>> -> memref<40x16xf32, #tpu.memory_space<vmem>>
        %dma_start3A_198 = arith.constant 0 : i32
        %dma_start3A_199 = tpu.memref_slice %arg23[%add3A_25, %dma_start3A_198] : memref<10112x16xf32, #tpu.memory_space<vmem_shared>> -> memref<40x16xf32, #tpu.memory_space<vmem_shared>>
        %dma_start3A_200 = arith.constant 0 : i32
        %dma_start3A_201 = tpu.memref_slice %arg23[%add3A_25, %dma_start3A_200] : memref<10112x16xf32, #tpu.memory_space<vmem_shared>> -> memref<40x16xf32, #tpu.memory_space<vmem_shared>>
        %dma_start3A_202 = arith.constant 0 : i32
        %dma_start3A_203 = arith.constant 0 : i32
        %dma_start3A_204 = tpu.memref_slice %arg21[%run_scoped3A_26, %dma_start3A_202, %dma_start3A_203] : memref<2x40x16xf32, #tpu.memory_space<vmem>> -> memref<1x40x16xf32, #tpu.memory_space<vmem>>
        %dma_start3A_205 = tpu.memref_squeeze %dma_start3A_204 : memref<1x40x16xf32, #tpu.memory_space<vmem>> -> memref<40x16xf32, #tpu.memory_space<vmem>>
        tpu.enqueue_dma source(%dma_start3A_205 : memref<40x16xf32, #tpu.memory_space<vmem>>) target(%dma_start3A_201 : memref<40x16xf32, #tpu.memory_space<vmem_shared>>) target_semaphore(%run_scoped3A_193 : memref<!tpu.dma_semaphore, #tpu.memory_space<semaphore_mem>>)
        %dma_wait3A_206 = arith.constant 0 : i32
        %dma_wait3A_207 = arith.constant 0 : i32
        %dma_wait3A_208 = tpu.memref_slice %arg21[%run_scoped3A_26, %dma_wait3A_206, %dma_wait3A_207] : memref<2x40x16xf32, #tpu.memory_space<vmem>> -> memref<1x40x16xf32, #tpu.memory_space<vmem>>
        %dma_wait3A_209 = tpu.memref_squeeze %dma_wait3A_208 : memref<1x40x16xf32, #tpu.memory_space<vmem>> -> memref<40x16xf32, #tpu.memory_space<vmem>>
        %dma_wait3A_210 = arith.constant 0 : i32
        %dma_wait3A_211 = tpu.memref_slice %arg23[%add3A_25, %dma_wait3A_210] : memref<10112x16xf32, #tpu.memory_space<vmem_shared>> -> memref<40x16xf32, #tpu.memory_space<vmem_shared>>
        %dma_wait3A_212 = arith.constant 0 : i32
        %dma_wait3A_213 = tpu.memref_slice %arg23[%add3A_25, %dma_wait3A_212] : memref<10112x16xf32, #tpu.memory_space<vmem_shared>> -> memref<40x16xf32, #tpu.memory_space<vmem_shared>>
        %dma_wait3A_214 = arith.constant 0 : i32
        %dma_wait3A_215 = arith.constant 0 : i32
        %dma_wait3A_216 = tpu.memref_slice %arg21[%run_scoped3A_26, %dma_wait3A_214, %dma_wait3A_215] : memref<2x40x16xf32, #tpu.memory_space<vmem>> -> memref<1x40x16xf32, #tpu.memory_space<vmem>>
        %dma_wait3A_217 = tpu.memref_squeeze %dma_wait3A_216 : memref<1x40x16xf32, #tpu.memory_space<vmem>> -> memref<40x16xf32, #tpu.memory_space<vmem>>
        tpu.wait_dma2 semaphore(%run_scoped3A_193 : memref<!tpu.dma_semaphore, #tpu.memory_space<semaphore_mem>>) src(%dma_wait3A_217 : memref<40x16xf32, #tpu.memory_space<vmem>>) dst(%dma_wait3A_213 : memref<40x16xf32, #tpu.memory_space<vmem_shared>>)
        tpu.yield
      }) : () -> ()
      %add3A_27 = arith.constant 80 : i32
      %add3A_28 = arith.addi %mul3A_8, %add3A_27 : i32
      %run_scoped3A_29 = arith.constant 0 : i32
      "tpu.region"() ({
        %run_scoped3A_193 = tpu.sem_alloc : memref<!tpu.dma_semaphore, #tpu.memory_space<semaphore_mem>>
        %dma_start3A_194 = arith.constant 0 : i32
        %dma_start3A_195 = arith.constant 0 : i32
        %dma_start3A_196 = tpu.memref_slice %arg19[%run_scoped3A_29, %dma_start3A_194, %dma_start3A_195] : memref<2x40x128xf32, #tpu.memory_space<vmem>> -> memref<1x40x128xf32, #tpu.memory_space<vmem>>
        %dma_start3A_197 = tpu.memref_squeeze %dma_start3A_196 : memref<1x40x128xf32, #tpu.memory_space<vmem>> -> memref<40x128xf32, #tpu.memory_space<vmem>>
        %dma_start3A_198 = arith.constant 0 : i32
        %dma_start3A_199 = tpu.memref_slice %arg22[%add3A_28, %dma_start3A_198] : memref<10112x128xf32, #tpu.memory_space<vmem_shared>> -> memref<40x128xf32, #tpu.memory_space<vmem_shared>>
        %dma_start3A_200 = arith.constant 0 : i32
        %dma_start3A_201 = tpu.memref_slice %arg22[%add3A_28, %dma_start3A_200] : memref<10112x128xf32, #tpu.memory_space<vmem_shared>> -> memref<40x128xf32, #tpu.memory_space<vmem_shared>>
        %dma_start3A_202 = arith.constant 0 : i32
        %dma_start3A_203 = arith.constant 0 : i32
        %dma_start3A_204 = tpu.memref_slice %arg19[%run_scoped3A_29, %dma_start3A_202, %dma_start3A_203] : memref<2x40x128xf32, #tpu.memory_space<vmem>> -> memref<1x40x128xf32, #tpu.memory_space<vmem>>
        %dma_start3A_205 = tpu.memref_squeeze %dma_start3A_204 : memref<1x40x128xf32, #tpu.memory_space<vmem>> -> memref<40x128xf32, #tpu.memory_space<vmem>>
        tpu.enqueue_dma source(%dma_start3A_205 : memref<40x128xf32, #tpu.memory_space<vmem>>) target(%dma_start3A_201 : memref<40x128xf32, #tpu.memory_space<vmem_shared>>) target_semaphore(%run_scoped3A_193 : memref<!tpu.dma_semaphore, #tpu.memory_space<semaphore_mem>>)
        %dma_wait3A_206 = arith.constant 0 : i32
        %dma_wait3A_207 = arith.constant 0 : i32
        %dma_wait3A_208 = tpu.memref_slice %arg19[%run_scoped3A_29, %dma_wait3A_206, %dma_wait3A_207] : memref<2x40x128xf32, #tpu.memory_space<vmem>> -> memref<1x40x128xf32, #tpu.memory_space<vmem>>
        %dma_wait3A_209 = tpu.memref_squeeze %dma_wait3A_208 : memref<1x40x128xf32, #tpu.memory_space<vmem>> -> memref<40x128xf32, #tpu.memory_space<vmem>>
        %dma_wait3A_210 = arith.constant 0 : i32
        %dma_wait3A_211 = tpu.memref_slice %arg22[%add3A_28, %dma_wait3A_210] : memref<10112x128xf32, #tpu.memory_space<vmem_shared>> -> memref<40x128xf32, #tpu.memory_space<vmem_shared>>
        %dma_wait3A_212 = arith.constant 0 : i32
        %dma_wait3A_213 = tpu.memref_slice %arg22[%add3A_28, %dma_wait3A_212] : memref<10112x128xf32, #tpu.memory_space<vmem_shared>> -> memref<40x128xf32, #tpu.memory_space<vmem_shared>>
        %dma_wait3A_214 = arith.constant 0 : i32
        %dma_wait3A_215 = arith.constant 0 : i32
        %dma_wait3A_216 = tpu.memref_slice %arg19[%run_scoped3A_29, %dma_wait3A_214, %dma_wait3A_215] : memref<2x40x128xf32, #tpu.memory_space<vmem>> -> memref<1x40x128xf32, #tpu.memory_space<vmem>>
        %dma_wait3A_217 = tpu.memref_squeeze %dma_wait3A_216 : memref<1x40x128xf32, #tpu.memory_space<vmem>> -> memref<40x128xf32, #tpu.memory_space<vmem>>
        tpu.wait_dma2 semaphore(%run_scoped3A_193 : memref<!tpu.dma_semaphore, #tpu.memory_space<semaphore_mem>>) src(%dma_wait3A_217 : memref<40x128xf32, #tpu.memory_space<vmem>>) dst(%dma_wait3A_213 : memref<40x128xf32, #tpu.memory_space<vmem_shared>>)
        tpu.yield
      }) : () -> ()
      %add3A_30 = arith.constant 80 : i32
      %add3A_31 = arith.addi %mul3A_8, %add3A_30 : i32
      %run_scoped3A_32 = arith.constant 0 : i32
      "tpu.region"() ({
        %run_scoped3A_193 = tpu.sem_alloc : memref<!tpu.dma_semaphore, #tpu.memory_space<semaphore_mem>>
        %dma_start3A_194 = arith.constant 0 : i32
        %dma_start3A_195 = arith.constant 0 : i32
        %dma_start3A_196 = tpu.memref_slice %arg21[%run_scoped3A_32, %dma_start3A_194, %dma_start3A_195] : memref<2x40x16xf32, #tpu.memory_space<vmem>> -> memref<1x40x16xf32, #tpu.memory_space<vmem>>
        %dma_start3A_197 = tpu.memref_squeeze %dma_start3A_196 : memref<1x40x16xf32, #tpu.memory_space<vmem>> -> memref<40x16xf32, #tpu.memory_space<vmem>>
        %dma_start3A_198 = arith.constant 0 : i32
        %dma_start3A_199 = tpu.memref_slice %arg23[%add3A_31, %dma_start3A_198] : memref<10112x16xf32, #tpu.memory_space<vmem_shared>> -> memref<40x16xf32, #tpu.memory_space<vmem_shared>>
        %dma_start3A_200 = arith.constant 0 : i32
        %dma_start3A_201 = tpu.memref_slice %arg23[%add3A_31, %dma_start3A_200] : memref<10112x16xf32, #tpu.memory_space<vmem_shared>> -> memref<40x16xf32, #tpu.memory_space<vmem_shared>>
        %dma_start3A_202 = arith.constant 0 : i32
        %dma_start3A_203 = arith.constant 0 : i32
        %dma_start3A_204 = tpu.memref_slice %arg21[%run_scoped3A_32, %dma_start3A_202, %dma_start3A_203] : memref<2x40x16xf32, #tpu.memory_space<vmem>> -> memref<1x40x16xf32, #tpu.memory_space<vmem>>
        %dma_start3A_205 = tpu.memref_squeeze %dma_start3A_204 : memref<1x40x16xf32, #tpu.memory_space<vmem>> -> memref<40x16xf32, #tpu.memory_space<vmem>>
        tpu.enqueue_dma source(%dma_start3A_205 : memref<40x16xf32, #tpu.memory_space<vmem>>) target(%dma_start3A_201 : memref<40x16xf32, #tpu.memory_space<vmem_shared>>) target_semaphore(%run_scoped3A_193 : memref<!tpu.dma_semaphore, #tpu.memory_space<semaphore_mem>>)
        %dma_wait3A_206 = arith.constant 0 : i32
        %dma_wait3A_207 = arith.constant 0 : i32
        %dma_wait3A_208 = tpu.memref_slice %arg21[%run_scoped3A_32, %dma_wait3A_206, %dma_wait3A_207] : memref<2x40x16xf32, #tpu.memory_space<vmem>> -> memref<1x40x16xf32, #tpu.memory_space<vmem>>
        %dma_wait3A_209 = tpu.memref_squeeze %dma_wait3A_208 : memref<1x40x16xf32, #tpu.memory_space<vmem>> -> memref<40x16xf32, #tpu.memory_space<vmem>>
        %dma_wait3A_210 = arith.constant 0 : i32
        %dma_wait3A_211 = tpu.memref_slice %arg23[%add3A_31, %dma_wait3A_210] : memref<10112x16xf32, #tpu.memory_space<vmem_shared>> -> memref<40x16xf32, #tpu.memory_space<vmem_shared>>
        %dma_wait3A_212 = arith.constant 0 : i32
        %dma_wait3A_213 = tpu.memref_slice %arg23[%add3A_31, %dma_wait3A_212] : memref<10112x16xf32, #tpu.memory_space<vmem_shared>> -> memref<40x16xf32, #tpu.memory_space<vmem_shared>>
        %dma_wait3A_214 = arith.constant 0 : i32
        %dma_wait3A_215 = arith.constant 0 : i32
        %dma_wait3A_216 = tpu.memref_slice %arg21[%run_scoped3A_32, %dma_wait3A_214, %dma_wait3A_215] : memref<2x40x16xf32, #tpu.memory_space<vmem>> -> memref<1x40x16xf32, #tpu.memory_space<vmem>>
        %dma_wait3A_217 = tpu.memref_squeeze %dma_wait3A_216 : memref<1x40x16xf32, #tpu.memory_space<vmem>> -> memref<40x16xf32, #tpu.memory_space<vmem>>
        tpu.wait_dma2 semaphore(%run_scoped3A_193 : memref<!tpu.dma_semaphore, #tpu.memory_space<semaphore_mem>>) src(%dma_wait3A_217 : memref<40x16xf32, #tpu.memory_space<vmem>>) dst(%dma_wait3A_213 : memref<40x16xf32, #tpu.memory_space<vmem_shared>>)
        tpu.yield
      }) : () -> ()
      %add3A_33 = arith.constant 120 : i32
      %add3A_34 = arith.addi %mul3A_8, %add3A_33 : i32
      %run_scoped3A_35 = arith.constant 0 : i32
      "tpu.region"() ({
        %run_scoped3A_193 = tpu.sem_alloc : memref<!tpu.dma_semaphore, #tpu.memory_space<semaphore_mem>>
        %dma_start3A_194 = arith.constant 0 : i32
        %dma_start3A_195 = arith.constant 0 : i32
        %dma_start3A_196 = tpu.memref_slice %arg19[%run_scoped3A_35, %dma_start3A_194, %dma_start3A_195] : memref<2x40x128xf32, #tpu.memory_space<vmem>> -> memref<1x40x128xf32, #tpu.memory_space<vmem>>
        %dma_start3A_197 = tpu.memref_squeeze %dma_start3A_196 : memref<1x40x128xf32, #tpu.memory_space<vmem>> -> memref<40x128xf32, #tpu.memory_space<vmem>>
        %dma_start3A_198 = arith.constant 0 : i32
        %dma_start3A_199 = tpu.memref_slice %arg22[%add3A_34, %dma_start3A_198] : memref<10112x128xf32, #tpu.memory_space<vmem_shared>> -> memref<40x128xf32, #tpu.memory_space<vmem_shared>>
        %dma_start3A_200 = arith.constant 0 : i32
        %dma_start3A_201 = tpu.memref_slice %arg22[%add3A_34, %dma_start3A_200] : memref<10112x128xf32, #tpu.memory_space<vmem_shared>> -> memref<40x128xf32, #tpu.memory_space<vmem_shared>>
        %dma_start3A_202 = arith.constant 0 : i32
        %dma_start3A_203 = arith.constant 0 : i32
        %dma_start3A_204 = tpu.memref_slice %arg19[%run_scoped3A_35, %dma_start3A_202, %dma_start3A_203] : memref<2x40x128xf32, #tpu.memory_space<vmem>> -> memref<1x40x128xf32, #tpu.memory_space<vmem>>
        %dma_start3A_205 = tpu.memref_squeeze %dma_start3A_204 : memref<1x40x128xf32, #tpu.memory_space<vmem>> -> memref<40x128xf32, #tpu.memory_space<vmem>>
        tpu.enqueue_dma source(%dma_start3A_205 : memref<40x128xf32, #tpu.memory_space<vmem>>) target(%dma_start3A_201 : memref<40x128xf32, #tpu.memory_space<vmem_shared>>) target_semaphore(%run_scoped3A_193 : memref<!tpu.dma_semaphore, #tpu.memory_space<semaphore_mem>>)
        %dma_wait3A_206 = arith.constant 0 : i32
        %dma_wait3A_207 = arith.constant 0 : i32
        %dma_wait3A_208 = tpu.memref_slice %arg19[%run_scoped3A_35, %dma_wait3A_206, %dma_wait3A_207] : memref<2x40x128xf32, #tpu.memory_space<vmem>> -> memref<1x40x128xf32, #tpu.memory_space<vmem>>
        %dma_wait3A_209 = tpu.memref_squeeze %dma_wait3A_208 : memref<1x40x128xf32, #tpu.memory_space<vmem>> -> memref<40x128xf32, #tpu.memory_space<vmem>>
        %dma_wait3A_210 = arith.constant 0 : i32
        %dma_wait3A_211 = tpu.memref_slice %arg22[%add3A_34, %dma_wait3A_210] : memref<10112x128xf32, #tpu.memory_space<vmem_shared>> -> memref<40x128xf32, #tpu.memory_space<vmem_shared>>
        %dma_wait3A_212 = arith.constant 0 : i32
        %dma_wait3A_213 = tpu.memref_slice %arg22[%add3A_34, %dma_wait3A_212] : memref<10112x128xf32, #tpu.memory_space<vmem_shared>> -> memref<40x128xf32, #tpu.memory_space<vmem_shared>>
        %dma_wait3A_214 = arith.constant 0 : i32
        %dma_wait3A_215 = arith.constant 0 : i32
        %dma_wait3A_216 = tpu.memref_slice %arg19[%run_scoped3A_35, %dma_wait3A_214, %dma_wait3A_215] : memref<2x40x128xf32, #tpu.memory_space<vmem>> -> memref<1x40x128xf32, #tpu.memory_space<vmem>>
        %dma_wait3A_217 = tpu.memref_squeeze %dma_wait3A_216 : memref<1x40x128xf32, #tpu.memory_space<vmem>> -> memref<40x128xf32, #tpu.memory_space<vmem>>
        tpu.wait_dma2 semaphore(%run_scoped3A_193 : memref<!tpu.dma_semaphore, #tpu.memory_space<semaphore_mem>>) src(%dma_wait3A_217 : memref<40x128xf32, #tpu.memory_space<vmem>>) dst(%dma_wait3A_213 : memref<40x128xf32, #tpu.memory_space<vmem_shared>>)
        tpu.yield
      }) : () -> ()
      %add3A_36 = arith.constant 120 : i32
      %add3A_37 = arith.addi %mul3A_8, %add3A_36 : i32
      %run_scoped3A_38 = arith.constant 0 : i32
      "tpu.region"() ({
        %run_scoped3A_193 = tpu.sem_alloc : memref<!tpu.dma_semaphore, #tpu.memory_space<semaphore_mem>>
        %dma_start3A_194 = arith.constant 0 : i32
        %dma_start3A_195 = arith.constant 0 : i32
        %dma_start3A_196 = tpu.memref_slice %arg21[%run_scoped3A_38, %dma_start3A_194, %dma_start3A_195] : memref<2x40x16xf32, #tpu.memory_space<vmem>> -> memref<1x40x16xf32, #tpu.memory_space<vmem>>
        %dma_start3A_197 = tpu.memref_squeeze %dma_start3A_196 : memref<1x40x16xf32, #tpu.memory_space<vmem>> -> memref<40x16xf32, #tpu.memory_space<vmem>>
        %dma_start3A_198 = arith.constant 0 : i32
        %dma_start3A_199 = tpu.memref_slice %arg23[%add3A_37, %dma_start3A_198] : memref<10112x16xf32, #tpu.memory_space<vmem_shared>> -> memref<40x16xf32, #tpu.memory_space<vmem_shared>>
        %dma_start3A_200 = arith.constant 0 : i32
        %dma_start3A_201 = tpu.memref_slice %arg23[%add3A_37, %dma_start3A_200] : memref<10112x16xf32, #tpu.memory_space<vmem_shared>> -> memref<40x16xf32, #tpu.memory_space<vmem_shared>>
        %dma_start3A_202 = arith.constant 0 : i32
        %dma_start3A_203 = arith.constant 0 : i32
        %dma_start3A_204 = tpu.memref_slice %arg21[%run_scoped3A_38, %dma_start3A_202, %dma_start3A_203] : memref<2x40x16xf32, #tpu.memory_space<vmem>> -> memref<1x40x16xf32, #tpu.memory_space<vmem>>
        %dma_start3A_205 = tpu.memref_squeeze %dma_start3A_204 : memref<1x40x16xf32, #tpu.memory_space<vmem>> -> memref<40x16xf32, #tpu.memory_space<vmem>>
        tpu.enqueue_dma source(%dma_start3A_205 : memref<40x16xf32, #tpu.memory_space<vmem>>) target(%dma_start3A_201 : memref<40x16xf32, #tpu.memory_space<vmem_shared>>) target_semaphore(%run_scoped3A_193 : memref<!tpu.dma_semaphore, #tpu.memory_space<semaphore_mem>>)
        %dma_wait3A_206 = arith.constant 0 : i32
        %dma_wait3A_207 = arith.constant 0 : i32
        %dma_wait3A_208 = tpu.memref_slice %arg21[%run_scoped3A_38, %dma_wait3A_206, %dma_wait3A_207] : memref<2x40x16xf32, #tpu.memory_space<vmem>> -> memref<1x40x16xf32, #tpu.memory_space<vmem>>
        %dma_wait3A_209 = tpu.memref_squeeze %dma_wait3A_208 : memref<1x40x16xf32, #tpu.memory_space<vmem>> -> memref<40x16xf32, #tpu.memory_space<vmem>>
        %dma_wait3A_210 = arith.constant 0 : i32
        %dma_wait3A_211 = tpu.memref_slice %arg23[%add3A_37, %dma_wait3A_210] : memref<10112x16xf32, #tpu.memory_space<vmem_shared>> -> memref<40x16xf32, #tpu.memory_space<vmem_shared>>
        %dma_wait3A_212 = arith.constant 0 : i32
        %dma_wait3A_213 = tpu.memref_slice %arg23[%add3A_37, %dma_wait3A_212] : memref<10112x16xf32, #tpu.memory_space<vmem_shared>> -> memref<40x16xf32, #tpu.memory_space<vmem_shared>>
        %dma_wait3A_214 = arith.constant 0 : i32
        %dma_wait3A_215 = arith.constant 0 : i32
        %dma_wait3A_216 = tpu.memref_slice %arg21[%run_scoped3A_38, %dma_wait3A_214, %dma_wait3A_215] : memref<2x40x16xf32, #tpu.memory_space<vmem>> -> memref<1x40x16xf32, #tpu.memory_space<vmem>>
        %dma_wait3A_217 = tpu.memref_squeeze %dma_wait3A_216 : memref<1x40x16xf32, #tpu.memory_space<vmem>> -> memref<40x16xf32, #tpu.memory_space<vmem>>
        tpu.wait_dma2 semaphore(%run_scoped3A_193 : memref<!tpu.dma_semaphore, #tpu.memory_space<semaphore_mem>>) src(%dma_wait3A_217 : memref<40x16xf32, #tpu.memory_space<vmem>>) dst(%dma_wait3A_213 : memref<40x16xf32, #tpu.memory_space<vmem_shared>>)
        tpu.yield
      }) : () -> ()
      %add3A_39 = arith.constant 160 : i32
      %add3A_40 = arith.addi %mul3A_8, %add3A_39 : i32
      %run_scoped3A_41 = arith.constant 0 : i32
      "tpu.region"() ({
        %run_scoped3A_193 = tpu.sem_alloc : memref<!tpu.dma_semaphore, #tpu.memory_space<semaphore_mem>>
        %dma_start3A_194 = arith.constant 0 : i32
        %dma_start3A_195 = arith.constant 0 : i32
        %dma_start3A_196 = tpu.memref_slice %arg19[%run_scoped3A_41, %dma_start3A_194, %dma_start3A_195] : memref<2x40x128xf32, #tpu.memory_space<vmem>> -> memref<1x40x128xf32, #tpu.memory_space<vmem>>
        %dma_start3A_197 = tpu.memref_squeeze %dma_start3A_196 : memref<1x40x128xf32, #tpu.memory_space<vmem>> -> memref<40x128xf32, #tpu.memory_space<vmem>>
        %dma_start3A_198 = arith.constant 0 : i32
        %dma_start3A_199 = tpu.memref_slice %arg22[%add3A_40, %dma_start3A_198] : memref<10112x128xf32, #tpu.memory_space<vmem_shared>> -> memref<40x128xf32, #tpu.memory_space<vmem_shared>>
        %dma_start3A_200 = arith.constant 0 : i32
        %dma_start3A_201 = tpu.memref_slice %arg22[%add3A_40, %dma_start3A_200] : memref<10112x128xf32, #tpu.memory_space<vmem_shared>> -> memref<40x128xf32, #tpu.memory_space<vmem_shared>>
        %dma_start3A_202 = arith.constant 0 : i32
        %dma_start3A_203 = arith.constant 0 : i32
        %dma_start3A_204 = tpu.memref_slice %arg19[%run_scoped3A_41, %dma_start3A_202, %dma_start3A_203] : memref<2x40x128xf32, #tpu.memory_space<vmem>> -> memref<1x40x128xf32, #tpu.memory_space<vmem>>
        %dma_start3A_205 = tpu.memref_squeeze %dma_start3A_204 : memref<1x40x128xf32, #tpu.memory_space<vmem>> -> memref<40x128xf32, #tpu.memory_space<vmem>>
        tpu.enqueue_dma source(%dma_start3A_205 : memref<40x128xf32, #tpu.memory_space<vmem>>) target(%dma_start3A_201 : memref<40x128xf32, #tpu.memory_space<vmem_shared>>) target_semaphore(%run_scoped3A_193 : memref<!tpu.dma_semaphore, #tpu.memory_space<semaphore_mem>>)
        %dma_wait3A_206 = arith.constant 0 : i32
        %dma_wait3A_207 = arith.constant 0 : i32
        %dma_wait3A_208 = tpu.memref_slice %arg19[%run_scoped3A_41, %dma_wait3A_206, %dma_wait3A_207] : memref<2x40x128xf32, #tpu.memory_space<vmem>> -> memref<1x40x128xf32, #tpu.memory_space<vmem>>
        %dma_wait3A_209 = tpu.memref_squeeze %dma_wait3A_208 : memref<1x40x128xf32, #tpu.memory_space<vmem>> -> memref<40x128xf32, #tpu.memory_space<vmem>>
        %dma_wait3A_210 = arith.constant 0 : i32
        %dma_wait3A_211 = tpu.memref_slice %arg22[%add3A_40, %dma_wait3A_210] : memref<10112x128xf32, #tpu.memory_space<vmem_shared>> -> memref<40x128xf32, #tpu.memory_space<vmem_shared>>
        %dma_wait3A_212 = arith.constant 0 : i32
        %dma_wait3A_213 = tpu.memref_slice %arg22[%add3A_40, %dma_wait3A_212] : memref<10112x128xf32, #tpu.memory_space<vmem_shared>> -> memref<40x128xf32, #tpu.memory_space<vmem_shared>>
        %dma_wait3A_214 = arith.constant 0 : i32
        %dma_wait3A_215 = arith.constant 0 : i32
        %dma_wait3A_216 = tpu.memref_slice %arg19[%run_scoped3A_41, %dma_wait3A_214, %dma_wait3A_215] : memref<2x40x128xf32, #tpu.memory_space<vmem>> -> memref<1x40x128xf32, #tpu.memory_space<vmem>>
        %dma_wait3A_217 = tpu.memref_squeeze %dma_wait3A_216 : memref<1x40x128xf32, #tpu.memory_space<vmem>> -> memref<40x128xf32, #tpu.memory_space<vmem>>
        tpu.wait_dma2 semaphore(%run_scoped3A_193 : memref<!tpu.dma_semaphore, #tpu.memory_space<semaphore_mem>>) src(%dma_wait3A_217 : memref<40x128xf32, #tpu.memory_space<vmem>>) dst(%dma_wait3A_213 : memref<40x128xf32, #tpu.memory_space<vmem_shared>>)
        tpu.yield
      }) : () -> ()
      %add3A_42 = arith.constant 160 : i32
      %add3A_43 = arith.addi %mul3A_8, %add3A_42 : i32
      %run_scoped3A_44 = arith.constant 0 : i32
      "tpu.region"() ({
        %run_scoped3A_193 = tpu.sem_alloc : memref<!tpu.dma_semaphore, #tpu.memory_space<semaphore_mem>>
        %dma_start3A_194 = arith.constant 0 : i32
        %dma_start3A_195 = arith.constant 0 : i32
        %dma_start3A_196 = tpu.memref_slice %arg21[%run_scoped3A_44, %dma_start3A_194, %dma_start3A_195] : memref<2x40x16xf32, #tpu.memory_space<vmem>> -> memref<1x40x16xf32, #tpu.memory_space<vmem>>
        %dma_start3A_197 = tpu.memref_squeeze %dma_start3A_196 : memref<1x40x16xf32, #tpu.memory_space<vmem>> -> memref<40x16xf32, #tpu.memory_space<vmem>>
        %dma_start3A_198 = arith.constant 0 : i32
        %dma_start3A_199 = tpu.memref_slice %arg23[%add3A_43, %dma_start3A_198] : memref<10112x16xf32, #tpu.memory_space<vmem_shared>> -> memref<40x16xf32, #tpu.memory_space<vmem_shared>>
        %dma_start3A_200 = arith.constant 0 : i32
        %dma_start3A_201 = tpu.memref_slice %arg23[%add3A_43, %dma_start3A_200] : memref<10112x16xf32, #tpu.memory_space<vmem_shared>> -> memref<40x16xf32, #tpu.memory_space<vmem_shared>>
        %dma_start3A_202 = arith.constant 0 : i32
        %dma_start3A_203 = arith.constant 0 : i32
        %dma_start3A_204 = tpu.memref_slice %arg21[%run_scoped3A_44, %dma_start3A_202, %dma_start3A_203] : memref<2x40x16xf32, #tpu.memory_space<vmem>> -> memref<1x40x16xf32, #tpu.memory_space<vmem>>
        %dma_start3A_205 = tpu.memref_squeeze %dma_start3A_204 : memref<1x40x16xf32, #tpu.memory_space<vmem>> -> memref<40x16xf32, #tpu.memory_space<vmem>>
        tpu.enqueue_dma source(%dma_start3A_205 : memref<40x16xf32, #tpu.memory_space<vmem>>) target(%dma_start3A_201 : memref<40x16xf32, #tpu.memory_space<vmem_shared>>) target_semaphore(%run_scoped3A_193 : memref<!tpu.dma_semaphore, #tpu.memory_space<semaphore_mem>>)
        %dma_wait3A_206 = arith.constant 0 : i32
        %dma_wait3A_207 = arith.constant 0 : i32
        %dma_wait3A_208 = tpu.memref_slice %arg21[%run_scoped3A_44, %dma_wait3A_206, %dma_wait3A_207] : memref<2x40x16xf32, #tpu.memory_space<vmem>> -> memref<1x40x16xf32, #tpu.memory_space<vmem>>
        %dma_wait3A_209 = tpu.memref_squeeze %dma_wait3A_208 : memref<1x40x16xf32, #tpu.memory_space<vmem>> -> memref<40x16xf32, #tpu.memory_space<vmem>>
        %dma_wait3A_210 = arith.constant 0 : i32
        %dma_wait3A_211 = tpu.memref_slice %arg23[%add3A_43, %dma_wait3A_210] : memref<10112x16xf32, #tpu.memory_space<vmem_shared>> -> memref<40x16xf32, #tpu.memory_space<vmem_shared>>
        %dma_wait3A_212 = arith.constant 0 : i32
        %dma_wait3A_213 = tpu.memref_slice %arg23[%add3A_43, %dma_wait3A_212] : memref<10112x16xf32, #tpu.memory_space<vmem_shared>> -> memref<40x16xf32, #tpu.memory_space<vmem_shared>>
        %dma_wait3A_214 = arith.constant 0 : i32
        %dma_wait3A_215 = arith.constant 0 : i32
        %dma_wait3A_216 = tpu.memref_slice %arg21[%run_scoped3A_44, %dma_wait3A_214, %dma_wait3A_215] : memref<2x40x16xf32, #tpu.memory_space<vmem>> -> memref<1x40x16xf32, #tpu.memory_space<vmem>>
        %dma_wait3A_217 = tpu.memref_squeeze %dma_wait3A_216 : memref<1x40x16xf32, #tpu.memory_space<vmem>> -> memref<40x16xf32, #tpu.memory_space<vmem>>
        tpu.wait_dma2 semaphore(%run_scoped3A_193 : memref<!tpu.dma_semaphore, #tpu.memory_space<semaphore_mem>>) src(%dma_wait3A_217 : memref<40x16xf32, #tpu.memory_space<vmem>>) dst(%dma_wait3A_213 : memref<40x16xf32, #tpu.memory_space<vmem_shared>>)
        tpu.yield
      }) : () -> ()
      %add3A_45 = arith.constant 200 : i32
      %add3A_46 = arith.addi %mul3A_8, %add3A_45 : i32
      %run_scoped3A_47 = arith.constant 0 : i32
      "tpu.region"() ({
        %run_scoped3A_193 = tpu.sem_alloc : memref<!tpu.dma_semaphore, #tpu.memory_space<semaphore_mem>>
        %dma_start3A_194 = arith.constant 0 : i32
        %dma_start3A_195 = arith.constant 0 : i32
        %dma_start3A_196 = tpu.memref_slice %arg19[%run_scoped3A_47, %dma_start3A_194, %dma_start3A_195] : memref<2x40x128xf32, #tpu.memory_space<vmem>> -> memref<1x40x128xf32, #tpu.memory_space<vmem>>
        %dma_start3A_197 = tpu.memref_squeeze %dma_start3A_196 : memref<1x40x128xf32, #tpu.memory_space<vmem>> -> memref<40x128xf32, #tpu.memory_space<vmem>>
        %dma_start3A_198 = arith.constant 0 : i32
        %dma_start3A_199 = tpu.memref_slice %arg22[%add3A_46, %dma_start3A_198] : memref<10112x128xf32, #tpu.memory_space<vmem_shared>> -> memref<40x128xf32, #tpu.memory_space<vmem_shared>>
        %dma_start3A_200 = arith.constant 0 : i32
        %dma_start3A_201 = tpu.memref_slice %arg22[%add3A_46, %dma_start3A_200] : memref<10112x128xf32, #tpu.memory_space<vmem_shared>> -> memref<40x128xf32, #tpu.memory_space<vmem_shared>>
        %dma_start3A_202 = arith.constant 0 : i32
        %dma_start3A_203 = arith.constant 0 : i32
        %dma_start3A_204 = tpu.memref_slice %arg19[%run_scoped3A_47, %dma_start3A_202, %dma_start3A_203] : memref<2x40x128xf32, #tpu.memory_space<vmem>> -> memref<1x40x128xf32, #tpu.memory_space<vmem>>
        %dma_start3A_205 = tpu.memref_squeeze %dma_start3A_204 : memref<1x40x128xf32, #tpu.memory_space<vmem>> -> memref<40x128xf32, #tpu.memory_space<vmem>>
        tpu.enqueue_dma source(%dma_start3A_205 : memref<40x128xf32, #tpu.memory_space<vmem>>) target(%dma_start3A_201 : memref<40x128xf32, #tpu.memory_space<vmem_shared>>) target_semaphore(%run_scoped3A_193 : memref<!tpu.dma_semaphore, #tpu.memory_space<semaphore_mem>>)
        %dma_wait3A_206 = arith.constant 0 : i32
        %dma_wait3A_207 = arith.constant 0 : i32
        %dma_wait3A_208 = tpu.memref_slice %arg19[%run_scoped3A_47, %dma_wait3A_206, %dma_wait3A_207] : memref<2x40x128xf32, #tpu.memory_space<vmem>> -> memref<1x40x128xf32, #tpu.memory_space<vmem>>
        %dma_wait3A_209 = tpu.memref_squeeze %dma_wait3A_208 : memref<1x40x128xf32, #tpu.memory_space<vmem>> -> memref<40x128xf32, #tpu.memory_space<vmem>>
        %dma_wait3A_210 = arith.constant 0 : i32
        %dma_wait3A_211 = tpu.memref_slice %arg22[%add3A_46, %dma_wait3A_210] : memref<10112x128xf32, #tpu.memory_space<vmem_shared>> -> memref<40x128xf32, #tpu.memory_space<vmem_shared>>
        %dma_wait3A_212 = arith.constant 0 : i32
        %dma_wait3A_213 = tpu.memref_slice %arg22[%add3A_46, %dma_wait3A_212] : memref<10112x128xf32, #tpu.memory_space<vmem_shared>> -> memref<40x128xf32, #tpu.memory_space<vmem_shared>>
        %dma_wait3A_214 = arith.constant 0 : i32
        %dma_wait3A_215 = arith.constant 0 : i32
        %dma_wait3A_216 = tpu.memref_slice %arg19[%run_scoped3A_47, %dma_wait3A_214, %dma_wait3A_215] : memref<2x40x128xf32, #tpu.memory_space<vmem>> -> memref<1x40x128xf32, #tpu.memory_space<vmem>>
        %dma_wait3A_217 = tpu.memref_squeeze %dma_wait3A_216 : memref<1x40x128xf32, #tpu.memory_space<vmem>> -> memref<40x128xf32, #tpu.memory_space<vmem>>
        tpu.wait_dma2 semaphore(%run_scoped3A_193 : memref<!tpu.dma_semaphore, #tpu.memory_space<semaphore_mem>>) src(%dma_wait3A_217 : memref<40x128xf32, #tpu.memory_space<vmem>>) dst(%dma_wait3A_213 : memref<40x128xf32, #tpu.memory_space<vmem_shared>>)
        tpu.yield
      }) : () -> ()
      %add3A_48 = arith.constant 200 : i32
      %add3A_49 = arith.addi %mul3A_8, %add3A_48 : i32
      %run_scoped3A_50 = arith.constant 0 : i32
      "tpu.region"() ({
        %run_scoped3A_193 = tpu.sem_alloc : memref<!tpu.dma_semaphore, #tpu.memory_space<semaphore_mem>>
        %dma_start3A_194 = arith.constant 0 : i32
        %dma_start3A_195 = arith.constant 0 : i32
        %dma_start3A_196 = tpu.memref_slice %arg21[%run_scoped3A_50, %dma_start3A_194, %dma_start3A_195] : memref<2x40x16xf32, #tpu.memory_space<vmem>> -> memref<1x40x16xf32, #tpu.memory_space<vmem>>
        %dma_start3A_197 = tpu.memref_squeeze %dma_start3A_196 : memref<1x40x16xf32, #tpu.memory_space<vmem>> -> memref<40x16xf32, #tpu.memory_space<vmem>>
        %dma_start3A_198 = arith.constant 0 : i32
        %dma_start3A_199 = tpu.memref_slice %arg23[%add3A_49, %dma_start3A_198] : memref<10112x16xf32, #tpu.memory_space<vmem_shared>> -> memref<40x16xf32, #tpu.memory_space<vmem_shared>>
        %dma_start3A_200 = arith.constant 0 : i32
        %dma_start3A_201 = tpu.memref_slice %arg23[%add3A_49, %dma_start3A_200] : memref<10112x16xf32, #tpu.memory_space<vmem_shared>> -> memref<40x16xf32, #tpu.memory_space<vmem_shared>>
        %dma_start3A_202 = arith.constant 0 : i32
        %dma_start3A_203 = arith.constant 0 : i32
        %dma_start3A_204 = tpu.memref_slice %arg21[%run_scoped3A_50, %dma_start3A_202, %dma_start3A_203] : memref<2x40x16xf32, #tpu.memory_space<vmem>> -> memref<1x40x16xf32, #tpu.memory_space<vmem>>
        %dma_start3A_205 = tpu.memref_squeeze %dma_start3A_204 : memref<1x40x16xf32, #tpu.memory_space<vmem>> -> memref<40x16xf32, #tpu.memory_space<vmem>>
        tpu.enqueue_dma source(%dma_start3A_205 : memref<40x16xf32, #tpu.memory_space<vmem>>) target(%dma_start3A_201 : memref<40x16xf32, #tpu.memory_space<vmem_shared>>) target_semaphore(%run_scoped3A_193 : memref<!tpu.dma_semaphore, #tpu.memory_space<semaphore_mem>>)
        %dma_wait3A_206 = arith.constant 0 : i32
        %dma_wait3A_207 = arith.constant 0 : i32
        %dma_wait3A_208 = tpu.memref_slice %arg21[%run_scoped3A_50, %dma_wait3A_206, %dma_wait3A_207] : memref<2x40x16xf32, #tpu.memory_space<vmem>> -> memref<1x40x16xf32, #tpu.memory_space<vmem>>
        %dma_wait3A_209 = tpu.memref_squeeze %dma_wait3A_208 : memref<1x40x16xf32, #tpu.memory_space<vmem>> -> memref<40x16xf32, #tpu.memory_space<vmem>>
        %dma_wait3A_210 = arith.constant 0 : i32
        %dma_wait3A_211 = tpu.memref_slice %arg23[%add3A_49, %dma_wait3A_210] : memref<10112x16xf32, #tpu.memory_space<vmem_shared>> -> memref<40x16xf32, #tpu.memory_space<vmem_shared>>
        %dma_wait3A_212 = arith.constant 0 : i32
        %dma_wait3A_213 = tpu.memref_slice %arg23[%add3A_49, %dma_wait3A_212] : memref<10112x16xf32, #tpu.memory_space<vmem_shared>> -> memref<40x16xf32, #tpu.memory_space<vmem_shared>>
        %dma_wait3A_214 = arith.constant 0 : i32
        %dma_wait3A_215 = arith.constant 0 : i32
        %dma_wait3A_216 = tpu.memref_slice %arg21[%run_scoped3A_50, %dma_wait3A_214, %dma_wait3A_215] : memref<2x40x16xf32, #tpu.memory_space<vmem>> -> memref<1x40x16xf32, #tpu.memory_space<vmem>>
        %dma_wait3A_217 = tpu.memref_squeeze %dma_wait3A_216 : memref<1x40x16xf32, #tpu.memory_space<vmem>> -> memref<40x16xf32, #tpu.memory_space<vmem>>
        tpu.wait_dma2 semaphore(%run_scoped3A_193 : memref<!tpu.dma_semaphore, #tpu.memory_space<semaphore_mem>>) src(%dma_wait3A_217 : memref<40x16xf32, #tpu.memory_space<vmem>>) dst(%dma_wait3A_213 : memref<40x16xf32, #tpu.memory_space<vmem_shared>>)
        tpu.yield
      }) : () -> ()
      %add3A_51 = arith.constant 240 : i32
      %add3A_52 = arith.addi %mul3A_8, %add3A_51 : i32
      %run_scoped3A_53 = arith.constant 0 : i32
      "tpu.region"() ({
        %run_scoped3A_193 = tpu.sem_alloc : memref<!tpu.dma_semaphore, #tpu.memory_space<semaphore_mem>>
        %dma_start3A_194 = arith.constant 0 : i32
        %dma_start3A_195 = arith.constant 0 : i32
        %dma_start3A_196 = tpu.memref_slice %arg19[%run_scoped3A_53, %dma_start3A_194, %dma_start3A_195] : memref<2x40x128xf32, #tpu.memory_space<vmem>> -> memref<1x40x128xf32, #tpu.memory_space<vmem>>
        %dma_start3A_197 = tpu.memref_squeeze %dma_start3A_196 : memref<1x40x128xf32, #tpu.memory_space<vmem>> -> memref<40x128xf32, #tpu.memory_space<vmem>>
        %dma_start3A_198 = arith.constant 0 : i32
        %dma_start3A_199 = tpu.memref_slice %arg22[%add3A_52, %dma_start3A_198] : memref<10112x128xf32, #tpu.memory_space<vmem_shared>> -> memref<40x128xf32, #tpu.memory_space<vmem_shared>>
        %dma_start3A_200 = arith.constant 0 : i32
        %dma_start3A_201 = tpu.memref_slice %arg22[%add3A_52, %dma_start3A_200] : memref<10112x128xf32, #tpu.memory_space<vmem_shared>> -> memref<40x128xf32, #tpu.memory_space<vmem_shared>>
        %dma_start3A_202 = arith.constant 0 : i32
        %dma_start3A_203 = arith.constant 0 : i32
        %dma_start3A_204 = tpu.memref_slice %arg19[%run_scoped3A_53, %dma_start3A_202, %dma_start3A_203] : memref<2x40x128xf32, #tpu.memory_space<vmem>> -> memref<1x40x128xf32, #tpu.memory_space<vmem>>
        %dma_start3A_205 = tpu.memref_squeeze %dma_start3A_204 : memref<1x40x128xf32, #tpu.memory_space<vmem>> -> memref<40x128xf32, #tpu.memory_space<vmem>>
        tpu.enqueue_dma source(%dma_start3A_205 : memref<40x128xf32, #tpu.memory_space<vmem>>) target(%dma_start3A_201 : memref<40x128xf32, #tpu.memory_space<vmem_shared>>) target_semaphore(%run_scoped3A_193 : memref<!tpu.dma_semaphore, #tpu.memory_space<semaphore_mem>>)
        %dma_wait3A_206 = arith.constant 0 : i32
        %dma_wait3A_207 = arith.constant 0 : i32
        %dma_wait3A_208 = tpu.memref_slice %arg19[%run_scoped3A_53, %dma_wait3A_206, %dma_wait3A_207] : memref<2x40x128xf32, #tpu.memory_space<vmem>> -> memref<1x40x128xf32, #tpu.memory_space<vmem>>
        %dma_wait3A_209 = tpu.memref_squeeze %dma_wait3A_208 : memref<1x40x128xf32, #tpu.memory_space<vmem>> -> memref<40x128xf32, #tpu.memory_space<vmem>>
        %dma_wait3A_210 = arith.constant 0 : i32
        %dma_wait3A_211 = tpu.memref_slice %arg22[%add3A_52, %dma_wait3A_210] : memref<10112x128xf32, #tpu.memory_space<vmem_shared>> -> memref<40x128xf32, #tpu.memory_space<vmem_shared>>
        %dma_wait3A_212 = arith.constant 0 : i32
        %dma_wait3A_213 = tpu.memref_slice %arg22[%add3A_52, %dma_wait3A_212] : memref<10112x128xf32, #tpu.memory_space<vmem_shared>> -> memref<40x128xf32, #tpu.memory_space<vmem_shared>>
        %dma_wait3A_214 = arith.constant 0 : i32
        %dma_wait3A_215 = arith.constant 0 : i32
        %dma_wait3A_216 = tpu.memref_slice %arg19[%run_scoped3A_53, %dma_wait3A_214, %dma_wait3A_215] : memref<2x40x128xf32, #tpu.memory_space<vmem>> -> memref<1x40x128xf32, #tpu.memory_space<vmem>>
        %dma_wait3A_217 = tpu.memref_squeeze %dma_wait3A_216 : memref<1x40x128xf32, #tpu.memory_space<vmem>> -> memref<40x128xf32, #tpu.memory_space<vmem>>
        tpu.wait_dma2 semaphore(%run_scoped3A_193 : memref<!tpu.dma_semaphore, #tpu.memory_space<semaphore_mem>>) src(%dma_wait3A_217 : memref<40x128xf32, #tpu.memory_space<vmem>>) dst(%dma_wait3A_213 : memref<40x128xf32, #tpu.memory_space<vmem_shared>>)
        tpu.yield
      }) : () -> ()
      %add3A_54 = arith.constant 240 : i32
      %add3A_55 = arith.addi %mul3A_8, %add3A_54 : i32
      %run_scoped3A_56 = arith.constant 0 : i32
      "tpu.region"() ({
        %run_scoped3A_193 = tpu.sem_alloc : memref<!tpu.dma_semaphore, #tpu.memory_space<semaphore_mem>>
        %dma_start3A_194 = arith.constant 0 : i32
        %dma_start3A_195 = arith.constant 0 : i32
        %dma_start3A_196 = tpu.memref_slice %arg21[%run_scoped3A_56, %dma_start3A_194, %dma_start3A_195] : memref<2x40x16xf32, #tpu.memory_space<vmem>> -> memref<1x40x16xf32, #tpu.memory_space<vmem>>
        %dma_start3A_197 = tpu.memref_squeeze %dma_start3A_196 : memref<1x40x16xf32, #tpu.memory_space<vmem>> -> memref<40x16xf32, #tpu.memory_space<vmem>>
        %dma_start3A_198 = arith.constant 0 : i32
        %dma_start3A_199 = tpu.memref_slice %arg23[%add3A_55, %dma_start3A_198] : memref<10112x16xf32, #tpu.memory_space<vmem_shared>> -> memref<40x16xf32, #tpu.memory_space<vmem_shared>>
        %dma_start3A_200 = arith.constant 0 : i32
        %dma_start3A_201 = tpu.memref_slice %arg23[%add3A_55, %dma_start3A_200] : memref<10112x16xf32, #tpu.memory_space<vmem_shared>> -> memref<40x16xf32, #tpu.memory_space<vmem_shared>>
        %dma_start3A_202 = arith.constant 0 : i32
        %dma_start3A_203 = arith.constant 0 : i32
        %dma_start3A_204 = tpu.memref_slice %arg21[%run_scoped3A_56, %dma_start3A_202, %dma_start3A_203] : memref<2x40x16xf32, #tpu.memory_space<vmem>> -> memref<1x40x16xf32, #tpu.memory_space<vmem>>
        %dma_start3A_205 = tpu.memref_squeeze %dma_start3A_204 : memref<1x40x16xf32, #tpu.memory_space<vmem>> -> memref<40x16xf32, #tpu.memory_space<vmem>>
        tpu.enqueue_dma source(%dma_start3A_205 : memref<40x16xf32, #tpu.memory_space<vmem>>) target(%dma_start3A_201 : memref<40x16xf32, #tpu.memory_space<vmem_shared>>) target_semaphore(%run_scoped3A_193 : memref<!tpu.dma_semaphore, #tpu.memory_space<semaphore_mem>>)
        %dma_wait3A_206 = arith.constant 0 : i32
        %dma_wait3A_207 = arith.constant 0 : i32
        %dma_wait3A_208 = tpu.memref_slice %arg21[%run_scoped3A_56, %dma_wait3A_206, %dma_wait3A_207] : memref<2x40x16xf32, #tpu.memory_space<vmem>> -> memref<1x40x16xf32, #tpu.memory_space<vmem>>
        %dma_wait3A_209 = tpu.memref_squeeze %dma_wait3A_208 : memref<1x40x16xf32, #tpu.memory_space<vmem>> -> memref<40x16xf32, #tpu.memory_space<vmem>>
        %dma_wait3A_210 = arith.constant 0 : i32
        %dma_wait3A_211 = tpu.memref_slice %arg23[%add3A_55, %dma_wait3A_210] : memref<10112x16xf32, #tpu.memory_space<vmem_shared>> -> memref<40x16xf32, #tpu.memory_space<vmem_shared>>
        %dma_wait3A_212 = arith.constant 0 : i32
        %dma_wait3A_213 = tpu.memref_slice %arg23[%add3A_55, %dma_wait3A_212] : memref<10112x16xf32, #tpu.memory_space<vmem_shared>> -> memref<40x16xf32, #tpu.memory_space<vmem_shared>>
        %dma_wait3A_214 = arith.constant 0 : i32
        %dma_wait3A_215 = arith.constant 0 : i32
        %dma_wait3A_216 = tpu.memref_slice %arg21[%run_scoped3A_56, %dma_wait3A_214, %dma_wait3A_215] : memref<2x40x16xf32, #tpu.memory_space<vmem>> -> memref<1x40x16xf32, #tpu.memory_space<vmem>>
        %dma_wait3A_217 = tpu.memref_squeeze %dma_wait3A_216 : memref<1x40x16xf32, #tpu.memory_space<vmem>> -> memref<40x16xf32, #tpu.memory_space<vmem>>
        tpu.wait_dma2 semaphore(%run_scoped3A_193 : memref<!tpu.dma_semaphore, #tpu.memory_space<semaphore_mem>>) src(%dma_wait3A_217 : memref<40x16xf32, #tpu.memory_space<vmem>>) dst(%dma_wait3A_213 : memref<40x16xf32, #tpu.memory_space<vmem_shared>>)
        tpu.yield
      }) : () -> ()
      %add3A_57 = arith.constant 280 : i32
      %add3A_58 = arith.addi %mul3A_8, %add3A_57 : i32
      %run_scoped3A_59 = arith.constant 0 : i32
      "tpu.region"() ({
        %run_scoped3A_193 = tpu.sem_alloc : memref<!tpu.dma_semaphore, #tpu.memory_space<semaphore_mem>>
        %dma_start3A_194 = arith.constant 0 : i32
        %dma_start3A_195 = arith.constant 0 : i32
        %dma_start3A_196 = tpu.memref_slice %arg19[%run_scoped3A_59, %dma_start3A_194, %dma_start3A_195] : memref<2x40x128xf32, #tpu.memory_space<vmem>> -> memref<1x40x128xf32, #tpu.memory_space<vmem>>
        %dma_start3A_197 = tpu.memref_squeeze %dma_start3A_196 : memref<1x40x128xf32, #tpu.memory_space<vmem>> -> memref<40x128xf32, #tpu.memory_space<vmem>>
        %dma_start3A_198 = arith.constant 0 : i32
        %dma_start3A_199 = tpu.memref_slice %arg22[%add3A_58, %dma_start3A_198] : memref<10112x128xf32, #tpu.memory_space<vmem_shared>> -> memref<40x128xf32, #tpu.memory_space<vmem_shared>>
        %dma_start3A_200 = arith.constant 0 : i32
        %dma_start3A_201 = tpu.memref_slice %arg22[%add3A_58, %dma_start3A_200] : memref<10112x128xf32, #tpu.memory_space<vmem_shared>> -> memref<40x128xf32, #tpu.memory_space<vmem_shared>>
        %dma_start3A_202 = arith.constant 0 : i32
        %dma_start3A_203 = arith.constant 0 : i32
        %dma_start3A_204 = tpu.memref_slice %arg19[%run_scoped3A_59, %dma_start3A_202, %dma_start3A_203] : memref<2x40x128xf32, #tpu.memory_space<vmem>> -> memref<1x40x128xf32, #tpu.memory_space<vmem>>
        %dma_start3A_205 = tpu.memref_squeeze %dma_start3A_204 : memref<1x40x128xf32, #tpu.memory_space<vmem>> -> memref<40x128xf32, #tpu.memory_space<vmem>>
        tpu.enqueue_dma source(%dma_start3A_205 : memref<40x128xf32, #tpu.memory_space<vmem>>) target(%dma_start3A_201 : memref<40x128xf32, #tpu.memory_space<vmem_shared>>) target_semaphore(%run_scoped3A_193 : memref<!tpu.dma_semaphore, #tpu.memory_space<semaphore_mem>>)
        %dma_wait3A_206 = arith.constant 0 : i32
        %dma_wait3A_207 = arith.constant 0 : i32
        %dma_wait3A_208 = tpu.memref_slice %arg19[%run_scoped3A_59, %dma_wait3A_206, %dma_wait3A_207] : memref<2x40x128xf32, #tpu.memory_space<vmem>> -> memref<1x40x128xf32, #tpu.memory_space<vmem>>
        %dma_wait3A_209 = tpu.memref_squeeze %dma_wait3A_208 : memref<1x40x128xf32, #tpu.memory_space<vmem>> -> memref<40x128xf32, #tpu.memory_space<vmem>>
        %dma_wait3A_210 = arith.constant 0 : i32
        %dma_wait3A_211 = tpu.memref_slice %arg22[%add3A_58, %dma_wait3A_210] : memref<10112x128xf32, #tpu.memory_space<vmem_shared>> -> memref<40x128xf32, #tpu.memory_space<vmem_shared>>
        %dma_wait3A_212 = arith.constant 0 : i32
        %dma_wait3A_213 = tpu.memref_slice %arg22[%add3A_58, %dma_wait3A_212] : memref<10112x128xf32, #tpu.memory_space<vmem_shared>> -> memref<40x128xf32, #tpu.memory_space<vmem_shared>>
        %dma_wait3A_214 = arith.constant 0 : i32
        %dma_wait3A_215 = arith.constant 0 : i32
        %dma_wait3A_216 = tpu.memref_slice %arg19[%run_scoped3A_59, %dma_wait3A_214, %dma_wait3A_215] : memref<2x40x128xf32, #tpu.memory_space<vmem>> -> memref<1x40x128xf32, #tpu.memory_space<vmem>>
        %dma_wait3A_217 = tpu.memref_squeeze %dma_wait3A_216 : memref<1x40x128xf32, #tpu.memory_space<vmem>> -> memref<40x128xf32, #tpu.memory_space<vmem>>
        tpu.wait_dma2 semaphore(%run_scoped3A_193 : memref<!tpu.dma_semaphore, #tpu.memory_space<semaphore_mem>>) src(%dma_wait3A_217 : memref<40x128xf32, #tpu.memory_space<vmem>>) dst(%dma_wait3A_213 : memref<40x128xf32, #tpu.memory_space<vmem_shared>>)
        tpu.yield
      }) : () -> ()
      %add3A_60 = arith.constant 280 : i32
      %add3A_61 = arith.addi %mul3A_8, %add3A_60 : i32
      %run_scoped3A_62 = arith.constant 0 : i32
      "tpu.region"() ({
        %run_scoped3A_193 = tpu.sem_alloc : memref<!tpu.dma_semaphore, #tpu.memory_space<semaphore_mem>>
        %dma_start3A_194 = arith.constant 0 : i32
        %dma_start3A_195 = arith.constant 0 : i32
        %dma_start3A_196 = tpu.memref_slice %arg21[%run_scoped3A_62, %dma_start3A_194, %dma_start3A_195] : memref<2x40x16xf32, #tpu.memory_space<vmem>> -> memref<1x40x16xf32, #tpu.memory_space<vmem>>
        %dma_start3A_197 = tpu.memref_squeeze %dma_start3A_196 : memref<1x40x16xf32, #tpu.memory_space<vmem>> -> memref<40x16xf32, #tpu.memory_space<vmem>>
        %dma_start3A_198 = arith.constant 0 : i32
        %dma_start3A_199 = tpu.memref_slice %arg23[%add3A_61, %dma_start3A_198] : memref<10112x16xf32, #tpu.memory_space<vmem_shared>> -> memref<40x16xf32, #tpu.memory_space<vmem_shared>>
        %dma_start3A_200 = arith.constant 0 : i32
        %dma_start3A_201 = tpu.memref_slice %arg23[%add3A_61, %dma_start3A_200] : memref<10112x16xf32, #tpu.memory_space<vmem_shared>> -> memref<40x16xf32, #tpu.memory_space<vmem_shared>>
        %dma_start3A_202 = arith.constant 0 : i32
        %dma_start3A_203 = arith.constant 0 : i32
        %dma_start3A_204 = tpu.memref_slice %arg21[%run_scoped3A_62, %dma_start3A_202, %dma_start3A_203] : memref<2x40x16xf32, #tpu.memory_space<vmem>> -> memref<1x40x16xf32, #tpu.memory_space<vmem>>
        %dma_start3A_205 = tpu.memref_squeeze %dma_start3A_204 : memref<1x40x16xf32, #tpu.memory_space<vmem>> -> memref<40x16xf32, #tpu.memory_space<vmem>>
        tpu.enqueue_dma source(%dma_start3A_205 : memref<40x16xf32, #tpu.memory_space<vmem>>) target(%dma_start3A_201 : memref<40x16xf32, #tpu.memory_space<vmem_shared>>) target_semaphore(%run_scoped3A_193 : memref<!tpu.dma_semaphore, #tpu.memory_space<semaphore_mem>>)
        %dma_wait3A_206 = arith.constant 0 : i32
        %dma_wait3A_207 = arith.constant 0 : i32
        %dma_wait3A_208 = tpu.memref_slice %arg21[%run_scoped3A_62, %dma_wait3A_206, %dma_wait3A_207] : memref<2x40x16xf32, #tpu.memory_space<vmem>> -> memref<1x40x16xf32, #tpu.memory_space<vmem>>
        %dma_wait3A_209 = tpu.memref_squeeze %dma_wait3A_208 : memref<1x40x16xf32, #tpu.memory_space<vmem>> -> memref<40x16xf32, #tpu.memory_space<vmem>>
        %dma_wait3A_210 = arith.constant 0 : i32
        %dma_wait3A_211 = tpu.memref_slice %arg23[%add3A_61, %dma_wait3A_210] : memref<10112x16xf32, #tpu.memory_space<vmem_shared>> -> memref<40x16xf32, #tpu.memory_space<vmem_shared>>
        %dma_wait3A_212 = arith.constant 0 : i32
        %dma_wait3A_213 = tpu.memref_slice %arg23[%add3A_61, %dma_wait3A_212] : memref<10112x16xf32, #tpu.memory_space<vmem_shared>> -> memref<40x16xf32, #tpu.memory_space<vmem_shared>>
        %dma_wait3A_214 = arith.constant 0 : i32
        %dma_wait3A_215 = arith.constant 0 : i32
        %dma_wait3A_216 = tpu.memref_slice %arg21[%run_scoped3A_62, %dma_wait3A_214, %dma_wait3A_215] : memref<2x40x16xf32, #tpu.memory_space<vmem>> -> memref<1x40x16xf32, #tpu.memory_space<vmem>>
        %dma_wait3A_217 = tpu.memref_squeeze %dma_wait3A_216 : memref<1x40x16xf32, #tpu.memory_space<vmem>> -> memref<40x16xf32, #tpu.memory_space<vmem>>
        tpu.wait_dma2 semaphore(%run_scoped3A_193 : memref<!tpu.dma_semaphore, #tpu.memory_space<semaphore_mem>>) src(%dma_wait3A_217 : memref<40x16xf32, #tpu.memory_space<vmem>>) dst(%dma_wait3A_213 : memref<40x16xf32, #tpu.memory_space<vmem_shared>>)
        tpu.yield
      }) : () -> ()
      %add3A_63 = arith.constant 320 : i32
      %add3A_64 = arith.addi %mul3A_8, %add3A_63 : i32
      %run_scoped3A_65 = arith.constant 0 : i32
      "tpu.region"() ({
        %run_scoped3A_193 = tpu.sem_alloc : memref<!tpu.dma_semaphore, #tpu.memory_space<semaphore_mem>>
        %dma_start3A_194 = arith.constant 0 : i32
        %dma_start3A_195 = arith.constant 0 : i32
        %dma_start3A_196 = tpu.memref_slice %arg19[%run_scoped3A_65, %dma_start3A_194, %dma_start3A_195] : memref<2x40x128xf32, #tpu.memory_space<vmem>> -> memref<1x40x128xf32, #tpu.memory_space<vmem>>
        %dma_start3A_197 = tpu.memref_squeeze %dma_start3A_196 : memref<1x40x128xf32, #tpu.memory_space<vmem>> -> memref<40x128xf32, #tpu.memory_space<vmem>>
        %dma_start3A_198 = arith.constant 0 : i32
        %dma_start3A_199 = tpu.memref_slice %arg22[%add3A_64, %dma_start3A_198] : memref<10112x128xf32, #tpu.memory_space<vmem_shared>> -> memref<40x128xf32, #tpu.memory_space<vmem_shared>>
        %dma_start3A_200 = arith.constant 0 : i32
        %dma_start3A_201 = tpu.memref_slice %arg22[%add3A_64, %dma_start3A_200] : memref<10112x128xf32, #tpu.memory_space<vmem_shared>> -> memref<40x128xf32, #tpu.memory_space<vmem_shared>>
        %dma_start3A_202 = arith.constant 0 : i32
        %dma_start3A_203 = arith.constant 0 : i32
        %dma_start3A_204 = tpu.memref_slice %arg19[%run_scoped3A_65, %dma_start3A_202, %dma_start3A_203] : memref<2x40x128xf32, #tpu.memory_space<vmem>> -> memref<1x40x128xf32, #tpu.memory_space<vmem>>
        %dma_start3A_205 = tpu.memref_squeeze %dma_start3A_204 : memref<1x40x128xf32, #tpu.memory_space<vmem>> -> memref<40x128xf32, #tpu.memory_space<vmem>>
        tpu.enqueue_dma source(%dma_start3A_205 : memref<40x128xf32, #tpu.memory_space<vmem>>) target(%dma_start3A_201 : memref<40x128xf32, #tpu.memory_space<vmem_shared>>) target_semaphore(%run_scoped3A_193 : memref<!tpu.dma_semaphore, #tpu.memory_space<semaphore_mem>>)
        %dma_wait3A_206 = arith.constant 0 : i32
        %dma_wait3A_207 = arith.constant 0 : i32
        %dma_wait3A_208 = tpu.memref_slice %arg19[%run_scoped3A_65, %dma_wait3A_206, %dma_wait3A_207] : memref<2x40x128xf32, #tpu.memory_space<vmem>> -> memref<1x40x128xf32, #tpu.memory_space<vmem>>
        %dma_wait3A_209 = tpu.memref_squeeze %dma_wait3A_208 : memref<1x40x128xf32, #tpu.memory_space<vmem>> -> memref<40x128xf32, #tpu.memory_space<vmem>>
        %dma_wait3A_210 = arith.constant 0 : i32
        %dma_wait3A_211 = tpu.memref_slice %arg22[%add3A_64, %dma_wait3A_210] : memref<10112x128xf32, #tpu.memory_space<vmem_shared>> -> memref<40x128xf32, #tpu.memory_space<vmem_shared>>
        %dma_wait3A_212 = arith.constant 0 : i32
        %dma_wait3A_213 = tpu.memref_slice %arg22[%add3A_64, %dma_wait3A_212] : memref<10112x128xf32, #tpu.memory_space<vmem_shared>> -> memref<40x128xf32, #tpu.memory_space<vmem_shared>>
        %dma_wait3A_214 = arith.constant 0 : i32
        %dma_wait3A_215 = arith.constant 0 : i32
        %dma_wait3A_216 = tpu.memref_slice %arg19[%run_scoped3A_65, %dma_wait3A_214, %dma_wait3A_215] : memref<2x40x128xf32, #tpu.memory_space<vmem>> -> memref<1x40x128xf32, #tpu.memory_space<vmem>>
        %dma_wait3A_217 = tpu.memref_squeeze %dma_wait3A_216 : memref<1x40x128xf32, #tpu.memory_space<vmem>> -> memref<40x128xf32, #tpu.memory_space<vmem>>
        tpu.wait_dma2 semaphore(%run_scoped3A_193 : memref<!tpu.dma_semaphore, #tpu.memory_space<semaphore_mem>>) src(%dma_wait3A_217 : memref<40x128xf32, #tpu.memory_space<vmem>>) dst(%dma_wait3A_213 : memref<40x128xf32, #tpu.memory_space<vmem_shared>>)
        tpu.yield
      }) : () -> ()
      %add3A_66 = arith.constant 320 : i32
      %add3A_67 = arith.addi %mul3A_8, %add3A_66 : i32
      %run_scoped3A_68 = arith.constant 0 : i32
      "tpu.region"() ({
        %run_scoped3A_193 = tpu.sem_alloc : memref<!tpu.dma_semaphore, #tpu.memory_space<semaphore_mem>>
        %dma_start3A_194 = arith.constant 0 : i32
        %dma_start3A_195 = arith.constant 0 : i32
        %dma_start3A_196 = tpu.memref_slice %arg21[%run_scoped3A_68, %dma_start3A_194, %dma_start3A_195] : memref<2x40x16xf32, #tpu.memory_space<vmem>> -> memref<1x40x16xf32, #tpu.memory_space<vmem>>
        %dma_start3A_197 = tpu.memref_squeeze %dma_start3A_196 : memref<1x40x16xf32, #tpu.memory_space<vmem>> -> memref<40x16xf32, #tpu.memory_space<vmem>>
        %dma_start3A_198 = arith.constant 0 : i32
        %dma_start3A_199 = tpu.memref_slice %arg23[%add3A_67, %dma_start3A_198] : memref<10112x16xf32, #tpu.memory_space<vmem_shared>> -> memref<40x16xf32, #tpu.memory_space<vmem_shared>>
        %dma_start3A_200 = arith.constant 0 : i32
        %dma_start3A_201 = tpu.memref_slice %arg23[%add3A_67, %dma_start3A_200] : memref<10112x16xf32, #tpu.memory_space<vmem_shared>> -> memref<40x16xf32, #tpu.memory_space<vmem_shared>>
        %dma_start3A_202 = arith.constant 0 : i32
        %dma_start3A_203 = arith.constant 0 : i32
        %dma_start3A_204 = tpu.memref_slice %arg21[%run_scoped3A_68, %dma_start3A_202, %dma_start3A_203] : memref<2x40x16xf32, #tpu.memory_space<vmem>> -> memref<1x40x16xf32, #tpu.memory_space<vmem>>
        %dma_start3A_205 = tpu.memref_squeeze %dma_start3A_204 : memref<1x40x16xf32, #tpu.memory_space<vmem>> -> memref<40x16xf32, #tpu.memory_space<vmem>>
        tpu.enqueue_dma source(%dma_start3A_205 : memref<40x16xf32, #tpu.memory_space<vmem>>) target(%dma_start3A_201 : memref<40x16xf32, #tpu.memory_space<vmem_shared>>) target_semaphore(%run_scoped3A_193 : memref<!tpu.dma_semaphore, #tpu.memory_space<semaphore_mem>>)
        %dma_wait3A_206 = arith.constant 0 : i32
        %dma_wait3A_207 = arith.constant 0 : i32
        %dma_wait3A_208 = tpu.memref_slice %arg21[%run_scoped3A_68, %dma_wait3A_206, %dma_wait3A_207] : memref<2x40x16xf32, #tpu.memory_space<vmem>> -> memref<1x40x16xf32, #tpu.memory_space<vmem>>
        %dma_wait3A_209 = tpu.memref_squeeze %dma_wait3A_208 : memref<1x40x16xf32, #tpu.memory_space<vmem>> -> memref<40x16xf32, #tpu.memory_space<vmem>>
        %dma_wait3A_210 = arith.constant 0 : i32
        %dma_wait3A_211 = tpu.memref_slice %arg23[%add3A_67, %dma_wait3A_210] : memref<10112x16xf32, #tpu.memory_space<vmem_shared>> -> memref<40x16xf32, #tpu.memory_space<vmem_shared>>
        %dma_wait3A_212 = arith.constant 0 : i32
        %dma_wait3A_213 = tpu.memref_slice %arg23[%add3A_67, %dma_wait3A_212] : memref<10112x16xf32, #tpu.memory_space<vmem_shared>> -> memref<40x16xf32, #tpu.memory_space<vmem_shared>>
        %dma_wait3A_214 = arith.constant 0 : i32
        %dma_wait3A_215 = arith.constant 0 : i32
        %dma_wait3A_216 = tpu.memref_slice %arg21[%run_scoped3A_68, %dma_wait3A_214, %dma_wait3A_215] : memref<2x40x16xf32, #tpu.memory_space<vmem>> -> memref<1x40x16xf32, #tpu.memory_space<vmem>>
        %dma_wait3A_217 = tpu.memref_squeeze %dma_wait3A_216 : memref<1x40x16xf32, #tpu.memory_space<vmem>> -> memref<40x16xf32, #tpu.memory_space<vmem>>
        tpu.wait_dma2 semaphore(%run_scoped3A_193 : memref<!tpu.dma_semaphore, #tpu.memory_space<semaphore_mem>>) src(%dma_wait3A_217 : memref<40x16xf32, #tpu.memory_space<vmem>>) dst(%dma_wait3A_213 : memref<40x16xf32, #tpu.memory_space<vmem_shared>>)
        tpu.yield
      }) : () -> ()
      %add3A_69 = arith.constant 360 : i32
      %add3A_70 = arith.addi %mul3A_8, %add3A_69 : i32
      %run_scoped3A_71 = arith.constant 0 : i32
      "tpu.region"() ({
        %run_scoped3A_193 = tpu.sem_alloc : memref<!tpu.dma_semaphore, #tpu.memory_space<semaphore_mem>>
        %dma_start3A_194 = arith.constant 0 : i32
        %dma_start3A_195 = arith.constant 0 : i32
        %dma_start3A_196 = tpu.memref_slice %arg19[%run_scoped3A_71, %dma_start3A_194, %dma_start3A_195] : memref<2x40x128xf32, #tpu.memory_space<vmem>> -> memref<1x40x128xf32, #tpu.memory_space<vmem>>
        %dma_start3A_197 = tpu.memref_squeeze %dma_start3A_196 : memref<1x40x128xf32, #tpu.memory_space<vmem>> -> memref<40x128xf32, #tpu.memory_space<vmem>>
        %dma_start3A_198 = arith.constant 0 : i32
        %dma_start3A_199 = tpu.memref_slice %arg22[%add3A_70, %dma_start3A_198] : memref<10112x128xf32, #tpu.memory_space<vmem_shared>> -> memref<40x128xf32, #tpu.memory_space<vmem_shared>>
        %dma_start3A_200 = arith.constant 0 : i32
        %dma_start3A_201 = tpu.memref_slice %arg22[%add3A_70, %dma_start3A_200] : memref<10112x128xf32, #tpu.memory_space<vmem_shared>> -> memref<40x128xf32, #tpu.memory_space<vmem_shared>>
        %dma_start3A_202 = arith.constant 0 : i32
        %dma_start3A_203 = arith.constant 0 : i32
        %dma_start3A_204 = tpu.memref_slice %arg19[%run_scoped3A_71, %dma_start3A_202, %dma_start3A_203] : memref<2x40x128xf32, #tpu.memory_space<vmem>> -> memref<1x40x128xf32, #tpu.memory_space<vmem>>
        %dma_start3A_205 = tpu.memref_squeeze %dma_start3A_204 : memref<1x40x128xf32, #tpu.memory_space<vmem>> -> memref<40x128xf32, #tpu.memory_space<vmem>>
        tpu.enqueue_dma source(%dma_start3A_205 : memref<40x128xf32, #tpu.memory_space<vmem>>) target(%dma_start3A_201 : memref<40x128xf32, #tpu.memory_space<vmem_shared>>) target_semaphore(%run_scoped3A_193 : memref<!tpu.dma_semaphore, #tpu.memory_space<semaphore_mem>>)
        %dma_wait3A_206 = arith.constant 0 : i32
        %dma_wait3A_207 = arith.constant 0 : i32
        %dma_wait3A_208 = tpu.memref_slice %arg19[%run_scoped3A_71, %dma_wait3A_206, %dma_wait3A_207] : memref<2x40x128xf32, #tpu.memory_space<vmem>> -> memref<1x40x128xf32, #tpu.memory_space<vmem>>
        %dma_wait3A_209 = tpu.memref_squeeze %dma_wait3A_208 : memref<1x40x128xf32, #tpu.memory_space<vmem>> -> memref<40x128xf32, #tpu.memory_space<vmem>>
        %dma_wait3A_210 = arith.constant 0 : i32
        %dma_wait3A_211 = tpu.memref_slice %arg22[%add3A_70, %dma_wait3A_210] : memref<10112x128xf32, #tpu.memory_space<vmem_shared>> -> memref<40x128xf32, #tpu.memory_space<vmem_shared>>
        %dma_wait3A_212 = arith.constant 0 : i32
        %dma_wait3A_213 = tpu.memref_slice %arg22[%add3A_70, %dma_wait3A_212] : memref<10112x128xf32, #tpu.memory_space<vmem_shared>> -> memref<40x128xf32, #tpu.memory_space<vmem_shared>>
        %dma_wait3A_214 = arith.constant 0 : i32
        %dma_wait3A_215 = arith.constant 0 : i32
        %dma_wait3A_216 = tpu.memref_slice %arg19[%run_scoped3A_71, %dma_wait3A_214, %dma_wait3A_215] : memref<2x40x128xf32, #tpu.memory_space<vmem>> -> memref<1x40x128xf32, #tpu.memory_space<vmem>>
        %dma_wait3A_217 = tpu.memref_squeeze %dma_wait3A_216 : memref<1x40x128xf32, #tpu.memory_space<vmem>> -> memref<40x128xf32, #tpu.memory_space<vmem>>
        tpu.wait_dma2 semaphore(%run_scoped3A_193 : memref<!tpu.dma_semaphore, #tpu.memory_space<semaphore_mem>>) src(%dma_wait3A_217 : memref<40x128xf32, #tpu.memory_space<vmem>>) dst(%dma_wait3A_213 : memref<40x128xf32, #tpu.memory_space<vmem_shared>>)
        tpu.yield
      }) : () -> ()
      %add3A_72 = arith.constant 360 : i32
      %add3A_73 = arith.addi %mul3A_8, %add3A_72 : i32
      %run_scoped3A_74 = arith.constant 0 : i32
      "tpu.region"() ({
        %run_scoped3A_193 = tpu.sem_alloc : memref<!tpu.dma_semaphore, #tpu.memory_space<semaphore_mem>>
        %dma_start3A_194 = arith.constant 0 : i32
        %dma_start3A_195 = arith.constant 0 : i32
        %dma_start3A_196 = tpu.memref_slice %arg21[%run_scoped3A_74, %dma_start3A_194, %dma_start3A_195] : memref<2x40x16xf32, #tpu.memory_space<vmem>> -> memref<1x40x16xf32, #tpu.memory_space<vmem>>
        %dma_start3A_197 = tpu.memref_squeeze %dma_start3A_196 : memref<1x40x16xf32, #tpu.memory_space<vmem>> -> memref<40x16xf32, #tpu.memory_space<vmem>>
        %dma_start3A_198 = arith.constant 0 : i32
        %dma_start3A_199 = tpu.memref_slice %arg23[%add3A_73, %dma_start3A_198] : memref<10112x16xf32, #tpu.memory_space<vmem_shared>> -> memref<40x16xf32, #tpu.memory_space<vmem_shared>>
        %dma_start3A_200 = arith.constant 0 : i32
        %dma_start3A_201 = tpu.memref_slice %arg23[%add3A_73, %dma_start3A_200] : memref<10112x16xf32, #tpu.memory_space<vmem_shared>> -> memref<40x16xf32, #tpu.memory_space<vmem_shared>>
        %dma_start3A_202 = arith.constant 0 : i32
        %dma_start3A_203 = arith.constant 0 : i32
        %dma_start3A_204 = tpu.memref_slice %arg21[%run_scoped3A_74, %dma_start3A_202, %dma_start3A_203] : memref<2x40x16xf32, #tpu.memory_space<vmem>> -> memref<1x40x16xf32, #tpu.memory_space<vmem>>
        %dma_start3A_205 = tpu.memref_squeeze %dma_start3A_204 : memref<1x40x16xf32, #tpu.memory_space<vmem>> -> memref<40x16xf32, #tpu.memory_space<vmem>>
        tpu.enqueue_dma source(%dma_start3A_205 : memref<40x16xf32, #tpu.memory_space<vmem>>) target(%dma_start3A_201 : memref<40x16xf32, #tpu.memory_space<vmem_shared>>) target_semaphore(%run_scoped3A_193 : memref<!tpu.dma_semaphore, #tpu.memory_space<semaphore_mem>>)
        %dma_wait3A_206 = arith.constant 0 : i32
        %dma_wait3A_207 = arith.constant 0 : i32
        %dma_wait3A_208 = tpu.memref_slice %arg21[%run_scoped3A_74, %dma_wait3A_206, %dma_wait3A_207] : memref<2x40x16xf32, #tpu.memory_space<vmem>> -> memref<1x40x16xf32, #tpu.memory_space<vmem>>
        %dma_wait3A_209 = tpu.memref_squeeze %dma_wait3A_208 : memref<1x40x16xf32, #tpu.memory_space<vmem>> -> memref<40x16xf32, #tpu.memory_space<vmem>>
        %dma_wait3A_210 = arith.constant 0 : i32
        %dma_wait3A_211 = tpu.memref_slice %arg23[%add3A_73, %dma_wait3A_210] : memref<10112x16xf32, #tpu.memory_space<vmem_shared>> -> memref<40x16xf32, #tpu.memory_space<vmem_shared>>
        %dma_wait3A_212 = arith.constant 0 : i32
        %dma_wait3A_213 = tpu.memref_slice %arg23[%add3A_73, %dma_wait3A_212] : memref<10112x16xf32, #tpu.memory_space<vmem_shared>> -> memref<40x16xf32, #tpu.memory_space<vmem_shared>>
        %dma_wait3A_214 = arith.constant 0 : i32
        %dma_wait3A_215 = arith.constant 0 : i32
        %dma_wait3A_216 = tpu.memref_slice %arg21[%run_scoped3A_74, %dma_wait3A_214, %dma_wait3A_215] : memref<2x40x16xf32, #tpu.memory_space<vmem>> -> memref<1x40x16xf32, #tpu.memory_space<vmem>>
        %dma_wait3A_217 = tpu.memref_squeeze %dma_wait3A_216 : memref<1x40x16xf32, #tpu.memory_space<vmem>> -> memref<40x16xf32, #tpu.memory_space<vmem>>
        tpu.wait_dma2 semaphore(%run_scoped3A_193 : memref<!tpu.dma_semaphore, #tpu.memory_space<semaphore_mem>>) src(%dma_wait3A_217 : memref<40x16xf32, #tpu.memory_space<vmem>>) dst(%dma_wait3A_213 : memref<40x16xf32, #tpu.memory_space<vmem_shared>>)
        tpu.yield
      }) : () -> ()
      %add3A_75 = arith.constant 400 : i32
      %add3A_76 = arith.addi %mul3A_8, %add3A_75 : i32
      %run_scoped3A_77 = arith.constant 0 : i32
      "tpu.region"() ({
        %run_scoped3A_193 = tpu.sem_alloc : memref<!tpu.dma_semaphore, #tpu.memory_space<semaphore_mem>>
        %dma_start3A_194 = arith.constant 0 : i32
        %dma_start3A_195 = arith.constant 0 : i32
        %dma_start3A_196 = tpu.memref_slice %arg19[%run_scoped3A_77, %dma_start3A_194, %dma_start3A_195] : memref<2x40x128xf32, #tpu.memory_space<vmem>> -> memref<1x40x128xf32, #tpu.memory_space<vmem>>
        %dma_start3A_197 = tpu.memref_squeeze %dma_start3A_196 : memref<1x40x128xf32, #tpu.memory_space<vmem>> -> memref<40x128xf32, #tpu.memory_space<vmem>>
        %dma_start3A_198 = arith.constant 0 : i32
        %dma_start3A_199 = tpu.memref_slice %arg22[%add3A_76, %dma_start3A_198] : memref<10112x128xf32, #tpu.memory_space<vmem_shared>> -> memref<40x128xf32, #tpu.memory_space<vmem_shared>>
        %dma_start3A_200 = arith.constant 0 : i32
        %dma_start3A_201 = tpu.memref_slice %arg22[%add3A_76, %dma_start3A_200] : memref<10112x128xf32, #tpu.memory_space<vmem_shared>> -> memref<40x128xf32, #tpu.memory_space<vmem_shared>>
        %dma_start3A_202 = arith.constant 0 : i32
        %dma_start3A_203 = arith.constant 0 : i32
        %dma_start3A_204 = tpu.memref_slice %arg19[%run_scoped3A_77, %dma_start3A_202, %dma_start3A_203] : memref<2x40x128xf32, #tpu.memory_space<vmem>> -> memref<1x40x128xf32, #tpu.memory_space<vmem>>
        %dma_start3A_205 = tpu.memref_squeeze %dma_start3A_204 : memref<1x40x128xf32, #tpu.memory_space<vmem>> -> memref<40x128xf32, #tpu.memory_space<vmem>>
        tpu.enqueue_dma source(%dma_start3A_205 : memref<40x128xf32, #tpu.memory_space<vmem>>) target(%dma_start3A_201 : memref<40x128xf32, #tpu.memory_space<vmem_shared>>) target_semaphore(%run_scoped3A_193 : memref<!tpu.dma_semaphore, #tpu.memory_space<semaphore_mem>>)
        %dma_wait3A_206 = arith.constant 0 : i32
        %dma_wait3A_207 = arith.constant 0 : i32
        %dma_wait3A_208 = tpu.memref_slice %arg19[%run_scoped3A_77, %dma_wait3A_206, %dma_wait3A_207] : memref<2x40x128xf32, #tpu.memory_space<vmem>> -> memref<1x40x128xf32, #tpu.memory_space<vmem>>
        %dma_wait3A_209 = tpu.memref_squeeze %dma_wait3A_208 : memref<1x40x128xf32, #tpu.memory_space<vmem>> -> memref<40x128xf32, #tpu.memory_space<vmem>>
        %dma_wait3A_210 = arith.constant 0 : i32
        %dma_wait3A_211 = tpu.memref_slice %arg22[%add3A_76, %dma_wait3A_210] : memref<10112x128xf32, #tpu.memory_space<vmem_shared>> -> memref<40x128xf32, #tpu.memory_space<vmem_shared>>
        %dma_wait3A_212 = arith.constant 0 : i32
        %dma_wait3A_213 = tpu.memref_slice %arg22[%add3A_76, %dma_wait3A_212] : memref<10112x128xf32, #tpu.memory_space<vmem_shared>> -> memref<40x128xf32, #tpu.memory_space<vmem_shared>>
        %dma_wait3A_214 = arith.constant 0 : i32
        %dma_wait3A_215 = arith.constant 0 : i32
        %dma_wait3A_216 = tpu.memref_slice %arg19[%run_scoped3A_77, %dma_wait3A_214, %dma_wait3A_215] : memref<2x40x128xf32, #tpu.memory_space<vmem>> -> memref<1x40x128xf32, #tpu.memory_space<vmem>>
        %dma_wait3A_217 = tpu.memref_squeeze %dma_wait3A_216 : memref<1x40x128xf32, #tpu.memory_space<vmem>> -> memref<40x128xf32, #tpu.memory_space<vmem>>
        tpu.wait_dma2 semaphore(%run_scoped3A_193 : memref<!tpu.dma_semaphore, #tpu.memory_space<semaphore_mem>>) src(%dma_wait3A_217 : memref<40x128xf32, #tpu.memory_space<vmem>>) dst(%dma_wait3A_213 : memref<40x128xf32, #tpu.memory_space<vmem_shared>>)
        tpu.yield
      }) : () -> ()
      %add3A_78 = arith.constant 400 : i32
      %add3A_79 = arith.addi %mul3A_8, %add3A_78 : i32
      %run_scoped3A_80 = arith.constant 0 : i32
      "tpu.region"() ({
        %run_scoped3A_193 = tpu.sem_alloc : memref<!tpu.dma_semaphore, #tpu.memory_space<semaphore_mem>>
        %dma_start3A_194 = arith.constant 0 : i32
        %dma_start3A_195 = arith.constant 0 : i32
        %dma_start3A_196 = tpu.memref_slice %arg21[%run_scoped3A_80, %dma_start3A_194, %dma_start3A_195] : memref<2x40x16xf32, #tpu.memory_space<vmem>> -> memref<1x40x16xf32, #tpu.memory_space<vmem>>
        %dma_start3A_197 = tpu.memref_squeeze %dma_start3A_196 : memref<1x40x16xf32, #tpu.memory_space<vmem>> -> memref<40x16xf32, #tpu.memory_space<vmem>>
        %dma_start3A_198 = arith.constant 0 : i32
        %dma_start3A_199 = tpu.memref_slice %arg23[%add3A_79, %dma_start3A_198] : memref<10112x16xf32, #tpu.memory_space<vmem_shared>> -> memref<40x16xf32, #tpu.memory_space<vmem_shared>>
        %dma_start3A_200 = arith.constant 0 : i32
        %dma_start3A_201 = tpu.memref_slice %arg23[%add3A_79, %dma_start3A_200] : memref<10112x16xf32, #tpu.memory_space<vmem_shared>> -> memref<40x16xf32, #tpu.memory_space<vmem_shared>>
        %dma_start3A_202 = arith.constant 0 : i32
        %dma_start3A_203 = arith.constant 0 : i32
        %dma_start3A_204 = tpu.memref_slice %arg21[%run_scoped3A_80, %dma_start3A_202, %dma_start3A_203] : memref<2x40x16xf32, #tpu.memory_space<vmem>> -> memref<1x40x16xf32, #tpu.memory_space<vmem>>
        %dma_start3A_205 = tpu.memref_squeeze %dma_start3A_204 : memref<1x40x16xf32, #tpu.memory_space<vmem>> -> memref<40x16xf32, #tpu.memory_space<vmem>>
        tpu.enqueue_dma source(%dma_start3A_205 : memref<40x16xf32, #tpu.memory_space<vmem>>) target(%dma_start3A_201 : memref<40x16xf32, #tpu.memory_space<vmem_shared>>) target_semaphore(%run_scoped3A_193 : memref<!tpu.dma_semaphore, #tpu.memory_space<semaphore_mem>>)
        %dma_wait3A_206 = arith.constant 0 : i32
        %dma_wait3A_207 = arith.constant 0 : i32
        %dma_wait3A_208 = tpu.memref_slice %arg21[%run_scoped3A_80, %dma_wait3A_206, %dma_wait3A_207] : memref<2x40x16xf32, #tpu.memory_space<vmem>> -> memref<1x40x16xf32, #tpu.memory_space<vmem>>
        %dma_wait3A_209 = tpu.memref_squeeze %dma_wait3A_208 : memref<1x40x16xf32, #tpu.memory_space<vmem>> -> memref<40x16xf32, #tpu.memory_space<vmem>>
        %dma_wait3A_210 = arith.constant 0 : i32
        %dma_wait3A_211 = tpu.memref_slice %arg23[%add3A_79, %dma_wait3A_210] : memref<10112x16xf32, #tpu.memory_space<vmem_shared>> -> memref<40x16xf32, #tpu.memory_space<vmem_shared>>
        %dma_wait3A_212 = arith.constant 0 : i32
        %dma_wait3A_213 = tpu.memref_slice %arg23[%add3A_79, %dma_wait3A_212] : memref<10112x16xf32, #tpu.memory_space<vmem_shared>> -> memref<40x16xf32, #tpu.memory_space<vmem_shared>>
        %dma_wait3A_214 = arith.constant 0 : i32
        %dma_wait3A_215 = arith.constant 0 : i32
        %dma_wait3A_216 = tpu.memref_slice %arg21[%run_scoped3A_80, %dma_wait3A_214, %dma_wait3A_215] : memref<2x40x16xf32, #tpu.memory_space<vmem>> -> memref<1x40x16xf32, #tpu.memory_space<vmem>>
        %dma_wait3A_217 = tpu.memref_squeeze %dma_wait3A_216 : memref<1x40x16xf32, #tpu.memory_space<vmem>> -> memref<40x16xf32, #tpu.memory_space<vmem>>
        tpu.wait_dma2 semaphore(%run_scoped3A_193 : memref<!tpu.dma_semaphore, #tpu.memory_space<semaphore_mem>>) src(%dma_wait3A_217 : memref<40x16xf32, #tpu.memory_space<vmem>>) dst(%dma_wait3A_213 : memref<40x16xf32, #tpu.memory_space<vmem_shared>>)
        tpu.yield
      }) : () -> ()
      %add3A_81 = arith.constant 440 : i32
      %add3A_82 = arith.addi %mul3A_8, %add3A_81 : i32
      %run_scoped3A_83 = arith.constant 0 : i32
      "tpu.region"() ({
        %run_scoped3A_193 = tpu.sem_alloc : memref<!tpu.dma_semaphore, #tpu.memory_space<semaphore_mem>>
        %dma_start3A_194 = arith.constant 0 : i32
        %dma_start3A_195 = arith.constant 0 : i32
        %dma_start3A_196 = tpu.memref_slice %arg19[%run_scoped3A_83, %dma_start3A_194, %dma_start3A_195] : memref<2x40x128xf32, #tpu.memory_space<vmem>> -> memref<1x40x128xf32, #tpu.memory_space<vmem>>
        %dma_start3A_197 = tpu.memref_squeeze %dma_start3A_196 : memref<1x40x128xf32, #tpu.memory_space<vmem>> -> memref<40x128xf32, #tpu.memory_space<vmem>>
        %dma_start3A_198 = arith.constant 0 : i32
        %dma_start3A_199 = tpu.memref_slice %arg22[%add3A_82, %dma_start3A_198] : memref<10112x128xf32, #tpu.memory_space<vmem_shared>> -> memref<40x128xf32, #tpu.memory_space<vmem_shared>>
        %dma_start3A_200 = arith.constant 0 : i32
        %dma_start3A_201 = tpu.memref_slice %arg22[%add3A_82, %dma_start3A_200] : memref<10112x128xf32, #tpu.memory_space<vmem_shared>> -> memref<40x128xf32, #tpu.memory_space<vmem_shared>>
        %dma_start3A_202 = arith.constant 0 : i32
        %dma_start3A_203 = arith.constant 0 : i32
        %dma_start3A_204 = tpu.memref_slice %arg19[%run_scoped3A_83, %dma_start3A_202, %dma_start3A_203] : memref<2x40x128xf32, #tpu.memory_space<vmem>> -> memref<1x40x128xf32, #tpu.memory_space<vmem>>
        %dma_start3A_205 = tpu.memref_squeeze %dma_start3A_204 : memref<1x40x128xf32, #tpu.memory_space<vmem>> -> memref<40x128xf32, #tpu.memory_space<vmem>>
        tpu.enqueue_dma source(%dma_start3A_205 : memref<40x128xf32, #tpu.memory_space<vmem>>) target(%dma_start3A_201 : memref<40x128xf32, #tpu.memory_space<vmem_shared>>) target_semaphore(%run_scoped3A_193 : memref<!tpu.dma_semaphore, #tpu.memory_space<semaphore_mem>>)
        %dma_wait3A_206 = arith.constant 0 : i32
        %dma_wait3A_207 = arith.constant 0 : i32
        %dma_wait3A_208 = tpu.memref_slice %arg19[%run_scoped3A_83, %dma_wait3A_206, %dma_wait3A_207] : memref<2x40x128xf32, #tpu.memory_space<vmem>> -> memref<1x40x128xf32, #tpu.memory_space<vmem>>
        %dma_wait3A_209 = tpu.memref_squeeze %dma_wait3A_208 : memref<1x40x128xf32, #tpu.memory_space<vmem>> -> memref<40x128xf32, #tpu.memory_space<vmem>>
        %dma_wait3A_210 = arith.constant 0 : i32
        %dma_wait3A_211 = tpu.memref_slice %arg22[%add3A_82, %dma_wait3A_210] : memref<10112x128xf32, #tpu.memory_space<vmem_shared>> -> memref<40x128xf32, #tpu.memory_space<vmem_shared>>
        %dma_wait3A_212 = arith.constant 0 : i32
        %dma_wait3A_213 = tpu.memref_slice %arg22[%add3A_82, %dma_wait3A_212] : memref<10112x128xf32, #tpu.memory_space<vmem_shared>> -> memref<40x128xf32, #tpu.memory_space<vmem_shared>>
        %dma_wait3A_214 = arith.constant 0 : i32
        %dma_wait3A_215 = arith.constant 0 : i32
        %dma_wait3A_216 = tpu.memref_slice %arg19[%run_scoped3A_83, %dma_wait3A_214, %dma_wait3A_215] : memref<2x40x128xf32, #tpu.memory_space<vmem>> -> memref<1x40x128xf32, #tpu.memory_space<vmem>>
        %dma_wait3A_217 = tpu.memref_squeeze %dma_wait3A_216 : memref<1x40x128xf32, #tpu.memory_space<vmem>> -> memref<40x128xf32, #tpu.memory_space<vmem>>
        tpu.wait_dma2 semaphore(%run_scoped3A_193 : memref<!tpu.dma_semaphore, #tpu.memory_space<semaphore_mem>>) src(%dma_wait3A_217 : memref<40x128xf32, #tpu.memory_space<vmem>>) dst(%dma_wait3A_213 : memref<40x128xf32, #tpu.memory_space<vmem_shared>>)
        tpu.yield
      }) : () -> ()
      %add3A_84 = arith.constant 440 : i32
      %add3A_85 = arith.addi %mul3A_8, %add3A_84 : i32
      %run_scoped3A_86 = arith.constant 0 : i32
      "tpu.region"() ({
        %run_scoped3A_193 = tpu.sem_alloc : memref<!tpu.dma_semaphore, #tpu.memory_space<semaphore_mem>>
        %dma_start3A_194 = arith.constant 0 : i32
        %dma_start3A_195 = arith.constant 0 : i32
        %dma_start3A_196 = tpu.memref_slice %arg21[%run_scoped3A_86, %dma_start3A_194, %dma_start3A_195] : memref<2x40x16xf32, #tpu.memory_space<vmem>> -> memref<1x40x16xf32, #tpu.memory_space<vmem>>
        %dma_start3A_197 = tpu.memref_squeeze %dma_start3A_196 : memref<1x40x16xf32, #tpu.memory_space<vmem>> -> memref<40x16xf32, #tpu.memory_space<vmem>>
        %dma_start3A_198 = arith.constant 0 : i32
        %dma_start3A_199 = tpu.memref_slice %arg23[%add3A_85, %dma_start3A_198] : memref<10112x16xf32, #tpu.memory_space<vmem_shared>> -> memref<40x16xf32, #tpu.memory_space<vmem_shared>>
        %dma_start3A_200 = arith.constant 0 : i32
        %dma_start3A_201 = tpu.memref_slice %arg23[%add3A_85, %dma_start3A_200] : memref<10112x16xf32, #tpu.memory_space<vmem_shared>> -> memref<40x16xf32, #tpu.memory_space<vmem_shared>>
        %dma_start3A_202 = arith.constant 0 : i32
        %dma_start3A_203 = arith.constant 0 : i32
        %dma_start3A_204 = tpu.memref_slice %arg21[%run_scoped3A_86, %dma_start3A_202, %dma_start3A_203] : memref<2x40x16xf32, #tpu.memory_space<vmem>> -> memref<1x40x16xf32, #tpu.memory_space<vmem>>
        %dma_start3A_205 = tpu.memref_squeeze %dma_start3A_204 : memref<1x40x16xf32, #tpu.memory_space<vmem>> -> memref<40x16xf32, #tpu.memory_space<vmem>>
        tpu.enqueue_dma source(%dma_start3A_205 : memref<40x16xf32, #tpu.memory_space<vmem>>) target(%dma_start3A_201 : memref<40x16xf32, #tpu.memory_space<vmem_shared>>) target_semaphore(%run_scoped3A_193 : memref<!tpu.dma_semaphore, #tpu.memory_space<semaphore_mem>>)
        %dma_wait3A_206 = arith.constant 0 : i32
        %dma_wait3A_207 = arith.constant 0 : i32
        %dma_wait3A_208 = tpu.memref_slice %arg21[%run_scoped3A_86, %dma_wait3A_206, %dma_wait3A_207] : memref<2x40x16xf32, #tpu.memory_space<vmem>> -> memref<1x40x16xf32, #tpu.memory_space<vmem>>
        %dma_wait3A_209 = tpu.memref_squeeze %dma_wait3A_208 : memref<1x40x16xf32, #tpu.memory_space<vmem>> -> memref<40x16xf32, #tpu.memory_space<vmem>>
        %dma_wait3A_210 = arith.constant 0 : i32
        %dma_wait3A_211 = tpu.memref_slice %arg23[%add3A_85, %dma_wait3A_210] : memref<10112x16xf32, #tpu.memory_space<vmem_shared>> -> memref<40x16xf32, #tpu.memory_space<vmem_shared>>
        %dma_wait3A_212 = arith.constant 0 : i32
        %dma_wait3A_213 = tpu.memref_slice %arg23[%add3A_85, %dma_wait3A_212] : memref<10112x16xf32, #tpu.memory_space<vmem_shared>> -> memref<40x16xf32, #tpu.memory_space<vmem_shared>>
        %dma_wait3A_214 = arith.constant 0 : i32
        %dma_wait3A_215 = arith.constant 0 : i32
        %dma_wait3A_216 = tpu.memref_slice %arg21[%run_scoped3A_86, %dma_wait3A_214, %dma_wait3A_215] : memref<2x40x16xf32, #tpu.memory_space<vmem>> -> memref<1x40x16xf32, #tpu.memory_space<vmem>>
        %dma_wait3A_217 = tpu.memref_squeeze %dma_wait3A_216 : memref<1x40x16xf32, #tpu.memory_space<vmem>> -> memref<40x16xf32, #tpu.memory_space<vmem>>
        tpu.wait_dma2 semaphore(%run_scoped3A_193 : memref<!tpu.dma_semaphore, #tpu.memory_space<semaphore_mem>>) src(%dma_wait3A_217 : memref<40x16xf32, #tpu.memory_space<vmem>>) dst(%dma_wait3A_213 : memref<40x16xf32, #tpu.memory_space<vmem_shared>>)
        tpu.yield
      }) : () -> ()
      %add3A_87 = arith.constant 480 : i32
      %add3A_88 = arith.addi %mul3A_8, %add3A_87 : i32
      %run_scoped3A_89 = arith.constant 0 : i32
      "tpu.region"() ({
        %run_scoped3A_193 = tpu.sem_alloc : memref<!tpu.dma_semaphore, #tpu.memory_space<semaphore_mem>>
        %dma_start3A_194 = arith.constant 0 : i32
        %dma_start3A_195 = arith.constant 0 : i32
        %dma_start3A_196 = tpu.memref_slice %arg19[%run_scoped3A_89, %dma_start3A_194, %dma_start3A_195] : memref<2x40x128xf32, #tpu.memory_space<vmem>> -> memref<1x40x128xf32, #tpu.memory_space<vmem>>
        %dma_start3A_197 = tpu.memref_squeeze %dma_start3A_196 : memref<1x40x128xf32, #tpu.memory_space<vmem>> -> memref<40x128xf32, #tpu.memory_space<vmem>>
        %dma_start3A_198 = arith.constant 0 : i32
        %dma_start3A_199 = tpu.memref_slice %arg22[%add3A_88, %dma_start3A_198] : memref<10112x128xf32, #tpu.memory_space<vmem_shared>> -> memref<40x128xf32, #tpu.memory_space<vmem_shared>>
        %dma_start3A_200 = arith.constant 0 : i32
        %dma_start3A_201 = tpu.memref_slice %arg22[%add3A_88, %dma_start3A_200] : memref<10112x128xf32, #tpu.memory_space<vmem_shared>> -> memref<40x128xf32, #tpu.memory_space<vmem_shared>>
        %dma_start3A_202 = arith.constant 0 : i32
        %dma_start3A_203 = arith.constant 0 : i32
        %dma_start3A_204 = tpu.memref_slice %arg19[%run_scoped3A_89, %dma_start3A_202, %dma_start3A_203] : memref<2x40x128xf32, #tpu.memory_space<vmem>> -> memref<1x40x128xf32, #tpu.memory_space<vmem>>
        %dma_start3A_205 = tpu.memref_squeeze %dma_start3A_204 : memref<1x40x128xf32, #tpu.memory_space<vmem>> -> memref<40x128xf32, #tpu.memory_space<vmem>>
        tpu.enqueue_dma source(%dma_start3A_205 : memref<40x128xf32, #tpu.memory_space<vmem>>) target(%dma_start3A_201 : memref<40x128xf32, #tpu.memory_space<vmem_shared>>) target_semaphore(%run_scoped3A_193 : memref<!tpu.dma_semaphore, #tpu.memory_space<semaphore_mem>>)
        %dma_wait3A_206 = arith.constant 0 : i32
        %dma_wait3A_207 = arith.constant 0 : i32
        %dma_wait3A_208 = tpu.memref_slice %arg19[%run_scoped3A_89, %dma_wait3A_206, %dma_wait3A_207] : memref<2x40x128xf32, #tpu.memory_space<vmem>> -> memref<1x40x128xf32, #tpu.memory_space<vmem>>
        %dma_wait3A_209 = tpu.memref_squeeze %dma_wait3A_208 : memref<1x40x128xf32, #tpu.memory_space<vmem>> -> memref<40x128xf32, #tpu.memory_space<vmem>>
        %dma_wait3A_210 = arith.constant 0 : i32
        %dma_wait3A_211 = tpu.memref_slice %arg22[%add3A_88, %dma_wait3A_210] : memref<10112x128xf32, #tpu.memory_space<vmem_shared>> -> memref<40x128xf32, #tpu.memory_space<vmem_shared>>
        %dma_wait3A_212 = arith.constant 0 : i32
        %dma_wait3A_213 = tpu.memref_slice %arg22[%add3A_88, %dma_wait3A_212] : memref<10112x128xf32, #tpu.memory_space<vmem_shared>> -> memref<40x128xf32, #tpu.memory_space<vmem_shared>>
        %dma_wait3A_214 = arith.constant 0 : i32
        %dma_wait3A_215 = arith.constant 0 : i32
        %dma_wait3A_216 = tpu.memref_slice %arg19[%run_scoped3A_89, %dma_wait3A_214, %dma_wait3A_215] : memref<2x40x128xf32, #tpu.memory_space<vmem>> -> memref<1x40x128xf32, #tpu.memory_space<vmem>>
        %dma_wait3A_217 = tpu.memref_squeeze %dma_wait3A_216 : memref<1x40x128xf32, #tpu.memory_space<vmem>> -> memref<40x128xf32, #tpu.memory_space<vmem>>
        tpu.wait_dma2 semaphore(%run_scoped3A_193 : memref<!tpu.dma_semaphore, #tpu.memory_space<semaphore_mem>>) src(%dma_wait3A_217 : memref<40x128xf32, #tpu.memory_space<vmem>>) dst(%dma_wait3A_213 : memref<40x128xf32, #tpu.memory_space<vmem_shared>>)
        tpu.yield
      }) : () -> ()
      %add3A_90 = arith.constant 480 : i32
      %add3A_91 = arith.addi %mul3A_8, %add3A_90 : i32
      %run_scoped3A_92 = arith.constant 0 : i32
      "tpu.region"() ({
        %run_scoped3A_193 = tpu.sem_alloc : memref<!tpu.dma_semaphore, #tpu.memory_space<semaphore_mem>>
        %dma_start3A_194 = arith.constant 0 : i32
        %dma_start3A_195 = arith.constant 0 : i32
        %dma_start3A_196 = tpu.memref_slice %arg21[%run_scoped3A_92, %dma_start3A_194, %dma_start3A_195] : memref<2x40x16xf32, #tpu.memory_space<vmem>> -> memref<1x40x16xf32, #tpu.memory_space<vmem>>
        %dma_start3A_197 = tpu.memref_squeeze %dma_start3A_196 : memref<1x40x16xf32, #tpu.memory_space<vmem>> -> memref<40x16xf32, #tpu.memory_space<vmem>>
        %dma_start3A_198 = arith.constant 0 : i32
        %dma_start3A_199 = tpu.memref_slice %arg23[%add3A_91, %dma_start3A_198] : memref<10112x16xf32, #tpu.memory_space<vmem_shared>> -> memref<40x16xf32, #tpu.memory_space<vmem_shared>>
        %dma_start3A_200 = arith.constant 0 : i32
        %dma_start3A_201 = tpu.memref_slice %arg23[%add3A_91, %dma_start3A_200] : memref<10112x16xf32, #tpu.memory_space<vmem_shared>> -> memref<40x16xf32, #tpu.memory_space<vmem_shared>>
        %dma_start3A_202 = arith.constant 0 : i32
        %dma_start3A_203 = arith.constant 0 : i32
        %dma_start3A_204 = tpu.memref_slice %arg21[%run_scoped3A_92, %dma_start3A_202, %dma_start3A_203] : memref<2x40x16xf32, #tpu.memory_space<vmem>> -> memref<1x40x16xf32, #tpu.memory_space<vmem>>
        %dma_start3A_205 = tpu.memref_squeeze %dma_start3A_204 : memref<1x40x16xf32, #tpu.memory_space<vmem>> -> memref<40x16xf32, #tpu.memory_space<vmem>>
        tpu.enqueue_dma source(%dma_start3A_205 : memref<40x16xf32, #tpu.memory_space<vmem>>) target(%dma_start3A_201 : memref<40x16xf32, #tpu.memory_space<vmem_shared>>) target_semaphore(%run_scoped3A_193 : memref<!tpu.dma_semaphore, #tpu.memory_space<semaphore_mem>>)
        %dma_wait3A_206 = arith.constant 0 : i32
        %dma_wait3A_207 = arith.constant 0 : i32
        %dma_wait3A_208 = tpu.memref_slice %arg21[%run_scoped3A_92, %dma_wait3A_206, %dma_wait3A_207] : memref<2x40x16xf32, #tpu.memory_space<vmem>> -> memref<1x40x16xf32, #tpu.memory_space<vmem>>
        %dma_wait3A_209 = tpu.memref_squeeze %dma_wait3A_208 : memref<1x40x16xf32, #tpu.memory_space<vmem>> -> memref<40x16xf32, #tpu.memory_space<vmem>>
        %dma_wait3A_210 = arith.constant 0 : i32
        %dma_wait3A_211 = tpu.memref_slice %arg23[%add3A_91, %dma_wait3A_210] : memref<10112x16xf32, #tpu.memory_space<vmem_shared>> -> memref<40x16xf32, #tpu.memory_space<vmem_shared>>
        %dma_wait3A_212 = arith.constant 0 : i32
        %dma_wait3A_213 = tpu.memref_slice %arg23[%add3A_91, %dma_wait3A_212] : memref<10112x16xf32, #tpu.memory_space<vmem_shared>> -> memref<40x16xf32, #tpu.memory_space<vmem_shared>>
        %dma_wait3A_214 = arith.constant 0 : i32
        %dma_wait3A_215 = arith.constant 0 : i32
        %dma_wait3A_216 = tpu.memref_slice %arg21[%run_scoped3A_92, %dma_wait3A_214, %dma_wait3A_215] : memref<2x40x16xf32, #tpu.memory_space<vmem>> -> memref<1x40x16xf32, #tpu.memory_space<vmem>>
        %dma_wait3A_217 = tpu.memref_squeeze %dma_wait3A_216 : memref<1x40x16xf32, #tpu.memory_space<vmem>> -> memref<40x16xf32, #tpu.memory_space<vmem>>
        tpu.wait_dma2 semaphore(%run_scoped3A_193 : memref<!tpu.dma_semaphore, #tpu.memory_space<semaphore_mem>>) src(%dma_wait3A_217 : memref<40x16xf32, #tpu.memory_space<vmem>>) dst(%dma_wait3A_213 : memref<40x16xf32, #tpu.memory_space<vmem_shared>>)
        tpu.yield
      }) : () -> ()
      %add3A_93 = arith.constant 520 : i32
      %add3A_94 = arith.addi %mul3A_8, %add3A_93 : i32
      %run_scoped3A_95 = arith.constant 0 : i32
      "tpu.region"() ({
        %run_scoped3A_193 = tpu.sem_alloc : memref<!tpu.dma_semaphore, #tpu.memory_space<semaphore_mem>>
        %dma_start3A_194 = arith.constant 0 : i32
        %dma_start3A_195 = arith.constant 0 : i32
        %dma_start3A_196 = tpu.memref_slice %arg19[%run_scoped3A_95, %dma_start3A_194, %dma_start3A_195] : memref<2x40x128xf32, #tpu.memory_space<vmem>> -> memref<1x40x128xf32, #tpu.memory_space<vmem>>
        %dma_start3A_197 = tpu.memref_squeeze %dma_start3A_196 : memref<1x40x128xf32, #tpu.memory_space<vmem>> -> memref<40x128xf32, #tpu.memory_space<vmem>>
        %dma_start3A_198 = arith.constant 0 : i32
        %dma_start3A_199 = tpu.memref_slice %arg22[%add3A_94, %dma_start3A_198] : memref<10112x128xf32, #tpu.memory_space<vmem_shared>> -> memref<40x128xf32, #tpu.memory_space<vmem_shared>>
        %dma_start3A_200 = arith.constant 0 : i32
        %dma_start3A_201 = tpu.memref_slice %arg22[%add3A_94, %dma_start3A_200] : memref<10112x128xf32, #tpu.memory_space<vmem_shared>> -> memref<40x128xf32, #tpu.memory_space<vmem_shared>>
        %dma_start3A_202 = arith.constant 0 : i32
        %dma_start3A_203 = arith.constant 0 : i32
        %dma_start3A_204 = tpu.memref_slice %arg19[%run_scoped3A_95, %dma_start3A_202, %dma_start3A_203] : memref<2x40x128xf32, #tpu.memory_space<vmem>> -> memref<1x40x128xf32, #tpu.memory_space<vmem>>
        %dma_start3A_205 = tpu.memref_squeeze %dma_start3A_204 : memref<1x40x128xf32, #tpu.memory_space<vmem>> -> memref<40x128xf32, #tpu.memory_space<vmem>>
        tpu.enqueue_dma source(%dma_start3A_205 : memref<40x128xf32, #tpu.memory_space<vmem>>) target(%dma_start3A_201 : memref<40x128xf32, #tpu.memory_space<vmem_shared>>) target_semaphore(%run_scoped3A_193 : memref<!tpu.dma_semaphore, #tpu.memory_space<semaphore_mem>>)
        %dma_wait3A_206 = arith.constant 0 : i32
        %dma_wait3A_207 = arith.constant 0 : i32
        %dma_wait3A_208 = tpu.memref_slice %arg19[%run_scoped3A_95, %dma_wait3A_206, %dma_wait3A_207] : memref<2x40x128xf32, #tpu.memory_space<vmem>> -> memref<1x40x128xf32, #tpu.memory_space<vmem>>
        %dma_wait3A_209 = tpu.memref_squeeze %dma_wait3A_208 : memref<1x40x128xf32, #tpu.memory_space<vmem>> -> memref<40x128xf32, #tpu.memory_space<vmem>>
        %dma_wait3A_210 = arith.constant 0 : i32
        %dma_wait3A_211 = tpu.memref_slice %arg22[%add3A_94, %dma_wait3A_210] : memref<10112x128xf32, #tpu.memory_space<vmem_shared>> -> memref<40x128xf32, #tpu.memory_space<vmem_shared>>
        %dma_wait3A_212 = arith.constant 0 : i32
        %dma_wait3A_213 = tpu.memref_slice %arg22[%add3A_94, %dma_wait3A_212] : memref<10112x128xf32, #tpu.memory_space<vmem_shared>> -> memref<40x128xf32, #tpu.memory_space<vmem_shared>>
        %dma_wait3A_214 = arith.constant 0 : i32
        %dma_wait3A_215 = arith.constant 0 : i32
        %dma_wait3A_216 = tpu.memref_slice %arg19[%run_scoped3A_95, %dma_wait3A_214, %dma_wait3A_215] : memref<2x40x128xf32, #tpu.memory_space<vmem>> -> memref<1x40x128xf32, #tpu.memory_space<vmem>>
        %dma_wait3A_217 = tpu.memref_squeeze %dma_wait3A_216 : memref<1x40x128xf32, #tpu.memory_space<vmem>> -> memref<40x128xf32, #tpu.memory_space<vmem>>
        tpu.wait_dma2 semaphore(%run_scoped3A_193 : memref<!tpu.dma_semaphore, #tpu.memory_space<semaphore_mem>>) src(%dma_wait3A_217 : memref<40x128xf32, #tpu.memory_space<vmem>>) dst(%dma_wait3A_213 : memref<40x128xf32, #tpu.memory_space<vmem_shared>>)
        tpu.yield
      }) : () -> ()
      %add3A_96 = arith.constant 520 : i32
      %add3A_97 = arith.addi %mul3A_8, %add3A_96 : i32
      %run_scoped3A_98 = arith.constant 0 : i32
      "tpu.region"() ({
        %run_scoped3A_193 = tpu.sem_alloc : memref<!tpu.dma_semaphore, #tpu.memory_space<semaphore_mem>>
        %dma_start3A_194 = arith.constant 0 : i32
        %dma_start3A_195 = arith.constant 0 : i32
        %dma_start3A_196 = tpu.memref_slice %arg21[%run_scoped3A_98, %dma_start3A_194, %dma_start3A_195] : memref<2x40x16xf32, #tpu.memory_space<vmem>> -> memref<1x40x16xf32, #tpu.memory_space<vmem>>
        %dma_start3A_197 = tpu.memref_squeeze %dma_start3A_196 : memref<1x40x16xf32, #tpu.memory_space<vmem>> -> memref<40x16xf32, #tpu.memory_space<vmem>>
        %dma_start3A_198 = arith.constant 0 : i32
        %dma_start3A_199 = tpu.memref_slice %arg23[%add3A_97, %dma_start3A_198] : memref<10112x16xf32, #tpu.memory_space<vmem_shared>> -> memref<40x16xf32, #tpu.memory_space<vmem_shared>>
        %dma_start3A_200 = arith.constant 0 : i32
        %dma_start3A_201 = tpu.memref_slice %arg23[%add3A_97, %dma_start3A_200] : memref<10112x16xf32, #tpu.memory_space<vmem_shared>> -> memref<40x16xf32, #tpu.memory_space<vmem_shared>>
        %dma_start3A_202 = arith.constant 0 : i32
        %dma_start3A_203 = arith.constant 0 : i32
        %dma_start3A_204 = tpu.memref_slice %arg21[%run_scoped3A_98, %dma_start3A_202, %dma_start3A_203] : memref<2x40x16xf32, #tpu.memory_space<vmem>> -> memref<1x40x16xf32, #tpu.memory_space<vmem>>
        %dma_start3A_205 = tpu.memref_squeeze %dma_start3A_204 : memref<1x40x16xf32, #tpu.memory_space<vmem>> -> memref<40x16xf32, #tpu.memory_space<vmem>>
        tpu.enqueue_dma source(%dma_start3A_205 : memref<40x16xf32, #tpu.memory_space<vmem>>) target(%dma_start3A_201 : memref<40x16xf32, #tpu.memory_space<vmem_shared>>) target_semaphore(%run_scoped3A_193 : memref<!tpu.dma_semaphore, #tpu.memory_space<semaphore_mem>>)
        %dma_wait3A_206 = arith.constant 0 : i32
        %dma_wait3A_207 = arith.constant 0 : i32
        %dma_wait3A_208 = tpu.memref_slice %arg21[%run_scoped3A_98, %dma_wait3A_206, %dma_wait3A_207] : memref<2x40x16xf32, #tpu.memory_space<vmem>> -> memref<1x40x16xf32, #tpu.memory_space<vmem>>
        %dma_wait3A_209 = tpu.memref_squeeze %dma_wait3A_208 : memref<1x40x16xf32, #tpu.memory_space<vmem>> -> memref<40x16xf32, #tpu.memory_space<vmem>>
        %dma_wait3A_210 = arith.constant 0 : i32
        %dma_wait3A_211 = tpu.memref_slice %arg23[%add3A_97, %dma_wait3A_210] : memref<10112x16xf32, #tpu.memory_space<vmem_shared>> -> memref<40x16xf32, #tpu.memory_space<vmem_shared>>
        %dma_wait3A_212 = arith.constant 0 : i32
        %dma_wait3A_213 = tpu.memref_slice %arg23[%add3A_97, %dma_wait3A_212] : memref<10112x16xf32, #tpu.memory_space<vmem_shared>> -> memref<40x16xf32, #tpu.memory_space<vmem_shared>>
        %dma_wait3A_214 = arith.constant 0 : i32
        %dma_wait3A_215 = arith.constant 0 : i32
        %dma_wait3A_216 = tpu.memref_slice %arg21[%run_scoped3A_98, %dma_wait3A_214, %dma_wait3A_215] : memref<2x40x16xf32, #tpu.memory_space<vmem>> -> memref<1x40x16xf32, #tpu.memory_space<vmem>>
        %dma_wait3A_217 = tpu.memref_squeeze %dma_wait3A_216 : memref<1x40x16xf32, #tpu.memory_space<vmem>> -> memref<40x16xf32, #tpu.memory_space<vmem>>
        tpu.wait_dma2 semaphore(%run_scoped3A_193 : memref<!tpu.dma_semaphore, #tpu.memory_space<semaphore_mem>>) src(%dma_wait3A_217 : memref<40x16xf32, #tpu.memory_space<vmem>>) dst(%dma_wait3A_213 : memref<40x16xf32, #tpu.memory_space<vmem_shared>>)
        tpu.yield
      }) : () -> ()
      %add3A_99 = arith.constant 560 : i32
      %add3A_100 = arith.addi %mul3A_8, %add3A_99 : i32
      %run_scoped3A_101 = arith.constant 0 : i32
      "tpu.region"() ({
        %run_scoped3A_193 = tpu.sem_alloc : memref<!tpu.dma_semaphore, #tpu.memory_space<semaphore_mem>>
        %dma_start3A_194 = arith.constant 0 : i32
        %dma_start3A_195 = arith.constant 0 : i32
        %dma_start3A_196 = tpu.memref_slice %arg19[%run_scoped3A_101, %dma_start3A_194, %dma_start3A_195] : memref<2x40x128xf32, #tpu.memory_space<vmem>> -> memref<1x40x128xf32, #tpu.memory_space<vmem>>
        %dma_start3A_197 = tpu.memref_squeeze %dma_start3A_196 : memref<1x40x128xf32, #tpu.memory_space<vmem>> -> memref<40x128xf32, #tpu.memory_space<vmem>>
        %dma_start3A_198 = arith.constant 0 : i32
        %dma_start3A_199 = tpu.memref_slice %arg22[%add3A_100, %dma_start3A_198] : memref<10112x128xf32, #tpu.memory_space<vmem_shared>> -> memref<40x128xf32, #tpu.memory_space<vmem_shared>>
        %dma_start3A_200 = arith.constant 0 : i32
        %dma_start3A_201 = tpu.memref_slice %arg22[%add3A_100, %dma_start3A_200] : memref<10112x128xf32, #tpu.memory_space<vmem_shared>> -> memref<40x128xf32, #tpu.memory_space<vmem_shared>>
        %dma_start3A_202 = arith.constant 0 : i32
        %dma_start3A_203 = arith.constant 0 : i32
        %dma_start3A_204 = tpu.memref_slice %arg19[%run_scoped3A_101, %dma_start3A_202, %dma_start3A_203] : memref<2x40x128xf32, #tpu.memory_space<vmem>> -> memref<1x40x128xf32, #tpu.memory_space<vmem>>
        %dma_start3A_205 = tpu.memref_squeeze %dma_start3A_204 : memref<1x40x128xf32, #tpu.memory_space<vmem>> -> memref<40x128xf32, #tpu.memory_space<vmem>>
        tpu.enqueue_dma source(%dma_start3A_205 : memref<40x128xf32, #tpu.memory_space<vmem>>) target(%dma_start3A_201 : memref<40x128xf32, #tpu.memory_space<vmem_shared>>) target_semaphore(%run_scoped3A_193 : memref<!tpu.dma_semaphore, #tpu.memory_space<semaphore_mem>>)
        %dma_wait3A_206 = arith.constant 0 : i32
        %dma_wait3A_207 = arith.constant 0 : i32
        %dma_wait3A_208 = tpu.memref_slice %arg19[%run_scoped3A_101, %dma_wait3A_206, %dma_wait3A_207] : memref<2x40x128xf32, #tpu.memory_space<vmem>> -> memref<1x40x128xf32, #tpu.memory_space<vmem>>
        %dma_wait3A_209 = tpu.memref_squeeze %dma_wait3A_208 : memref<1x40x128xf32, #tpu.memory_space<vmem>> -> memref<40x128xf32, #tpu.memory_space<vmem>>
        %dma_wait3A_210 = arith.constant 0 : i32
        %dma_wait3A_211 = tpu.memref_slice %arg22[%add3A_100, %dma_wait3A_210] : memref<10112x128xf32, #tpu.memory_space<vmem_shared>> -> memref<40x128xf32, #tpu.memory_space<vmem_shared>>
        %dma_wait3A_212 = arith.constant 0 : i32
        %dma_wait3A_213 = tpu.memref_slice %arg22[%add3A_100, %dma_wait3A_212] : memref<10112x128xf32, #tpu.memory_space<vmem_shared>> -> memref<40x128xf32, #tpu.memory_space<vmem_shared>>
        %dma_wait3A_214 = arith.constant 0 : i32
        %dma_wait3A_215 = arith.constant 0 : i32
        %dma_wait3A_216 = tpu.memref_slice %arg19[%run_scoped3A_101, %dma_wait3A_214, %dma_wait3A_215] : memref<2x40x128xf32, #tpu.memory_space<vmem>> -> memref<1x40x128xf32, #tpu.memory_space<vmem>>
        %dma_wait3A_217 = tpu.memref_squeeze %dma_wait3A_216 : memref<1x40x128xf32, #tpu.memory_space<vmem>> -> memref<40x128xf32, #tpu.memory_space<vmem>>
        tpu.wait_dma2 semaphore(%run_scoped3A_193 : memref<!tpu.dma_semaphore, #tpu.memory_space<semaphore_mem>>) src(%dma_wait3A_217 : memref<40x128xf32, #tpu.memory_space<vmem>>) dst(%dma_wait3A_213 : memref<40x128xf32, #tpu.memory_space<vmem_shared>>)
        tpu.yield
      }) : () -> ()
      %add3A_102 = arith.constant 560 : i32
      %add3A_103 = arith.addi %mul3A_8, %add3A_102 : i32
      %run_scoped3A_104 = arith.constant 0 : i32
      "tpu.region"() ({
        %run_scoped3A_193 = tpu.sem_alloc : memref<!tpu.dma_semaphore, #tpu.memory_space<semaphore_mem>>
        %dma_start3A_194 = arith.constant 0 : i32
        %dma_start3A_195 = arith.constant 0 : i32
        %dma_start3A_196 = tpu.memref_slice %arg21[%run_scoped3A_104, %dma_start3A_194, %dma_start3A_195] : memref<2x40x16xf32, #tpu.memory_space<vmem>> -> memref<1x40x16xf32, #tpu.memory_space<vmem>>
        %dma_start3A_197 = tpu.memref_squeeze %dma_start3A_196 : memref<1x40x16xf32, #tpu.memory_space<vmem>> -> memref<40x16xf32, #tpu.memory_space<vmem>>
        %dma_start3A_198 = arith.constant 0 : i32
        %dma_start3A_199 = tpu.memref_slice %arg23[%add3A_103, %dma_start3A_198] : memref<10112x16xf32, #tpu.memory_space<vmem_shared>> -> memref<40x16xf32, #tpu.memory_space<vmem_shared>>
        %dma_start3A_200 = arith.constant 0 : i32
        %dma_start3A_201 = tpu.memref_slice %arg23[%add3A_103, %dma_start3A_200] : memref<10112x16xf32, #tpu.memory_space<vmem_shared>> -> memref<40x16xf32, #tpu.memory_space<vmem_shared>>
        %dma_start3A_202 = arith.constant 0 : i32
        %dma_start3A_203 = arith.constant 0 : i32
        %dma_start3A_204 = tpu.memref_slice %arg21[%run_scoped3A_104, %dma_start3A_202, %dma_start3A_203] : memref<2x40x16xf32, #tpu.memory_space<vmem>> -> memref<1x40x16xf32, #tpu.memory_space<vmem>>
        %dma_start3A_205 = tpu.memref_squeeze %dma_start3A_204 : memref<1x40x16xf32, #tpu.memory_space<vmem>> -> memref<40x16xf32, #tpu.memory_space<vmem>>
        tpu.enqueue_dma source(%dma_start3A_205 : memref<40x16xf32, #tpu.memory_space<vmem>>) target(%dma_start3A_201 : memref<40x16xf32, #tpu.memory_space<vmem_shared>>) target_semaphore(%run_scoped3A_193 : memref<!tpu.dma_semaphore, #tpu.memory_space<semaphore_mem>>)
        %dma_wait3A_206 = arith.constant 0 : i32
        %dma_wait3A_207 = arith.constant 0 : i32
        %dma_wait3A_208 = tpu.memref_slice %arg21[%run_scoped3A_104, %dma_wait3A_206, %dma_wait3A_207] : memref<2x40x16xf32, #tpu.memory_space<vmem>> -> memref<1x40x16xf32, #tpu.memory_space<vmem>>
        %dma_wait3A_209 = tpu.memref_squeeze %dma_wait3A_208 : memref<1x40x16xf32, #tpu.memory_space<vmem>> -> memref<40x16xf32, #tpu.memory_space<vmem>>
        %dma_wait3A_210 = arith.constant 0 : i32
        %dma_wait3A_211 = tpu.memref_slice %arg23[%add3A_103, %dma_wait3A_210] : memref<10112x16xf32, #tpu.memory_space<vmem_shared>> -> memref<40x16xf32, #tpu.memory_space<vmem_shared>>
        %dma_wait3A_212 = arith.constant 0 : i32
        %dma_wait3A_213 = tpu.memref_slice %arg23[%add3A_103, %dma_wait3A_212] : memref<10112x16xf32, #tpu.memory_space<vmem_shared>> -> memref<40x16xf32, #tpu.memory_space<vmem_shared>>
        %dma_wait3A_214 = arith.constant 0 : i32
        %dma_wait3A_215 = arith.constant 0 : i32
        %dma_wait3A_216 = tpu.memref_slice %arg21[%run_scoped3A_104, %dma_wait3A_214, %dma_wait3A_215] : memref<2x40x16xf32, #tpu.memory_space<vmem>> -> memref<1x40x16xf32, #tpu.memory_space<vmem>>
        %dma_wait3A_217 = tpu.memref_squeeze %dma_wait3A_216 : memref<1x40x16xf32, #tpu.memory_space<vmem>> -> memref<40x16xf32, #tpu.memory_space<vmem>>
        tpu.wait_dma2 semaphore(%run_scoped3A_193 : memref<!tpu.dma_semaphore, #tpu.memory_space<semaphore_mem>>) src(%dma_wait3A_217 : memref<40x16xf32, #tpu.memory_space<vmem>>) dst(%dma_wait3A_213 : memref<40x16xf32, #tpu.memory_space<vmem_shared>>)
        tpu.yield
      }) : () -> ()
      %add3A_105 = arith.constant 600 : i32
      %add3A_106 = arith.addi %mul3A_8, %add3A_105 : i32
      %run_scoped3A_107 = arith.constant 0 : i32
      "tpu.region"() ({
        %run_scoped3A_193 = tpu.sem_alloc : memref<!tpu.dma_semaphore, #tpu.memory_space<semaphore_mem>>
        %dma_start3A_194 = arith.constant 0 : i32
        %dma_start3A_195 = arith.constant 0 : i32
        %dma_start3A_196 = tpu.memref_slice %arg19[%run_scoped3A_107, %dma_start3A_194, %dma_start3A_195] : memref<2x40x128xf32, #tpu.memory_space<vmem>> -> memref<1x32x128xf32, #tpu.memory_space<vmem>>
        %dma_start3A_197 = tpu.memref_squeeze %dma_start3A_196 : memref<1x32x128xf32, #tpu.memory_space<vmem>> -> memref<32x128xf32, #tpu.memory_space<vmem>>
        %dma_start3A_198 = arith.constant 0 : i32
        %dma_start3A_199 = tpu.memref_slice %arg22[%add3A_106, %dma_start3A_198] : memref<10112x128xf32, #tpu.memory_space<vmem_shared>> -> memref<32x128xf32, #tpu.memory_space<vmem_shared>>
        %dma_start3A_200 = arith.constant 0 : i32
        %dma_start3A_201 = tpu.memref_slice %arg22[%add3A_106, %dma_start3A_200] : memref<10112x128xf32, #tpu.memory_space<vmem_shared>> -> memref<32x128xf32, #tpu.memory_space<vmem_shared>>
        %dma_start3A_202 = arith.constant 0 : i32
        %dma_start3A_203 = arith.constant 0 : i32
        %dma_start3A_204 = tpu.memref_slice %arg19[%run_scoped3A_107, %dma_start3A_202, %dma_start3A_203] : memref<2x40x128xf32, #tpu.memory_space<vmem>> -> memref<1x32x128xf32, #tpu.memory_space<vmem>>
        %dma_start3A_205 = tpu.memref_squeeze %dma_start3A_204 : memref<1x32x128xf32, #tpu.memory_space<vmem>> -> memref<32x128xf32, #tpu.memory_space<vmem>>
        tpu.enqueue_dma source(%dma_start3A_205 : memref<32x128xf32, #tpu.memory_space<vmem>>) target(%dma_start3A_201 : memref<32x128xf32, #tpu.memory_space<vmem_shared>>) target_semaphore(%run_scoped3A_193 : memref<!tpu.dma_semaphore, #tpu.memory_space<semaphore_mem>>)
        %dma_wait3A_206 = arith.constant 0 : i32
        %dma_wait3A_207 = arith.constant 0 : i32
        %dma_wait3A_208 = tpu.memref_slice %arg19[%run_scoped3A_107, %dma_wait3A_206, %dma_wait3A_207] : memref<2x40x128xf32, #tpu.memory_space<vmem>> -> memref<1x32x128xf32, #tpu.memory_space<vmem>>
        %dma_wait3A_209 = tpu.memref_squeeze %dma_wait3A_208 : memref<1x32x128xf32, #tpu.memory_space<vmem>> -> memref<32x128xf32, #tpu.memory_space<vmem>>
        %dma_wait3A_210 = arith.constant 0 : i32
        %dma_wait3A_211 = tpu.memref_slice %arg22[%add3A_106, %dma_wait3A_210] : memref<10112x128xf32, #tpu.memory_space<vmem_shared>> -> memref<32x128xf32, #tpu.memory_space<vmem_shared>>
        %dma_wait3A_212 = arith.constant 0 : i32
        %dma_wait3A_213 = tpu.memref_slice %arg22[%add3A_106, %dma_wait3A_212] : memref<10112x128xf32, #tpu.memory_space<vmem_shared>> -> memref<32x128xf32, #tpu.memory_space<vmem_shared>>
        %dma_wait3A_214 = arith.constant 0 : i32
        %dma_wait3A_215 = arith.constant 0 : i32
        %dma_wait3A_216 = tpu.memref_slice %arg19[%run_scoped3A_107, %dma_wait3A_214, %dma_wait3A_215] : memref<2x40x128xf32, #tpu.memory_space<vmem>> -> memref<1x32x128xf32, #tpu.memory_space<vmem>>
        %dma_wait3A_217 = tpu.memref_squeeze %dma_wait3A_216 : memref<1x32x128xf32, #tpu.memory_space<vmem>> -> memref<32x128xf32, #tpu.memory_space<vmem>>
        tpu.wait_dma2 semaphore(%run_scoped3A_193 : memref<!tpu.dma_semaphore, #tpu.memory_space<semaphore_mem>>) src(%dma_wait3A_217 : memref<32x128xf32, #tpu.memory_space<vmem>>) dst(%dma_wait3A_213 : memref<32x128xf32, #tpu.memory_space<vmem_shared>>)
        tpu.yield
      }) : () -> ()
      %add3A_108 = arith.constant 600 : i32
      %add3A_109 = arith.addi %mul3A_8, %add3A_108 : i32
      %run_scoped3A_110 = arith.constant 0 : i32
      "tpu.region"() ({
        %run_scoped3A_193 = tpu.sem_alloc : memref<!tpu.dma_semaphore, #tpu.memory_space<semaphore_mem>>
        %dma_start3A_194 = arith.constant 0 : i32
        %dma_start3A_195 = arith.constant 0 : i32
        %dma_start3A_196 = tpu.memref_slice %arg21[%run_scoped3A_110, %dma_start3A_194, %dma_start3A_195] : memref<2x40x16xf32, #tpu.memory_space<vmem>> -> memref<1x32x16xf32, #tpu.memory_space<vmem>>
        %dma_start3A_197 = tpu.memref_squeeze %dma_start3A_196 : memref<1x32x16xf32, #tpu.memory_space<vmem>> -> memref<32x16xf32, #tpu.memory_space<vmem>>
        %dma_start3A_198 = arith.constant 0 : i32
        %dma_start3A_199 = tpu.memref_slice %arg23[%add3A_109, %dma_start3A_198] : memref<10112x16xf32, #tpu.memory_space<vmem_shared>> -> memref<32x16xf32, #tpu.memory_space<vmem_shared>>
        %dma_start3A_200 = arith.constant 0 : i32
        %dma_start3A_201 = tpu.memref_slice %arg23[%add3A_109, %dma_start3A_200] : memref<10112x16xf32, #tpu.memory_space<vmem_shared>> -> memref<32x16xf32, #tpu.memory_space<vmem_shared>>
        %dma_start3A_202 = arith.constant 0 : i32
        %dma_start3A_203 = arith.constant 0 : i32
        %dma_start3A_204 = tpu.memref_slice %arg21[%run_scoped3A_110, %dma_start3A_202, %dma_start3A_203] : memref<2x40x16xf32, #tpu.memory_space<vmem>> -> memref<1x32x16xf32, #tpu.memory_space<vmem>>
        %dma_start3A_205 = tpu.memref_squeeze %dma_start3A_204 : memref<1x32x16xf32, #tpu.memory_space<vmem>> -> memref<32x16xf32, #tpu.memory_space<vmem>>
        tpu.enqueue_dma source(%dma_start3A_205 : memref<32x16xf32, #tpu.memory_space<vmem>>) target(%dma_start3A_201 : memref<32x16xf32, #tpu.memory_space<vmem_shared>>) target_semaphore(%run_scoped3A_193 : memref<!tpu.dma_semaphore, #tpu.memory_space<semaphore_mem>>)
        %dma_wait3A_206 = arith.constant 0 : i32
        %dma_wait3A_207 = arith.constant 0 : i32
        %dma_wait3A_208 = tpu.memref_slice %arg21[%run_scoped3A_110, %dma_wait3A_206, %dma_wait3A_207] : memref<2x40x16xf32, #tpu.memory_space<vmem>> -> memref<1x32x16xf32, #tpu.memory_space<vmem>>
        %dma_wait3A_209 = tpu.memref_squeeze %dma_wait3A_208 : memref<1x32x16xf32, #tpu.memory_space<vmem>> -> memref<32x16xf32, #tpu.memory_space<vmem>>
        %dma_wait3A_210 = arith.constant 0 : i32
        %dma_wait3A_211 = tpu.memref_slice %arg23[%add3A_109, %dma_wait3A_210] : memref<10112x16xf32, #tpu.memory_space<vmem_shared>> -> memref<32x16xf32, #tpu.memory_space<vmem_shared>>
        %dma_wait3A_212 = arith.constant 0 : i32
        %dma_wait3A_213 = tpu.memref_slice %arg23[%add3A_109, %dma_wait3A_212] : memref<10112x16xf32, #tpu.memory_space<vmem_shared>> -> memref<32x16xf32, #tpu.memory_space<vmem_shared>>
        %dma_wait3A_214 = arith.constant 0 : i32
        %dma_wait3A_215 = arith.constant 0 : i32
        %dma_wait3A_216 = tpu.memref_slice %arg21[%run_scoped3A_110, %dma_wait3A_214, %dma_wait3A_215] : memref<2x40x16xf32, #tpu.memory_space<vmem>> -> memref<1x32x16xf32, #tpu.memory_space<vmem>>
        %dma_wait3A_217 = tpu.memref_squeeze %dma_wait3A_216 : memref<1x32x16xf32, #tpu.memory_space<vmem>> -> memref<32x16xf32, #tpu.memory_space<vmem>>
        tpu.wait_dma2 semaphore(%run_scoped3A_193 : memref<!tpu.dma_semaphore, #tpu.memory_space<semaphore_mem>>) src(%dma_wait3A_217 : memref<32x16xf32, #tpu.memory_space<vmem>>) dst(%dma_wait3A_213 : memref<32x16xf32, #tpu.memory_space<vmem_shared>>)
        tpu.yield
      }) : () -> ()
      %barrier3A = arith.constant 0 : index
      tpu.barrier barrier_id(%barrier3A)
      %iota3A = tpu.iota {dimensions = array<i32: 0>} : vector<16xi32>
      %eq3A_111 = arith.constant 0 : i32
      %eq3A_112 = vector.broadcast %eq3A_111 : i32 to vector<16xi32>
      %eq3A_113 = arith.cmpi eq, %iota3A, %eq3A_112 : vector<16xi32>
      %eq3A_114 = arith.constant 1 : i32
      %eq3A_115 = vector.broadcast %eq3A_114 : i32 to vector<16xi32>
      %eq3A_116 = arith.cmpi eq, %iota3A, %eq3A_115 : vector<16xi32>
      %run_scoped3A_117 = arith.constant 0 : i32
      "tpu.region"() ({
        %run_scoped3A_193 = tpu.sem_alloc : memref<!tpu.dma_semaphore, #tpu.memory_space<semaphore_mem>>
        %dma_start3A_194 = arith.constant 0 : i32
        %dma_start3A_195 = tpu.memref_slice %arg16[%run_scoped3A_117, %dma_start3A_194] : memref<2x40xi32, #tpu.memory_space<vmem>> -> memref<1x40xi32, #tpu.memory_space<vmem>>
        %dma_start3A_196 = tpu.memref_squeeze %dma_start3A_195 : memref<1x40xi32, #tpu.memory_space<vmem>> -> memref<40xi32, #tpu.memory_space<vmem>>
        %dma_start3A_197 = tpu.memref_slice %arg2[%mul3A_10] : memref<160000xi32, #tpu.memory_space<hbm>> -> memref<40xi32, #tpu.memory_space<hbm>>
        %dma_start3A_198 = arith.constant 0 : i32
        %dma_start3A_199 = tpu.memref_slice %arg16[%run_scoped3A_117, %dma_start3A_198] : memref<2x40xi32, #tpu.memory_space<vmem>> -> memref<1x40xi32, #tpu.memory_space<vmem>>
        %dma_start3A_200 = tpu.memref_squeeze %dma_start3A_199 : memref<1x40xi32, #tpu.memory_space<vmem>> -> memref<40xi32, #tpu.memory_space<vmem>>
        %dma_start3A_201 = tpu.memref_slice %arg2[%mul3A_10] : memref<160000xi32, #tpu.memory_space<hbm>> -> memref<40xi32, #tpu.memory_space<hbm>>
        tpu.enqueue_dma source(%dma_start3A_201 : memref<40xi32, #tpu.memory_space<hbm>>) target(%dma_start3A_200 : memref<40xi32, #tpu.memory_space<vmem>>) target_semaphore(%run_scoped3A_193 : memref<!tpu.dma_semaphore, #tpu.memory_space<semaphore_mem>>)
        %dma_wait3A_202 = arith.constant 0 : i32
        %dma_wait3A_203 = tpu.memref_slice %arg16[%run_scoped3A_117, %dma_wait3A_202] : memref<2x40xi32, #tpu.memory_space<vmem>> -> memref<1x40xi32, #tpu.memory_space<vmem>>
        %dma_wait3A_204 = tpu.memref_squeeze %dma_wait3A_203 : memref<1x40xi32, #tpu.memory_space<vmem>> -> memref<40xi32, #tpu.memory_space<vmem>>
        %dma_wait3A_205 = tpu.memref_slice %arg2[%mul3A_10] : memref<160000xi32, #tpu.memory_space<hbm>> -> memref<40xi32, #tpu.memory_space<hbm>>
        %dma_wait3A_206 = arith.constant 0 : i32
        %dma_wait3A_207 = tpu.memref_slice %arg16[%run_scoped3A_117, %dma_wait3A_206] : memref<2x40xi32, #tpu.memory_space<vmem>> -> memref<1x40xi32, #tpu.memory_space<vmem>>
        %dma_wait3A_208 = tpu.memref_squeeze %dma_wait3A_207 : memref<1x40xi32, #tpu.memory_space<vmem>> -> memref<40xi32, #tpu.memory_space<vmem>>
        %dma_wait3A_209 = tpu.memref_slice %arg2[%mul3A_10] : memref<160000xi32, #tpu.memory_space<hbm>> -> memref<40xi32, #tpu.memory_space<hbm>>
        tpu.wait_dma2 semaphore(%run_scoped3A_193 : memref<!tpu.dma_semaphore, #tpu.memory_space<semaphore_mem>>) src(%dma_wait3A_209 : memref<40xi32, #tpu.memory_space<hbm>>) dst(%dma_wait3A_208 : memref<40xi32, #tpu.memory_space<vmem>>)
        tpu.yield
      }) : () -> ()
      %run_scoped3A_118 = arith.constant 0 : i32
      "tpu.region"() ({
        %run_scoped3A_193 = tpu.sem_alloc : memref<!tpu.dma_semaphore, #tpu.memory_space<semaphore_mem>>
        %dma_start3A_194 = arith.constant 0 : i32
        %dma_start3A_195 = tpu.memref_slice %arg17[%run_scoped3A_118, %dma_start3A_194] : memref<2x40xi32, #tpu.memory_space<vmem>> -> memref<1x40xi32, #tpu.memory_space<vmem>>
        %dma_start3A_196 = tpu.memref_squeeze %dma_start3A_195 : memref<1x40xi32, #tpu.memory_space<vmem>> -> memref<40xi32, #tpu.memory_space<vmem>>
        %dma_start3A_197 = tpu.memref_slice %arg3[%mul3A_10] : memref<160000xi32, #tpu.memory_space<hbm>> -> memref<40xi32, #tpu.memory_space<hbm>>
        %dma_start3A_198 = arith.constant 0 : i32
        %dma_start3A_199 = tpu.memref_slice %arg17[%run_scoped3A_118, %dma_start3A_198] : memref<2x40xi32, #tpu.memory_space<vmem>> -> memref<1x40xi32, #tpu.memory_space<vmem>>
        %dma_start3A_200 = tpu.memref_squeeze %dma_start3A_199 : memref<1x40xi32, #tpu.memory_space<vmem>> -> memref<40xi32, #tpu.memory_space<vmem>>
        %dma_start3A_201 = tpu.memref_slice %arg3[%mul3A_10] : memref<160000xi32, #tpu.memory_space<hbm>> -> memref<40xi32, #tpu.memory_space<hbm>>
        tpu.enqueue_dma source(%dma_start3A_201 : memref<40xi32, #tpu.memory_space<hbm>>) target(%dma_start3A_200 : memref<40xi32, #tpu.memory_space<vmem>>) target_semaphore(%run_scoped3A_193 : memref<!tpu.dma_semaphore, #tpu.memory_space<semaphore_mem>>)
        %dma_wait3A_202 = arith.constant 0 : i32
        %dma_wait3A_203 = tpu.memref_slice %arg17[%run_scoped3A_118, %dma_wait3A_202] : memref<2x40xi32, #tpu.memory_space<vmem>> -> memref<1x40xi32, #tpu.memory_space<vmem>>
        %dma_wait3A_204 = tpu.memref_squeeze %dma_wait3A_203 : memref<1x40xi32, #tpu.memory_space<vmem>> -> memref<40xi32, #tpu.memory_space<vmem>>
        %dma_wait3A_205 = tpu.memref_slice %arg3[%mul3A_10] : memref<160000xi32, #tpu.memory_space<hbm>> -> memref<40xi32, #tpu.memory_space<hbm>>
        %dma_wait3A_206 = arith.constant 0 : i32
        %dma_wait3A_207 = tpu.memref_slice %arg17[%run_scoped3A_118, %dma_wait3A_206] : memref<2x40xi32, #tpu.memory_space<vmem>> -> memref<1x40xi32, #tpu.memory_space<vmem>>
        %dma_wait3A_208 = tpu.memref_squeeze %dma_wait3A_207 : memref<1x40xi32, #tpu.memory_space<vmem>> -> memref<40xi32, #tpu.memory_space<vmem>>
        %dma_wait3A_209 = tpu.memref_slice %arg3[%mul3A_10] : memref<160000xi32, #tpu.memory_space<hbm>> -> memref<40xi32, #tpu.memory_space<hbm>>
        tpu.wait_dma2 semaphore(%run_scoped3A_193 : memref<!tpu.dma_semaphore, #tpu.memory_space<semaphore_mem>>) src(%dma_wait3A_209 : memref<40xi32, #tpu.memory_space<hbm>>) dst(%dma_wait3A_208 : memref<40xi32, #tpu.memory_space<vmem>>)
        tpu.yield
      }) : () -> ()
      %run_scoped3A_119 = arith.constant 0 : i32
      "tpu.region"() ({
        %run_scoped3A_193 = tpu.sem_alloc : memref<!tpu.dma_semaphore, #tpu.memory_space<semaphore_mem>>
        %dma_start3A_194 = arith.constant 0 : i32
        %dma_start3A_195 = arith.constant 0 : i32
        %dma_start3A_196 = tpu.memref_slice %arg19[%run_scoped3A_119, %dma_start3A_194, %dma_start3A_195] : memref<2x40x128xf32, #tpu.memory_space<vmem>> -> memref<1x40x128xf32, #tpu.memory_space<vmem>>
        %dma_start3A_197 = tpu.memref_squeeze %dma_start3A_196 : memref<1x40x128xf32, #tpu.memory_space<vmem>> -> memref<40x128xf32, #tpu.memory_space<vmem>>
        %dma_start3A_198 = arith.constant 0 : i32
        %dma_start3A_199 = tpu.memref_slice %arg7[%mul3A_10, %dma_start3A_198] : memref<160000x128xf32, #tpu.memory_space<hbm>> -> memref<40x128xf32, #tpu.memory_space<hbm>>
        %dma_start3A_200 = arith.constant 0 : i32
        %dma_start3A_201 = arith.constant 0 : i32
        %dma_start3A_202 = tpu.memref_slice %arg19[%run_scoped3A_119, %dma_start3A_200, %dma_start3A_201] : memref<2x40x128xf32, #tpu.memory_space<vmem>> -> memref<1x40x128xf32, #tpu.memory_space<vmem>>
        %dma_start3A_203 = tpu.memref_squeeze %dma_start3A_202 : memref<1x40x128xf32, #tpu.memory_space<vmem>> -> memref<40x128xf32, #tpu.memory_space<vmem>>
        %dma_start3A_204 = arith.constant 0 : i32
        %dma_start3A_205 = tpu.memref_slice %arg7[%mul3A_10, %dma_start3A_204] : memref<160000x128xf32, #tpu.memory_space<hbm>> -> memref<40x128xf32, #tpu.memory_space<hbm>>
        tpu.enqueue_dma source(%dma_start3A_205 : memref<40x128xf32, #tpu.memory_space<hbm>>) target(%dma_start3A_203 : memref<40x128xf32, #tpu.memory_space<vmem>>) target_semaphore(%run_scoped3A_193 : memref<!tpu.dma_semaphore, #tpu.memory_space<semaphore_mem>>)
        %dma_wait3A_206 = arith.constant 0 : i32
        %dma_wait3A_207 = arith.constant 0 : i32
        %dma_wait3A_208 = tpu.memref_slice %arg19[%run_scoped3A_119, %dma_wait3A_206, %dma_wait3A_207] : memref<2x40x128xf32, #tpu.memory_space<vmem>> -> memref<1x40x128xf32, #tpu.memory_space<vmem>>
        %dma_wait3A_209 = tpu.memref_squeeze %dma_wait3A_208 : memref<1x40x128xf32, #tpu.memory_space<vmem>> -> memref<40x128xf32, #tpu.memory_space<vmem>>
        %dma_wait3A_210 = arith.constant 0 : i32
        %dma_wait3A_211 = tpu.memref_slice %arg7[%mul3A_10, %dma_wait3A_210] : memref<160000x128xf32, #tpu.memory_space<hbm>> -> memref<40x128xf32, #tpu.memory_space<hbm>>
        %dma_wait3A_212 = arith.constant 0 : i32
        %dma_wait3A_213 = arith.constant 0 : i32
        %dma_wait3A_214 = tpu.memref_slice %arg19[%run_scoped3A_119, %dma_wait3A_212, %dma_wait3A_213] : memref<2x40x128xf32, #tpu.memory_space<vmem>> -> memref<1x40x128xf32, #tpu.memory_space<vmem>>
        %dma_wait3A_215 = tpu.memref_squeeze %dma_wait3A_214 : memref<1x40x128xf32, #tpu.memory_space<vmem>> -> memref<40x128xf32, #tpu.memory_space<vmem>>
        %dma_wait3A_216 = arith.constant 0 : i32
        %dma_wait3A_217 = tpu.memref_slice %arg7[%mul3A_10, %dma_wait3A_216] : memref<160000x128xf32, #tpu.memory_space<hbm>> -> memref<40x128xf32, #tpu.memory_space<hbm>>
        tpu.wait_dma2 semaphore(%run_scoped3A_193 : memref<!tpu.dma_semaphore, #tpu.memory_space<semaphore_mem>>) src(%dma_wait3A_217 : memref<40x128xf32, #tpu.memory_space<hbm>>) dst(%dma_wait3A_215 : memref<40x128xf32, #tpu.memory_space<vmem>>)
        tpu.yield
      }) : () -> ()
      %run_scoped3A_120 = arith.constant 0 : i32
      "tpu.region"() ({
        %run_scoped3A_193 = tpu.sem_alloc : memref<!tpu.dma_semaphore, #tpu.memory_space<semaphore_mem>>
        %dma_start3A_194 = arith.constant 0 : i32
        %dma_start3A_195 = arith.constant 0 : i32
        %dma_start3A_196 = tpu.memref_slice %arg20[%run_scoped3A_120, %dma_start3A_194, %dma_start3A_195] : memref<2x40x128xf32, #tpu.memory_space<vmem>> -> memref<1x40x128xf32, #tpu.memory_space<vmem>>
        %dma_start3A_197 = tpu.memref_squeeze %dma_start3A_196 : memref<1x40x128xf32, #tpu.memory_space<vmem>> -> memref<40x128xf32, #tpu.memory_space<vmem>>
        %dma_start3A_198 = arith.constant 0 : i32
        %dma_start3A_199 = tpu.memref_slice %arg7[%mul3A_10, %dma_start3A_198] : memref<160000x128xf32, #tpu.memory_space<hbm>> -> memref<40x128xf32, #tpu.memory_space<hbm>>
        %dma_start3A_200 = arith.constant 0 : i32
        %dma_start3A_201 = arith.constant 0 : i32
        %dma_start3A_202 = tpu.memref_slice %arg20[%run_scoped3A_120, %dma_start3A_200, %dma_start3A_201] : memref<2x40x128xf32, #tpu.memory_space<vmem>> -> memref<1x40x128xf32, #tpu.memory_space<vmem>>
        %dma_start3A_203 = tpu.memref_squeeze %dma_start3A_202 : memref<1x40x128xf32, #tpu.memory_space<vmem>> -> memref<40x128xf32, #tpu.memory_space<vmem>>
        %dma_start3A_204 = arith.constant 0 : i32
        %dma_start3A_205 = tpu.memref_slice %arg7[%mul3A_10, %dma_start3A_204] : memref<160000x128xf32, #tpu.memory_space<hbm>> -> memref<40x128xf32, #tpu.memory_space<hbm>>
        tpu.enqueue_dma source(%dma_start3A_205 : memref<40x128xf32, #tpu.memory_space<hbm>>) target(%dma_start3A_203 : memref<40x128xf32, #tpu.memory_space<vmem>>) target_semaphore(%run_scoped3A_193 : memref<!tpu.dma_semaphore, #tpu.memory_space<semaphore_mem>>)
        %dma_wait3A_206 = arith.constant 0 : i32
        %dma_wait3A_207 = arith.constant 0 : i32
        %dma_wait3A_208 = tpu.memref_slice %arg20[%run_scoped3A_120, %dma_wait3A_206, %dma_wait3A_207] : memref<2x40x128xf32, #tpu.memory_space<vmem>> -> memref<1x40x128xf32, #tpu.memory_space<vmem>>
        %dma_wait3A_209 = tpu.memref_squeeze %dma_wait3A_208 : memref<1x40x128xf32, #tpu.memory_space<vmem>> -> memref<40x128xf32, #tpu.memory_space<vmem>>
        %dma_wait3A_210 = arith.constant 0 : i32
        %dma_wait3A_211 = tpu.memref_slice %arg7[%mul3A_10, %dma_wait3A_210] : memref<160000x128xf32, #tpu.memory_space<hbm>> -> memref<40x128xf32, #tpu.memory_space<hbm>>
        %dma_wait3A_212 = arith.constant 0 : i32
        %dma_wait3A_213 = arith.constant 0 : i32
        %dma_wait3A_214 = tpu.memref_slice %arg20[%run_scoped3A_120, %dma_wait3A_212, %dma_wait3A_213] : memref<2x40x128xf32, #tpu.memory_space<vmem>> -> memref<1x40x128xf32, #tpu.memory_space<vmem>>
        %dma_wait3A_215 = tpu.memref_squeeze %dma_wait3A_214 : memref<1x40x128xf32, #tpu.memory_space<vmem>> -> memref<40x128xf32, #tpu.memory_space<vmem>>
        %dma_wait3A_216 = arith.constant 0 : i32
        %dma_wait3A_217 = tpu.memref_slice %arg7[%mul3A_10, %dma_wait3A_216] : memref<160000x128xf32, #tpu.memory_space<hbm>> -> memref<40x128xf32, #tpu.memory_space<hbm>>
        tpu.wait_dma2 semaphore(%run_scoped3A_193 : memref<!tpu.dma_semaphore, #tpu.memory_space<semaphore_mem>>) src(%dma_wait3A_217 : memref<40x128xf32, #tpu.memory_space<hbm>>) dst(%dma_wait3A_215 : memref<40x128xf32, #tpu.memory_space<vmem>>)
        tpu.yield
      }) : () -> ()
      %dma_start3A = arith.constant 0 : i32
      %dma_start3A_121 = arith.constant 0 : i32
      %dma_start3A_122 = arith.constant 0 : i32
      %dma_start3A_123 = arith.constant 0 : i32
      %dma_start3A_124 = tpu.memref_slice %arg18[%dma_start3A_121, %dma_start3A_122, %dma_start3A_123] : memref<2x40x128xf32, #tpu.memory_space<vmem>> -> memref<1x40x128xf32, #tpu.memory_space<vmem>>
      %dma_start3A_125 = tpu.memref_squeeze %dma_start3A_124 : memref<1x40x128xf32, #tpu.memory_space<vmem>> -> memref<40x128xf32, #tpu.memory_space<vmem>>
      %dma_start3A_126 = arith.constant 0 : i32
      %dma_start3A_127 = tpu.memref_slice %arg17[%dma_start3A, %dma_start3A_126] : memref<2x40xi32, #tpu.memory_space<vmem>> -> memref<1x40xi32, #tpu.memory_space<vmem>>
      %dma_start3A_128 = tpu.memref_squeeze %dma_start3A_127 : memref<1x40xi32, #tpu.memory_space<vmem>> -> memref<40xi32, #tpu.memory_space<vmem>>
      %dma_start3A_129 = arith.constant 0 : i32
      %dma_start3A_130 = arith.constant 0 : i32
      %dma_start3A_131 = tpu.memref_slice %arg4[%dma_start3A_129, %dma_start3A_130] : memref<10000x128xf32, #tpu.memory_space<hbm>> -> memref<10000x128xf32, #tpu.memory_space<hbm>>
      tpu.enqueue_indirect_dma source(%dma_start3A_131 : memref<10000x128xf32, #tpu.memory_space<hbm>>) target(%dma_start3A_125 : memref<40x128xf32, #tpu.memory_space<vmem>>) offsets(%dma_start3A_128 : memref<40xi32, #tpu.memory_space<vmem>>) semaphore(%arg24 : memref<!tpu.dma_semaphore, #tpu.memory_space<semaphore_mem>>)
      %dma_start3A_132 = arith.constant 0 : i32
      %dma_start3A_133 = arith.constant 0 : i32
      %dma_start3A_134 = arith.constant 0 : i32
      %dma_start3A_135 = arith.constant 0 : i32
      %dma_start3A_136 = tpu.memref_slice %arg19[%dma_start3A_133, %dma_start3A_134, %dma_start3A_135] : memref<2x40x128xf32, #tpu.memory_space<vmem>> -> memref<1x40x128xf32, #tpu.memory_space<vmem>>
      %dma_start3A_137 = tpu.memref_squeeze %dma_start3A_136 : memref<1x40x128xf32, #tpu.memory_space<vmem>> -> memref<40x128xf32, #tpu.memory_space<vmem>>
      %dma_start3A_138 = arith.constant 0 : i32
      %dma_start3A_139 = tpu.memref_slice %arg16[%dma_start3A_132, %dma_start3A_138] : memref<2x40xi32, #tpu.memory_space<vmem>> -> memref<1x40xi32, #tpu.memory_space<vmem>>
      %dma_start3A_140 = tpu.memref_squeeze %dma_start3A_139 : memref<1x40xi32, #tpu.memory_space<vmem>> -> memref<40xi32, #tpu.memory_space<vmem>>
      %dma_start3A_141 = arith.constant 0 : i32
      %dma_start3A_142 = arith.constant 0 : i32
      %dma_start3A_143 = tpu.memref_slice %arg5[%dma_start3A_141, %dma_start3A_142] : memref<10000x128xf32, #tpu.memory_space<hbm>> -> memref<10000x128xf32, #tpu.memory_space<hbm>>
      tpu.enqueue_indirect_dma source(%dma_start3A_143 : memref<10000x128xf32, #tpu.memory_space<hbm>>) target(%dma_start3A_137 : memref<40x128xf32, #tpu.memory_space<vmem>>) offsets(%dma_start3A_140 : memref<40xi32, #tpu.memory_space<vmem>>) semaphore(%arg24 : memref<!tpu.dma_semaphore, #tpu.memory_space<semaphore_mem>>)
      %dma_start3A_144 = arith.constant 0 : i32
      %dma_start3A_145 = arith.constant 0 : i32
      %dma_start3A_146 = arith.constant 0 : i32
      %dma_start3A_147 = arith.constant 0 : i32
      %dma_start3A_148 = tpu.memref_slice %arg20[%dma_start3A_145, %dma_start3A_146, %dma_start3A_147] : memref<2x40x128xf32, #tpu.memory_space<vmem>> -> memref<1x40x128xf32, #tpu.memory_space<vmem>>
      %dma_start3A_149 = tpu.memref_squeeze %dma_start3A_148 : memref<1x40x128xf32, #tpu.memory_space<vmem>> -> memref<40x128xf32, #tpu.memory_space<vmem>>
      %dma_start3A_150 = arith.constant 0 : i32
      %dma_start3A_151 = tpu.memref_slice %arg16[%dma_start3A_144, %dma_start3A_150] : memref<2x40xi32, #tpu.memory_space<vmem>> -> memref<1x40xi32, #tpu.memory_space<vmem>>
      %dma_start3A_152 = tpu.memref_squeeze %dma_start3A_151 : memref<1x40xi32, #tpu.memory_space<vmem>> -> memref<40xi32, #tpu.memory_space<vmem>>
      %dma_start3A_153 = arith.constant 0 : i32
      %dma_start3A_154 = arith.constant 0 : i32
      %dma_start3A_155 = tpu.memref_slice %arg6[%dma_start3A_153, %dma_start3A_154] : memref<10000x128xf32, #tpu.memory_space<hbm>> -> memref<10000x128xf32, #tpu.memory_space<hbm>>
      tpu.enqueue_indirect_dma source(%dma_start3A_155 : memref<10000x128xf32, #tpu.memory_space<hbm>>) target(%dma_start3A_149 : memref<40x128xf32, #tpu.memory_space<vmem>>) offsets(%dma_start3A_152 : memref<40xi32, #tpu.memory_space<vmem>>) semaphore(%arg24 : memref<!tpu.dma_semaphore, #tpu.memory_space<semaphore_mem>>)
      %scan3A_156 = arith.constant 0 : i32
      %scan3A_157 = arith.constant 0 : i32
      %scan3A_158 = arith.constant 250 : i32
      %scan3A_159 = arith.addi %scan3A_157, %scan3A_158 : i32
      %scan3A_160 = arith.constant 1 : i32
      %scan3A_161 = scf.for %scan3A_193 = %scan3A_157 to %scan3A_159 step %scan3A_160 iter_args(%scan3A_194 = %scan3A_156) -> (i32)  : i32 {
        %rem3A = arith.constant 2 : i32
        %rem3A_195 = arith.remsi %scan3A_193, %rem3A : i32
        %sub3A = arith.constant 1 : i32
        %sub3A_196 = arith.subi %sub3A, %rem3A_195 : i32
        %add3A_197 = arith.constant 1 : i32
        %add3A_198 = arith.addi %scan3A_193, %add3A_197 : i32
        %mul3A_199 = arith.constant 40 : i32
        %mul3A_200 = arith.muli %add3A_198, %mul3A_199 : i32
        %add3A_201 = arith.addi %mul3A_10, %mul3A_200 : i32
        %lt3A = arith.constant 249 : i32
        %lt3A_202 = arith.cmpi slt, %scan3A_193, %lt3A : i32
        %convert_element_type3A_203 = arith.extui %lt3A_202 : i1 to i32
        %cond3A_204 = arith.constant 0 : i32
        %cond3A_205 = arith.cmpi ne, %convert_element_type3A_203, %cond3A_204 : i32
        scf.if %cond3A_205 {
          %dma_start3A_286 = arith.constant 0 : i32
          %dma_start3A_287 = tpu.memref_slice %arg16[%sub3A_196, %dma_start3A_286] : memref<2x40xi32, #tpu.memory_space<vmem>> -> memref<1x40xi32, #tpu.memory_space<vmem>>
          %dma_start3A_288 = tpu.memref_squeeze %dma_start3A_287 : memref<1x40xi32, #tpu.memory_space<vmem>> -> memref<40xi32, #tpu.memory_space<vmem>>
          %dma_start3A_289 = tpu.memref_slice %arg2[%add3A_201] : memref<160000xi32, #tpu.memory_space<hbm>> -> memref<40xi32, #tpu.memory_space<hbm>>
          %dma_start3A_290 = arith.constant 0 : i32
          %dma_start3A_291 = tpu.memref_slice %arg16[%sub3A_196, %dma_start3A_290] : memref<2x40xi32, #tpu.memory_space<vmem>> -> memref<1x40xi32, #tpu.memory_space<vmem>>
          %dma_start3A_292 = tpu.memref_squeeze %dma_start3A_291 : memref<1x40xi32, #tpu.memory_space<vmem>> -> memref<40xi32, #tpu.memory_space<vmem>>
          %dma_start3A_293 = tpu.memref_slice %arg2[%add3A_201] : memref<160000xi32, #tpu.memory_space<hbm>> -> memref<40xi32, #tpu.memory_space<hbm>>
          tpu.enqueue_dma source(%dma_start3A_293 : memref<40xi32, #tpu.memory_space<hbm>>) target(%dma_start3A_292 : memref<40xi32, #tpu.memory_space<vmem>>) target_semaphore(%arg25 : memref<!tpu.dma_semaphore, #tpu.memory_space<semaphore_mem>>)
        } else {
        }
        %ge3A = arith.constant 1 : i32
        %ge3A_206 = arith.cmpi sge, %scan3A_193, %ge3A : i32
        %convert_element_type3A_207 = arith.extui %ge3A_206 : i1 to i32
        %cond3A_208 = arith.constant 0 : i32
        %cond3A_209 = arith.cmpi ne, %convert_element_type3A_207, %cond3A_208 : i32
        scf.if %cond3A_209 {
          %dma_wait3A_286 = arith.constant 0 : i32
          %dma_wait3A_287 = arith.constant 0 : i32
          %dma_wait3A_288 = tpu.memref_slice %arg20[%sub3A_196, %dma_wait3A_286, %dma_wait3A_287] : memref<2x40x128xf32, #tpu.memory_space<vmem>> -> memref<1x40x128xf32, #tpu.memory_space<vmem>>
          %dma_wait3A_289 = tpu.memref_squeeze %dma_wait3A_288 : memref<1x40x128xf32, #tpu.memory_space<vmem>> -> memref<40x128xf32, #tpu.memory_space<vmem>>
          %dma_wait3A_290 = arith.constant 0 : i32
          %dma_wait3A_291 = arith.constant 0 : i32
          %dma_wait3A_292 = tpu.memref_slice %arg7[%dma_wait3A_290, %dma_wait3A_291] : memref<160000x128xf32, #tpu.memory_space<hbm>> -> memref<40x128xf32, #tpu.memory_space<hbm>>
          %dma_wait3A_293 = arith.constant 0 : i32
          %dma_wait3A_294 = arith.constant 0 : i32
          %dma_wait3A_295 = tpu.memref_slice %arg20[%sub3A_196, %dma_wait3A_293, %dma_wait3A_294] : memref<2x40x128xf32, #tpu.memory_space<vmem>> -> memref<1x40x128xf32, #tpu.memory_space<vmem>>
          %dma_wait3A_296 = tpu.memref_squeeze %dma_wait3A_295 : memref<1x40x128xf32, #tpu.memory_space<vmem>> -> memref<40x128xf32, #tpu.memory_space<vmem>>
          %dma_wait3A_297 = arith.constant 0 : i32
          %dma_wait3A_298 = arith.constant 0 : i32
          %dma_wait3A_299 = tpu.memref_slice %arg7[%dma_wait3A_297, %dma_wait3A_298] : memref<160000x128xf32, #tpu.memory_space<hbm>> -> memref<40x128xf32, #tpu.memory_space<hbm>>
          tpu.wait_dma2 semaphore(%arg26 : memref<!tpu.dma_semaphore, #tpu.memory_space<semaphore_mem>>) src(%dma_wait3A_299 : memref<40x128xf32, #tpu.memory_space<hbm>>) dst(%dma_wait3A_296 : memref<40x128xf32, #tpu.memory_space<vmem>>)
          %dma_wait3A_300 = arith.constant 0 : i32
          %dma_wait3A_301 = arith.constant 0 : i32
          %dma_wait3A_302 = tpu.memref_slice %arg21[%sub3A_196, %dma_wait3A_300, %dma_wait3A_301] : memref<2x40x16xf32, #tpu.memory_space<vmem>> -> memref<1x40x16xf32, #tpu.memory_space<vmem>>
          %dma_wait3A_303 = tpu.memref_squeeze %dma_wait3A_302 : memref<1x40x16xf32, #tpu.memory_space<vmem>> -> memref<40x16xf32, #tpu.memory_space<vmem>>
          %dma_wait3A_304 = arith.constant 0 : i32
          %dma_wait3A_305 = arith.constant 0 : i32
          %dma_wait3A_306 = tpu.memref_slice %arg14[%dma_wait3A_304, %dma_wait3A_305] : memref<10112x16xf32, #tpu.memory_space<hbm>> -> memref<40x16xf32, #tpu.memory_space<hbm>>
          %dma_wait3A_307 = arith.constant 0 : i32
          %dma_wait3A_308 = arith.constant 0 : i32
          %dma_wait3A_309 = tpu.memref_slice %arg21[%sub3A_196, %dma_wait3A_307, %dma_wait3A_308] : memref<2x40x16xf32, #tpu.memory_space<vmem>> -> memref<1x40x16xf32, #tpu.memory_space<vmem>>
          %dma_wait3A_310 = tpu.memref_squeeze %dma_wait3A_309 : memref<1x40x16xf32, #tpu.memory_space<vmem>> -> memref<40x16xf32, #tpu.memory_space<vmem>>
          %dma_wait3A_311 = arith.constant 0 : i32
          %dma_wait3A_312 = arith.constant 0 : i32
          %dma_wait3A_313 = tpu.memref_slice %arg14[%dma_wait3A_311, %dma_wait3A_312] : memref<10112x16xf32, #tpu.memory_space<hbm>> -> memref<40x16xf32, #tpu.memory_space<hbm>>
          tpu.wait_dma2 semaphore(%arg27 : memref<!tpu.dma_semaphore, #tpu.memory_space<semaphore_mem>>) src(%dma_wait3A_313 : memref<40x16xf32, #tpu.memory_space<hbm>>) dst(%dma_wait3A_310 : memref<40x16xf32, #tpu.memory_space<vmem>>)
        } else {
        }
        %convert_element_type3A_210 = arith.extui %lt3A_202 : i1 to i32
        %cond3A_211 = arith.constant 0 : i32
        %cond3A_212 = arith.cmpi ne, %convert_element_type3A_210, %cond3A_211 : i32
        scf.if %cond3A_212 {
          %dma_start3A_286 = arith.constant 0 : i32
          %dma_start3A_287 = tpu.memref_slice %arg17[%sub3A_196, %dma_start3A_286] : memref<2x40xi32, #tpu.memory_space<vmem>> -> memref<1x40xi32, #tpu.memory_space<vmem>>
          %dma_start3A_288 = tpu.memref_squeeze %dma_start3A_287 : memref<1x40xi32, #tpu.memory_space<vmem>> -> memref<40xi32, #tpu.memory_space<vmem>>
          %dma_start3A_289 = tpu.memref_slice %arg3[%add3A_201] : memref<160000xi32, #tpu.memory_space<hbm>> -> memref<40xi32, #tpu.memory_space<hbm>>
          %dma_start3A_290 = arith.constant 0 : i32
          %dma_start3A_291 = tpu.memref_slice %arg17[%sub3A_196, %dma_start3A_290] : memref<2x40xi32, #tpu.memory_space<vmem>> -> memref<1x40xi32, #tpu.memory_space<vmem>>
          %dma_start3A_292 = tpu.memref_squeeze %dma_start3A_291 : memref<1x40xi32, #tpu.memory_space<vmem>> -> memref<40xi32, #tpu.memory_space<vmem>>
          %dma_start3A_293 = tpu.memref_slice %arg3[%add3A_201] : memref<160000xi32, #tpu.memory_space<hbm>> -> memref<40xi32, #tpu.memory_space<hbm>>
          tpu.enqueue_dma source(%dma_start3A_293 : memref<40xi32, #tpu.memory_space<hbm>>) target(%dma_start3A_292 : memref<40xi32, #tpu.memory_space<vmem>>) target_semaphore(%arg25 : memref<!tpu.dma_semaphore, #tpu.memory_space<semaphore_mem>>)
          %dma_start3A_294 = arith.constant 0 : i32
          %dma_start3A_295 = arith.constant 0 : i32
          %dma_start3A_296 = tpu.memref_slice %arg19[%sub3A_196, %dma_start3A_294, %dma_start3A_295] : memref<2x40x128xf32, #tpu.memory_space<vmem>> -> memref<1x40x128xf32, #tpu.memory_space<vmem>>
          %dma_start3A_297 = tpu.memref_squeeze %dma_start3A_296 : memref<1x40x128xf32, #tpu.memory_space<vmem>> -> memref<40x128xf32, #tpu.memory_space<vmem>>
          %dma_start3A_298 = arith.constant 0 : i32
          %dma_start3A_299 = tpu.memref_slice %arg7[%add3A_201, %dma_start3A_298] : memref<160000x128xf32, #tpu.memory_space<hbm>> -> memref<40x128xf32, #tpu.memory_space<hbm>>
          %dma_start3A_300 = arith.constant 0 : i32
          %dma_start3A_301 = arith.constant 0 : i32
          %dma_start3A_302 = tpu.memref_slice %arg19[%sub3A_196, %dma_start3A_300, %dma_start3A_301] : memref<2x40x128xf32, #tpu.memory_space<vmem>> -> memref<1x40x128xf32, #tpu.memory_space<vmem>>
          %dma_start3A_303 = tpu.memref_squeeze %dma_start3A_302 : memref<1x40x128xf32, #tpu.memory_space<vmem>> -> memref<40x128xf32, #tpu.memory_space<vmem>>
          %dma_start3A_304 = arith.constant 0 : i32
          %dma_start3A_305 = tpu.memref_slice %arg7[%add3A_201, %dma_start3A_304] : memref<160000x128xf32, #tpu.memory_space<hbm>> -> memref<40x128xf32, #tpu.memory_space<hbm>>
          tpu.enqueue_dma source(%dma_start3A_305 : memref<40x128xf32, #tpu.memory_space<hbm>>) target(%dma_start3A_303 : memref<40x128xf32, #tpu.memory_space<vmem>>) target_semaphore(%arg25 : memref<!tpu.dma_semaphore, #tpu.memory_space<semaphore_mem>>)
          %dma_start3A_306 = arith.constant 0 : i32
          %dma_start3A_307 = arith.constant 0 : i32
          %dma_start3A_308 = tpu.memref_slice %arg20[%sub3A_196, %dma_start3A_306, %dma_start3A_307] : memref<2x40x128xf32, #tpu.memory_space<vmem>> -> memref<1x40x128xf32, #tpu.memory_space<vmem>>
          %dma_start3A_309 = tpu.memref_squeeze %dma_start3A_308 : memref<1x40x128xf32, #tpu.memory_space<vmem>> -> memref<40x128xf32, #tpu.memory_space<vmem>>
          %dma_start3A_310 = arith.constant 0 : i32
          %dma_start3A_311 = tpu.memref_slice %arg7[%add3A_201, %dma_start3A_310] : memref<160000x128xf32, #tpu.memory_space<hbm>> -> memref<40x128xf32, #tpu.memory_space<hbm>>
          %dma_start3A_312 = arith.constant 0 : i32
          %dma_start3A_313 = arith.constant 0 : i32
          %dma_start3A_314 = tpu.memref_slice %arg20[%sub3A_196, %dma_start3A_312, %dma_start3A_313] : memref<2x40x128xf32, #tpu.memory_space<vmem>> -> memref<1x40x128xf32, #tpu.memory_space<vmem>>
          %dma_start3A_315 = tpu.memref_squeeze %dma_start3A_314 : memref<1x40x128xf32, #tpu.memory_space<vmem>> -> memref<40x128xf32, #tpu.memory_space<vmem>>
          %dma_start3A_316 = arith.constant 0 : i32
          %dma_start3A_317 = tpu.memref_slice %arg7[%add3A_201, %dma_start3A_316] : memref<160000x128xf32, #tpu.memory_space<hbm>> -> memref<40x128xf32, #tpu.memory_space<hbm>>
          tpu.enqueue_dma source(%dma_start3A_317 : memref<40x128xf32, #tpu.memory_space<hbm>>) target(%dma_start3A_315 : memref<40x128xf32, #tpu.memory_space<vmem>>) target_semaphore(%arg25 : memref<!tpu.dma_semaphore, #tpu.memory_space<semaphore_mem>>)
        } else {
        }
        %dma_wait3A_213 = arith.constant 0 : i32
        %dma_wait3A_214 = arith.constant 0 : i32
        %dma_wait3A_215 = tpu.memref_slice %arg18[%rem3A_195, %dma_wait3A_213, %dma_wait3A_214] : memref<2x40x128xf32, #tpu.memory_space<vmem>> -> memref<1x40x128xf32, #tpu.memory_space<vmem>>
        %dma_wait3A_216 = tpu.memref_squeeze %dma_wait3A_215 : memref<1x40x128xf32, #tpu.memory_space<vmem>> -> memref<40x128xf32, #tpu.memory_space<vmem>>
        %dma_wait3A_217 = arith.constant 0 : i32
        %dma_wait3A_218 = arith.constant 0 : i32
        %dma_wait3A_219 = tpu.memref_slice %arg7[%dma_wait3A_217, %dma_wait3A_218] : memref<160000x128xf32, #tpu.memory_space<hbm>> -> memref<40x128xf32, #tpu.memory_space<hbm>>
        %dma_wait3A_220 = arith.constant 0 : i32
        %dma_wait3A_221 = arith.constant 0 : i32
        %dma_wait3A_222 = tpu.memref_slice %arg18[%rem3A_195, %dma_wait3A_220, %dma_wait3A_221] : memref<2x40x128xf32, #tpu.memory_space<vmem>> -> memref<1x40x128xf32, #tpu.memory_space<vmem>>
        %dma_wait3A_223 = tpu.memref_squeeze %dma_wait3A_222 : memref<1x40x128xf32, #tpu.memory_space<vmem>> -> memref<40x128xf32, #tpu.memory_space<vmem>>
        %dma_wait3A_224 = arith.constant 0 : i32
        %dma_wait3A_225 = arith.constant 0 : i32
        %dma_wait3A_226 = tpu.memref_slice %arg7[%dma_wait3A_224, %dma_wait3A_225] : memref<160000x128xf32, #tpu.memory_space<hbm>> -> memref<40x128xf32, #tpu.memory_space<hbm>>
        tpu.wait_dma2 semaphore(%arg24 : memref<!tpu.dma_semaphore, #tpu.memory_space<semaphore_mem>>) src(%dma_wait3A_226 : memref<40x128xf32, #tpu.memory_space<hbm>>) dst(%dma_wait3A_223 : memref<40x128xf32, #tpu.memory_space<vmem>>)
        %dma_wait3A_227 = arith.constant 0 : i32
        %dma_wait3A_228 = arith.constant 0 : i32
        %dma_wait3A_229 = tpu.memref_slice %arg19[%rem3A_195, %dma_wait3A_227, %dma_wait3A_228] : memref<2x40x128xf32, #tpu.memory_space<vmem>> -> memref<1x40x128xf32, #tpu.memory_space<vmem>>
        %dma_wait3A_230 = tpu.memref_squeeze %dma_wait3A_229 : memref<1x40x128xf32, #tpu.memory_space<vmem>> -> memref<40x128xf32, #tpu.memory_space<vmem>>
        %dma_wait3A_231 = arith.constant 0 : i32
        %dma_wait3A_232 = arith.constant 0 : i32
        %dma_wait3A_233 = tpu.memref_slice %arg7[%dma_wait3A_231, %dma_wait3A_232] : memref<160000x128xf32, #tpu.memory_space<hbm>> -> memref<40x128xf32, #tpu.memory_space<hbm>>
        %dma_wait3A_234 = arith.constant 0 : i32
        %dma_wait3A_235 = arith.constant 0 : i32
        %dma_wait3A_236 = tpu.memref_slice %arg19[%rem3A_195, %dma_wait3A_234, %dma_wait3A_235] : memref<2x40x128xf32, #tpu.memory_space<vmem>> -> memref<1x40x128xf32, #tpu.memory_space<vmem>>
        %dma_wait3A_237 = tpu.memref_squeeze %dma_wait3A_236 : memref<1x40x128xf32, #tpu.memory_space<vmem>> -> memref<40x128xf32, #tpu.memory_space<vmem>>
        %dma_wait3A_238 = arith.constant 0 : i32
        %dma_wait3A_239 = arith.constant 0 : i32
        %dma_wait3A_240 = tpu.memref_slice %arg7[%dma_wait3A_238, %dma_wait3A_239] : memref<160000x128xf32, #tpu.memory_space<hbm>> -> memref<40x128xf32, #tpu.memory_space<hbm>>
        tpu.wait_dma2 semaphore(%arg24 : memref<!tpu.dma_semaphore, #tpu.memory_space<semaphore_mem>>) src(%dma_wait3A_240 : memref<40x128xf32, #tpu.memory_space<hbm>>) dst(%dma_wait3A_237 : memref<40x128xf32, #tpu.memory_space<vmem>>)
        %dma_wait3A_241 = arith.constant 0 : i32
        %dma_wait3A_242 = arith.constant 0 : i32
        %dma_wait3A_243 = tpu.memref_slice %arg20[%rem3A_195, %dma_wait3A_241, %dma_wait3A_242] : memref<2x40x128xf32, #tpu.memory_space<vmem>> -> memref<1x40x128xf32, #tpu.memory_space<vmem>>
        %dma_wait3A_244 = tpu.memref_squeeze %dma_wait3A_243 : memref<1x40x128xf32, #tpu.memory_space<vmem>> -> memref<40x128xf32, #tpu.memory_space<vmem>>
        %dma_wait3A_245 = arith.constant 0 : i32
        %dma_wait3A_246 = arith.constant 0 : i32
        %dma_wait3A_247 = tpu.memref_slice %arg7[%dma_wait3A_245, %dma_wait3A_246] : memref<160000x128xf32, #tpu.memory_space<hbm>> -> memref<40x128xf32, #tpu.memory_space<hbm>>
        %dma_wait3A_248 = arith.constant 0 : i32
        %dma_wait3A_249 = arith.constant 0 : i32
        %dma_wait3A_250 = tpu.memref_slice %arg20[%rem3A_195, %dma_wait3A_248, %dma_wait3A_249] : memref<2x40x128xf32, #tpu.memory_space<vmem>> -> memref<1x40x128xf32, #tpu.memory_space<vmem>>
        %dma_wait3A_251 = tpu.memref_squeeze %dma_wait3A_250 : memref<1x40x128xf32, #tpu.memory_space<vmem>> -> memref<40x128xf32, #tpu.memory_space<vmem>>
        %dma_wait3A_252 = arith.constant 0 : i32
        %dma_wait3A_253 = arith.constant 0 : i32
        %dma_wait3A_254 = tpu.memref_slice %arg7[%dma_wait3A_252, %dma_wait3A_253] : memref<160000x128xf32, #tpu.memory_space<hbm>> -> memref<40x128xf32, #tpu.memory_space<hbm>>
        tpu.wait_dma2 semaphore(%arg24 : memref<!tpu.dma_semaphore, #tpu.memory_space<semaphore_mem>>) src(%dma_wait3A_254 : memref<40x128xf32, #tpu.memory_space<hbm>>) dst(%dma_wait3A_251 : memref<40x128xf32, #tpu.memory_space<vmem>>)
        %convert_element_type3A_255 = arith.extui %lt3A_202 : i1 to i32
        %cond3A_256 = arith.constant 0 : i32
        %cond3A_257 = arith.cmpi ne, %convert_element_type3A_255, %cond3A_256 : i32
        scf.if %cond3A_257 {
          %dma_wait3A_286 = arith.constant 0 : i32
          %dma_wait3A_287 = tpu.memref_slice %arg16[%sub3A_196, %dma_wait3A_286] : memref<2x40xi32, #tpu.memory_space<vmem>> -> memref<1x40xi32, #tpu.memory_space<vmem>>
          %dma_wait3A_288 = tpu.memref_squeeze %dma_wait3A_287 : memref<1x40xi32, #tpu.memory_space<vmem>> -> memref<40xi32, #tpu.memory_space<vmem>>
          %dma_wait3A_289 = arith.constant 0 : i32
          %dma_wait3A_290 = tpu.memref_slice %arg2[%dma_wait3A_289] : memref<160000xi32, #tpu.memory_space<hbm>> -> memref<40xi32, #tpu.memory_space<hbm>>
          %dma_wait3A_291 = arith.constant 0 : i32
          %dma_wait3A_292 = tpu.memref_slice %arg16[%sub3A_196, %dma_wait3A_291] : memref<2x40xi32, #tpu.memory_space<vmem>> -> memref<1x40xi32, #tpu.memory_space<vmem>>
          %dma_wait3A_293 = tpu.memref_squeeze %dma_wait3A_292 : memref<1x40xi32, #tpu.memory_space<vmem>> -> memref<40xi32, #tpu.memory_space<vmem>>
          %dma_wait3A_294 = arith.constant 0 : i32
          %dma_wait3A_295 = tpu.memref_slice %arg2[%dma_wait3A_294] : memref<160000xi32, #tpu.memory_space<hbm>> -> memref<40xi32, #tpu.memory_space<hbm>>
          tpu.wait_dma2 semaphore(%arg25 : memref<!tpu.dma_semaphore, #tpu.memory_space<semaphore_mem>>) src(%dma_wait3A_295 : memref<40xi32, #tpu.memory_space<hbm>>) dst(%dma_wait3A_293 : memref<40xi32, #tpu.memory_space<vmem>>)
          %dma_wait3A_296 = arith.constant 0 : i32
          %dma_wait3A_297 = tpu.memref_slice %arg17[%sub3A_196, %dma_wait3A_296] : memref<2x40xi32, #tpu.memory_space<vmem>> -> memref<1x40xi32, #tpu.memory_space<vmem>>
          %dma_wait3A_298 = tpu.memref_squeeze %dma_wait3A_297 : memref<1x40xi32, #tpu.memory_space<vmem>> -> memref<40xi32, #tpu.memory_space<vmem>>
          %dma_wait3A_299 = arith.constant 0 : i32
          %dma_wait3A_300 = tpu.memref_slice %arg2[%dma_wait3A_299] : memref<160000xi32, #tpu.memory_space<hbm>> -> memref<40xi32, #tpu.memory_space<hbm>>
          %dma_wait3A_301 = arith.constant 0 : i32
          %dma_wait3A_302 = tpu.memref_slice %arg17[%sub3A_196, %dma_wait3A_301] : memref<2x40xi32, #tpu.memory_space<vmem>> -> memref<1x40xi32, #tpu.memory_space<vmem>>
          %dma_wait3A_303 = tpu.memref_squeeze %dma_wait3A_302 : memref<1x40xi32, #tpu.memory_space<vmem>> -> memref<40xi32, #tpu.memory_space<vmem>>
          %dma_wait3A_304 = arith.constant 0 : i32
          %dma_wait3A_305 = tpu.memref_slice %arg2[%dma_wait3A_304] : memref<160000xi32, #tpu.memory_space<hbm>> -> memref<40xi32, #tpu.memory_space<hbm>>
          tpu.wait_dma2 semaphore(%arg25 : memref<!tpu.dma_semaphore, #tpu.memory_space<semaphore_mem>>) src(%dma_wait3A_305 : memref<40xi32, #tpu.memory_space<hbm>>) dst(%dma_wait3A_303 : memref<40xi32, #tpu.memory_space<vmem>>)
          %dma_wait3A_306 = arith.constant 0 : i32
          %dma_wait3A_307 = arith.constant 0 : i32
          %dma_wait3A_308 = tpu.memref_slice %arg19[%sub3A_196, %dma_wait3A_306, %dma_wait3A_307] : memref<2x40x128xf32, #tpu.memory_space<vmem>> -> memref<1x40x128xf32, #tpu.memory_space<vmem>>
          %dma_wait3A_309 = tpu.memref_squeeze %dma_wait3A_308 : memref<1x40x128xf32, #tpu.memory_space<vmem>> -> memref<40x128xf32, #tpu.memory_space<vmem>>
          %dma_wait3A_310 = arith.constant 0 : i32
          %dma_wait3A_311 = arith.constant 0 : i32
          %dma_wait3A_312 = tpu.memref_slice %arg7[%dma_wait3A_310, %dma_wait3A_311] : memref<160000x128xf32, #tpu.memory_space<hbm>> -> memref<40x128xf32, #tpu.memory_space<hbm>>
          %dma_wait3A_313 = arith.constant 0 : i32
          %dma_wait3A_314 = arith.constant 0 : i32
          %dma_wait3A_315 = tpu.memref_slice %arg19[%sub3A_196, %dma_wait3A_313, %dma_wait3A_314] : memref<2x40x128xf32, #tpu.memory_space<vmem>> -> memref<1x40x128xf32, #tpu.memory_space<vmem>>
          %dma_wait3A_316 = tpu.memref_squeeze %dma_wait3A_315 : memref<1x40x128xf32, #tpu.memory_space<vmem>> -> memref<40x128xf32, #tpu.memory_space<vmem>>
          %dma_wait3A_317 = arith.constant 0 : i32
          %dma_wait3A_318 = arith.constant 0 : i32
          %dma_wait3A_319 = tpu.memref_slice %arg7[%dma_wait3A_317, %dma_wait3A_318] : memref<160000x128xf32, #tpu.memory_space<hbm>> -> memref<40x128xf32, #tpu.memory_space<hbm>>
          tpu.wait_dma2 semaphore(%arg25 : memref<!tpu.dma_semaphore, #tpu.memory_space<semaphore_mem>>) src(%dma_wait3A_319 : memref<40x128xf32, #tpu.memory_space<hbm>>) dst(%dma_wait3A_316 : memref<40x128xf32, #tpu.memory_space<vmem>>)
          %dma_wait3A_320 = arith.constant 0 : i32
          %dma_wait3A_321 = arith.constant 0 : i32
          %dma_wait3A_322 = tpu.memref_slice %arg20[%sub3A_196, %dma_wait3A_320, %dma_wait3A_321] : memref<2x40x128xf32, #tpu.memory_space<vmem>> -> memref<1x40x128xf32, #tpu.memory_space<vmem>>
          %dma_wait3A_323 = tpu.memref_squeeze %dma_wait3A_322 : memref<1x40x128xf32, #tpu.memory_space<vmem>> -> memref<40x128xf32, #tpu.memory_space<vmem>>
          %dma_wait3A_324 = arith.constant 0 : i32
          %dma_wait3A_325 = arith.constant 0 : i32
          %dma_wait3A_326 = tpu.memref_slice %arg7[%dma_wait3A_324, %dma_wait3A_325] : memref<160000x128xf32, #tpu.memory_space<hbm>> -> memref<40x128xf32, #tpu.memory_space<hbm>>
          %dma_wait3A_327 = arith.constant 0 : i32
          %dma_wait3A_328 = arith.constant 0 : i32
          %dma_wait3A_329 = tpu.memref_slice %arg20[%sub3A_196, %dma_wait3A_327, %dma_wait3A_328] : memref<2x40x128xf32, #tpu.memory_space<vmem>> -> memref<1x40x128xf32, #tpu.memory_space<vmem>>
          %dma_wait3A_330 = tpu.memref_squeeze %dma_wait3A_329 : memref<1x40x128xf32, #tpu.memory_space<vmem>> -> memref<40x128xf32, #tpu.memory_space<vmem>>
          %dma_wait3A_331 = arith.constant 0 : i32
          %dma_wait3A_332 = arith.constant 0 : i32
          %dma_wait3A_333 = tpu.memref_slice %arg7[%dma_wait3A_331, %dma_wait3A_332] : memref<160000x128xf32, #tpu.memory_space<hbm>> -> memref<40x128xf32, #tpu.memory_space<hbm>>
          tpu.wait_dma2 semaphore(%arg25 : memref<!tpu.dma_semaphore, #tpu.memory_space<semaphore_mem>>) src(%dma_wait3A_333 : memref<40x128xf32, #tpu.memory_space<hbm>>) dst(%dma_wait3A_330 : memref<40x128xf32, #tpu.memory_space<vmem>>)
          %dma_start3A_334 = arith.constant 0 : i32
          %dma_start3A_335 = arith.constant 0 : i32
          %dma_start3A_336 = tpu.memref_slice %arg18[%sub3A_196, %dma_start3A_334, %dma_start3A_335] : memref<2x40x128xf32, #tpu.memory_space<vmem>> -> memref<1x40x128xf32, #tpu.memory_space<vmem>>
          %dma_start3A_337 = tpu.memref_squeeze %dma_start3A_336 : memref<1x40x128xf32, #tpu.memory_space<vmem>> -> memref<40x128xf32, #tpu.memory_space<vmem>>
          %dma_start3A_338 = arith.constant 0 : i32
          %dma_start3A_339 = tpu.memref_slice %arg17[%sub3A_196, %dma_start3A_338] : memref<2x40xi32, #tpu.memory_space<vmem>> -> memref<1x40xi32, #tpu.memory_space<vmem>>
          %dma_start3A_340 = tpu.memref_squeeze %dma_start3A_339 : memref<1x40xi32, #tpu.memory_space<vmem>> -> memref<40xi32, #tpu.memory_space<vmem>>
          %dma_start3A_341 = arith.constant 0 : i32
          %dma_start3A_342 = arith.constant 0 : i32
          %dma_start3A_343 = tpu.memref_slice %arg4[%dma_start3A_341, %dma_start3A_342] : memref<10000x128xf32, #tpu.memory_space<hbm>> -> memref<10000x128xf32, #tpu.memory_space<hbm>>
          tpu.enqueue_indirect_dma source(%dma_start3A_343 : memref<10000x128xf32, #tpu.memory_space<hbm>>) target(%dma_start3A_337 : memref<40x128xf32, #tpu.memory_space<vmem>>) offsets(%dma_start3A_340 : memref<40xi32, #tpu.memory_space<vmem>>) semaphore(%arg24 : memref<!tpu.dma_semaphore, #tpu.memory_space<semaphore_mem>>)
          %dma_start3A_344 = arith.constant 0 : i32
          %dma_start3A_345 = arith.constant 0 : i32
          %dma_start3A_346 = tpu.memref_slice %arg19[%sub3A_196, %dma_start3A_344, %dma_start3A_345] : memref<2x40x128xf32, #tpu.memory_space<vmem>> -> memref<1x40x128xf32, #tpu.memory_space<vmem>>
          %dma_start3A_347 = tpu.memref_squeeze %dma_start3A_346 : memref<1x40x128xf32, #tpu.memory_space<vmem>> -> memref<40x128xf32, #tpu.memory_space<vmem>>
          %dma_start3A_348 = arith.constant 0 : i32
          %dma_start3A_349 = tpu.memref_slice %arg16[%sub3A_196, %dma_start3A_348] : memref<2x40xi32, #tpu.memory_space<vmem>> -> memref<1x40xi32, #tpu.memory_space<vmem>>
          %dma_start3A_350 = tpu.memref_squeeze %dma_start3A_349 : memref<1x40xi32, #tpu.memory_space<vmem>> -> memref<40xi32, #tpu.memory_space<vmem>>
          %dma_start3A_351 = arith.constant 0 : i32
          %dma_start3A_352 = arith.constant 0 : i32
          %dma_start3A_353 = tpu.memref_slice %arg5[%dma_start3A_351, %dma_start3A_352] : memref<10000x128xf32, #tpu.memory_space<hbm>> -> memref<10000x128xf32, #tpu.memory_space<hbm>>
          tpu.enqueue_indirect_dma source(%dma_start3A_353 : memref<10000x128xf32, #tpu.memory_space<hbm>>) target(%dma_start3A_347 : memref<40x128xf32, #tpu.memory_space<vmem>>) offsets(%dma_start3A_350 : memref<40xi32, #tpu.memory_space<vmem>>) semaphore(%arg24 : memref<!tpu.dma_semaphore, #tpu.memory_space<semaphore_mem>>)
          %dma_start3A_354 = arith.constant 0 : i32
          %dma_start3A_355 = arith.constant 0 : i32
          %dma_start3A_356 = tpu.memref_slice %arg20[%sub3A_196, %dma_start3A_354, %dma_start3A_355] : memref<2x40x128xf32, #tpu.memory_space<vmem>> -> memref<1x40x128xf32, #tpu.memory_space<vmem>>
          %dma_start3A_357 = tpu.memref_squeeze %dma_start3A_356 : memref<1x40x128xf32, #tpu.memory_space<vmem>> -> memref<40x128xf32, #tpu.memory_space<vmem>>
          %dma_start3A_358 = arith.constant 0 : i32
          %dma_start3A_359 = tpu.memref_slice %arg16[%sub3A_196, %dma_start3A_358] : memref<2x40xi32, #tpu.memory_space<vmem>> -> memref<1x40xi32, #tpu.memory_space<vmem>>
          %dma_start3A_360 = tpu.memref_squeeze %dma_start3A_359 : memref<1x40xi32, #tpu.memory_space<vmem>> -> memref<40xi32, #tpu.memory_space<vmem>>
          %dma_start3A_361 = arith.constant 0 : i32
          %dma_start3A_362 = arith.constant 0 : i32
          %dma_start3A_363 = tpu.memref_slice %arg6[%dma_start3A_361, %dma_start3A_362] : memref<10000x128xf32, #tpu.memory_space<hbm>> -> memref<10000x128xf32, #tpu.memory_space<hbm>>
          tpu.enqueue_indirect_dma source(%dma_start3A_363 : memref<10000x128xf32, #tpu.memory_space<hbm>>) target(%dma_start3A_357 : memref<40x128xf32, #tpu.memory_space<vmem>>) offsets(%dma_start3A_360 : memref<40xi32, #tpu.memory_space<vmem>>) semaphore(%arg24 : memref<!tpu.dma_semaphore, #tpu.memory_space<semaphore_mem>>)
        } else {
        }
        %scan3A_258 = arith.constant 0 : i32
        %scan3A_259 = arith.constant 0 : i32
        %scan3A_260 = arith.constant 40 : i32
        %scan3A_261 = arith.addi %scan3A_259, %scan3A_260 : i32
        %scan3A_262 = arith.constant 1 : i32
        %scan3A_263 = scf.for %scan3A_286 = %scan3A_259 to %scan3A_261 step %scan3A_262 iter_args(%scan3A_287 = %scan3A_258) -> (i32)  : i32 {
          %broadcast_in_dim3A_288 = arith.constant 0.000000e+00 : f32
          %broadcast_in_dim3A_289 = vector.broadcast %broadcast_in_dim3A_288 : f32 to vector<16xf32>
          %get3A = arith.index_cast %rem3A_195 : i32 to index
          %get3A_290 = arith.index_cast %scan3A_286 : i32 to index
          %get3A_291 = arith.constant 0 : index
          %get3A_292 = tpu.vector_load %arg18[%get3A, %get3A_290, %get3A_291] {strides = array<i32>} : memref<2x40x128xf32, #tpu.memory_space<vmem>>, vector<16xf32>,
          %get3A_293 = arith.index_cast %rem3A_195 : i32 to index
          %get3A_294 = arith.index_cast %scan3A_286 : i32 to index
          %get3A_295 = arith.constant 0 : index
          %get3A_296 = tpu.vector_load %arg19[%get3A_293, %get3A_294, %get3A_295] {strides = array<i32>} : memref<2x40x128xf32, #tpu.memory_space<vmem>>, vector<16xf32>,
          %mul3A_297 = arith.mulf %get3A_292, %get3A_296 : vector<16xf32>
          %add3A_298 = arith.addf %broadcast_in_dim3A_289, %mul3A_297 : vector<16xf32>
          %get3A_299 = arith.index_cast %rem3A_195 : i32 to index
          %get3A_300 = arith.index_cast %scan3A_286 : i32 to index
          %get3A_301 = arith.constant 16 : index
          %get3A_302 = tpu.vector_load %arg18[%get3A_299, %get3A_300, %get3A_301] {strides = array<i32>} : memref<2x40x128xf32, #tpu.memory_space<vmem>>, vector<16xf32>,
          %get3A_303 = arith.index_cast %rem3A_195 : i32 to index
          %get3A_304 = arith.index_cast %scan3A_286 : i32 to index
          %get3A_305 = arith.constant 16 : index
          %get3A_306 = tpu.vector_load %arg19[%get3A_303, %get3A_304, %get3A_305] {strides = array<i32>} : memref<2x40x128xf32, #tpu.memory_space<vmem>>, vector<16xf32>,
          %mul3A_307 = arith.mulf %get3A_302, %get3A_306 : vector<16xf32>
          %add3A_308 = arith.addf %add3A_298, %mul3A_307 : vector<16xf32>
          %get3A_309 = arith.index_cast %rem3A_195 : i32 to index
          %get3A_310 = arith.index_cast %scan3A_286 : i32 to index
          %get3A_311 = arith.constant 32 : index
          %get3A_312 = tpu.vector_load %arg18[%get3A_309, %get3A_310, %get3A_311] {strides = array<i32>} : memref<2x40x128xf32, #tpu.memory_space<vmem>>, vector<16xf32>,
          %get3A_313 = arith.index_cast %rem3A_195 : i32 to index
          %get3A_314 = arith.index_cast %scan3A_286 : i32 to index
          %get3A_315 = arith.constant 32 : index
          %get3A_316 = tpu.vector_load %arg19[%get3A_313, %get3A_314, %get3A_315] {strides = array<i32>} : memref<2x40x128xf32, #tpu.memory_space<vmem>>, vector<16xf32>,
          %mul3A_317 = arith.mulf %get3A_312, %get3A_316 : vector<16xf32>
          %add3A_318 = arith.addf %add3A_308, %mul3A_317 : vector<16xf32>
          %get3A_319 = arith.index_cast %rem3A_195 : i32 to index
          %get3A_320 = arith.index_cast %scan3A_286 : i32 to index
          %get3A_321 = arith.constant 48 : index
          %get3A_322 = tpu.vector_load %arg18[%get3A_319, %get3A_320, %get3A_321] {strides = array<i32>} : memref<2x40x128xf32, #tpu.memory_space<vmem>>, vector<16xf32>,
          %get3A_323 = arith.index_cast %rem3A_195 : i32 to index
          %get3A_324 = arith.index_cast %scan3A_286 : i32 to index
          %get3A_325 = arith.constant 48 : index
          %get3A_326 = tpu.vector_load %arg19[%get3A_323, %get3A_324, %get3A_325] {strides = array<i32>} : memref<2x40x128xf32, #tpu.memory_space<vmem>>, vector<16xf32>,
          %mul3A_327 = arith.mulf %get3A_322, %get3A_326 : vector<16xf32>
          %add3A_328 = arith.addf %add3A_318, %mul3A_327 : vector<16xf32>
          %reduce_sum3A = arith.constant true
          %reduce_sum3A_329 = vector.broadcast %reduce_sum3A : i1 to vector<16xi1>
          %reduce_sum3A_330 = tpu.scan <sum>, %add3A_328 masked %reduce_sum3A_329 : vector<16xf32>, vector<16xi1> -> vector<16xf32>
          %reduce_sum3A_331 = vector.extract %reduce_sum3A_330[15] : f32 from vector<16xf32>
          %mul3A_332 = arith.constant 1.250000e-01 : f32
          %mul3A_333 = arith.mulf %reduce_sum3A_331, %mul3A_332 : f32
          %broadcast_in_dim3A_334 = vector.broadcast %mul3A_333 : f32 to vector<16xf32>
          %exp3A = math.exp %broadcast_in_dim3A_334 : vector<16xf32>
          %get3A_335 = arith.index_cast %rem3A_195 : i32 to index
          %get3A_336 = arith.index_cast %scan3A_286 : i32 to index
          %get3A_337 = arith.constant 0 : index
          %get3A_338 = tpu.vector_load %arg20[%get3A_335, %get3A_336, %get3A_337] {strides = array<i32>} : memref<2x40x128xf32, #tpu.memory_space<vmem>>, vector<16xf32>,
          %mul3A_339 = arith.mulf %get3A_338, %exp3A : vector<16xf32>
          %swap3A = arith.index_cast %rem3A_195 : i32 to index
          %swap3A_340 = arith.index_cast %scan3A_286 : i32 to index
          %swap3A_341 = arith.constant 0 : index
          %swap3A_342 = tpu.vector_load %arg20[%swap3A, %swap3A_340, %swap3A_341] {strides = array<i32>} : memref<2x40x128xf32, #tpu.memory_space<vmem>>, vector<16xf32>,
          tpu.vector_store %arg20[%swap3A, %swap3A_340, %swap3A_341], %mul3A_339 {strides = array<i32>} : memref<2x40x128xf32, #tpu.memory_space<vmem>>, vector<16xf32>,
          %get3A_343 = arith.index_cast %rem3A_195 : i32 to index
          %get3A_344 = arith.index_cast %scan3A_286 : i32 to index
          %get3A_345 = arith.constant 16 : index
          %get3A_346 = tpu.vector_load %arg20[%get3A_343, %get3A_344, %get3A_345] {strides = array<i32>} : memref<2x40x128xf32, #tpu.memory_space<vmem>>, vector<16xf32>,
          %mul3A_347 = arith.mulf %get3A_346, %exp3A : vector<16xf32>
          %swap3A_348 = arith.index_cast %rem3A_195 : i32 to index
          %swap3A_349 = arith.index_cast %scan3A_286 : i32 to index
          %swap3A_350 = arith.constant 16 : index
          %swap3A_351 = tpu.vector_load %arg20[%swap3A_348, %swap3A_349, %swap3A_350] {strides = array<i32>} : memref<2x40x128xf32, #tpu.memory_space<vmem>>, vector<16xf32>,
          tpu.vector_store %arg20[%swap3A_348, %swap3A_349, %swap3A_350], %mul3A_347 {strides = array<i32>} : memref<2x40x128xf32, #tpu.memory_space<vmem>>, vector<16xf32>,
          %get3A_352 = arith.index_cast %rem3A_195 : i32 to index
          %get3A_353 = arith.index_cast %scan3A_286 : i32 to index
          %get3A_354 = arith.constant 32 : index
          %get3A_355 = tpu.vector_load %arg20[%get3A_352, %get3A_353, %get3A_354] {strides = array<i32>} : memref<2x40x128xf32, #tpu.memory_space<vmem>>, vector<16xf32>,
          %mul3A_356 = arith.mulf %get3A_355, %exp3A : vector<16xf32>
          %swap3A_357 = arith.index_cast %rem3A_195 : i32 to index
          %swap3A_358 = arith.index_cast %scan3A_286 : i32 to index
          %swap3A_359 = arith.constant 32 : index
          %swap3A_360 = tpu.vector_load %arg20[%swap3A_357, %swap3A_358, %swap3A_359] {strides = array<i32>} : memref<2x40x128xf32, #tpu.memory_space<vmem>>, vector<16xf32>,
          tpu.vector_store %arg20[%swap3A_357, %swap3A_358, %swap3A_359], %mul3A_356 {strides = array<i32>} : memref<2x40x128xf32, #tpu.memory_space<vmem>>, vector<16xf32>,
          %get3A_361 = arith.index_cast %rem3A_195 : i32 to index
          %get3A_362 = arith.index_cast %scan3A_286 : i32 to index
          %get3A_363 = arith.constant 48 : index
          %get3A_364 = tpu.vector_load %arg20[%get3A_361, %get3A_362, %get3A_363] {strides = array<i32>} : memref<2x40x128xf32, #tpu.memory_space<vmem>>, vector<16xf32>,
          %mul3A_365 = arith.mulf %get3A_364, %exp3A : vector<16xf32>
          %swap3A_366 = arith.index_cast %rem3A_195 : i32 to index
          %swap3A_367 = arith.index_cast %scan3A_286 : i32 to index
          %swap3A_368 = arith.constant 48 : index
          %swap3A_369 = tpu.vector_load %arg20[%swap3A_366, %swap3A_367, %swap3A_368] {strides = array<i32>} : memref<2x40x128xf32, #tpu.memory_space<vmem>>, vector<16xf32>,
          tpu.vector_store %arg20[%swap3A_366, %swap3A_367, %swap3A_368], %mul3A_365 {strides = array<i32>} : memref<2x40x128xf32, #tpu.memory_space<vmem>>, vector<16xf32>,
          %broadcast_in_dim3A_370 = arith.constant 0.000000e+00 : f32
          %broadcast_in_dim3A_371 = vector.broadcast %broadcast_in_dim3A_370 : f32 to vector<16xf32>
          %get3A_372 = arith.index_cast %rem3A_195 : i32 to index
          %get3A_373 = arith.index_cast %scan3A_286 : i32 to index
          %get3A_374 = arith.constant 64 : index
          %get3A_375 = tpu.vector_load %arg18[%get3A_372, %get3A_373, %get3A_374] {strides = array<i32>} : memref<2x40x128xf32, #tpu.memory_space<vmem>>, vector<16xf32>,
          %get3A_376 = arith.index_cast %rem3A_195 : i32 to index
          %get3A_377 = arith.index_cast %scan3A_286 : i32 to index
          %get3A_378 = arith.constant 64 : index
          %get3A_379 = tpu.vector_load %arg19[%get3A_376, %get3A_377, %get3A_378] {strides = array<i32>} : memref<2x40x128xf32, #tpu.memory_space<vmem>>, vector<16xf32>,
          %mul3A_380 = arith.mulf %get3A_375, %get3A_379 : vector<16xf32>
          %add3A_381 = arith.addf %broadcast_in_dim3A_371, %mul3A_380 : vector<16xf32>
          %get3A_382 = arith.index_cast %rem3A_195 : i32 to index
          %get3A_383 = arith.index_cast %scan3A_286 : i32 to index
          %get3A_384 = arith.constant 80 : index
          %get3A_385 = tpu.vector_load %arg18[%get3A_382, %get3A_383, %get3A_384] {strides = array<i32>} : memref<2x40x128xf32, #tpu.memory_space<vmem>>, vector<16xf32>,
          %get3A_386 = arith.index_cast %rem3A_195 : i32 to index
          %get3A_387 = arith.index_cast %scan3A_286 : i32 to index
          %get3A_388 = arith.constant 80 : index
          %get3A_389 = tpu.vector_load %arg19[%get3A_386, %get3A_387, %get3A_388] {strides = array<i32>} : memref<2x40x128xf32, #tpu.memory_space<vmem>>, vector<16xf32>,
          %mul3A_390 = arith.mulf %get3A_385, %get3A_389 : vector<16xf32>
          %add3A_391 = arith.addf %add3A_381, %mul3A_390 : vector<16xf32>
          %get3A_392 = arith.index_cast %rem3A_195 : i32 to index
          %get3A_393 = arith.index_cast %scan3A_286 : i32 to index
          %get3A_394 = arith.constant 96 : index
          %get3A_395 = tpu.vector_load %arg18[%get3A_392, %get3A_393, %get3A_394] {strides = array<i32>} : memref<2x40x128xf32, #tpu.memory_space<vmem>>, vector<16xf32>,
          %get3A_396 = arith.index_cast %rem3A_195 : i32 to index
          %get3A_397 = arith.index_cast %scan3A_286 : i32 to index
          %get3A_398 = arith.constant 96 : index
          %get3A_399 = tpu.vector_load %arg19[%get3A_396, %get3A_397, %get3A_398] {strides = array<i32>} : memref<2x40x128xf32, #tpu.memory_space<vmem>>, vector<16xf32>,
          %mul3A_400 = arith.mulf %get3A_395, %get3A_399 : vector<16xf32>
          %add3A_401 = arith.addf %add3A_391, %mul3A_400 : vector<16xf32>
          %get3A_402 = arith.index_cast %rem3A_195 : i32 to index
          %get3A_403 = arith.index_cast %scan3A_286 : i32 to index
          %get3A_404 = arith.constant 112 : index
          %get3A_405 = tpu.vector_load %arg18[%get3A_402, %get3A_403, %get3A_404] {strides = array<i32>} : memref<2x40x128xf32, #tpu.memory_space<vmem>>, vector<16xf32>,
          %get3A_406 = arith.index_cast %rem3A_195 : i32 to index
          %get3A_407 = arith.index_cast %scan3A_286 : i32 to index
          %get3A_408 = arith.constant 112 : index
          %get3A_409 = tpu.vector_load %arg19[%get3A_406, %get3A_407, %get3A_408] {strides = array<i32>} : memref<2x40x128xf32, #tpu.memory_space<vmem>>, vector<16xf32>,
          %mul3A_410 = arith.mulf %get3A_405, %get3A_409 : vector<16xf32>
          %add3A_411 = arith.addf %add3A_401, %mul3A_410 : vector<16xf32>
          %reduce_sum3A_412 = arith.constant true
          %reduce_sum3A_413 = vector.broadcast %reduce_sum3A_412 : i1 to vector<16xi1>
          %reduce_sum3A_414 = tpu.scan <sum>, %add3A_411 masked %reduce_sum3A_413 : vector<16xf32>, vector<16xi1> -> vector<16xf32>
          %reduce_sum3A_415 = vector.extract %reduce_sum3A_414[15] : f32 from vector<16xf32>
          %mul3A_416 = arith.constant 1.250000e-01 : f32
          %mul3A_417 = arith.mulf %reduce_sum3A_415, %mul3A_416 : f32
          %broadcast_in_dim3A_418 = vector.broadcast %mul3A_417 : f32 to vector<16xf32>
          %exp3A_419 = math.exp %broadcast_in_dim3A_418 : vector<16xf32>
          %get3A_420 = arith.index_cast %rem3A_195 : i32 to index
          %get3A_421 = arith.index_cast %scan3A_286 : i32 to index
          %get3A_422 = arith.constant 64 : index
          %get3A_423 = tpu.vector_load %arg20[%get3A_420, %get3A_421, %get3A_422] {strides = array<i32>} : memref<2x40x128xf32, #tpu.memory_space<vmem>>, vector<16xf32>,
          %mul3A_424 = arith.mulf %get3A_423, %exp3A_419 : vector<16xf32>
          %swap3A_425 = arith.index_cast %rem3A_195 : i32 to index
          %swap3A_426 = arith.index_cast %scan3A_286 : i32 to index
          %swap3A_427 = arith.constant 64 : index
          %swap3A_428 = tpu.vector_load %arg20[%swap3A_425, %swap3A_426, %swap3A_427] {strides = array<i32>} : memref<2x40x128xf32, #tpu.memory_space<vmem>>, vector<16xf32>,
          tpu.vector_store %arg20[%swap3A_425, %swap3A_426, %swap3A_427], %mul3A_424 {strides = array<i32>} : memref<2x40x128xf32, #tpu.memory_space<vmem>>, vector<16xf32>,
          %get3A_429 = arith.index_cast %rem3A_195 : i32 to index
          %get3A_430 = arith.index_cast %scan3A_286 : i32 to index
          %get3A_431 = arith.constant 80 : index
          %get3A_432 = tpu.vector_load %arg20[%get3A_429, %get3A_430, %get3A_431] {strides = array<i32>} : memref<2x40x128xf32, #tpu.memory_space<vmem>>, vector<16xf32>,
          %mul3A_433 = arith.mulf %get3A_432, %exp3A_419 : vector<16xf32>
          %swap3A_434 = arith.index_cast %rem3A_195 : i32 to index
          %swap3A_435 = arith.index_cast %scan3A_286 : i32 to index
          %swap3A_436 = arith.constant 80 : index
          %swap3A_437 = tpu.vector_load %arg20[%swap3A_434, %swap3A_435, %swap3A_436] {strides = array<i32>} : memref<2x40x128xf32, #tpu.memory_space<vmem>>, vector<16xf32>,
          tpu.vector_store %arg20[%swap3A_434, %swap3A_435, %swap3A_436], %mul3A_433 {strides = array<i32>} : memref<2x40x128xf32, #tpu.memory_space<vmem>>, vector<16xf32>,
          %get3A_438 = arith.index_cast %rem3A_195 : i32 to index
          %get3A_439 = arith.index_cast %scan3A_286 : i32 to index
          %get3A_440 = arith.constant 96 : index
          %get3A_441 = tpu.vector_load %arg20[%get3A_438, %get3A_439, %get3A_440] {strides = array<i32>} : memref<2x40x128xf32, #tpu.memory_space<vmem>>, vector<16xf32>,
          %mul3A_442 = arith.mulf %get3A_441, %exp3A_419 : vector<16xf32>
          %swap3A_443 = arith.index_cast %rem3A_195 : i32 to index
          %swap3A_444 = arith.index_cast %scan3A_286 : i32 to index
          %swap3A_445 = arith.constant 96 : index
          %swap3A_446 = tpu.vector_load %arg20[%swap3A_443, %swap3A_444, %swap3A_445] {strides = array<i32>} : memref<2x40x128xf32, #tpu.memory_space<vmem>>, vector<16xf32>,
          tpu.vector_store %arg20[%swap3A_443, %swap3A_444, %swap3A_445], %mul3A_442 {strides = array<i32>} : memref<2x40x128xf32, #tpu.memory_space<vmem>>, vector<16xf32>,
          %get3A_447 = arith.index_cast %rem3A_195 : i32 to index
          %get3A_448 = arith.index_cast %scan3A_286 : i32 to index
          %get3A_449 = arith.constant 112 : index
          %get3A_450 = tpu.vector_load %arg20[%get3A_447, %get3A_448, %get3A_449] {strides = array<i32>} : memref<2x40x128xf32, #tpu.memory_space<vmem>>, vector<16xf32>,
          %mul3A_451 = arith.mulf %get3A_450, %exp3A_419 : vector<16xf32>
          %swap3A_452 = arith.index_cast %rem3A_195 : i32 to index
          %swap3A_453 = arith.index_cast %scan3A_286 : i32 to index
          %swap3A_454 = arith.constant 112 : index
          %swap3A_455 = tpu.vector_load %arg20[%swap3A_452, %swap3A_453, %swap3A_454] {strides = array<i32>} : memref<2x40x128xf32, #tpu.memory_space<vmem>>, vector<16xf32>,
          tpu.vector_store %arg20[%swap3A_452, %swap3A_453, %swap3A_454], %mul3A_451 {strides = array<i32>} : memref<2x40x128xf32, #tpu.memory_space<vmem>>, vector<16xf32>,
          %select_n3A = arith.select %eq3A_116, %exp3A_419, %broadcast_in_dim3A_7 : vector<16xi1>, vector<16xf32>
          %select_n3A_456 = arith.select %eq3A_113, %exp3A, %select_n3A : vector<16xi1>, vector<16xf32>
          %swap3A_457 = arith.index_cast %rem3A_195 : i32 to index
          %swap3A_458 = arith.index_cast %scan3A_286 : i32 to index
          %swap3A_459 = arith.constant 0 : index
          %swap3A_460 = tpu.vector_load %arg21[%swap3A_457, %swap3A_458, %swap3A_459] {strides = array<i32>} : memref<2x40x16xf32, #tpu.memory_space<vmem>>, vector<16xf32>,
          tpu.vector_store %arg21[%swap3A_457, %swap3A_458, %swap3A_459], %select_n3A_456 {strides = array<i32>} : memref<2x40x16xf32, #tpu.memory_space<vmem>>, vector<16xf32>,
          %scan3A_461 = arith.constant 0 : i32
          scf.yield %scan3A_461 : i32
        }
        %scan3A_264 = arith.constant 40 : i32
        %dma_start3A_265 = arith.constant 0 : i32
        %dma_start3A_266 = arith.constant 0 : i32
        %dma_start3A_267 = tpu.memref_slice %arg20[%rem3A_195, %dma_start3A_265, %dma_start3A_266] : memref<2x40x128xf32, #tpu.memory_space<vmem>> -> memref<1x40x128xf32, #tpu.memory_space<vmem>>
        %dma_start3A_268 = tpu.memref_squeeze %dma_start3A_267 : memref<1x40x128xf32, #tpu.memory_space<vmem>> -> memref<40x128xf32, #tpu.memory_space<vmem>>
        %dma_start3A_269 = arith.constant 0 : i32
        %dma_start3A_270 = tpu.memref_slice %arg17[%rem3A_195, %dma_start3A_269] : memref<2x40xi32, #tpu.memory_space<vmem>> -> memref<1x40xi32, #tpu.memory_space<vmem>>
        %dma_start3A_271 = tpu.memref_squeeze %dma_start3A_270 : memref<1x40xi32, #tpu.memory_space<vmem>> -> memref<40xi32, #tpu.memory_space<vmem>>
        %dma_start3A_272 = arith.constant 0 : i32
        %dma_start3A_273 = arith.constant 0 : i32
        %dma_start3A_274 = tpu.memref_slice %arg22[%dma_start3A_272, %dma_start3A_273] : memref<10112x128xf32, #tpu.memory_space<vmem_shared>> -> memref<10112x128xf32, #tpu.memory_space<vmem_shared>>
        tpu.enqueue_indirect_dma source(%dma_start3A_268 : memref<40x128xf32, #tpu.memory_space<vmem>>) target(%dma_start3A_274 : memref<10112x128xf32, #tpu.memory_space<vmem_shared>>) offsets(%dma_start3A_271 : memref<40xi32, #tpu.memory_space<vmem>>) semaphore(%arg26 : memref<!tpu.dma_semaphore, #tpu.memory_space<semaphore_mem>>) {add = true}
        %dma_start3A_275 = arith.constant 0 : i32
        %dma_start3A_276 = arith.constant 0 : i32
        %dma_start3A_277 = tpu.memref_slice %arg21[%rem3A_195, %dma_start3A_275, %dma_start3A_276] : memref<2x40x16xf32, #tpu.memory_space<vmem>> -> memref<1x40x16xf32, #tpu.memory_space<vmem>>
        %dma_start3A_278 = tpu.memref_squeeze %dma_start3A_277 : memref<1x40x16xf32, #tpu.memory_space<vmem>> -> memref<40x16xf32, #tpu.memory_space<vmem>>
        %dma_start3A_279 = arith.constant 0 : i32
        %dma_start3A_280 = tpu.memref_slice %arg17[%rem3A_195, %dma_start3A_279] : memref<2x40xi32, #tpu.memory_space<vmem>> -> memref<1x40xi32, #tpu.memory_space<vmem>>
        %dma_start3A_281 = tpu.memref_squeeze %dma_start3A_280 : memref<1x40xi32, #tpu.memory_space<vmem>> -> memref<40xi32, #tpu.memory_space<vmem>>
        %dma_start3A_282 = arith.constant 0 : i32
        %dma_start3A_283 = arith.constant 0 : i32
        %dma_start3A_284 = tpu.memref_slice %arg23[%dma_start3A_282, %dma_start3A_283] : memref<10112x16xf32, #tpu.memory_space<vmem_shared>> -> memref<10112x16xf32, #tpu.memory_space<vmem_shared>>
        tpu.enqueue_indirect_dma source(%dma_start3A_278 : memref<40x16xf32, #tpu.memory_space<vmem>>) target(%dma_start3A_284 : memref<10112x16xf32, #tpu.memory_space<vmem_shared>>) offsets(%dma_start3A_281 : memref<40xi32, #tpu.memory_space<vmem>>) semaphore(%arg27 : memref<!tpu.dma_semaphore, #tpu.memory_space<semaphore_mem>>) {add = true}
        %scan3A_285 = arith.constant 0 : i32
        scf.yield %scan3A_285 : i32
      }
      %scan3A_162 = arith.constant 250 : i32
      %dma_wait3A = arith.constant 1 : i32
      %dma_wait3A_163 = arith.constant 0 : i32
      %dma_wait3A_164 = arith.constant 0 : i32
      %dma_wait3A_165 = tpu.memref_slice %arg20[%dma_wait3A, %dma_wait3A_163, %dma_wait3A_164] : memref<2x40x128xf32, #tpu.memory_space<vmem>> -> memref<1x40x128xf32, #tpu.memory_space<vmem>>
      %dma_wait3A_166 = tpu.memref_squeeze %dma_wait3A_165 : memref<1x40x128xf32, #tpu.memory_space<vmem>> -> memref<40x128xf32, #tpu.memory_space<vmem>>
      %dma_wait3A_167 = arith.constant 0 : i32
      %dma_wait3A_168 = arith.constant 0 : i32
      %dma_wait3A_169 = tpu.memref_slice %arg7[%dma_wait3A_167, %dma_wait3A_168] : memref<160000x128xf32, #tpu.memory_space<hbm>> -> memref<40x128xf32, #tpu.memory_space<hbm>>
      %dma_wait3A_170 = arith.constant 0 : i32
      %dma_wait3A_171 = arith.constant 0 : i32
      %dma_wait3A_172 = tpu.memref_slice %arg20[%dma_wait3A, %dma_wait3A_170, %dma_wait3A_171] : memref<2x40x128xf32, #tpu.memory_space<vmem>> -> memref<1x40x128xf32, #tpu.memory_space<vmem>>
      %dma_wait3A_173 = tpu.memref_squeeze %dma_wait3A_172 : memref<1x40x128xf32, #tpu.memory_space<vmem>> -> memref<40x128xf32, #tpu.memory_space<vmem>>
      %dma_wait3A_174 = arith.constant 0 : i32
      %dma_wait3A_175 = arith.constant 0 : i32
      %dma_wait3A_176 = tpu.memref_slice %arg7[%dma_wait3A_174, %dma_wait3A_175] : memref<160000x128xf32, #tpu.memory_space<hbm>> -> memref<40x128xf32, #tpu.memory_space<hbm>>
      tpu.wait_dma2 semaphore(%arg26 : memref<!tpu.dma_semaphore, #tpu.memory_space<semaphore_mem>>) src(%dma_wait3A_176 : memref<40x128xf32, #tpu.memory_space<hbm>>) dst(%dma_wait3A_173 : memref<40x128xf32, #tpu.memory_space<vmem>>)
      %dma_wait3A_177 = arith.constant 1 : i32
      %dma_wait3A_178 = arith.constant 0 : i32
      %dma_wait3A_179 = arith.constant 0 : i32
      %dma_wait3A_180 = tpu.memref_slice %arg21[%dma_wait3A_177, %dma_wait3A_178, %dma_wait3A_179] : memref<2x40x16xf32, #tpu.memory_space<vmem>> -> memref<1x40x16xf32, #tpu.memory_space<vmem>>
      %dma_wait3A_181 = tpu.memref_squeeze %dma_wait3A_180 : memref<1x40x16xf32, #tpu.memory_space<vmem>> -> memref<40x16xf32, #tpu.memory_space<vmem>>
      %dma_wait3A_182 = arith.constant 0 : i32
      %dma_wait3A_183 = arith.constant 0 : i32
      %dma_wait3A_184 = tpu.memref_slice %arg14[%dma_wait3A_182, %dma_wait3A_183] : memref<10112x16xf32, #tpu.memory_space<hbm>> -> memref<40x16xf32, #tpu.memory_space<hbm>>
      %dma_wait3A_185 = arith.constant 0 : i32
      %dma_wait3A_186 = arith.constant 0 : i32
      %dma_wait3A_187 = tpu.memref_slice %arg21[%dma_wait3A_177, %dma_wait3A_185, %dma_wait3A_186] : memref<2x40x16xf32, #tpu.memory_space<vmem>> -> memref<1x40x16xf32, #tpu.memory_space<vmem>>
      %dma_wait3A_188 = tpu.memref_squeeze %dma_wait3A_187 : memref<1x40x16xf32, #tpu.memory_space<vmem>> -> memref<40x16xf32, #tpu.memory_space<vmem>>
      %dma_wait3A_189 = arith.constant 0 : i32
      %dma_wait3A_190 = arith.constant 0 : i32
      %dma_wait3A_191 = tpu.memref_slice %arg14[%dma_wait3A_189, %dma_wait3A_190] : memref<10112x16xf32, #tpu.memory_space<hbm>> -> memref<40x16xf32, #tpu.memory_space<hbm>>
      tpu.wait_dma2 semaphore(%arg27 : memref<!tpu.dma_semaphore, #tpu.memory_space<semaphore_mem>>) src(%dma_wait3A_191 : memref<40x16xf32, #tpu.memory_space<hbm>>) dst(%dma_wait3A_188 : memref<40x16xf32, #tpu.memory_space<vmem>>)
      %barrier3A_192 = arith.constant 0 : index
      tpu.barrier barrier_id(%barrier3A_192)
      "tpu.region"() ({
        %run_scoped3A_193 = tpu.sem_alloc : memref<!tpu.dma_semaphore, #tpu.memory_space<semaphore_mem>>
        %dma_start3A_194 = arith.constant 0 : i32
        %dma_start3A_195 = tpu.memref_slice %arg12[%mul3A_8, %dma_start3A_194] : memref<10112x128xf32, #tpu.memory_space<hbm>> -> memref<632x128xf32, #tpu.memory_space<hbm>>
        %dma_start3A_196 = arith.constant 0 : i32
        %dma_start3A_197 = tpu.memref_slice %arg22[%mul3A_8, %dma_start3A_196] : memref<10112x128xf32, #tpu.memory_space<vmem_shared>> -> memref<632x128xf32, #tpu.memory_space<vmem_shared>>
        tpu.enqueue_dma source(%dma_start3A_197 : memref<632x128xf32, #tpu.memory_space<vmem_shared>>) target(%dma_start3A_195 : memref<632x128xf32, #tpu.memory_space<hbm>>) target_semaphore(%run_scoped3A_193 : memref<!tpu.dma_semaphore, #tpu.memory_space<semaphore_mem>>)
        %dma_wait3A_198 = arith.constant 0 : i32
        %dma_wait3A_199 = tpu.memref_slice %arg12[%mul3A_8, %dma_wait3A_198] : memref<10112x128xf32, #tpu.memory_space<hbm>> -> memref<632x128xf32, #tpu.memory_space<hbm>>
        %dma_wait3A_200 = arith.constant 0 : i32
        %dma_wait3A_201 = tpu.memref_slice %arg22[%mul3A_8, %dma_wait3A_200] : memref<10112x128xf32, #tpu.memory_space<vmem_shared>> -> memref<632x128xf32, #tpu.memory_space<vmem_shared>>
        tpu.wait_dma2 semaphore(%run_scoped3A_193 : memref<!tpu.dma_semaphore, #tpu.memory_space<semaphore_mem>>) src(%dma_wait3A_201 : memref<632x128xf32, #tpu.memory_space<vmem_shared>>) dst(%dma_wait3A_199 : memref<632x128xf32, #tpu.memory_space<hbm>>)
        tpu.yield
      }) : () -> ()
      "tpu.region"() ({
        %run_scoped3A_193 = tpu.sem_alloc : memref<!tpu.dma_semaphore, #tpu.memory_space<semaphore_mem>>
        %dma_start3A_194 = arith.constant 0 : i32
        %dma_start3A_195 = tpu.memref_slice %arg14[%mul3A_8, %dma_start3A_194] : memref<10112x16xf32, #tpu.memory_space<hbm>> -> memref<632x16xf32, #tpu.memory_space<hbm>>
        %dma_start3A_196 = arith.constant 0 : i32
        %dma_start3A_197 = tpu.memref_slice %arg23[%mul3A_8, %dma_start3A_196] : memref<10112x16xf32, #tpu.memory_space<vmem_shared>> -> memref<632x16xf32, #tpu.memory_space<vmem_shared>>
        tpu.enqueue_dma source(%dma_start3A_197 : memref<632x16xf32, #tpu.memory_space<vmem_shared>>) target(%dma_start3A_195 : memref<632x16xf32, #tpu.memory_space<hbm>>) target_semaphore(%run_scoped3A_193 : memref<!tpu.dma_semaphore, #tpu.memory_space<semaphore_mem>>)
        %dma_wait3A_198 = arith.constant 0 : i32
        %dma_wait3A_199 = tpu.memref_slice %arg14[%mul3A_8, %dma_wait3A_198] : memref<10112x16xf32, #tpu.memory_space<hbm>> -> memref<632x16xf32, #tpu.memory_space<hbm>>
        %dma_wait3A_200 = arith.constant 0 : i32
        %dma_wait3A_201 = tpu.memref_slice %arg23[%mul3A_8, %dma_wait3A_200] : memref<10112x16xf32, #tpu.memory_space<vmem_shared>> -> memref<632x16xf32, #tpu.memory_space<vmem_shared>>
        tpu.wait_dma2 semaphore(%run_scoped3A_193 : memref<!tpu.dma_semaphore, #tpu.memory_space<semaphore_mem>>) src(%dma_wait3A_201 : memref<632x16xf32, #tpu.memory_space<vmem_shared>>) dst(%dma_wait3A_199 : memref<632x16xf32, #tpu.memory_space<hbm>>)
        tpu.yield
      }) : () -> ()
    } else {
    }
    %eq3A_2 = arith.constant 1 : i32
    %eq3A_3 = arith.cmpi eq, %arg0, %eq3A_2 : i32
    %convert_element_type3A_4 = arith.extui %eq3A_3 : i1 to i32
    %cond3A_5 = arith.constant 0 : i32
    %cond3A_6 = arith.cmpi ne, %convert_element_type3A_4, %cond3A_5 : i32
    scf.if %cond3A_6 {
      %broadcast_in_dim3A = arith.constant 0.000000e+00 : f32
      %broadcast_in_dim3A_7 = vector.broadcast %broadcast_in_dim3A : f32 to vector<16xf32>
      %mul3A = arith.constant 632 : i32
      %mul3A_8 = arith.muli %arg1, %mul3A : i32
      %mul3A_9 = arith.constant 10000 : i32
      %mul3A_10 = arith.muli %arg1, %mul3A_9 : i32
      %scan3A = arith.constant 0 : i32
      %scan3A_11 = arith.constant 0 : i32
      %scan3A_12 = arith.constant 40 : i32
      %scan3A_13 = arith.addi %scan3A_11, %scan3A_12 : i32
      %scan3A_14 = arith.constant 1 : i32
      %scan3A_15 = scf.for %scan3A_193 = %scan3A_11 to %scan3A_13 step %scan3A_14 iter_args(%scan3A_194 = %scan3A) -> (i32)  : i32 {
        %swap3A = arith.constant 0 : i32
        %swap3A_195 = arith.index_cast %swap3A : i32 to index
        %swap3A_196 = arith.index_cast %scan3A_193 : i32 to index
        %swap3A_197 = arith.constant 0 : index
        %swap3A_198 = tpu.vector_load %arg19[%swap3A_195, %swap3A_196, %swap3A_197] {strides = array<i32>} : memref<2x40x128xf32, #tpu.memory_space<vmem>>, vector<16xf32>,
        tpu.vector_store %arg19[%swap3A_195, %swap3A_196, %swap3A_197], %broadcast_in_dim3A_7 {strides = array<i32>} : memref<2x40x128xf32, #tpu.memory_space<vmem>>, vector<16xf32>,
        %swap3A_199 = arith.constant 0 : i32
        %swap3A_200 = arith.index_cast %swap3A_199 : i32 to index
        %swap3A_201 = arith.index_cast %scan3A_193 : i32 to index
        %swap3A_202 = arith.constant 16 : index
        %swap3A_203 = tpu.vector_load %arg19[%swap3A_200, %swap3A_201, %swap3A_202] {strides = array<i32>} : memref<2x40x128xf32, #tpu.memory_space<vmem>>, vector<16xf32>,
        tpu.vector_store %arg19[%swap3A_200, %swap3A_201, %swap3A_202], %broadcast_in_dim3A_7 {strides = array<i32>} : memref<2x40x128xf32, #tpu.memory_space<vmem>>, vector<16xf32>,
        %swap3A_204 = arith.constant 0 : i32
        %swap3A_205 = arith.index_cast %swap3A_204 : i32 to index
        %swap3A_206 = arith.index_cast %scan3A_193 : i32 to index
        %swap3A_207 = arith.constant 32 : index
        %swap3A_208 = tpu.vector_load %arg19[%swap3A_205, %swap3A_206, %swap3A_207] {strides = array<i32>} : memref<2x40x128xf32, #tpu.memory_space<vmem>>, vector<16xf32>,
        tpu.vector_store %arg19[%swap3A_205, %swap3A_206, %swap3A_207], %broadcast_in_dim3A_7 {strides = array<i32>} : memref<2x40x128xf32, #tpu.memory_space<vmem>>, vector<16xf32>,
        %swap3A_209 = arith.constant 0 : i32
        %swap3A_210 = arith.index_cast %swap3A_209 : i32 to index
        %swap3A_211 = arith.index_cast %scan3A_193 : i32 to index
        %swap3A_212 = arith.constant 48 : index
        %swap3A_213 = tpu.vector_load %arg19[%swap3A_210, %swap3A_211, %swap3A_212] {strides = array<i32>} : memref<2x40x128xf32, #tpu.memory_space<vmem>>, vector<16xf32>,
        tpu.vector_store %arg19[%swap3A_210, %swap3A_211, %swap3A_212], %broadcast_in_dim3A_7 {strides = array<i32>} : memref<2x40x128xf32, #tpu.memory_space<vmem>>, vector<16xf32>,
        %swap3A_214 = arith.constant 0 : i32
        %swap3A_215 = arith.index_cast %swap3A_214 : i32 to index
        %swap3A_216 = arith.index_cast %scan3A_193 : i32 to index
        %swap3A_217 = arith.constant 64 : index
        %swap3A_218 = tpu.vector_load %arg19[%swap3A_215, %swap3A_216, %swap3A_217] {strides = array<i32>} : memref<2x40x128xf32, #tpu.memory_space<vmem>>, vector<16xf32>,
        tpu.vector_store %arg19[%swap3A_215, %swap3A_216, %swap3A_217], %broadcast_in_dim3A_7 {strides = array<i32>} : memref<2x40x128xf32, #tpu.memory_space<vmem>>, vector<16xf32>,
        %swap3A_219 = arith.constant 0 : i32
        %swap3A_220 = arith.index_cast %swap3A_219 : i32 to index
        %swap3A_221 = arith.index_cast %scan3A_193 : i32 to index
        %swap3A_222 = arith.constant 80 : index
        %swap3A_223 = tpu.vector_load %arg19[%swap3A_220, %swap3A_221, %swap3A_222] {strides = array<i32>} : memref<2x40x128xf32, #tpu.memory_space<vmem>>, vector<16xf32>,
        tpu.vector_store %arg19[%swap3A_220, %swap3A_221, %swap3A_222], %broadcast_in_dim3A_7 {strides = array<i32>} : memref<2x40x128xf32, #tpu.memory_space<vmem>>, vector<16xf32>,
        %swap3A_224 = arith.constant 0 : i32
        %swap3A_225 = arith.index_cast %swap3A_224 : i32 to index
        %swap3A_226 = arith.index_cast %scan3A_193 : i32 to index
        %swap3A_227 = arith.constant 96 : index
        %swap3A_228 = tpu.vector_load %arg19[%swap3A_225, %swap3A_226, %swap3A_227] {strides = array<i32>} : memref<2x40x128xf32, #tpu.memory_space<vmem>>, vector<16xf32>,
        tpu.vector_store %arg19[%swap3A_225, %swap3A_226, %swap3A_227], %broadcast_in_dim3A_7 {strides = array<i32>} : memref<2x40x128xf32, #tpu.memory_space<vmem>>, vector<16xf32>,
        %swap3A_229 = arith.constant 0 : i32
        %swap3A_230 = arith.index_cast %swap3A_229 : i32 to index
        %swap3A_231 = arith.index_cast %scan3A_193 : i32 to index
        %swap3A_232 = arith.constant 112 : index
        %swap3A_233 = tpu.vector_load %arg19[%swap3A_230, %swap3A_231, %swap3A_232] {strides = array<i32>} : memref<2x40x128xf32, #tpu.memory_space<vmem>>, vector<16xf32>,
        tpu.vector_store %arg19[%swap3A_230, %swap3A_231, %swap3A_232], %broadcast_in_dim3A_7 {strides = array<i32>} : memref<2x40x128xf32, #tpu.memory_space<vmem>>, vector<16xf32>,
        %swap3A_234 = arith.constant 0 : i32
        %swap3A_235 = arith.index_cast %swap3A_234 : i32 to index
        %swap3A_236 = arith.index_cast %scan3A_193 : i32 to index
        %swap3A_237 = arith.constant 0 : index
        %swap3A_238 = tpu.vector_load %arg21[%swap3A_235, %swap3A_236, %swap3A_237] {strides = array<i32>} : memref<2x40x16xf32, #tpu.memory_space<vmem>>, vector<16xf32>,
        tpu.vector_store %arg21[%swap3A_235, %swap3A_236, %swap3A_237], %broadcast_in_dim3A_7 {strides = array<i32>} : memref<2x40x16xf32, #tpu.memory_space<vmem>>, vector<16xf32>,
        %scan3A_239 = arith.constant 0 : i32
        scf.yield %scan3A_239 : i32
      }
      %scan3A_16 = arith.constant 40 : i32
      %add3A = arith.constant 0 : i32
      %add3A_17 = arith.addi %mul3A_8, %add3A : i32
      %run_scoped3A = arith.constant 0 : i32
      "tpu.region"() ({
        %run_scoped3A_193 = tpu.sem_alloc : memref<!tpu.dma_semaphore, #tpu.memory_space<semaphore_mem>>
        %dma_start3A_194 = arith.constant 0 : i32
        %dma_start3A_195 = arith.constant 0 : i32
        %dma_start3A_196 = tpu.memref_slice %arg19[%run_scoped3A, %dma_start3A_194, %dma_start3A_195] : memref<2x40x128xf32, #tpu.memory_space<vmem>> -> memref<1x40x128xf32, #tpu.memory_space<vmem>>
        %dma_start3A_197 = tpu.memref_squeeze %dma_start3A_196 : memref<1x40x128xf32, #tpu.memory_space<vmem>> -> memref<40x128xf32, #tpu.memory_space<vmem>>
        %dma_start3A_198 = arith.constant 0 : i32
        %dma_start3A_199 = tpu.memref_slice %arg22[%add3A_17, %dma_start3A_198] : memref<10112x128xf32, #tpu.memory_space<vmem_shared>> -> memref<40x128xf32, #tpu.memory_space<vmem_shared>>
        %dma_start3A_200 = arith.constant 0 : i32
        %dma_start3A_201 = tpu.memref_slice %arg22[%add3A_17, %dma_start3A_200] : memref<10112x128xf32, #tpu.memory_space<vmem_shared>> -> memref<40x128xf32, #tpu.memory_space<vmem_shared>>
        %dma_start3A_202 = arith.constant 0 : i32
        %dma_start3A_203 = arith.constant 0 : i32
        %dma_start3A_204 = tpu.memref_slice %arg19[%run_scoped3A, %dma_start3A_202, %dma_start3A_203] : memref<2x40x128xf32, #tpu.memory_space<vmem>> -> memref<1x40x128xf32, #tpu.memory_space<vmem>>
        %dma_start3A_205 = tpu.memref_squeeze %dma_start3A_204 : memref<1x40x128xf32, #tpu.memory_space<vmem>> -> memref<40x128xf32, #tpu.memory_space<vmem>>
        tpu.enqueue_dma source(%dma_start3A_205 : memref<40x128xf32, #tpu.memory_space<vmem>>) target(%dma_start3A_201 : memref<40x128xf32, #tpu.memory_space<vmem_shared>>) target_semaphore(%run_scoped3A_193 : memref<!tpu.dma_semaphore, #tpu.memory_space<semaphore_mem>>)
        %dma_wait3A_206 = arith.constant 0 : i32
        %dma_wait3A_207 = arith.constant 0 : i32
        %dma_wait3A_208 = tpu.memref_slice %arg19[%run_scoped3A, %dma_wait3A_206, %dma_wait3A_207] : memref<2x40x128xf32, #tpu.memory_space<vmem>> -> memref<1x40x128xf32, #tpu.memory_space<vmem>>
        %dma_wait3A_209 = tpu.memref_squeeze %dma_wait3A_208 : memref<1x40x128xf32, #tpu.memory_space<vmem>> -> memref<40x128xf32, #tpu.memory_space<vmem>>
        %dma_wait3A_210 = arith.constant 0 : i32
        %dma_wait3A_211 = tpu.memref_slice %arg22[%add3A_17, %dma_wait3A_210] : memref<10112x128xf32, #tpu.memory_space<vmem_shared>> -> memref<40x128xf32, #tpu.memory_space<vmem_shared>>
        %dma_wait3A_212 = arith.constant 0 : i32
        %dma_wait3A_213 = tpu.memref_slice %arg22[%add3A_17, %dma_wait3A_212] : memref<10112x128xf32, #tpu.memory_space<vmem_shared>> -> memref<40x128xf32, #tpu.memory_space<vmem_shared>>
        %dma_wait3A_214 = arith.constant 0 : i32
        %dma_wait3A_215 = arith.constant 0 : i32
        %dma_wait3A_216 = tpu.memref_slice %arg19[%run_scoped3A, %dma_wait3A_214, %dma_wait3A_215] : memref<2x40x128xf32, #tpu.memory_space<vmem>> -> memref<1x40x128xf32, #tpu.memory_space<vmem>>
        %dma_wait3A_217 = tpu.memref_squeeze %dma_wait3A_216 : memref<1x40x128xf32, #tpu.memory_space<vmem>> -> memref<40x128xf32, #tpu.memory_space<vmem>>
        tpu.wait_dma2 semaphore(%run_scoped3A_193 : memref<!tpu.dma_semaphore, #tpu.memory_space<semaphore_mem>>) src(%dma_wait3A_217 : memref<40x128xf32, #tpu.memory_space<vmem>>) dst(%dma_wait3A_213 : memref<40x128xf32, #tpu.memory_space<vmem_shared>>)
        tpu.yield
      }) : () -> ()
      %add3A_18 = arith.constant 0 : i32
      %add3A_19 = arith.addi %mul3A_8, %add3A_18 : i32
      %run_scoped3A_20 = arith.constant 0 : i32
      "tpu.region"() ({
        %run_scoped3A_193 = tpu.sem_alloc : memref<!tpu.dma_semaphore, #tpu.memory_space<semaphore_mem>>
        %dma_start3A_194 = arith.constant 0 : i32
        %dma_start3A_195 = arith.constant 0 : i32
        %dma_start3A_196 = tpu.memref_slice %arg21[%run_scoped3A_20, %dma_start3A_194, %dma_start3A_195] : memref<2x40x16xf32, #tpu.memory_space<vmem>> -> memref<1x40x16xf32, #tpu.memory_space<vmem>>
        %dma_start3A_197 = tpu.memref_squeeze %dma_start3A_196 : memref<1x40x16xf32, #tpu.memory_space<vmem>> -> memref<40x16xf32, #tpu.memory_space<vmem>>
        %dma_start3A_198 = arith.constant 0 : i32
        %dma_start3A_199 = tpu.memref_slice %arg23[%add3A_19, %dma_start3A_198] : memref<10112x16xf32, #tpu.memory_space<vmem_shared>> -> memref<40x16xf32, #tpu.memory_space<vmem_shared>>
        %dma_start3A_200 = arith.constant 0 : i32
        %dma_start3A_201 = tpu.memref_slice %arg23[%add3A_19, %dma_start3A_200] : memref<10112x16xf32, #tpu.memory_space<vmem_shared>> -> memref<40x16xf32, #tpu.memory_space<vmem_shared>>
        %dma_start3A_202 = arith.constant 0 : i32
        %dma_start3A_203 = arith.constant 0 : i32
        %dma_start3A_204 = tpu.memref_slice %arg21[%run_scoped3A_20, %dma_start3A_202, %dma_start3A_203] : memref<2x40x16xf32, #tpu.memory_space<vmem>> -> memref<1x40x16xf32, #tpu.memory_space<vmem>>
        %dma_start3A_205 = tpu.memref_squeeze %dma_start3A_204 : memref<1x40x16xf32, #tpu.memory_space<vmem>> -> memref<40x16xf32, #tpu.memory_space<vmem>>
        tpu.enqueue_dma source(%dma_start3A_205 : memref<40x16xf32, #tpu.memory_space<vmem>>) target(%dma_start3A_201 : memref<40x16xf32, #tpu.memory_space<vmem_shared>>) target_semaphore(%run_scoped3A_193 : memref<!tpu.dma_semaphore, #tpu.memory_space<semaphore_mem>>)
        %dma_wait3A_206 = arith.constant 0 : i32
        %dma_wait3A_207 = arith.constant 0 : i32
        %dma_wait3A_208 = tpu.memref_slice %arg21[%run_scoped3A_20, %dma_wait3A_206, %dma_wait3A_207] : memref<2x40x16xf32, #tpu.memory_space<vmem>> -> memref<1x40x16xf32, #tpu.memory_space<vmem>>
        %dma_wait3A_209 = tpu.memref_squeeze %dma_wait3A_208 : memref<1x40x16xf32, #tpu.memory_space<vmem>> -> memref<40x16xf32, #tpu.memory_space<vmem>>
        %dma_wait3A_210 = arith.constant 0 : i32
        %dma_wait3A_211 = tpu.memref_slice %arg23[%add3A_19, %dma_wait3A_210] : memref<10112x16xf32, #tpu.memory_space<vmem_shared>> -> memref<40x16xf32, #tpu.memory_space<vmem_shared>>
        %dma_wait3A_212 = arith.constant 0 : i32
        %dma_wait3A_213 = tpu.memref_slice %arg23[%add3A_19, %dma_wait3A_212] : memref<10112x16xf32, #tpu.memory_space<vmem_shared>> -> memref<40x16xf32, #tpu.memory_space<vmem_shared>>
        %dma_wait3A_214 = arith.constant 0 : i32
        %dma_wait3A_215 = arith.constant 0 : i32
        %dma_wait3A_216 = tpu.memref_slice %arg21[%run_scoped3A_20, %dma_wait3A_214, %dma_wait3A_215] : memref<2x40x16xf32, #tpu.memory_space<vmem>> -> memref<1x40x16xf32, #tpu.memory_space<vmem>>
        %dma_wait3A_217 = tpu.memref_squeeze %dma_wait3A_216 : memref<1x40x16xf32, #tpu.memory_space<vmem>> -> memref<40x16xf32, #tpu.memory_space<vmem>>
        tpu.wait_dma2 semaphore(%run_scoped3A_193 : memref<!tpu.dma_semaphore, #tpu.memory_space<semaphore_mem>>) src(%dma_wait3A_217 : memref<40x16xf32, #tpu.memory_space<vmem>>) dst(%dma_wait3A_213 : memref<40x16xf32, #tpu.memory_space<vmem_shared>>)
        tpu.yield
      }) : () -> ()
      %add3A_21 = arith.constant 40 : i32
      %add3A_22 = arith.addi %mul3A_8, %add3A_21 : i32
      %run_scoped3A_23 = arith.constant 0 : i32
      "tpu.region"() ({
        %run_scoped3A_193 = tpu.sem_alloc : memref<!tpu.dma_semaphore, #tpu.memory_space<semaphore_mem>>
        %dma_start3A_194 = arith.constant 0 : i32
        %dma_start3A_195 = arith.constant 0 : i32
        %dma_start3A_196 = tpu.memref_slice %arg19[%run_scoped3A_23, %dma_start3A_194, %dma_start3A_195] : memref<2x40x128xf32, #tpu.memory_space<vmem>> -> memref<1x40x128xf32, #tpu.memory_space<vmem>>
        %dma_start3A_197 = tpu.memref_squeeze %dma_start3A_196 : memref<1x40x128xf32, #tpu.memory_space<vmem>> -> memref<40x128xf32, #tpu.memory_space<vmem>>
        %dma_start3A_198 = arith.constant 0 : i32
        %dma_start3A_199 = tpu.memref_slice %arg22[%add3A_22, %dma_start3A_198] : memref<10112x128xf32, #tpu.memory_space<vmem_shared>> -> memref<40x128xf32, #tpu.memory_space<vmem_shared>>
        %dma_start3A_200 = arith.constant 0 : i32
        %dma_start3A_201 = tpu.memref_slice %arg22[%add3A_22, %dma_start3A_200] : memref<10112x128xf32, #tpu.memory_space<vmem_shared>> -> memref<40x128xf32, #tpu.memory_space<vmem_shared>>
        %dma_start3A_202 = arith.constant 0 : i32
        %dma_start3A_203 = arith.constant 0 : i32
        %dma_start3A_204 = tpu.memref_slice %arg19[%run_scoped3A_23, %dma_start3A_202, %dma_start3A_203] : memref<2x40x128xf32, #tpu.memory_space<vmem>> -> memref<1x40x128xf32, #tpu.memory_space<vmem>>
        %dma_start3A_205 = tpu.memref_squeeze %dma_start3A_204 : memref<1x40x128xf32, #tpu.memory_space<vmem>> -> memref<40x128xf32, #tpu.memory_space<vmem>>
        tpu.enqueue_dma source(%dma_start3A_205 : memref<40x128xf32, #tpu.memory_space<vmem>>) target(%dma_start3A_201 : memref<40x128xf32, #tpu.memory_space<vmem_shared>>) target_semaphore(%run_scoped3A_193 : memref<!tpu.dma_semaphore, #tpu.memory_space<semaphore_mem>>)
        %dma_wait3A_206 = arith.constant 0 : i32
        %dma_wait3A_207 = arith.constant 0 : i32
        %dma_wait3A_208 = tpu.memref_slice %arg19[%run_scoped3A_23, %dma_wait3A_206, %dma_wait3A_207] : memref<2x40x128xf32, #tpu.memory_space<vmem>> -> memref<1x40x128xf32, #tpu.memory_space<vmem>>
        %dma_wait3A_209 = tpu.memref_squeeze %dma_wait3A_208 : memref<1x40x128xf32, #tpu.memory_space<vmem>> -> memref<40x128xf32, #tpu.memory_space<vmem>>
        %dma_wait3A_210 = arith.constant 0 : i32
        %dma_wait3A_211 = tpu.memref_slice %arg22[%add3A_22, %dma_wait3A_210] : memref<10112x128xf32, #tpu.memory_space<vmem_shared>> -> memref<40x128xf32, #tpu.memory_space<vmem_shared>>
        %dma_wait3A_212 = arith.constant 0 : i32
        %dma_wait3A_213 = tpu.memref_slice %arg22[%add3A_22, %dma_wait3A_212] : memref<10112x128xf32, #tpu.memory_space<vmem_shared>> -> memref<40x128xf32, #tpu.memory_space<vmem_shared>>
        %dma_wait3A_214 = arith.constant 0 : i32
        %dma_wait3A_215 = arith.constant 0 : i32
        %dma_wait3A_216 = tpu.memref_slice %arg19[%run_scoped3A_23, %dma_wait3A_214, %dma_wait3A_215] : memref<2x40x128xf32, #tpu.memory_space<vmem>> -> memref<1x40x128xf32, #tpu.memory_space<vmem>>
        %dma_wait3A_217 = tpu.memref_squeeze %dma_wait3A_216 : memref<1x40x128xf32, #tpu.memory_space<vmem>> -> memref<40x128xf32, #tpu.memory_space<vmem>>
        tpu.wait_dma2 semaphore(%run_scoped3A_193 : memref<!tpu.dma_semaphore, #tpu.memory_space<semaphore_mem>>) src(%dma_wait3A_217 : memref<40x128xf32, #tpu.memory_space<vmem>>) dst(%dma_wait3A_213 : memref<40x128xf32, #tpu.memory_space<vmem_shared>>)
        tpu.yield
      }) : () -> ()
      %add3A_24 = arith.constant 40 : i32
      %add3A_25 = arith.addi %mul3A_8, %add3A_24 : i32
      %run_scoped3A_26 = arith.constant 0 : i32
      "tpu.region"() ({
        %run_scoped3A_193 = tpu.sem_alloc : memref<!tpu.dma_semaphore, #tpu.memory_space<semaphore_mem>>
        %dma_start3A_194 = arith.constant 0 : i32
        %dma_start3A_195 = arith.constant 0 : i32
        %dma_start3A_196 = tpu.memref_slice %arg21[%run_scoped3A_26, %dma_start3A_194, %dma_start3A_195] : memref<2x40x16xf32, #tpu.memory_space<vmem>> -> memref<1x40x16xf32, #tpu.memory_space<vmem>>
        %dma_start3A_197 = tpu.memref_squeeze %dma_start3A_196 : memref<1x40x16xf32, #tpu.memory_space<vmem>> -> memref<40x16xf32, #tpu.memory_space<vmem>>
        %dma_start3A_198 = arith.constant 0 : i32
        %dma_start3A_199 = tpu.memref_slice %arg23[%add3A_25, %dma_start3A_198] : memref<10112x16xf32, #tpu.memory_space<vmem_shared>> -> memref<40x16xf32, #tpu.memory_space<vmem_shared>>
        %dma_start3A_200 = arith.constant 0 : i32
        %dma_start3A_201 = tpu.memref_slice %arg23[%add3A_25, %dma_start3A_200] : memref<10112x16xf32, #tpu.memory_space<vmem_shared>> -> memref<40x16xf32, #tpu.memory_space<vmem_shared>>
        %dma_start3A_202 = arith.constant 0 : i32
        %dma_start3A_203 = arith.constant 0 : i32
        %dma_start3A_204 = tpu.memref_slice %arg21[%run_scoped3A_26, %dma_start3A_202, %dma_start3A_203] : memref<2x40x16xf32, #tpu.memory_space<vmem>> -> memref<1x40x16xf32, #tpu.memory_space<vmem>>
        %dma_start3A_205 = tpu.memref_squeeze %dma_start3A_204 : memref<1x40x16xf32, #tpu.memory_space<vmem>> -> memref<40x16xf32, #tpu.memory_space<vmem>>
        tpu.enqueue_dma source(%dma_start3A_205 : memref<40x16xf32, #tpu.memory_space<vmem>>) target(%dma_start3A_201 : memref<40x16xf32, #tpu.memory_space<vmem_shared>>) target_semaphore(%run_scoped3A_193 : memref<!tpu.dma_semaphore, #tpu.memory_space<semaphore_mem>>)
        %dma_wait3A_206 = arith.constant 0 : i32
        %dma_wait3A_207 = arith.constant 0 : i32
        %dma_wait3A_208 = tpu.memref_slice %arg21[%run_scoped3A_26, %dma_wait3A_206, %dma_wait3A_207] : memref<2x40x16xf32, #tpu.memory_space<vmem>> -> memref<1x40x16xf32, #tpu.memory_space<vmem>>
        %dma_wait3A_209 = tpu.memref_squeeze %dma_wait3A_208 : memref<1x40x16xf32, #tpu.memory_space<vmem>> -> memref<40x16xf32, #tpu.memory_space<vmem>>
        %dma_wait3A_210 = arith.constant 0 : i32
        %dma_wait3A_211 = tpu.memref_slice %arg23[%add3A_25, %dma_wait3A_210] : memref<10112x16xf32, #tpu.memory_space<vmem_shared>> -> memref<40x16xf32, #tpu.memory_space<vmem_shared>>
        %dma_wait3A_212 = arith.constant 0 : i32
        %dma_wait3A_213 = tpu.memref_slice %arg23[%add3A_25, %dma_wait3A_212] : memref<10112x16xf32, #tpu.memory_space<vmem_shared>> -> memref<40x16xf32, #tpu.memory_space<vmem_shared>>
        %dma_wait3A_214 = arith.constant 0 : i32
        %dma_wait3A_215 = arith.constant 0 : i32
        %dma_wait3A_216 = tpu.memref_slice %arg21[%run_scoped3A_26, %dma_wait3A_214, %dma_wait3A_215] : memref<2x40x16xf32, #tpu.memory_space<vmem>> -> memref<1x40x16xf32, #tpu.memory_space<vmem>>
        %dma_wait3A_217 = tpu.memref_squeeze %dma_wait3A_216 : memref<1x40x16xf32, #tpu.memory_space<vmem>> -> memref<40x16xf32, #tpu.memory_space<vmem>>
        tpu.wait_dma2 semaphore(%run_scoped3A_193 : memref<!tpu.dma_semaphore, #tpu.memory_space<semaphore_mem>>) src(%dma_wait3A_217 : memref<40x16xf32, #tpu.memory_space<vmem>>) dst(%dma_wait3A_213 : memref<40x16xf32, #tpu.memory_space<vmem_shared>>)
        tpu.yield
      }) : () -> ()
      %add3A_27 = arith.constant 80 : i32
      %add3A_28 = arith.addi %mul3A_8, %add3A_27 : i32
      %run_scoped3A_29 = arith.constant 0 : i32
      "tpu.region"() ({
        %run_scoped3A_193 = tpu.sem_alloc : memref<!tpu.dma_semaphore, #tpu.memory_space<semaphore_mem>>
        %dma_start3A_194 = arith.constant 0 : i32
        %dma_start3A_195 = arith.constant 0 : i32
        %dma_start3A_196 = tpu.memref_slice %arg19[%run_scoped3A_29, %dma_start3A_194, %dma_start3A_195] : memref<2x40x128xf32, #tpu.memory_space<vmem>> -> memref<1x40x128xf32, #tpu.memory_space<vmem>>
        %dma_start3A_197 = tpu.memref_squeeze %dma_start3A_196 : memref<1x40x128xf32, #tpu.memory_space<vmem>> -> memref<40x128xf32, #tpu.memory_space<vmem>>
        %dma_start3A_198 = arith.constant 0 : i32
        %dma_start3A_199 = tpu.memref_slice %arg22[%add3A_28, %dma_start3A_198] : memref<10112x128xf32, #tpu.memory_space<vmem_shared>> -> memref<40x128xf32, #tpu.memory_space<vmem_shared>>
        %dma_start3A_200 = arith.constant 0 : i32
        %dma_start3A_201 = tpu.memref_slice %arg22[%add3A_28, %dma_start3A_200] : memref<10112x128xf32, #tpu.memory_space<vmem_shared>> -> memref<40x128xf32, #tpu.memory_space<vmem_shared>>
        %dma_start3A_202 = arith.constant 0 : i32
        %dma_start3A_203 = arith.constant 0 : i32
        %dma_start3A_204 = tpu.memref_slice %arg19[%run_scoped3A_29, %dma_start3A_202, %dma_start3A_203] : memref<2x40x128xf32, #tpu.memory_space<vmem>> -> memref<1x40x128xf32, #tpu.memory_space<vmem>>
        %dma_start3A_205 = tpu.memref_squeeze %dma_start3A_204 : memref<1x40x128xf32, #tpu.memory_space<vmem>> -> memref<40x128xf32, #tpu.memory_space<vmem>>
        tpu.enqueue_dma source(%dma_start3A_205 : memref<40x128xf32, #tpu.memory_space<vmem>>) target(%dma_start3A_201 : memref<40x128xf32, #tpu.memory_space<vmem_shared>>) target_semaphore(%run_scoped3A_193 : memref<!tpu.dma_semaphore, #tpu.memory_space<semaphore_mem>>)
        %dma_wait3A_206 = arith.constant 0 : i32
        %dma_wait3A_207 = arith.constant 0 : i32
        %dma_wait3A_208 = tpu.memref_slice %arg19[%run_scoped3A_29, %dma_wait3A_206, %dma_wait3A_207] : memref<2x40x128xf32, #tpu.memory_space<vmem>> -> memref<1x40x128xf32, #tpu.memory_space<vmem>>
        %dma_wait3A_209 = tpu.memref_squeeze %dma_wait3A_208 : memref<1x40x128xf32, #tpu.memory_space<vmem>> -> memref<40x128xf32, #tpu.memory_space<vmem>>
        %dma_wait3A_210 = arith.constant 0 : i32
        %dma_wait3A_211 = tpu.memref_slice %arg22[%add3A_28, %dma_wait3A_210] : memref<10112x128xf32, #tpu.memory_space<vmem_shared>> -> memref<40x128xf32, #tpu.memory_space<vmem_shared>>
        %dma_wait3A_212 = arith.constant 0 : i32
        %dma_wait3A_213 = tpu.memref_slice %arg22[%add3A_28, %dma_wait3A_212] : memref<10112x128xf32, #tpu.memory_space<vmem_shared>> -> memref<40x128xf32, #tpu.memory_space<vmem_shared>>
        %dma_wait3A_214 = arith.constant 0 : i32
        %dma_wait3A_215 = arith.constant 0 : i32
        %dma_wait3A_216 = tpu.memref_slice %arg19[%run_scoped3A_29, %dma_wait3A_214, %dma_wait3A_215] : memref<2x40x128xf32, #tpu.memory_space<vmem>> -> memref<1x40x128xf32, #tpu.memory_space<vmem>>
        %dma_wait3A_217 = tpu.memref_squeeze %dma_wait3A_216 : memref<1x40x128xf32, #tpu.memory_space<vmem>> -> memref<40x128xf32, #tpu.memory_space<vmem>>
        tpu.wait_dma2 semaphore(%run_scoped3A_193 : memref<!tpu.dma_semaphore, #tpu.memory_space<semaphore_mem>>) src(%dma_wait3A_217 : memref<40x128xf32, #tpu.memory_space<vmem>>) dst(%dma_wait3A_213 : memref<40x128xf32, #tpu.memory_space<vmem_shared>>)
        tpu.yield
      }) : () -> ()
      %add3A_30 = arith.constant 80 : i32
      %add3A_31 = arith.addi %mul3A_8, %add3A_30 : i32
      %run_scoped3A_32 = arith.constant 0 : i32
      "tpu.region"() ({
        %run_scoped3A_193 = tpu.sem_alloc : memref<!tpu.dma_semaphore, #tpu.memory_space<semaphore_mem>>
        %dma_start3A_194 = arith.constant 0 : i32
        %dma_start3A_195 = arith.constant 0 : i32
        %dma_start3A_196 = tpu.memref_slice %arg21[%run_scoped3A_32, %dma_start3A_194, %dma_start3A_195] : memref<2x40x16xf32, #tpu.memory_space<vmem>> -> memref<1x40x16xf32, #tpu.memory_space<vmem>>
        %dma_start3A_197 = tpu.memref_squeeze %dma_start3A_196 : memref<1x40x16xf32, #tpu.memory_space<vmem>> -> memref<40x16xf32, #tpu.memory_space<vmem>>
        %dma_start3A_198 = arith.constant 0 : i32
        %dma_start3A_199 = tpu.memref_slice %arg23[%add3A_31, %dma_start3A_198] : memref<10112x16xf32, #tpu.memory_space<vmem_shared>> -> memref<40x16xf32, #tpu.memory_space<vmem_shared>>
        %dma_start3A_200 = arith.constant 0 : i32
        %dma_start3A_201 = tpu.memref_slice %arg23[%add3A_31, %dma_start3A_200] : memref<10112x16xf32, #tpu.memory_space<vmem_shared>> -> memref<40x16xf32, #tpu.memory_space<vmem_shared>>
        %dma_start3A_202 = arith.constant 0 : i32
        %dma_start3A_203 = arith.constant 0 : i32
        %dma_start3A_204 = tpu.memref_slice %arg21[%run_scoped3A_32, %dma_start3A_202, %dma_start3A_203] : memref<2x40x16xf32, #tpu.memory_space<vmem>> -> memref<1x40x16xf32, #tpu.memory_space<vmem>>
        %dma_start3A_205 = tpu.memref_squeeze %dma_start3A_204 : memref<1x40x16xf32, #tpu.memory_space<vmem>> -> memref<40x16xf32, #tpu.memory_space<vmem>>
        tpu.enqueue_dma source(%dma_start3A_205 : memref<40x16xf32, #tpu.memory_space<vmem>>) target(%dma_start3A_201 : memref<40x16xf32, #tpu.memory_space<vmem_shared>>) target_semaphore(%run_scoped3A_193 : memref<!tpu.dma_semaphore, #tpu.memory_space<semaphore_mem>>)
        %dma_wait3A_206 = arith.constant 0 : i32
        %dma_wait3A_207 = arith.constant 0 : i32
        %dma_wait3A_208 = tpu.memref_slice %arg21[%run_scoped3A_32, %dma_wait3A_206, %dma_wait3A_207] : memref<2x40x16xf32, #tpu.memory_space<vmem>> -> memref<1x40x16xf32, #tpu.memory_space<vmem>>
        %dma_wait3A_209 = tpu.memref_squeeze %dma_wait3A_208 : memref<1x40x16xf32, #tpu.memory_space<vmem>> -> memref<40x16xf32, #tpu.memory_space<vmem>>
        %dma_wait3A_210 = arith.constant 0 : i32
        %dma_wait3A_211 = tpu.memref_slice %arg23[%add3A_31, %dma_wait3A_210] : memref<10112x16xf32, #tpu.memory_space<vmem_shared>> -> memref<40x16xf32, #tpu.memory_space<vmem_shared>>
        %dma_wait3A_212 = arith.constant 0 : i32
        %dma_wait3A_213 = tpu.memref_slice %arg23[%add3A_31, %dma_wait3A_212] : memref<10112x16xf32, #tpu.memory_space<vmem_shared>> -> memref<40x16xf32, #tpu.memory_space<vmem_shared>>
        %dma_wait3A_214 = arith.constant 0 : i32
        %dma_wait3A_215 = arith.constant 0 : i32
        %dma_wait3A_216 = tpu.memref_slice %arg21[%run_scoped3A_32, %dma_wait3A_214, %dma_wait3A_215] : memref<2x40x16xf32, #tpu.memory_space<vmem>> -> memref<1x40x16xf32, #tpu.memory_space<vmem>>
        %dma_wait3A_217 = tpu.memref_squeeze %dma_wait3A_216 : memref<1x40x16xf32, #tpu.memory_space<vmem>> -> memref<40x16xf32, #tpu.memory_space<vmem>>
        tpu.wait_dma2 semaphore(%run_scoped3A_193 : memref<!tpu.dma_semaphore, #tpu.memory_space<semaphore_mem>>) src(%dma_wait3A_217 : memref<40x16xf32, #tpu.memory_space<vmem>>) dst(%dma_wait3A_213 : memref<40x16xf32, #tpu.memory_space<vmem_shared>>)
        tpu.yield
      }) : () -> ()
      %add3A_33 = arith.constant 120 : i32
      %add3A_34 = arith.addi %mul3A_8, %add3A_33 : i32
      %run_scoped3A_35 = arith.constant 0 : i32
      "tpu.region"() ({
        %run_scoped3A_193 = tpu.sem_alloc : memref<!tpu.dma_semaphore, #tpu.memory_space<semaphore_mem>>
        %dma_start3A_194 = arith.constant 0 : i32
        %dma_start3A_195 = arith.constant 0 : i32
        %dma_start3A_196 = tpu.memref_slice %arg19[%run_scoped3A_35, %dma_start3A_194, %dma_start3A_195] : memref<2x40x128xf32, #tpu.memory_space<vmem>> -> memref<1x40x128xf32, #tpu.memory_space<vmem>>
        %dma_start3A_197 = tpu.memref_squeeze %dma_start3A_196 : memref<1x40x128xf32, #tpu.memory_space<vmem>> -> memref<40x128xf32, #tpu.memory_space<vmem>>
        %dma_start3A_198 = arith.constant 0 : i32
        %dma_start3A_199 = tpu.memref_slice %arg22[%add3A_34, %dma_start3A_198] : memref<10112x128xf32, #tpu.memory_space<vmem_shared>> -> memref<40x128xf32, #tpu.memory_space<vmem_shared>>
        %dma_start3A_200 = arith.constant 0 : i32
        %dma_start3A_201 = tpu.memref_slice %arg22[%add3A_34, %dma_start3A_200] : memref<10112x128xf32, #tpu.memory_space<vmem_shared>> -> memref<40x128xf32, #tpu.memory_space<vmem_shared>>
        %dma_start3A_202 = arith.constant 0 : i32
        %dma_start3A_203 = arith.constant 0 : i32
        %dma_start3A_204 = tpu.memref_slice %arg19[%run_scoped3A_35, %dma_start3A_202, %dma_start3A_203] : memref<2x40x128xf32, #tpu.memory_space<vmem>> -> memref<1x40x128xf32, #tpu.memory_space<vmem>>
        %dma_start3A_205 = tpu.memref_squeeze %dma_start3A_204 : memref<1x40x128xf32, #tpu.memory_space<vmem>> -> memref<40x128xf32, #tpu.memory_space<vmem>>
        tpu.enqueue_dma source(%dma_start3A_205 : memref<40x128xf32, #tpu.memory_space<vmem>>) target(%dma_start3A_201 : memref<40x128xf32, #tpu.memory_space<vmem_shared>>) target_semaphore(%run_scoped3A_193 : memref<!tpu.dma_semaphore, #tpu.memory_space<semaphore_mem>>)
        %dma_wait3A_206 = arith.constant 0 : i32
        %dma_wait3A_207 = arith.constant 0 : i32
        %dma_wait3A_208 = tpu.memref_slice %arg19[%run_scoped3A_35, %dma_wait3A_206, %dma_wait3A_207] : memref<2x40x128xf32, #tpu.memory_space<vmem>> -> memref<1x40x128xf32, #tpu.memory_space<vmem>>
        %dma_wait3A_209 = tpu.memref_squeeze %dma_wait3A_208 : memref<1x40x128xf32, #tpu.memory_space<vmem>> -> memref<40x128xf32, #tpu.memory_space<vmem>>
        %dma_wait3A_210 = arith.constant 0 : i32
        %dma_wait3A_211 = tpu.memref_slice %arg22[%add3A_34, %dma_wait3A_210] : memref<10112x128xf32, #tpu.memory_space<vmem_shared>> -> memref<40x128xf32, #tpu.memory_space<vmem_shared>>
        %dma_wait3A_212 = arith.constant 0 : i32
        %dma_wait3A_213 = tpu.memref_slice %arg22[%add3A_34, %dma_wait3A_212] : memref<10112x128xf32, #tpu.memory_space<vmem_shared>> -> memref<40x128xf32, #tpu.memory_space<vmem_shared>>
        %dma_wait3A_214 = arith.constant 0 : i32
        %dma_wait3A_215 = arith.constant 0 : i32
        %dma_wait3A_216 = tpu.memref_slice %arg19[%run_scoped3A_35, %dma_wait3A_214, %dma_wait3A_215] : memref<2x40x128xf32, #tpu.memory_space<vmem>> -> memref<1x40x128xf32, #tpu.memory_space<vmem>>
        %dma_wait3A_217 = tpu.memref_squeeze %dma_wait3A_216 : memref<1x40x128xf32, #tpu.memory_space<vmem>> -> memref<40x128xf32, #tpu.memory_space<vmem>>
        tpu.wait_dma2 semaphore(%run_scoped3A_193 : memref<!tpu.dma_semaphore, #tpu.memory_space<semaphore_mem>>) src(%dma_wait3A_217 : memref<40x128xf32, #tpu.memory_space<vmem>>) dst(%dma_wait3A_213 : memref<40x128xf32, #tpu.memory_space<vmem_shared>>)
        tpu.yield
      }) : () -> ()
      %add3A_36 = arith.constant 120 : i32
      %add3A_37 = arith.addi %mul3A_8, %add3A_36 : i32
      %run_scoped3A_38 = arith.constant 0 : i32
      "tpu.region"() ({
        %run_scoped3A_193 = tpu.sem_alloc : memref<!tpu.dma_semaphore, #tpu.memory_space<semaphore_mem>>
        %dma_start3A_194 = arith.constant 0 : i32
        %dma_start3A_195 = arith.constant 0 : i32
        %dma_start3A_196 = tpu.memref_slice %arg21[%run_scoped3A_38, %dma_start3A_194, %dma_start3A_195] : memref<2x40x16xf32, #tpu.memory_space<vmem>> -> memref<1x40x16xf32, #tpu.memory_space<vmem>>
        %dma_start3A_197 = tpu.memref_squeeze %dma_start3A_196 : memref<1x40x16xf32, #tpu.memory_space<vmem>> -> memref<40x16xf32, #tpu.memory_space<vmem>>
        %dma_start3A_198 = arith.constant 0 : i32
        %dma_start3A_199 = tpu.memref_slice %arg23[%add3A_37, %dma_start3A_198] : memref<10112x16xf32, #tpu.memory_space<vmem_shared>> -> memref<40x16xf32, #tpu.memory_space<vmem_shared>>
        %dma_start3A_200 = arith.constant 0 : i32
        %dma_start3A_201 = tpu.memref_slice %arg23[%add3A_37, %dma_start3A_200] : memref<10112x16xf32, #tpu.memory_space<vmem_shared>> -> memref<40x16xf32, #tpu.memory_space<vmem_shared>>
        %dma_start3A_202 = arith.constant 0 : i32
        %dma_start3A_203 = arith.constant 0 : i32
        %dma_start3A_204 = tpu.memref_slice %arg21[%run_scoped3A_38, %dma_start3A_202, %dma_start3A_203] : memref<2x40x16xf32, #tpu.memory_space<vmem>> -> memref<1x40x16xf32, #tpu.memory_space<vmem>>
        %dma_start3A_205 = tpu.memref_squeeze %dma_start3A_204 : memref<1x40x16xf32, #tpu.memory_space<vmem>> -> memref<40x16xf32, #tpu.memory_space<vmem>>
        tpu.enqueue_dma source(%dma_start3A_205 : memref<40x16xf32, #tpu.memory_space<vmem>>) target(%dma_start3A_201 : memref<40x16xf32, #tpu.memory_space<vmem_shared>>) target_semaphore(%run_scoped3A_193 : memref<!tpu.dma_semaphore, #tpu.memory_space<semaphore_mem>>)
        %dma_wait3A_206 = arith.constant 0 : i32
        %dma_wait3A_207 = arith.constant 0 : i32
        %dma_wait3A_208 = tpu.memref_slice %arg21[%run_scoped3A_38, %dma_wait3A_206, %dma_wait3A_207] : memref<2x40x16xf32, #tpu.memory_space<vmem>> -> memref<1x40x16xf32, #tpu.memory_space<vmem>>
        %dma_wait3A_209 = tpu.memref_squeeze %dma_wait3A_208 : memref<1x40x16xf32, #tpu.memory_space<vmem>> -> memref<40x16xf32, #tpu.memory_space<vmem>>
        %dma_wait3A_210 = arith.constant 0 : i32
        %dma_wait3A_211 = tpu.memref_slice %arg23[%add3A_37, %dma_wait3A_210] : memref<10112x16xf32, #tpu.memory_space<vmem_shared>> -> memref<40x16xf32, #tpu.memory_space<vmem_shared>>
        %dma_wait3A_212 = arith.constant 0 : i32
        %dma_wait3A_213 = tpu.memref_slice %arg23[%add3A_37, %dma_wait3A_212] : memref<10112x16xf32, #tpu.memory_space<vmem_shared>> -> memref<40x16xf32, #tpu.memory_space<vmem_shared>>
        %dma_wait3A_214 = arith.constant 0 : i32
        %dma_wait3A_215 = arith.constant 0 : i32
        %dma_wait3A_216 = tpu.memref_slice %arg21[%run_scoped3A_38, %dma_wait3A_214, %dma_wait3A_215] : memref<2x40x16xf32, #tpu.memory_space<vmem>> -> memref<1x40x16xf32, #tpu.memory_space<vmem>>
        %dma_wait3A_217 = tpu.memref_squeeze %dma_wait3A_216 : memref<1x40x16xf32, #tpu.memory_space<vmem>> -> memref<40x16xf32, #tpu.memory_space<vmem>>
        tpu.wait_dma2 semaphore(%run_scoped3A_193 : memref<!tpu.dma_semaphore, #tpu.memory_space<semaphore_mem>>) src(%dma_wait3A_217 : memref<40x16xf32, #tpu.memory_space<vmem>>) dst(%dma_wait3A_213 : memref<40x16xf32, #tpu.memory_space<vmem_shared>>)
        tpu.yield
      }) : () -> ()
      %add3A_39 = arith.constant 160 : i32
      %add3A_40 = arith.addi %mul3A_8, %add3A_39 : i32
      %run_scoped3A_41 = arith.constant 0 : i32
      "tpu.region"() ({
        %run_scoped3A_193 = tpu.sem_alloc : memref<!tpu.dma_semaphore, #tpu.memory_space<semaphore_mem>>
        %dma_start3A_194 = arith.constant 0 : i32
        %dma_start3A_195 = arith.constant 0 : i32
        %dma_start3A_196 = tpu.memref_slice %arg19[%run_scoped3A_41, %dma_start3A_194, %dma_start3A_195] : memref<2x40x128xf32, #tpu.memory_space<vmem>> -> memref<1x40x128xf32, #tpu.memory_space<vmem>>
        %dma_start3A_197 = tpu.memref_squeeze %dma_start3A_196 : memref<1x40x128xf32, #tpu.memory_space<vmem>> -> memref<40x128xf32, #tpu.memory_space<vmem>>
        %dma_start3A_198 = arith.constant 0 : i32
        %dma_start3A_199 = tpu.memref_slice %arg22[%add3A_40, %dma_start3A_198] : memref<10112x128xf32, #tpu.memory_space<vmem_shared>> -> memref<40x128xf32, #tpu.memory_space<vmem_shared>>
        %dma_start3A_200 = arith.constant 0 : i32
        %dma_start3A_201 = tpu.memref_slice %arg22[%add3A_40, %dma_start3A_200] : memref<10112x128xf32, #tpu.memory_space<vmem_shared>> -> memref<40x128xf32, #tpu.memory_space<vmem_shared>>
        %dma_start3A_202 = arith.constant 0 : i32
        %dma_start3A_203 = arith.constant 0 : i32
        %dma_start3A_204 = tpu.memref_slice %arg19[%run_scoped3A_41, %dma_start3A_202, %dma_start3A_203] : memref<2x40x128xf32, #tpu.memory_space<vmem>> -> memref<1x40x128xf32, #tpu.memory_space<vmem>>
        %dma_start3A_205 = tpu.memref_squeeze %dma_start3A_204 : memref<1x40x128xf32, #tpu.memory_space<vmem>> -> memref<40x128xf32, #tpu.memory_space<vmem>>
        tpu.enqueue_dma source(%dma_start3A_205 : memref<40x128xf32, #tpu.memory_space<vmem>>) target(%dma_start3A_201 : memref<40x128xf32, #tpu.memory_space<vmem_shared>>) target_semaphore(%run_scoped3A_193 : memref<!tpu.dma_semaphore, #tpu.memory_space<semaphore_mem>>)
        %dma_wait3A_206 = arith.constant 0 : i32
        %dma_wait3A_207 = arith.constant 0 : i32
        %dma_wait3A_208 = tpu.memref_slice %arg19[%run_scoped3A_41, %dma_wait3A_206, %dma_wait3A_207] : memref<2x40x128xf32, #tpu.memory_space<vmem>> -> memref<1x40x128xf32, #tpu.memory_space<vmem>>
        %dma_wait3A_209 = tpu.memref_squeeze %dma_wait3A_208 : memref<1x40x128xf32, #tpu.memory_space<vmem>> -> memref<40x128xf32, #tpu.memory_space<vmem>>
        %dma_wait3A_210 = arith.constant 0 : i32
        %dma_wait3A_211 = tpu.memref_slice %arg22[%add3A_40, %dma_wait3A_210] : memref<10112x128xf32, #tpu.memory_space<vmem_shared>> -> memref<40x128xf32, #tpu.memory_space<vmem_shared>>
        %dma_wait3A_212 = arith.constant 0 : i32
        %dma_wait3A_213 = tpu.memref_slice %arg22[%add3A_40, %dma_wait3A_212] : memref<10112x128xf32, #tpu.memory_space<vmem_shared>> -> memref<40x128xf32, #tpu.memory_space<vmem_shared>>
        %dma_wait3A_214 = arith.constant 0 : i32
        %dma_wait3A_215 = arith.constant 0 : i32
        %dma_wait3A_216 = tpu.memref_slice %arg19[%run_scoped3A_41, %dma_wait3A_214, %dma_wait3A_215] : memref<2x40x128xf32, #tpu.memory_space<vmem>> -> memref<1x40x128xf32, #tpu.memory_space<vmem>>
        %dma_wait3A_217 = tpu.memref_squeeze %dma_wait3A_216 : memref<1x40x128xf32, #tpu.memory_space<vmem>> -> memref<40x128xf32, #tpu.memory_space<vmem>>
        tpu.wait_dma2 semaphore(%run_scoped3A_193 : memref<!tpu.dma_semaphore, #tpu.memory_space<semaphore_mem>>) src(%dma_wait3A_217 : memref<40x128xf32, #tpu.memory_space<vmem>>) dst(%dma_wait3A_213 : memref<40x128xf32, #tpu.memory_space<vmem_shared>>)
        tpu.yield
      }) : () -> ()
      %add3A_42 = arith.constant 160 : i32
      %add3A_43 = arith.addi %mul3A_8, %add3A_42 : i32
      %run_scoped3A_44 = arith.constant 0 : i32
      "tpu.region"() ({
        %run_scoped3A_193 = tpu.sem_alloc : memref<!tpu.dma_semaphore, #tpu.memory_space<semaphore_mem>>
        %dma_start3A_194 = arith.constant 0 : i32
        %dma_start3A_195 = arith.constant 0 : i32
        %dma_start3A_196 = tpu.memref_slice %arg21[%run_scoped3A_44, %dma_start3A_194, %dma_start3A_195] : memref<2x40x16xf32, #tpu.memory_space<vmem>> -> memref<1x40x16xf32, #tpu.memory_space<vmem>>
        %dma_start3A_197 = tpu.memref_squeeze %dma_start3A_196 : memref<1x40x16xf32, #tpu.memory_space<vmem>> -> memref<40x16xf32, #tpu.memory_space<vmem>>
        %dma_start3A_198 = arith.constant 0 : i32
        %dma_start3A_199 = tpu.memref_slice %arg23[%add3A_43, %dma_start3A_198] : memref<10112x16xf32, #tpu.memory_space<vmem_shared>> -> memref<40x16xf32, #tpu.memory_space<vmem_shared>>
        %dma_start3A_200 = arith.constant 0 : i32
        %dma_start3A_201 = tpu.memref_slice %arg23[%add3A_43, %dma_start3A_200] : memref<10112x16xf32, #tpu.memory_space<vmem_shared>> -> memref<40x16xf32, #tpu.memory_space<vmem_shared>>
        %dma_start3A_202 = arith.constant 0 : i32
        %dma_start3A_203 = arith.constant 0 : i32
        %dma_start3A_204 = tpu.memref_slice %arg21[%run_scoped3A_44, %dma_start3A_202, %dma_start3A_203] : memref<2x40x16xf32, #tpu.memory_space<vmem>> -> memref<1x40x16xf32, #tpu.memory_space<vmem>>
        %dma_start3A_205 = tpu.memref_squeeze %dma_start3A_204 : memref<1x40x16xf32, #tpu.memory_space<vmem>> -> memref<40x16xf32, #tpu.memory_space<vmem>>
        tpu.enqueue_dma source(%dma_start3A_205 : memref<40x16xf32, #tpu.memory_space<vmem>>) target(%dma_start3A_201 : memref<40x16xf32, #tpu.memory_space<vmem_shared>>) target_semaphore(%run_scoped3A_193 : memref<!tpu.dma_semaphore, #tpu.memory_space<semaphore_mem>>)
        %dma_wait3A_206 = arith.constant 0 : i32
        %dma_wait3A_207 = arith.constant 0 : i32
        %dma_wait3A_208 = tpu.memref_slice %arg21[%run_scoped3A_44, %dma_wait3A_206, %dma_wait3A_207] : memref<2x40x16xf32, #tpu.memory_space<vmem>> -> memref<1x40x16xf32, #tpu.memory_space<vmem>>
        %dma_wait3A_209 = tpu.memref_squeeze %dma_wait3A_208 : memref<1x40x16xf32, #tpu.memory_space<vmem>> -> memref<40x16xf32, #tpu.memory_space<vmem>>
        %dma_wait3A_210 = arith.constant 0 : i32
        %dma_wait3A_211 = tpu.memref_slice %arg23[%add3A_43, %dma_wait3A_210] : memref<10112x16xf32, #tpu.memory_space<vmem_shared>> -> memref<40x16xf32, #tpu.memory_space<vmem_shared>>
        %dma_wait3A_212 = arith.constant 0 : i32
        %dma_wait3A_213 = tpu.memref_slice %arg23[%add3A_43, %dma_wait3A_212] : memref<10112x16xf32, #tpu.memory_space<vmem_shared>> -> memref<40x16xf32, #tpu.memory_space<vmem_shared>>
        %dma_wait3A_214 = arith.constant 0 : i32
        %dma_wait3A_215 = arith.constant 0 : i32
        %dma_wait3A_216 = tpu.memref_slice %arg21[%run_scoped3A_44, %dma_wait3A_214, %dma_wait3A_215] : memref<2x40x16xf32, #tpu.memory_space<vmem>> -> memref<1x40x16xf32, #tpu.memory_space<vmem>>
        %dma_wait3A_217 = tpu.memref_squeeze %dma_wait3A_216 : memref<1x40x16xf32, #tpu.memory_space<vmem>> -> memref<40x16xf32, #tpu.memory_space<vmem>>
        tpu.wait_dma2 semaphore(%run_scoped3A_193 : memref<!tpu.dma_semaphore, #tpu.memory_space<semaphore_mem>>) src(%dma_wait3A_217 : memref<40x16xf32, #tpu.memory_space<vmem>>) dst(%dma_wait3A_213 : memref<40x16xf32, #tpu.memory_space<vmem_shared>>)
        tpu.yield
      }) : () -> ()
      %add3A_45 = arith.constant 200 : i32
      %add3A_46 = arith.addi %mul3A_8, %add3A_45 : i32
      %run_scoped3A_47 = arith.constant 0 : i32
      "tpu.region"() ({
        %run_scoped3A_193 = tpu.sem_alloc : memref<!tpu.dma_semaphore, #tpu.memory_space<semaphore_mem>>
        %dma_start3A_194 = arith.constant 0 : i32
        %dma_start3A_195 = arith.constant 0 : i32
        %dma_start3A_196 = tpu.memref_slice %arg19[%run_scoped3A_47, %dma_start3A_194, %dma_start3A_195] : memref<2x40x128xf32, #tpu.memory_space<vmem>> -> memref<1x40x128xf32, #tpu.memory_space<vmem>>
        %dma_start3A_197 = tpu.memref_squeeze %dma_start3A_196 : memref<1x40x128xf32, #tpu.memory_space<vmem>> -> memref<40x128xf32, #tpu.memory_space<vmem>>
        %dma_start3A_198 = arith.constant 0 : i32
        %dma_start3A_199 = tpu.memref_slice %arg22[%add3A_46, %dma_start3A_198] : memref<10112x128xf32, #tpu.memory_space<vmem_shared>> -> memref<40x128xf32, #tpu.memory_space<vmem_shared>>
        %dma_start3A_200 = arith.constant 0 : i32
        %dma_start3A_201 = tpu.memref_slice %arg22[%add3A_46, %dma_start3A_200] : memref<10112x128xf32, #tpu.memory_space<vmem_shared>> -> memref<40x128xf32, #tpu.memory_space<vmem_shared>>
        %dma_start3A_202 = arith.constant 0 : i32
        %dma_start3A_203 = arith.constant 0 : i32
        %dma_start3A_204 = tpu.memref_slice %arg19[%run_scoped3A_47, %dma_start3A_202, %dma_start3A_203] : memref<2x40x128xf32, #tpu.memory_space<vmem>> -> memref<1x40x128xf32, #tpu.memory_space<vmem>>
        %dma_start3A_205 = tpu.memref_squeeze %dma_start3A_204 : memref<1x40x128xf32, #tpu.memory_space<vmem>> -> memref<40x128xf32, #tpu.memory_space<vmem>>
        tpu.enqueue_dma source(%dma_start3A_205 : memref<40x128xf32, #tpu.memory_space<vmem>>) target(%dma_start3A_201 : memref<40x128xf32, #tpu.memory_space<vmem_shared>>) target_semaphore(%run_scoped3A_193 : memref<!tpu.dma_semaphore, #tpu.memory_space<semaphore_mem>>)
        %dma_wait3A_206 = arith.constant 0 : i32
        %dma_wait3A_207 = arith.constant 0 : i32
        %dma_wait3A_208 = tpu.memref_slice %arg19[%run_scoped3A_47, %dma_wait3A_206, %dma_wait3A_207] : memref<2x40x128xf32, #tpu.memory_space<vmem>> -> memref<1x40x128xf32, #tpu.memory_space<vmem>>
        %dma_wait3A_209 = tpu.memref_squeeze %dma_wait3A_208 : memref<1x40x128xf32, #tpu.memory_space<vmem>> -> memref<40x128xf32, #tpu.memory_space<vmem>>
        %dma_wait3A_210 = arith.constant 0 : i32
        %dma_wait3A_211 = tpu.memref_slice %arg22[%add3A_46, %dma_wait3A_210] : memref<10112x128xf32, #tpu.memory_space<vmem_shared>> -> memref<40x128xf32, #tpu.memory_space<vmem_shared>>
        %dma_wait3A_212 = arith.constant 0 : i32
        %dma_wait3A_213 = tpu.memref_slice %arg22[%add3A_46, %dma_wait3A_212] : memref<10112x128xf32, #tpu.memory_space<vmem_shared>> -> memref<40x128xf32, #tpu.memory_space<vmem_shared>>
        %dma_wait3A_214 = arith.constant 0 : i32
        %dma_wait3A_215 = arith.constant 0 : i32
        %dma_wait3A_216 = tpu.memref_slice %arg19[%run_scoped3A_47, %dma_wait3A_214, %dma_wait3A_215] : memref<2x40x128xf32, #tpu.memory_space<vmem>> -> memref<1x40x128xf32, #tpu.memory_space<vmem>>
        %dma_wait3A_217 = tpu.memref_squeeze %dma_wait3A_216 : memref<1x40x128xf32, #tpu.memory_space<vmem>> -> memref<40x128xf32, #tpu.memory_space<vmem>>
        tpu.wait_dma2 semaphore(%run_scoped3A_193 : memref<!tpu.dma_semaphore, #tpu.memory_space<semaphore_mem>>) src(%dma_wait3A_217 : memref<40x128xf32, #tpu.memory_space<vmem>>) dst(%dma_wait3A_213 : memref<40x128xf32, #tpu.memory_space<vmem_shared>>)
        tpu.yield
      }) : () -> ()
      %add3A_48 = arith.constant 200 : i32
      %add3A_49 = arith.addi %mul3A_8, %add3A_48 : i32
      %run_scoped3A_50 = arith.constant 0 : i32
      "tpu.region"() ({
        %run_scoped3A_193 = tpu.sem_alloc : memref<!tpu.dma_semaphore, #tpu.memory_space<semaphore_mem>>
        %dma_start3A_194 = arith.constant 0 : i32
        %dma_start3A_195 = arith.constant 0 : i32
        %dma_start3A_196 = tpu.memref_slice %arg21[%run_scoped3A_50, %dma_start3A_194, %dma_start3A_195] : memref<2x40x16xf32, #tpu.memory_space<vmem>> -> memref<1x40x16xf32, #tpu.memory_space<vmem>>
        %dma_start3A_197 = tpu.memref_squeeze %dma_start3A_196 : memref<1x40x16xf32, #tpu.memory_space<vmem>> -> memref<40x16xf32, #tpu.memory_space<vmem>>
        %dma_start3A_198 = arith.constant 0 : i32
        %dma_start3A_199 = tpu.memref_slice %arg23[%add3A_49, %dma_start3A_198] : memref<10112x16xf32, #tpu.memory_space<vmem_shared>> -> memref<40x16xf32, #tpu.memory_space<vmem_shared>>
        %dma_start3A_200 = arith.constant 0 : i32
        %dma_start3A_201 = tpu.memref_slice %arg23[%add3A_49, %dma_start3A_200] : memref<10112x16xf32, #tpu.memory_space<vmem_shared>> -> memref<40x16xf32, #tpu.memory_space<vmem_shared>>
        %dma_start3A_202 = arith.constant 0 : i32
        %dma_start3A_203 = arith.constant 0 : i32
        %dma_start3A_204 = tpu.memref_slice %arg21[%run_scoped3A_50, %dma_start3A_202, %dma_start3A_203] : memref<2x40x16xf32, #tpu.memory_space<vmem>> -> memref<1x40x16xf32, #tpu.memory_space<vmem>>
        %dma_start3A_205 = tpu.memref_squeeze %dma_start3A_204 : memref<1x40x16xf32, #tpu.memory_space<vmem>> -> memref<40x16xf32, #tpu.memory_space<vmem>>
        tpu.enqueue_dma source(%dma_start3A_205 : memref<40x16xf32, #tpu.memory_space<vmem>>) target(%dma_start3A_201 : memref<40x16xf32, #tpu.memory_space<vmem_shared>>) target_semaphore(%run_scoped3A_193 : memref<!tpu.dma_semaphore, #tpu.memory_space<semaphore_mem>>)
        %dma_wait3A_206 = arith.constant 0 : i32
        %dma_wait3A_207 = arith.constant 0 : i32
        %dma_wait3A_208 = tpu.memref_slice %arg21[%run_scoped3A_50, %dma_wait3A_206, %dma_wait3A_207] : memref<2x40x16xf32, #tpu.memory_space<vmem>> -> memref<1x40x16xf32, #tpu.memory_space<vmem>>
        %dma_wait3A_209 = tpu.memref_squeeze %dma_wait3A_208 : memref<1x40x16xf32, #tpu.memory_space<vmem>> -> memref<40x16xf32, #tpu.memory_space<vmem>>
        %dma_wait3A_210 = arith.constant 0 : i32
        %dma_wait3A_211 = tpu.memref_slice %arg23[%add3A_49, %dma_wait3A_210] : memref<10112x16xf32, #tpu.memory_space<vmem_shared>> -> memref<40x16xf32, #tpu.memory_space<vmem_shared>>
        %dma_wait3A_212 = arith.constant 0 : i32
        %dma_wait3A_213 = tpu.memref_slice %arg23[%add3A_49, %dma_wait3A_212] : memref<10112x16xf32, #tpu.memory_space<vmem_shared>> -> memref<40x16xf32, #tpu.memory_space<vmem_shared>>
        %dma_wait3A_214 = arith.constant 0 : i32
        %dma_wait3A_215 = arith.constant 0 : i32
        %dma_wait3A_216 = tpu.memref_slice %arg21[%run_scoped3A_50, %dma_wait3A_214, %dma_wait3A_215] : memref<2x40x16xf32, #tpu.memory_space<vmem>> -> memref<1x40x16xf32, #tpu.memory_space<vmem>>
        %dma_wait3A_217 = tpu.memref_squeeze %dma_wait3A_216 : memref<1x40x16xf32, #tpu.memory_space<vmem>> -> memref<40x16xf32, #tpu.memory_space<vmem>>
        tpu.wait_dma2 semaphore(%run_scoped3A_193 : memref<!tpu.dma_semaphore, #tpu.memory_space<semaphore_mem>>) src(%dma_wait3A_217 : memref<40x16xf32, #tpu.memory_space<vmem>>) dst(%dma_wait3A_213 : memref<40x16xf32, #tpu.memory_space<vmem_shared>>)
        tpu.yield
      }) : () -> ()
      %add3A_51 = arith.constant 240 : i32
      %add3A_52 = arith.addi %mul3A_8, %add3A_51 : i32
      %run_scoped3A_53 = arith.constant 0 : i32
      "tpu.region"() ({
        %run_scoped3A_193 = tpu.sem_alloc : memref<!tpu.dma_semaphore, #tpu.memory_space<semaphore_mem>>
        %dma_start3A_194 = arith.constant 0 : i32
        %dma_start3A_195 = arith.constant 0 : i32
        %dma_start3A_196 = tpu.memref_slice %arg19[%run_scoped3A_53, %dma_start3A_194, %dma_start3A_195] : memref<2x40x128xf32, #tpu.memory_space<vmem>> -> memref<1x40x128xf32, #tpu.memory_space<vmem>>
        %dma_start3A_197 = tpu.memref_squeeze %dma_start3A_196 : memref<1x40x128xf32, #tpu.memory_space<vmem>> -> memref<40x128xf32, #tpu.memory_space<vmem>>
        %dma_start3A_198 = arith.constant 0 : i32
        %dma_start3A_199 = tpu.memref_slice %arg22[%add3A_52, %dma_start3A_198] : memref<10112x128xf32, #tpu.memory_space<vmem_shared>> -> memref<40x128xf32, #tpu.memory_space<vmem_shared>>
        %dma_start3A_200 = arith.constant 0 : i32
        %dma_start3A_201 = tpu.memref_slice %arg22[%add3A_52, %dma_start3A_200] : memref<10112x128xf32, #tpu.memory_space<vmem_shared>> -> memref<40x128xf32, #tpu.memory_space<vmem_shared>>
        %dma_start3A_202 = arith.constant 0 : i32
        %dma_start3A_203 = arith.constant 0 : i32
        %dma_start3A_204 = tpu.memref_slice %arg19[%run_scoped3A_53, %dma_start3A_202, %dma_start3A_203] : memref<2x40x128xf32, #tpu.memory_space<vmem>> -> memref<1x40x128xf32, #tpu.memory_space<vmem>>
        %dma_start3A_205 = tpu.memref_squeeze %dma_start3A_204 : memref<1x40x128xf32, #tpu.memory_space<vmem>> -> memref<40x128xf32, #tpu.memory_space<vmem>>
        tpu.enqueue_dma source(%dma_start3A_205 : memref<40x128xf32, #tpu.memory_space<vmem>>) target(%dma_start3A_201 : memref<40x128xf32, #tpu.memory_space<vmem_shared>>) target_semaphore(%run_scoped3A_193 : memref<!tpu.dma_semaphore, #tpu.memory_space<semaphore_mem>>)
        %dma_wait3A_206 = arith.constant 0 : i32
        %dma_wait3A_207 = arith.constant 0 : i32
        %dma_wait3A_208 = tpu.memref_slice %arg19[%run_scoped3A_53, %dma_wait3A_206, %dma_wait3A_207] : memref<2x40x128xf32, #tpu.memory_space<vmem>> -> memref<1x40x128xf32, #tpu.memory_space<vmem>>
        %dma_wait3A_209 = tpu.memref_squeeze %dma_wait3A_208 : memref<1x40x128xf32, #tpu.memory_space<vmem>> -> memref<40x128xf32, #tpu.memory_space<vmem>>
        %dma_wait3A_210 = arith.constant 0 : i32
        %dma_wait3A_211 = tpu.memref_slice %arg22[%add3A_52, %dma_wait3A_210] : memref<10112x128xf32, #tpu.memory_space<vmem_shared>> -> memref<40x128xf32, #tpu.memory_space<vmem_shared>>
        %dma_wait3A_212 = arith.constant 0 : i32
        %dma_wait3A_213 = tpu.memref_slice %arg22[%add3A_52, %dma_wait3A_212] : memref<10112x128xf32, #tpu.memory_space<vmem_shared>> -> memref<40x128xf32, #tpu.memory_space<vmem_shared>>
        %dma_wait3A_214 = arith.constant 0 : i32
        %dma_wait3A_215 = arith.constant 0 : i32
        %dma_wait3A_216 = tpu.memref_slice %arg19[%run_scoped3A_53, %dma_wait3A_214, %dma_wait3A_215] : memref<2x40x128xf32, #tpu.memory_space<vmem>> -> memref<1x40x128xf32, #tpu.memory_space<vmem>>
        %dma_wait3A_217 = tpu.memref_squeeze %dma_wait3A_216 : memref<1x40x128xf32, #tpu.memory_space<vmem>> -> memref<40x128xf32, #tpu.memory_space<vmem>>
        tpu.wait_dma2 semaphore(%run_scoped3A_193 : memref<!tpu.dma_semaphore, #tpu.memory_space<semaphore_mem>>) src(%dma_wait3A_217 : memref<40x128xf32, #tpu.memory_space<vmem>>) dst(%dma_wait3A_213 : memref<40x128xf32, #tpu.memory_space<vmem_shared>>)
        tpu.yield
      }) : () -> ()
      %add3A_54 = arith.constant 240 : i32
      %add3A_55 = arith.addi %mul3A_8, %add3A_54 : i32
      %run_scoped3A_56 = arith.constant 0 : i32
      "tpu.region"() ({
        %run_scoped3A_193 = tpu.sem_alloc : memref<!tpu.dma_semaphore, #tpu.memory_space<semaphore_mem>>
        %dma_start3A_194 = arith.constant 0 : i32
        %dma_start3A_195 = arith.constant 0 : i32
        %dma_start3A_196 = tpu.memref_slice %arg21[%run_scoped3A_56, %dma_start3A_194, %dma_start3A_195] : memref<2x40x16xf32, #tpu.memory_space<vmem>> -> memref<1x40x16xf32, #tpu.memory_space<vmem>>
        %dma_start3A_197 = tpu.memref_squeeze %dma_start3A_196 : memref<1x40x16xf32, #tpu.memory_space<vmem>> -> memref<40x16xf32, #tpu.memory_space<vmem>>
        %dma_start3A_198 = arith.constant 0 : i32
        %dma_start3A_199 = tpu.memref_slice %arg23[%add3A_55, %dma_start3A_198] : memref<10112x16xf32, #tpu.memory_space<vmem_shared>> -> memref<40x16xf32, #tpu.memory_space<vmem_shared>>
        %dma_start3A_200 = arith.constant 0 : i32
        %dma_start3A_201 = tpu.memref_slice %arg23[%add3A_55, %dma_start3A_200] : memref<10112x16xf32, #tpu.memory_space<vmem_shared>> -> memref<40x16xf32, #tpu.memory_space<vmem_shared>>
        %dma_start3A_202 = arith.constant 0 : i32
        %dma_start3A_203 = arith.constant 0 : i32
        %dma_start3A_204 = tpu.memref_slice %arg21[%run_scoped3A_56, %dma_start3A_202, %dma_start3A_203] : memref<2x40x16xf32, #tpu.memory_space<vmem>> -> memref<1x40x16xf32, #tpu.memory_space<vmem>>
        %dma_start3A_205 = tpu.memref_squeeze %dma_start3A_204 : memref<1x40x16xf32, #tpu.memory_space<vmem>> -> memref<40x16xf32, #tpu.memory_space<vmem>>
        tpu.enqueue_dma source(%dma_start3A_205 : memref<40x16xf32, #tpu.memory_space<vmem>>) target(%dma_start3A_201 : memref<40x16xf32, #tpu.memory_space<vmem_shared>>) target_semaphore(%run_scoped3A_193 : memref<!tpu.dma_semaphore, #tpu.memory_space<semaphore_mem>>)
        %dma_wait3A_206 = arith.constant 0 : i32
        %dma_wait3A_207 = arith.constant 0 : i32
        %dma_wait3A_208 = tpu.memref_slice %arg21[%run_scoped3A_56, %dma_wait3A_206, %dma_wait3A_207] : memref<2x40x16xf32, #tpu.memory_space<vmem>> -> memref<1x40x16xf32, #tpu.memory_space<vmem>>
        %dma_wait3A_209 = tpu.memref_squeeze %dma_wait3A_208 : memref<1x40x16xf32, #tpu.memory_space<vmem>> -> memref<40x16xf32, #tpu.memory_space<vmem>>
        %dma_wait3A_210 = arith.constant 0 : i32
        %dma_wait3A_211 = tpu.memref_slice %arg23[%add3A_55, %dma_wait3A_210] : memref<10112x16xf32, #tpu.memory_space<vmem_shared>> -> memref<40x16xf32, #tpu.memory_space<vmem_shared>>
        %dma_wait3A_212 = arith.constant 0 : i32
        %dma_wait3A_213 = tpu.memref_slice %arg23[%add3A_55, %dma_wait3A_212] : memref<10112x16xf32, #tpu.memory_space<vmem_shared>> -> memref<40x16xf32, #tpu.memory_space<vmem_shared>>
        %dma_wait3A_214 = arith.constant 0 : i32
        %dma_wait3A_215 = arith.constant 0 : i32
        %dma_wait3A_216 = tpu.memref_slice %arg21[%run_scoped3A_56, %dma_wait3A_214, %dma_wait3A_215] : memref<2x40x16xf32, #tpu.memory_space<vmem>> -> memref<1x40x16xf32, #tpu.memory_space<vmem>>
        %dma_wait3A_217 = tpu.memref_squeeze %dma_wait3A_216 : memref<1x40x16xf32, #tpu.memory_space<vmem>> -> memref<40x16xf32, #tpu.memory_space<vmem>>
        tpu.wait_dma2 semaphore(%run_scoped3A_193 : memref<!tpu.dma_semaphore, #tpu.memory_space<semaphore_mem>>) src(%dma_wait3A_217 : memref<40x16xf32, #tpu.memory_space<vmem>>) dst(%dma_wait3A_213 : memref<40x16xf32, #tpu.memory_space<vmem_shared>>)
        tpu.yield
      }) : () -> ()
      %add3A_57 = arith.constant 280 : i32
      %add3A_58 = arith.addi %mul3A_8, %add3A_57 : i32
      %run_scoped3A_59 = arith.constant 0 : i32
      "tpu.region"() ({
        %run_scoped3A_193 = tpu.sem_alloc : memref<!tpu.dma_semaphore, #tpu.memory_space<semaphore_mem>>
        %dma_start3A_194 = arith.constant 0 : i32
        %dma_start3A_195 = arith.constant 0 : i32
        %dma_start3A_196 = tpu.memref_slice %arg19[%run_scoped3A_59, %dma_start3A_194, %dma_start3A_195] : memref<2x40x128xf32, #tpu.memory_space<vmem>> -> memref<1x40x128xf32, #tpu.memory_space<vmem>>
        %dma_start3A_197 = tpu.memref_squeeze %dma_start3A_196 : memref<1x40x128xf32, #tpu.memory_space<vmem>> -> memref<40x128xf32, #tpu.memory_space<vmem>>
        %dma_start3A_198 = arith.constant 0 : i32
        %dma_start3A_199 = tpu.memref_slice %arg22[%add3A_58, %dma_start3A_198] : memref<10112x128xf32, #tpu.memory_space<vmem_shared>> -> memref<40x128xf32, #tpu.memory_space<vmem_shared>>
        %dma_start3A_200 = arith.constant 0 : i32
        %dma_start3A_201 = tpu.memref_slice %arg22[%add3A_58, %dma_start3A_200] : memref<10112x128xf32, #tpu.memory_space<vmem_shared>> -> memref<40x128xf32, #tpu.memory_space<vmem_shared>>
        %dma_start3A_202 = arith.constant 0 : i32
        %dma_start3A_203 = arith.constant 0 : i32
        %dma_start3A_204 = tpu.memref_slice %arg19[%run_scoped3A_59, %dma_start3A_202, %dma_start3A_203] : memref<2x40x128xf32, #tpu.memory_space<vmem>> -> memref<1x40x128xf32, #tpu.memory_space<vmem>>
        %dma_start3A_205 = tpu.memref_squeeze %dma_start3A_204 : memref<1x40x128xf32, #tpu.memory_space<vmem>> -> memref<40x128xf32, #tpu.memory_space<vmem>>
        tpu.enqueue_dma source(%dma_start3A_205 : memref<40x128xf32, #tpu.memory_space<vmem>>) target(%dma_start3A_201 : memref<40x128xf32, #tpu.memory_space<vmem_shared>>) target_semaphore(%run_scoped3A_193 : memref<!tpu.dma_semaphore, #tpu.memory_space<semaphore_mem>>)
        %dma_wait3A_206 = arith.constant 0 : i32
        %dma_wait3A_207 = arith.constant 0 : i32
        %dma_wait3A_208 = tpu.memref_slice %arg19[%run_scoped3A_59, %dma_wait3A_206, %dma_wait3A_207] : memref<2x40x128xf32, #tpu.memory_space<vmem>> -> memref<1x40x128xf32, #tpu.memory_space<vmem>>
        %dma_wait3A_209 = tpu.memref_squeeze %dma_wait3A_208 : memref<1x40x128xf32, #tpu.memory_space<vmem>> -> memref<40x128xf32, #tpu.memory_space<vmem>>
        %dma_wait3A_210 = arith.constant 0 : i32
        %dma_wait3A_211 = tpu.memref_slice %arg22[%add3A_58, %dma_wait3A_210] : memref<10112x128xf32, #tpu.memory_space<vmem_shared>> -> memref<40x128xf32, #tpu.memory_space<vmem_shared>>
        %dma_wait3A_212 = arith.constant 0 : i32
        %dma_wait3A_213 = tpu.memref_slice %arg22[%add3A_58, %dma_wait3A_212] : memref<10112x128xf32, #tpu.memory_space<vmem_shared>> -> memref<40x128xf32, #tpu.memory_space<vmem_shared>>
        %dma_wait3A_214 = arith.constant 0 : i32
        %dma_wait3A_215 = arith.constant 0 : i32
        %dma_wait3A_216 = tpu.memref_slice %arg19[%run_scoped3A_59, %dma_wait3A_214, %dma_wait3A_215] : memref<2x40x128xf32, #tpu.memory_space<vmem>> -> memref<1x40x128xf32, #tpu.memory_space<vmem>>
        %dma_wait3A_217 = tpu.memref_squeeze %dma_wait3A_216 : memref<1x40x128xf32, #tpu.memory_space<vmem>> -> memref<40x128xf32, #tpu.memory_space<vmem>>
        tpu.wait_dma2 semaphore(%run_scoped3A_193 : memref<!tpu.dma_semaphore, #tpu.memory_space<semaphore_mem>>) src(%dma_wait3A_217 : memref<40x128xf32, #tpu.memory_space<vmem>>) dst(%dma_wait3A_213 : memref<40x128xf32, #tpu.memory_space<vmem_shared>>)
        tpu.yield
      }) : () -> ()
      %add3A_60 = arith.constant 280 : i32
      %add3A_61 = arith.addi %mul3A_8, %add3A_60 : i32
      %run_scoped3A_62 = arith.constant 0 : i32
      "tpu.region"() ({
        %run_scoped3A_193 = tpu.sem_alloc : memref<!tpu.dma_semaphore, #tpu.memory_space<semaphore_mem>>
        %dma_start3A_194 = arith.constant 0 : i32
        %dma_start3A_195 = arith.constant 0 : i32
        %dma_start3A_196 = tpu.memref_slice %arg21[%run_scoped3A_62, %dma_start3A_194, %dma_start3A_195] : memref<2x40x16xf32, #tpu.memory_space<vmem>> -> memref<1x40x16xf32, #tpu.memory_space<vmem>>
        %dma_start3A_197 = tpu.memref_squeeze %dma_start3A_196 : memref<1x40x16xf32, #tpu.memory_space<vmem>> -> memref<40x16xf32, #tpu.memory_space<vmem>>
        %dma_start3A_198 = arith.constant 0 : i32
        %dma_start3A_199 = tpu.memref_slice %arg23[%add3A_61, %dma_start3A_198] : memref<10112x16xf32, #tpu.memory_space<vmem_shared>> -> memref<40x16xf32, #tpu.memory_space<vmem_shared>>
        %dma_start3A_200 = arith.constant 0 : i32
        %dma_start3A_201 = tpu.memref_slice %arg23[%add3A_61, %dma_start3A_200] : memref<10112x16xf32, #tpu.memory_space<vmem_shared>> -> memref<40x16xf32, #tpu.memory_space<vmem_shared>>
        %dma_start3A_202 = arith.constant 0 : i32
        %dma_start3A_203 = arith.constant 0 : i32
        %dma_start3A_204 = tpu.memref_slice %arg21[%run_scoped3A_62, %dma_start3A_202, %dma_start3A_203] : memref<2x40x16xf32, #tpu.memory_space<vmem>> -> memref<1x40x16xf32, #tpu.memory_space<vmem>>
        %dma_start3A_205 = tpu.memref_squeeze %dma_start3A_204 : memref<1x40x16xf32, #tpu.memory_space<vmem>> -> memref<40x16xf32, #tpu.memory_space<vmem>>
        tpu.enqueue_dma source(%dma_start3A_205 : memref<40x16xf32, #tpu.memory_space<vmem>>) target(%dma_start3A_201 : memref<40x16xf32, #tpu.memory_space<vmem_shared>>) target_semaphore(%run_scoped3A_193 : memref<!tpu.dma_semaphore, #tpu.memory_space<semaphore_mem>>)
        %dma_wait3A_206 = arith.constant 0 : i32
        %dma_wait3A_207 = arith.constant 0 : i32
        %dma_wait3A_208 = tpu.memref_slice %arg21[%run_scoped3A_62, %dma_wait3A_206, %dma_wait3A_207] : memref<2x40x16xf32, #tpu.memory_space<vmem>> -> memref<1x40x16xf32, #tpu.memory_space<vmem>>
        %dma_wait3A_209 = tpu.memref_squeeze %dma_wait3A_208 : memref<1x40x16xf32, #tpu.memory_space<vmem>> -> memref<40x16xf32, #tpu.memory_space<vmem>>
        %dma_wait3A_210 = arith.constant 0 : i32
        %dma_wait3A_211 = tpu.memref_slice %arg23[%add3A_61, %dma_wait3A_210] : memref<10112x16xf32, #tpu.memory_space<vmem_shared>> -> memref<40x16xf32, #tpu.memory_space<vmem_shared>>
        %dma_wait3A_212 = arith.constant 0 : i32
        %dma_wait3A_213 = tpu.memref_slice %arg23[%add3A_61, %dma_wait3A_212] : memref<10112x16xf32, #tpu.memory_space<vmem_shared>> -> memref<40x16xf32, #tpu.memory_space<vmem_shared>>
        %dma_wait3A_214 = arith.constant 0 : i32
        %dma_wait3A_215 = arith.constant 0 : i32
        %dma_wait3A_216 = tpu.memref_slice %arg21[%run_scoped3A_62, %dma_wait3A_214, %dma_wait3A_215] : memref<2x40x16xf32, #tpu.memory_space<vmem>> -> memref<1x40x16xf32, #tpu.memory_space<vmem>>
        %dma_wait3A_217 = tpu.memref_squeeze %dma_wait3A_216 : memref<1x40x16xf32, #tpu.memory_space<vmem>> -> memref<40x16xf32, #tpu.memory_space<vmem>>
        tpu.wait_dma2 semaphore(%run_scoped3A_193 : memref<!tpu.dma_semaphore, #tpu.memory_space<semaphore_mem>>) src(%dma_wait3A_217 : memref<40x16xf32, #tpu.memory_space<vmem>>) dst(%dma_wait3A_213 : memref<40x16xf32, #tpu.memory_space<vmem_shared>>)
        tpu.yield
      }) : () -> ()
      %add3A_63 = arith.constant 320 : i32
      %add3A_64 = arith.addi %mul3A_8, %add3A_63 : i32
      %run_scoped3A_65 = arith.constant 0 : i32
      "tpu.region"() ({
        %run_scoped3A_193 = tpu.sem_alloc : memref<!tpu.dma_semaphore, #tpu.memory_space<semaphore_mem>>
        %dma_start3A_194 = arith.constant 0 : i32
        %dma_start3A_195 = arith.constant 0 : i32
        %dma_start3A_196 = tpu.memref_slice %arg19[%run_scoped3A_65, %dma_start3A_194, %dma_start3A_195] : memref<2x40x128xf32, #tpu.memory_space<vmem>> -> memref<1x40x128xf32, #tpu.memory_space<vmem>>
        %dma_start3A_197 = tpu.memref_squeeze %dma_start3A_196 : memref<1x40x128xf32, #tpu.memory_space<vmem>> -> memref<40x128xf32, #tpu.memory_space<vmem>>
        %dma_start3A_198 = arith.constant 0 : i32
        %dma_start3A_199 = tpu.memref_slice %arg22[%add3A_64, %dma_start3A_198] : memref<10112x128xf32, #tpu.memory_space<vmem_shared>> -> memref<40x128xf32, #tpu.memory_space<vmem_shared>>
        %dma_start3A_200 = arith.constant 0 : i32
        %dma_start3A_201 = tpu.memref_slice %arg22[%add3A_64, %dma_start3A_200] : memref<10112x128xf32, #tpu.memory_space<vmem_shared>> -> memref<40x128xf32, #tpu.memory_space<vmem_shared>>
        %dma_start3A_202 = arith.constant 0 : i32
        %dma_start3A_203 = arith.constant 0 : i32
        %dma_start3A_204 = tpu.memref_slice %arg19[%run_scoped3A_65, %dma_start3A_202, %dma_start3A_203] : memref<2x40x128xf32, #tpu.memory_space<vmem>> -> memref<1x40x128xf32, #tpu.memory_space<vmem>>
        %dma_start3A_205 = tpu.memref_squeeze %dma_start3A_204 : memref<1x40x128xf32, #tpu.memory_space<vmem>> -> memref<40x128xf32, #tpu.memory_space<vmem>>
        tpu.enqueue_dma source(%dma_start3A_205 : memref<40x128xf32, #tpu.memory_space<vmem>>) target(%dma_start3A_201 : memref<40x128xf32, #tpu.memory_space<vmem_shared>>) target_semaphore(%run_scoped3A_193 : memref<!tpu.dma_semaphore, #tpu.memory_space<semaphore_mem>>)
        %dma_wait3A_206 = arith.constant 0 : i32
        %dma_wait3A_207 = arith.constant 0 : i32
        %dma_wait3A_208 = tpu.memref_slice %arg19[%run_scoped3A_65, %dma_wait3A_206, %dma_wait3A_207] : memref<2x40x128xf32, #tpu.memory_space<vmem>> -> memref<1x40x128xf32, #tpu.memory_space<vmem>>
        %dma_wait3A_209 = tpu.memref_squeeze %dma_wait3A_208 : memref<1x40x128xf32, #tpu.memory_space<vmem>> -> memref<40x128xf32, #tpu.memory_space<vmem>>
        %dma_wait3A_210 = arith.constant 0 : i32
        %dma_wait3A_211 = tpu.memref_slice %arg22[%add3A_64, %dma_wait3A_210] : memref<10112x128xf32, #tpu.memory_space<vmem_shared>> -> memref<40x128xf32, #tpu.memory_space<vmem_shared>>
        %dma_wait3A_212 = arith.constant 0 : i32
        %dma_wait3A_213 = tpu.memref_slice %arg22[%add3A_64, %dma_wait3A_212] : memref<10112x128xf32, #tpu.memory_space<vmem_shared>> -> memref<40x128xf32, #tpu.memory_space<vmem_shared>>
        %dma_wait3A_214 = arith.constant 0 : i32
        %dma_wait3A_215 = arith.constant 0 : i32
        %dma_wait3A_216 = tpu.memref_slice %arg19[%run_scoped3A_65, %dma_wait3A_214, %dma_wait3A_215] : memref<2x40x128xf32, #tpu.memory_space<vmem>> -> memref<1x40x128xf32, #tpu.memory_space<vmem>>
        %dma_wait3A_217 = tpu.memref_squeeze %dma_wait3A_216 : memref<1x40x128xf32, #tpu.memory_space<vmem>> -> memref<40x128xf32, #tpu.memory_space<vmem>>
        tpu.wait_dma2 semaphore(%run_scoped3A_193 : memref<!tpu.dma_semaphore, #tpu.memory_space<semaphore_mem>>) src(%dma_wait3A_217 : memref<40x128xf32, #tpu.memory_space<vmem>>) dst(%dma_wait3A_213 : memref<40x128xf32, #tpu.memory_space<vmem_shared>>)
        tpu.yield
      }) : () -> ()
      %add3A_66 = arith.constant 320 : i32
      %add3A_67 = arith.addi %mul3A_8, %add3A_66 : i32
      %run_scoped3A_68 = arith.constant 0 : i32
      "tpu.region"() ({
        %run_scoped3A_193 = tpu.sem_alloc : memref<!tpu.dma_semaphore, #tpu.memory_space<semaphore_mem>>
        %dma_start3A_194 = arith.constant 0 : i32
        %dma_start3A_195 = arith.constant 0 : i32
        %dma_start3A_196 = tpu.memref_slice %arg21[%run_scoped3A_68, %dma_start3A_194, %dma_start3A_195] : memref<2x40x16xf32, #tpu.memory_space<vmem>> -> memref<1x40x16xf32, #tpu.memory_space<vmem>>
        %dma_start3A_197 = tpu.memref_squeeze %dma_start3A_196 : memref<1x40x16xf32, #tpu.memory_space<vmem>> -> memref<40x16xf32, #tpu.memory_space<vmem>>
        %dma_start3A_198 = arith.constant 0 : i32
        %dma_start3A_199 = tpu.memref_slice %arg23[%add3A_67, %dma_start3A_198] : memref<10112x16xf32, #tpu.memory_space<vmem_shared>> -> memref<40x16xf32, #tpu.memory_space<vmem_shared>>
        %dma_start3A_200 = arith.constant 0 : i32
        %dma_start3A_201 = tpu.memref_slice %arg23[%add3A_67, %dma_start3A_200] : memref<10112x16xf32, #tpu.memory_space<vmem_shared>> -> memref<40x16xf32, #tpu.memory_space<vmem_shared>>
        %dma_start3A_202 = arith.constant 0 : i32
        %dma_start3A_203 = arith.constant 0 : i32
        %dma_start3A_204 = tpu.memref_slice %arg21[%run_scoped3A_68, %dma_start3A_202, %dma_start3A_203] : memref<2x40x16xf32, #tpu.memory_space<vmem>> -> memref<1x40x16xf32, #tpu.memory_space<vmem>>
        %dma_start3A_205 = tpu.memref_squeeze %dma_start3A_204 : memref<1x40x16xf32, #tpu.memory_space<vmem>> -> memref<40x16xf32, #tpu.memory_space<vmem>>
        tpu.enqueue_dma source(%dma_start3A_205 : memref<40x16xf32, #tpu.memory_space<vmem>>) target(%dma_start3A_201 : memref<40x16xf32, #tpu.memory_space<vmem_shared>>) target_semaphore(%run_scoped3A_193 : memref<!tpu.dma_semaphore, #tpu.memory_space<semaphore_mem>>)
        %dma_wait3A_206 = arith.constant 0 : i32
        %dma_wait3A_207 = arith.constant 0 : i32
        %dma_wait3A_208 = tpu.memref_slice %arg21[%run_scoped3A_68, %dma_wait3A_206, %dma_wait3A_207] : memref<2x40x16xf32, #tpu.memory_space<vmem>> -> memref<1x40x16xf32, #tpu.memory_space<vmem>>
        %dma_wait3A_209 = tpu.memref_squeeze %dma_wait3A_208 : memref<1x40x16xf32, #tpu.memory_space<vmem>> -> memref<40x16xf32, #tpu.memory_space<vmem>>
        %dma_wait3A_210 = arith.constant 0 : i32
        %dma_wait3A_211 = tpu.memref_slice %arg23[%add3A_67, %dma_wait3A_210] : memref<10112x16xf32, #tpu.memory_space<vmem_shared>> -> memref<40x16xf32, #tpu.memory_space<vmem_shared>>
        %dma_wait3A_212 = arith.constant 0 : i32
        %dma_wait3A_213 = tpu.memref_slice %arg23[%add3A_67, %dma_wait3A_212] : memref<10112x16xf32, #tpu.memory_space<vmem_shared>> -> memref<40x16xf32, #tpu.memory_space<vmem_shared>>
        %dma_wait3A_214 = arith.constant 0 : i32
        %dma_wait3A_215 = arith.constant 0 : i32
        %dma_wait3A_216 = tpu.memref_slice %arg21[%run_scoped3A_68, %dma_wait3A_214, %dma_wait3A_215] : memref<2x40x16xf32, #tpu.memory_space<vmem>> -> memref<1x40x16xf32, #tpu.memory_space<vmem>>
        %dma_wait3A_217 = tpu.memref_squeeze %dma_wait3A_216 : memref<1x40x16xf32, #tpu.memory_space<vmem>> -> memref<40x16xf32, #tpu.memory_space<vmem>>
        tpu.wait_dma2 semaphore(%run_scoped3A_193 : memref<!tpu.dma_semaphore, #tpu.memory_space<semaphore_mem>>) src(%dma_wait3A_217 : memref<40x16xf32, #tpu.memory_space<vmem>>) dst(%dma_wait3A_213 : memref<40x16xf32, #tpu.memory_space<vmem_shared>>)
        tpu.yield
      }) : () -> ()
      %add3A_69 = arith.constant 360 : i32
      %add3A_70 = arith.addi %mul3A_8, %add3A_69 : i32
      %run_scoped3A_71 = arith.constant 0 : i32
      "tpu.region"() ({
        %run_scoped3A_193 = tpu.sem_alloc : memref<!tpu.dma_semaphore, #tpu.memory_space<semaphore_mem>>
        %dma_start3A_194 = arith.constant 0 : i32
        %dma_start3A_195 = arith.constant 0 : i32
        %dma_start3A_196 = tpu.memref_slice %arg19[%run_scoped3A_71, %dma_start3A_194, %dma_start3A_195] : memref<2x40x128xf32, #tpu.memory_space<vmem>> -> memref<1x40x128xf32, #tpu.memory_space<vmem>>
        %dma_start3A_197 = tpu.memref_squeeze %dma_start3A_196 : memref<1x40x128xf32, #tpu.memory_space<vmem>> -> memref<40x128xf32, #tpu.memory_space<vmem>>
        %dma_start3A_198 = arith.constant 0 : i32
        %dma_start3A_199 = tpu.memref_slice %arg22[%add3A_70, %dma_start3A_198] : memref<10112x128xf32, #tpu.memory_space<vmem_shared>> -> memref<40x128xf32, #tpu.memory_space<vmem_shared>>
        %dma_start3A_200 = arith.constant 0 : i32
        %dma_start3A_201 = tpu.memref_slice %arg22[%add3A_70, %dma_start3A_200] : memref<10112x128xf32, #tpu.memory_space<vmem_shared>> -> memref<40x128xf32, #tpu.memory_space<vmem_shared>>
        %dma_start3A_202 = arith.constant 0 : i32
        %dma_start3A_203 = arith.constant 0 : i32
        %dma_start3A_204 = tpu.memref_slice %arg19[%run_scoped3A_71, %dma_start3A_202, %dma_start3A_203] : memref<2x40x128xf32, #tpu.memory_space<vmem>> -> memref<1x40x128xf32, #tpu.memory_space<vmem>>
        %dma_start3A_205 = tpu.memref_squeeze %dma_start3A_204 : memref<1x40x128xf32, #tpu.memory_space<vmem>> -> memref<40x128xf32, #tpu.memory_space<vmem>>
        tpu.enqueue_dma source(%dma_start3A_205 : memref<40x128xf32, #tpu.memory_space<vmem>>) target(%dma_start3A_201 : memref<40x128xf32, #tpu.memory_space<vmem_shared>>) target_semaphore(%run_scoped3A_193 : memref<!tpu.dma_semaphore, #tpu.memory_space<semaphore_mem>>)
        %dma_wait3A_206 = arith.constant 0 : i32
        %dma_wait3A_207 = arith.constant 0 : i32
        %dma_wait3A_208 = tpu.memref_slice %arg19[%run_scoped3A_71, %dma_wait3A_206, %dma_wait3A_207] : memref<2x40x128xf32, #tpu.memory_space<vmem>> -> memref<1x40x128xf32, #tpu.memory_space<vmem>>
        %dma_wait3A_209 = tpu.memref_squeeze %dma_wait3A_208 : memref<1x40x128xf32, #tpu.memory_space<vmem>> -> memref<40x128xf32, #tpu.memory_space<vmem>>
        %dma_wait3A_210 = arith.constant 0 : i32
        %dma_wait3A_211 = tpu.memref_slice %arg22[%add3A_70, %dma_wait3A_210] : memref<10112x128xf32, #tpu.memory_space<vmem_shared>> -> memref<40x128xf32, #tpu.memory_space<vmem_shared>>
        %dma_wait3A_212 = arith.constant 0 : i32
        %dma_wait3A_213 = tpu.memref_slice %arg22[%add3A_70, %dma_wait3A_212] : memref<10112x128xf32, #tpu.memory_space<vmem_shared>> -> memref<40x128xf32, #tpu.memory_space<vmem_shared>>
        %dma_wait3A_214 = arith.constant 0 : i32
        %dma_wait3A_215 = arith.constant 0 : i32
        %dma_wait3A_216 = tpu.memref_slice %arg19[%run_scoped3A_71, %dma_wait3A_214, %dma_wait3A_215] : memref<2x40x128xf32, #tpu.memory_space<vmem>> -> memref<1x40x128xf32, #tpu.memory_space<vmem>>
        %dma_wait3A_217 = tpu.memref_squeeze %dma_wait3A_216 : memref<1x40x128xf32, #tpu.memory_space<vmem>> -> memref<40x128xf32, #tpu.memory_space<vmem>>
        tpu.wait_dma2 semaphore(%run_scoped3A_193 : memref<!tpu.dma_semaphore, #tpu.memory_space<semaphore_mem>>) src(%dma_wait3A_217 : memref<40x128xf32, #tpu.memory_space<vmem>>) dst(%dma_wait3A_213 : memref<40x128xf32, #tpu.memory_space<vmem_shared>>)
        tpu.yield
      }) : () -> ()
      %add3A_72 = arith.constant 360 : i32
      %add3A_73 = arith.addi %mul3A_8, %add3A_72 : i32
      %run_scoped3A_74 = arith.constant 0 : i32
      "tpu.region"() ({
        %run_scoped3A_193 = tpu.sem_alloc : memref<!tpu.dma_semaphore, #tpu.memory_space<semaphore_mem>>
        %dma_start3A_194 = arith.constant 0 : i32
        %dma_start3A_195 = arith.constant 0 : i32
        %dma_start3A_196 = tpu.memref_slice %arg21[%run_scoped3A_74, %dma_start3A_194, %dma_start3A_195] : memref<2x40x16xf32, #tpu.memory_space<vmem>> -> memref<1x40x16xf32, #tpu.memory_space<vmem>>
        %dma_start3A_197 = tpu.memref_squeeze %dma_start3A_196 : memref<1x40x16xf32, #tpu.memory_space<vmem>> -> memref<40x16xf32, #tpu.memory_space<vmem>>
        %dma_start3A_198 = arith.constant 0 : i32
        %dma_start3A_199 = tpu.memref_slice %arg23[%add3A_73, %dma_start3A_198] : memref<10112x16xf32, #tpu.memory_space<vmem_shared>> -> memref<40x16xf32, #tpu.memory_space<vmem_shared>>
        %dma_start3A_200 = arith.constant 0 : i32
        %dma_start3A_201 = tpu.memref_slice %arg23[%add3A_73, %dma_start3A_200] : memref<10112x16xf32, #tpu.memory_space<vmem_shared>> -> memref<40x16xf32, #tpu.memory_space<vmem_shared>>
        %dma_start3A_202 = arith.constant 0 : i32
        %dma_start3A_203 = arith.constant 0 : i32
        %dma_start3A_204 = tpu.memref_slice %arg21[%run_scoped3A_74, %dma_start3A_202, %dma_start3A_203] : memref<2x40x16xf32, #tpu.memory_space<vmem>> -> memref<1x40x16xf32, #tpu.memory_space<vmem>>
        %dma_start3A_205 = tpu.memref_squeeze %dma_start3A_204 : memref<1x40x16xf32, #tpu.memory_space<vmem>> -> memref<40x16xf32, #tpu.memory_space<vmem>>
        tpu.enqueue_dma source(%dma_start3A_205 : memref<40x16xf32, #tpu.memory_space<vmem>>) target(%dma_start3A_201 : memref<40x16xf32, #tpu.memory_space<vmem_shared>>) target_semaphore(%run_scoped3A_193 : memref<!tpu.dma_semaphore, #tpu.memory_space<semaphore_mem>>)
        %dma_wait3A_206 = arith.constant 0 : i32
        %dma_wait3A_207 = arith.constant 0 : i32
        %dma_wait3A_208 = tpu.memref_slice %arg21[%run_scoped3A_74, %dma_wait3A_206, %dma_wait3A_207] : memref<2x40x16xf32, #tpu.memory_space<vmem>> -> memref<1x40x16xf32, #tpu.memory_space<vmem>>
        %dma_wait3A_209 = tpu.memref_squeeze %dma_wait3A_208 : memref<1x40x16xf32, #tpu.memory_space<vmem>> -> memref<40x16xf32, #tpu.memory_space<vmem>>
        %dma_wait3A_210 = arith.constant 0 : i32
        %dma_wait3A_211 = tpu.memref_slice %arg23[%add3A_73, %dma_wait3A_210] : memref<10112x16xf32, #tpu.memory_space<vmem_shared>> -> memref<40x16xf32, #tpu.memory_space<vmem_shared>>
        %dma_wait3A_212 = arith.constant 0 : i32
        %dma_wait3A_213 = tpu.memref_slice %arg23[%add3A_73, %dma_wait3A_212] : memref<10112x16xf32, #tpu.memory_space<vmem_shared>> -> memref<40x16xf32, #tpu.memory_space<vmem_shared>>
        %dma_wait3A_214 = arith.constant 0 : i32
        %dma_wait3A_215 = arith.constant 0 : i32
        %dma_wait3A_216 = tpu.memref_slice %arg21[%run_scoped3A_74, %dma_wait3A_214, %dma_wait3A_215] : memref<2x40x16xf32, #tpu.memory_space<vmem>> -> memref<1x40x16xf32, #tpu.memory_space<vmem>>
        %dma_wait3A_217 = tpu.memref_squeeze %dma_wait3A_216 : memref<1x40x16xf32, #tpu.memory_space<vmem>> -> memref<40x16xf32, #tpu.memory_space<vmem>>
        tpu.wait_dma2 semaphore(%run_scoped3A_193 : memref<!tpu.dma_semaphore, #tpu.memory_space<semaphore_mem>>) src(%dma_wait3A_217 : memref<40x16xf32, #tpu.memory_space<vmem>>) dst(%dma_wait3A_213 : memref<40x16xf32, #tpu.memory_space<vmem_shared>>)
        tpu.yield
      }) : () -> ()
      %add3A_75 = arith.constant 400 : i32
      %add3A_76 = arith.addi %mul3A_8, %add3A_75 : i32
      %run_scoped3A_77 = arith.constant 0 : i32
      "tpu.region"() ({
        %run_scoped3A_193 = tpu.sem_alloc : memref<!tpu.dma_semaphore, #tpu.memory_space<semaphore_mem>>
        %dma_start3A_194 = arith.constant 0 : i32
        %dma_start3A_195 = arith.constant 0 : i32
        %dma_start3A_196 = tpu.memref_slice %arg19[%run_scoped3A_77, %dma_start3A_194, %dma_start3A_195] : memref<2x40x128xf32, #tpu.memory_space<vmem>> -> memref<1x40x128xf32, #tpu.memory_space<vmem>>
        %dma_start3A_197 = tpu.memref_squeeze %dma_start3A_196 : memref<1x40x128xf32, #tpu.memory_space<vmem>> -> memref<40x128xf32, #tpu.memory_space<vmem>>
        %dma_start3A_198 = arith.constant 0 : i32
        %dma_start3A_199 = tpu.memref_slice %arg22[%add3A_76, %dma_start3A_198] : memref<10112x128xf32, #tpu.memory_space<vmem_shared>> -> memref<40x128xf32, #tpu.memory_space<vmem_shared>>
        %dma_start3A_200 = arith.constant 0 : i32
        %dma_start3A_201 = tpu.memref_slice %arg22[%add3A_76, %dma_start3A_200] : memref<10112x128xf32, #tpu.memory_space<vmem_shared>> -> memref<40x128xf32, #tpu.memory_space<vmem_shared>>
        %dma_start3A_202 = arith.constant 0 : i32
        %dma_start3A_203 = arith.constant 0 : i32
        %dma_start3A_204 = tpu.memref_slice %arg19[%run_scoped3A_77, %dma_start3A_202, %dma_start3A_203] : memref<2x40x128xf32, #tpu.memory_space<vmem>> -> memref<1x40x128xf32, #tpu.memory_space<vmem>>
        %dma_start3A_205 = tpu.memref_squeeze %dma_start3A_204 : memref<1x40x128xf32, #tpu.memory_space<vmem>> -> memref<40x128xf32, #tpu.memory_space<vmem>>
        tpu.enqueue_dma source(%dma_start3A_205 : memref<40x128xf32, #tpu.memory_space<vmem>>) target(%dma_start3A_201 : memref<40x128xf32, #tpu.memory_space<vmem_shared>>) target_semaphore(%run_scoped3A_193 : memref<!tpu.dma_semaphore, #tpu.memory_space<semaphore_mem>>)
        %dma_wait3A_206 = arith.constant 0 : i32
        %dma_wait3A_207 = arith.constant 0 : i32
        %dma_wait3A_208 = tpu.memref_slice %arg19[%run_scoped3A_77, %dma_wait3A_206, %dma_wait3A_207] : memref<2x40x128xf32, #tpu.memory_space<vmem>> -> memref<1x40x128xf32, #tpu.memory_space<vmem>>
        %dma_wait3A_209 = tpu.memref_squeeze %dma_wait3A_208 : memref<1x40x128xf32, #tpu.memory_space<vmem>> -> memref<40x128xf32, #tpu.memory_space<vmem>>
        %dma_wait3A_210 = arith.constant 0 : i32
        %dma_wait3A_211 = tpu.memref_slice %arg22[%add3A_76, %dma_wait3A_210] : memref<10112x128xf32, #tpu.memory_space<vmem_shared>> -> memref<40x128xf32, #tpu.memory_space<vmem_shared>>
        %dma_wait3A_212 = arith.constant 0 : i32
        %dma_wait3A_213 = tpu.memref_slice %arg22[%add3A_76, %dma_wait3A_212] : memref<10112x128xf32, #tpu.memory_space<vmem_shared>> -> memref<40x128xf32, #tpu.memory_space<vmem_shared>>
        %dma_wait3A_214 = arith.constant 0 : i32
        %dma_wait3A_215 = arith.constant 0 : i32
        %dma_wait3A_216 = tpu.memref_slice %arg19[%run_scoped3A_77, %dma_wait3A_214, %dma_wait3A_215] : memref<2x40x128xf32, #tpu.memory_space<vmem>> -> memref<1x40x128xf32, #tpu.memory_space<vmem>>
        %dma_wait3A_217 = tpu.memref_squeeze %dma_wait3A_216 : memref<1x40x128xf32, #tpu.memory_space<vmem>> -> memref<40x128xf32, #tpu.memory_space<vmem>>
        tpu.wait_dma2 semaphore(%run_scoped3A_193 : memref<!tpu.dma_semaphore, #tpu.memory_space<semaphore_mem>>) src(%dma_wait3A_217 : memref<40x128xf32, #tpu.memory_space<vmem>>) dst(%dma_wait3A_213 : memref<40x128xf32, #tpu.memory_space<vmem_shared>>)
        tpu.yield
      }) : () -> ()
      %add3A_78 = arith.constant 400 : i32
      %add3A_79 = arith.addi %mul3A_8, %add3A_78 : i32
      %run_scoped3A_80 = arith.constant 0 : i32
      "tpu.region"() ({
        %run_scoped3A_193 = tpu.sem_alloc : memref<!tpu.dma_semaphore, #tpu.memory_space<semaphore_mem>>
        %dma_start3A_194 = arith.constant 0 : i32
        %dma_start3A_195 = arith.constant 0 : i32
        %dma_start3A_196 = tpu.memref_slice %arg21[%run_scoped3A_80, %dma_start3A_194, %dma_start3A_195] : memref<2x40x16xf32, #tpu.memory_space<vmem>> -> memref<1x40x16xf32, #tpu.memory_space<vmem>>
        %dma_start3A_197 = tpu.memref_squeeze %dma_start3A_196 : memref<1x40x16xf32, #tpu.memory_space<vmem>> -> memref<40x16xf32, #tpu.memory_space<vmem>>
        %dma_start3A_198 = arith.constant 0 : i32
        %dma_start3A_199 = tpu.memref_slice %arg23[%add3A_79, %dma_start3A_198] : memref<10112x16xf32, #tpu.memory_space<vmem_shared>> -> memref<40x16xf32, #tpu.memory_space<vmem_shared>>
        %dma_start3A_200 = arith.constant 0 : i32
        %dma_start3A_201 = tpu.memref_slice %arg23[%add3A_79, %dma_start3A_200] : memref<10112x16xf32, #tpu.memory_space<vmem_shared>> -> memref<40x16xf32, #tpu.memory_space<vmem_shared>>
        %dma_start3A_202 = arith.constant 0 : i32
        %dma_start3A_203 = arith.constant 0 : i32
        %dma_start3A_204 = tpu.memref_slice %arg21[%run_scoped3A_80, %dma_start3A_202, %dma_start3A_203] : memref<2x40x16xf32, #tpu.memory_space<vmem>> -> memref<1x40x16xf32, #tpu.memory_space<vmem>>
        %dma_start3A_205 = tpu.memref_squeeze %dma_start3A_204 : memref<1x40x16xf32, #tpu.memory_space<vmem>> -> memref<40x16xf32, #tpu.memory_space<vmem>>
        tpu.enqueue_dma source(%dma_start3A_205 : memref<40x16xf32, #tpu.memory_space<vmem>>) target(%dma_start3A_201 : memref<40x16xf32, #tpu.memory_space<vmem_shared>>) target_semaphore(%run_scoped3A_193 : memref<!tpu.dma_semaphore, #tpu.memory_space<semaphore_mem>>)
        %dma_wait3A_206 = arith.constant 0 : i32
        %dma_wait3A_207 = arith.constant 0 : i32
        %dma_wait3A_208 = tpu.memref_slice %arg21[%run_scoped3A_80, %dma_wait3A_206, %dma_wait3A_207] : memref<2x40x16xf32, #tpu.memory_space<vmem>> -> memref<1x40x16xf32, #tpu.memory_space<vmem>>
        %dma_wait3A_209 = tpu.memref_squeeze %dma_wait3A_208 : memref<1x40x16xf32, #tpu.memory_space<vmem>> -> memref<40x16xf32, #tpu.memory_space<vmem>>
        %dma_wait3A_210 = arith.constant 0 : i32
        %dma_wait3A_211 = tpu.memref_slice %arg23[%add3A_79, %dma_wait3A_210] : memref<10112x16xf32, #tpu.memory_space<vmem_shared>> -> memref<40x16xf32, #tpu.memory_space<vmem_shared>>
        %dma_wait3A_212 = arith.constant 0 : i32
        %dma_wait3A_213 = tpu.memref_slice %arg23[%add3A_79, %dma_wait3A_212] : memref<10112x16xf32, #tpu.memory_space<vmem_shared>> -> memref<40x16xf32, #tpu.memory_space<vmem_shared>>
        %dma_wait3A_214 = arith.constant 0 : i32
        %dma_wait3A_215 = arith.constant 0 : i32
        %dma_wait3A_216 = tpu.memref_slice %arg21[%run_scoped3A_80, %dma_wait3A_214, %dma_wait3A_215] : memref<2x40x16xf32, #tpu.memory_space<vmem>> -> memref<1x40x16xf32, #tpu.memory_space<vmem>>
        %dma_wait3A_217 = tpu.memref_squeeze %dma_wait3A_216 : memref<1x40x16xf32, #tpu.memory_space<vmem>> -> memref<40x16xf32, #tpu.memory_space<vmem>>
        tpu.wait_dma2 semaphore(%run_scoped3A_193 : memref<!tpu.dma_semaphore, #tpu.memory_space<semaphore_mem>>) src(%dma_wait3A_217 : memref<40x16xf32, #tpu.memory_space<vmem>>) dst(%dma_wait3A_213 : memref<40x16xf32, #tpu.memory_space<vmem_shared>>)
        tpu.yield
      }) : () -> ()
      %add3A_81 = arith.constant 440 : i32
      %add3A_82 = arith.addi %mul3A_8, %add3A_81 : i32
      %run_scoped3A_83 = arith.constant 0 : i32
      "tpu.region"() ({
        %run_scoped3A_193 = tpu.sem_alloc : memref<!tpu.dma_semaphore, #tpu.memory_space<semaphore_mem>>
        %dma_start3A_194 = arith.constant 0 : i32
        %dma_start3A_195 = arith.constant 0 : i32
        %dma_start3A_196 = tpu.memref_slice %arg19[%run_scoped3A_83, %dma_start3A_194, %dma_start3A_195] : memref<2x40x128xf32, #tpu.memory_space<vmem>> -> memref<1x40x128xf32, #tpu.memory_space<vmem>>
        %dma_start3A_197 = tpu.memref_squeeze %dma_start3A_196 : memref<1x40x128xf32, #tpu.memory_space<vmem>> -> memref<40x128xf32, #tpu.memory_space<vmem>>
        %dma_start3A_198 = arith.constant 0 : i32
        %dma_start3A_199 = tpu.memref_slice %arg22[%add3A_82, %dma_start3A_198] : memref<10112x128xf32, #tpu.memory_space<vmem_shared>> -> memref<40x128xf32, #tpu.memory_space<vmem_shared>>
        %dma_start3A_200 = arith.constant 0 : i32
        %dma_start3A_201 = tpu.memref_slice %arg22[%add3A_82, %dma_start3A_200] : memref<10112x128xf32, #tpu.memory_space<vmem_shared>> -> memref<40x128xf32, #tpu.memory_space<vmem_shared>>
        %dma_start3A_202 = arith.constant 0 : i32
        %dma_start3A_203 = arith.constant 0 : i32
        %dma_start3A_204 = tpu.memref_slice %arg19[%run_scoped3A_83, %dma_start3A_202, %dma_start3A_203] : memref<2x40x128xf32, #tpu.memory_space<vmem>> -> memref<1x40x128xf32, #tpu.memory_space<vmem>>
        %dma_start3A_205 = tpu.memref_squeeze %dma_start3A_204 : memref<1x40x128xf32, #tpu.memory_space<vmem>> -> memref<40x128xf32, #tpu.memory_space<vmem>>
        tpu.enqueue_dma source(%dma_start3A_205 : memref<40x128xf32, #tpu.memory_space<vmem>>) target(%dma_start3A_201 : memref<40x128xf32, #tpu.memory_space<vmem_shared>>) target_semaphore(%run_scoped3A_193 : memref<!tpu.dma_semaphore, #tpu.memory_space<semaphore_mem>>)
        %dma_wait3A_206 = arith.constant 0 : i32
        %dma_wait3A_207 = arith.constant 0 : i32
        %dma_wait3A_208 = tpu.memref_slice %arg19[%run_scoped3A_83, %dma_wait3A_206, %dma_wait3A_207] : memref<2x40x128xf32, #tpu.memory_space<vmem>> -> memref<1x40x128xf32, #tpu.memory_space<vmem>>
        %dma_wait3A_209 = tpu.memref_squeeze %dma_wait3A_208 : memref<1x40x128xf32, #tpu.memory_space<vmem>> -> memref<40x128xf32, #tpu.memory_space<vmem>>
        %dma_wait3A_210 = arith.constant 0 : i32
        %dma_wait3A_211 = tpu.memref_slice %arg22[%add3A_82, %dma_wait3A_210] : memref<10112x128xf32, #tpu.memory_space<vmem_shared>> -> memref<40x128xf32, #tpu.memory_space<vmem_shared>>
        %dma_wait3A_212 = arith.constant 0 : i32
        %dma_wait3A_213 = tpu.memref_slice %arg22[%add3A_82, %dma_wait3A_212] : memref<10112x128xf32, #tpu.memory_space<vmem_shared>> -> memref<40x128xf32, #tpu.memory_space<vmem_shared>>
        %dma_wait3A_214 = arith.constant 0 : i32
        %dma_wait3A_215 = arith.constant 0 : i32
        %dma_wait3A_216 = tpu.memref_slice %arg19[%run_scoped3A_83, %dma_wait3A_214, %dma_wait3A_215] : memref<2x40x128xf32, #tpu.memory_space<vmem>> -> memref<1x40x128xf32, #tpu.memory_space<vmem>>
        %dma_wait3A_217 = tpu.memref_squeeze %dma_wait3A_216 : memref<1x40x128xf32, #tpu.memory_space<vmem>> -> memref<40x128xf32, #tpu.memory_space<vmem>>
        tpu.wait_dma2 semaphore(%run_scoped3A_193 : memref<!tpu.dma_semaphore, #tpu.memory_space<semaphore_mem>>) src(%dma_wait3A_217 : memref<40x128xf32, #tpu.memory_space<vmem>>) dst(%dma_wait3A_213 : memref<40x128xf32, #tpu.memory_space<vmem_shared>>)
        tpu.yield
      }) : () -> ()
      %add3A_84 = arith.constant 440 : i32
      %add3A_85 = arith.addi %mul3A_8, %add3A_84 : i32
      %run_scoped3A_86 = arith.constant 0 : i32
      "tpu.region"() ({
        %run_scoped3A_193 = tpu.sem_alloc : memref<!tpu.dma_semaphore, #tpu.memory_space<semaphore_mem>>
        %dma_start3A_194 = arith.constant 0 : i32
        %dma_start3A_195 = arith.constant 0 : i32
        %dma_start3A_196 = tpu.memref_slice %arg21[%run_scoped3A_86, %dma_start3A_194, %dma_start3A_195] : memref<2x40x16xf32, #tpu.memory_space<vmem>> -> memref<1x40x16xf32, #tpu.memory_space<vmem>>
        %dma_start3A_197 = tpu.memref_squeeze %dma_start3A_196 : memref<1x40x16xf32, #tpu.memory_space<vmem>> -> memref<40x16xf32, #tpu.memory_space<vmem>>
        %dma_start3A_198 = arith.constant 0 : i32
        %dma_start3A_199 = tpu.memref_slice %arg23[%add3A_85, %dma_start3A_198] : memref<10112x16xf32, #tpu.memory_space<vmem_shared>> -> memref<40x16xf32, #tpu.memory_space<vmem_shared>>
        %dma_start3A_200 = arith.constant 0 : i32
        %dma_start3A_201 = tpu.memref_slice %arg23[%add3A_85, %dma_start3A_200] : memref<10112x16xf32, #tpu.memory_space<vmem_shared>> -> memref<40x16xf32, #tpu.memory_space<vmem_shared>>
        %dma_start3A_202 = arith.constant 0 : i32
        %dma_start3A_203 = arith.constant 0 : i32
        %dma_start3A_204 = tpu.memref_slice %arg21[%run_scoped3A_86, %dma_start3A_202, %dma_start3A_203] : memref<2x40x16xf32, #tpu.memory_space<vmem>> -> memref<1x40x16xf32, #tpu.memory_space<vmem>>
        %dma_start3A_205 = tpu.memref_squeeze %dma_start3A_204 : memref<1x40x16xf32, #tpu.memory_space<vmem>> -> memref<40x16xf32, #tpu.memory_space<vmem>>
        tpu.enqueue_dma source(%dma_start3A_205 : memref<40x16xf32, #tpu.memory_space<vmem>>) target(%dma_start3A_201 : memref<40x16xf32, #tpu.memory_space<vmem_shared>>) target_semaphore(%run_scoped3A_193 : memref<!tpu.dma_semaphore, #tpu.memory_space<semaphore_mem>>)
        %dma_wait3A_206 = arith.constant 0 : i32
        %dma_wait3A_207 = arith.constant 0 : i32
        %dma_wait3A_208 = tpu.memref_slice %arg21[%run_scoped3A_86, %dma_wait3A_206, %dma_wait3A_207] : memref<2x40x16xf32, #tpu.memory_space<vmem>> -> memref<1x40x16xf32, #tpu.memory_space<vmem>>
        %dma_wait3A_209 = tpu.memref_squeeze %dma_wait3A_208 : memref<1x40x16xf32, #tpu.memory_space<vmem>> -> memref<40x16xf32, #tpu.memory_space<vmem>>
        %dma_wait3A_210 = arith.constant 0 : i32
        %dma_wait3A_211 = tpu.memref_slice %arg23[%add3A_85, %dma_wait3A_210] : memref<10112x16xf32, #tpu.memory_space<vmem_shared>> -> memref<40x16xf32, #tpu.memory_space<vmem_shared>>
        %dma_wait3A_212 = arith.constant 0 : i32
        %dma_wait3A_213 = tpu.memref_slice %arg23[%add3A_85, %dma_wait3A_212] : memref<10112x16xf32, #tpu.memory_space<vmem_shared>> -> memref<40x16xf32, #tpu.memory_space<vmem_shared>>
        %dma_wait3A_214 = arith.constant 0 : i32
        %dma_wait3A_215 = arith.constant 0 : i32
        %dma_wait3A_216 = tpu.memref_slice %arg21[%run_scoped3A_86, %dma_wait3A_214, %dma_wait3A_215] : memref<2x40x16xf32, #tpu.memory_space<vmem>> -> memref<1x40x16xf32, #tpu.memory_space<vmem>>
        %dma_wait3A_217 = tpu.memref_squeeze %dma_wait3A_216 : memref<1x40x16xf32, #tpu.memory_space<vmem>> -> memref<40x16xf32, #tpu.memory_space<vmem>>
        tpu.wait_dma2 semaphore(%run_scoped3A_193 : memref<!tpu.dma_semaphore, #tpu.memory_space<semaphore_mem>>) src(%dma_wait3A_217 : memref<40x16xf32, #tpu.memory_space<vmem>>) dst(%dma_wait3A_213 : memref<40x16xf32, #tpu.memory_space<vmem_shared>>)
        tpu.yield
      }) : () -> ()
      %add3A_87 = arith.constant 480 : i32
      %add3A_88 = arith.addi %mul3A_8, %add3A_87 : i32
      %run_scoped3A_89 = arith.constant 0 : i32
      "tpu.region"() ({
        %run_scoped3A_193 = tpu.sem_alloc : memref<!tpu.dma_semaphore, #tpu.memory_space<semaphore_mem>>
        %dma_start3A_194 = arith.constant 0 : i32
        %dma_start3A_195 = arith.constant 0 : i32
        %dma_start3A_196 = tpu.memref_slice %arg19[%run_scoped3A_89, %dma_start3A_194, %dma_start3A_195] : memref<2x40x128xf32, #tpu.memory_space<vmem>> -> memref<1x40x128xf32, #tpu.memory_space<vmem>>
        %dma_start3A_197 = tpu.memref_squeeze %dma_start3A_196 : memref<1x40x128xf32, #tpu.memory_space<vmem>> -> memref<40x128xf32, #tpu.memory_space<vmem>>
        %dma_start3A_198 = arith.constant 0 : i32
        %dma_start3A_199 = tpu.memref_slice %arg22[%add3A_88, %dma_start3A_198] : memref<10112x128xf32, #tpu.memory_space<vmem_shared>> -> memref<40x128xf32, #tpu.memory_space<vmem_shared>>
        %dma_start3A_200 = arith.constant 0 : i32
        %dma_start3A_201 = tpu.memref_slice %arg22[%add3A_88, %dma_start3A_200] : memref<10112x128xf32, #tpu.memory_space<vmem_shared>> -> memref<40x128xf32, #tpu.memory_space<vmem_shared>>
        %dma_start3A_202 = arith.constant 0 : i32
        %dma_start3A_203 = arith.constant 0 : i32
        %dma_start3A_204 = tpu.memref_slice %arg19[%run_scoped3A_89, %dma_start3A_202, %dma_start3A_203] : memref<2x40x128xf32, #tpu.memory_space<vmem>> -> memref<1x40x128xf32, #tpu.memory_space<vmem>>
        %dma_start3A_205 = tpu.memref_squeeze %dma_start3A_204 : memref<1x40x128xf32, #tpu.memory_space<vmem>> -> memref<40x128xf32, #tpu.memory_space<vmem>>
        tpu.enqueue_dma source(%dma_start3A_205 : memref<40x128xf32, #tpu.memory_space<vmem>>) target(%dma_start3A_201 : memref<40x128xf32, #tpu.memory_space<vmem_shared>>) target_semaphore(%run_scoped3A_193 : memref<!tpu.dma_semaphore, #tpu.memory_space<semaphore_mem>>)
        %dma_wait3A_206 = arith.constant 0 : i32
        %dma_wait3A_207 = arith.constant 0 : i32
        %dma_wait3A_208 = tpu.memref_slice %arg19[%run_scoped3A_89, %dma_wait3A_206, %dma_wait3A_207] : memref<2x40x128xf32, #tpu.memory_space<vmem>> -> memref<1x40x128xf32, #tpu.memory_space<vmem>>
        %dma_wait3A_209 = tpu.memref_squeeze %dma_wait3A_208 : memref<1x40x128xf32, #tpu.memory_space<vmem>> -> memref<40x128xf32, #tpu.memory_space<vmem>>
        %dma_wait3A_210 = arith.constant 0 : i32
        %dma_wait3A_211 = tpu.memref_slice %arg22[%add3A_88, %dma_wait3A_210] : memref<10112x128xf32, #tpu.memory_space<vmem_shared>> -> memref<40x128xf32, #tpu.memory_space<vmem_shared>>
        %dma_wait3A_212 = arith.constant 0 : i32
        %dma_wait3A_213 = tpu.memref_slice %arg22[%add3A_88, %dma_wait3A_212] : memref<10112x128xf32, #tpu.memory_space<vmem_shared>> -> memref<40x128xf32, #tpu.memory_space<vmem_shared>>
        %dma_wait3A_214 = arith.constant 0 : i32
        %dma_wait3A_215 = arith.constant 0 : i32
        %dma_wait3A_216 = tpu.memref_slice %arg19[%run_scoped3A_89, %dma_wait3A_214, %dma_wait3A_215] : memref<2x40x128xf32, #tpu.memory_space<vmem>> -> memref<1x40x128xf32, #tpu.memory_space<vmem>>
        %dma_wait3A_217 = tpu.memref_squeeze %dma_wait3A_216 : memref<1x40x128xf32, #tpu.memory_space<vmem>> -> memref<40x128xf32, #tpu.memory_space<vmem>>
        tpu.wait_dma2 semaphore(%run_scoped3A_193 : memref<!tpu.dma_semaphore, #tpu.memory_space<semaphore_mem>>) src(%dma_wait3A_217 : memref<40x128xf32, #tpu.memory_space<vmem>>) dst(%dma_wait3A_213 : memref<40x128xf32, #tpu.memory_space<vmem_shared>>)
        tpu.yield
      }) : () -> ()
      %add3A_90 = arith.constant 480 : i32
      %add3A_91 = arith.addi %mul3A_8, %add3A_90 : i32
      %run_scoped3A_92 = arith.constant 0 : i32
      "tpu.region"() ({
        %run_scoped3A_193 = tpu.sem_alloc : memref<!tpu.dma_semaphore, #tpu.memory_space<semaphore_mem>>
        %dma_start3A_194 = arith.constant 0 : i32
        %dma_start3A_195 = arith.constant 0 : i32
        %dma_start3A_196 = tpu.memref_slice %arg21[%run_scoped3A_92, %dma_start3A_194, %dma_start3A_195] : memref<2x40x16xf32, #tpu.memory_space<vmem>> -> memref<1x40x16xf32, #tpu.memory_space<vmem>>
        %dma_start3A_197 = tpu.memref_squeeze %dma_start3A_196 : memref<1x40x16xf32, #tpu.memory_space<vmem>> -> memref<40x16xf32, #tpu.memory_space<vmem>>
        %dma_start3A_198 = arith.constant 0 : i32
        %dma_start3A_199 = tpu.memref_slice %arg23[%add3A_91, %dma_start3A_198] : memref<10112x16xf32, #tpu.memory_space<vmem_shared>> -> memref<40x16xf32, #tpu.memory_space<vmem_shared>>
        %dma_start3A_200 = arith.constant 0 : i32
        %dma_start3A_201 = tpu.memref_slice %arg23[%add3A_91, %dma_start3A_200] : memref<10112x16xf32, #tpu.memory_space<vmem_shared>> -> memref<40x16xf32, #tpu.memory_space<vmem_shared>>
        %dma_start3A_202 = arith.constant 0 : i32
        %dma_start3A_203 = arith.constant 0 : i32
        %dma_start3A_204 = tpu.memref_slice %arg21[%run_scoped3A_92, %dma_start3A_202, %dma_start3A_203] : memref<2x40x16xf32, #tpu.memory_space<vmem>> -> memref<1x40x16xf32, #tpu.memory_space<vmem>>
        %dma_start3A_205 = tpu.memref_squeeze %dma_start3A_204 : memref<1x40x16xf32, #tpu.memory_space<vmem>> -> memref<40x16xf32, #tpu.memory_space<vmem>>
        tpu.enqueue_dma source(%dma_start3A_205 : memref<40x16xf32, #tpu.memory_space<vmem>>) target(%dma_start3A_201 : memref<40x16xf32, #tpu.memory_space<vmem_shared>>) target_semaphore(%run_scoped3A_193 : memref<!tpu.dma_semaphore, #tpu.memory_space<semaphore_mem>>)
        %dma_wait3A_206 = arith.constant 0 : i32
        %dma_wait3A_207 = arith.constant 0 : i32
        %dma_wait3A_208 = tpu.memref_slice %arg21[%run_scoped3A_92, %dma_wait3A_206, %dma_wait3A_207] : memref<2x40x16xf32, #tpu.memory_space<vmem>> -> memref<1x40x16xf32, #tpu.memory_space<vmem>>
        %dma_wait3A_209 = tpu.memref_squeeze %dma_wait3A_208 : memref<1x40x16xf32, #tpu.memory_space<vmem>> -> memref<40x16xf32, #tpu.memory_space<vmem>>
        %dma_wait3A_210 = arith.constant 0 : i32
        %dma_wait3A_211 = tpu.memref_slice %arg23[%add3A_91, %dma_wait3A_210] : memref<10112x16xf32, #tpu.memory_space<vmem_shared>> -> memref<40x16xf32, #tpu.memory_space<vmem_shared>>
        %dma_wait3A_212 = arith.constant 0 : i32
        %dma_wait3A_213 = tpu.memref_slice %arg23[%add3A_91, %dma_wait3A_212] : memref<10112x16xf32, #tpu.memory_space<vmem_shared>> -> memref<40x16xf32, #tpu.memory_space<vmem_shared>>
        %dma_wait3A_214 = arith.constant 0 : i32
        %dma_wait3A_215 = arith.constant 0 : i32
        %dma_wait3A_216 = tpu.memref_slice %arg21[%run_scoped3A_92, %dma_wait3A_214, %dma_wait3A_215] : memref<2x40x16xf32, #tpu.memory_space<vmem>> -> memref<1x40x16xf32, #tpu.memory_space<vmem>>
        %dma_wait3A_217 = tpu.memref_squeeze %dma_wait3A_216 : memref<1x40x16xf32, #tpu.memory_space<vmem>> -> memref<40x16xf32, #tpu.memory_space<vmem>>
        tpu.wait_dma2 semaphore(%run_scoped3A_193 : memref<!tpu.dma_semaphore, #tpu.memory_space<semaphore_mem>>) src(%dma_wait3A_217 : memref<40x16xf32, #tpu.memory_space<vmem>>) dst(%dma_wait3A_213 : memref<40x16xf32, #tpu.memory_space<vmem_shared>>)
        tpu.yield
      }) : () -> ()
      %add3A_93 = arith.constant 520 : i32
      %add3A_94 = arith.addi %mul3A_8, %add3A_93 : i32
      %run_scoped3A_95 = arith.constant 0 : i32
      "tpu.region"() ({
        %run_scoped3A_193 = tpu.sem_alloc : memref<!tpu.dma_semaphore, #tpu.memory_space<semaphore_mem>>
        %dma_start3A_194 = arith.constant 0 : i32
        %dma_start3A_195 = arith.constant 0 : i32
        %dma_start3A_196 = tpu.memref_slice %arg19[%run_scoped3A_95, %dma_start3A_194, %dma_start3A_195] : memref<2x40x128xf32, #tpu.memory_space<vmem>> -> memref<1x40x128xf32, #tpu.memory_space<vmem>>
        %dma_start3A_197 = tpu.memref_squeeze %dma_start3A_196 : memref<1x40x128xf32, #tpu.memory_space<vmem>> -> memref<40x128xf32, #tpu.memory_space<vmem>>
        %dma_start3A_198 = arith.constant 0 : i32
        %dma_start3A_199 = tpu.memref_slice %arg22[%add3A_94, %dma_start3A_198] : memref<10112x128xf32, #tpu.memory_space<vmem_shared>> -> memref<40x128xf32, #tpu.memory_space<vmem_shared>>
        %dma_start3A_200 = arith.constant 0 : i32
        %dma_start3A_201 = tpu.memref_slice %arg22[%add3A_94, %dma_start3A_200] : memref<10112x128xf32, #tpu.memory_space<vmem_shared>> -> memref<40x128xf32, #tpu.memory_space<vmem_shared>>
        %dma_start3A_202 = arith.constant 0 : i32
        %dma_start3A_203 = arith.constant 0 : i32
        %dma_start3A_204 = tpu.memref_slice %arg19[%run_scoped3A_95, %dma_start3A_202, %dma_start3A_203] : memref<2x40x128xf32, #tpu.memory_space<vmem>> -> memref<1x40x128xf32, #tpu.memory_space<vmem>>
        %dma_start3A_205 = tpu.memref_squeeze %dma_start3A_204 : memref<1x40x128xf32, #tpu.memory_space<vmem>> -> memref<40x128xf32, #tpu.memory_space<vmem>>
        tpu.enqueue_dma source(%dma_start3A_205 : memref<40x128xf32, #tpu.memory_space<vmem>>) target(%dma_start3A_201 : memref<40x128xf32, #tpu.memory_space<vmem_shared>>) target_semaphore(%run_scoped3A_193 : memref<!tpu.dma_semaphore, #tpu.memory_space<semaphore_mem>>)
        %dma_wait3A_206 = arith.constant 0 : i32
        %dma_wait3A_207 = arith.constant 0 : i32
        %dma_wait3A_208 = tpu.memref_slice %arg19[%run_scoped3A_95, %dma_wait3A_206, %dma_wait3A_207] : memref<2x40x128xf32, #tpu.memory_space<vmem>> -> memref<1x40x128xf32, #tpu.memory_space<vmem>>
        %dma_wait3A_209 = tpu.memref_squeeze %dma_wait3A_208 : memref<1x40x128xf32, #tpu.memory_space<vmem>> -> memref<40x128xf32, #tpu.memory_space<vmem>>
        %dma_wait3A_210 = arith.constant 0 : i32
        %dma_wait3A_211 = tpu.memref_slice %arg22[%add3A_94, %dma_wait3A_210] : memref<10112x128xf32, #tpu.memory_space<vmem_shared>> -> memref<40x128xf32, #tpu.memory_space<vmem_shared>>
        %dma_wait3A_212 = arith.constant 0 : i32
        %dma_wait3A_213 = tpu.memref_slice %arg22[%add3A_94, %dma_wait3A_212] : memref<10112x128xf32, #tpu.memory_space<vmem_shared>> -> memref<40x128xf32, #tpu.memory_space<vmem_shared>>
        %dma_wait3A_214 = arith.constant 0 : i32
        %dma_wait3A_215 = arith.constant 0 : i32
        %dma_wait3A_216 = tpu.memref_slice %arg19[%run_scoped3A_95, %dma_wait3A_214, %dma_wait3A_215] : memref<2x40x128xf32, #tpu.memory_space<vmem>> -> memref<1x40x128xf32, #tpu.memory_space<vmem>>
        %dma_wait3A_217 = tpu.memref_squeeze %dma_wait3A_216 : memref<1x40x128xf32, #tpu.memory_space<vmem>> -> memref<40x128xf32, #tpu.memory_space<vmem>>
        tpu.wait_dma2 semaphore(%run_scoped3A_193 : memref<!tpu.dma_semaphore, #tpu.memory_space<semaphore_mem>>) src(%dma_wait3A_217 : memref<40x128xf32, #tpu.memory_space<vmem>>) dst(%dma_wait3A_213 : memref<40x128xf32, #tpu.memory_space<vmem_shared>>)
        tpu.yield
      }) : () -> ()
      %add3A_96 = arith.constant 520 : i32
      %add3A_97 = arith.addi %mul3A_8, %add3A_96 : i32
      %run_scoped3A_98 = arith.constant 0 : i32
      "tpu.region"() ({
        %run_scoped3A_193 = tpu.sem_alloc : memref<!tpu.dma_semaphore, #tpu.memory_space<semaphore_mem>>
        %dma_start3A_194 = arith.constant 0 : i32
        %dma_start3A_195 = arith.constant 0 : i32
        %dma_start3A_196 = tpu.memref_slice %arg21[%run_scoped3A_98, %dma_start3A_194, %dma_start3A_195] : memref<2x40x16xf32, #tpu.memory_space<vmem>> -> memref<1x40x16xf32, #tpu.memory_space<vmem>>
        %dma_start3A_197 = tpu.memref_squeeze %dma_start3A_196 : memref<1x40x16xf32, #tpu.memory_space<vmem>> -> memref<40x16xf32, #tpu.memory_space<vmem>>
        %dma_start3A_198 = arith.constant 0 : i32
        %dma_start3A_199 = tpu.memref_slice %arg23[%add3A_97, %dma_start3A_198] : memref<10112x16xf32, #tpu.memory_space<vmem_shared>> -> memref<40x16xf32, #tpu.memory_space<vmem_shared>>
        %dma_start3A_200 = arith.constant 0 : i32
        %dma_start3A_201 = tpu.memref_slice %arg23[%add3A_97, %dma_start3A_200] : memref<10112x16xf32, #tpu.memory_space<vmem_shared>> -> memref<40x16xf32, #tpu.memory_space<vmem_shared>>
        %dma_start3A_202 = arith.constant 0 : i32
        %dma_start3A_203 = arith.constant 0 : i32
        %dma_start3A_204 = tpu.memref_slice %arg21[%run_scoped3A_98, %dma_start3A_202, %dma_start3A_203] : memref<2x40x16xf32, #tpu.memory_space<vmem>> -> memref<1x40x16xf32, #tpu.memory_space<vmem>>
        %dma_start3A_205 = tpu.memref_squeeze %dma_start3A_204 : memref<1x40x16xf32, #tpu.memory_space<vmem>> -> memref<40x16xf32, #tpu.memory_space<vmem>>
        tpu.enqueue_dma source(%dma_start3A_205 : memref<40x16xf32, #tpu.memory_space<vmem>>) target(%dma_start3A_201 : memref<40x16xf32, #tpu.memory_space<vmem_shared>>) target_semaphore(%run_scoped3A_193 : memref<!tpu.dma_semaphore, #tpu.memory_space<semaphore_mem>>)
        %dma_wait3A_206 = arith.constant 0 : i32
        %dma_wait3A_207 = arith.constant 0 : i32
        %dma_wait3A_208 = tpu.memref_slice %arg21[%run_scoped3A_98, %dma_wait3A_206, %dma_wait3A_207] : memref<2x40x16xf32, #tpu.memory_space<vmem>> -> memref<1x40x16xf32, #tpu.memory_space<vmem>>
        %dma_wait3A_209 = tpu.memref_squeeze %dma_wait3A_208 : memref<1x40x16xf32, #tpu.memory_space<vmem>> -> memref<40x16xf32, #tpu.memory_space<vmem>>
        %dma_wait3A_210 = arith.constant 0 : i32
        %dma_wait3A_211 = tpu.memref_slice %arg23[%add3A_97, %dma_wait3A_210] : memref<10112x16xf32, #tpu.memory_space<vmem_shared>> -> memref<40x16xf32, #tpu.memory_space<vmem_shared>>
        %dma_wait3A_212 = arith.constant 0 : i32
        %dma_wait3A_213 = tpu.memref_slice %arg23[%add3A_97, %dma_wait3A_212] : memref<10112x16xf32, #tpu.memory_space<vmem_shared>> -> memref<40x16xf32, #tpu.memory_space<vmem_shared>>
        %dma_wait3A_214 = arith.constant 0 : i32
        %dma_wait3A_215 = arith.constant 0 : i32
        %dma_wait3A_216 = tpu.memref_slice %arg21[%run_scoped3A_98, %dma_wait3A_214, %dma_wait3A_215] : memref<2x40x16xf32, #tpu.memory_space<vmem>> -> memref<1x40x16xf32, #tpu.memory_space<vmem>>
        %dma_wait3A_217 = tpu.memref_squeeze %dma_wait3A_216 : memref<1x40x16xf32, #tpu.memory_space<vmem>> -> memref<40x16xf32, #tpu.memory_space<vmem>>
        tpu.wait_dma2 semaphore(%run_scoped3A_193 : memref<!tpu.dma_semaphore, #tpu.memory_space<semaphore_mem>>) src(%dma_wait3A_217 : memref<40x16xf32, #tpu.memory_space<vmem>>) dst(%dma_wait3A_213 : memref<40x16xf32, #tpu.memory_space<vmem_shared>>)
        tpu.yield
      }) : () -> ()
      %add3A_99 = arith.constant 560 : i32
      %add3A_100 = arith.addi %mul3A_8, %add3A_99 : i32
      %run_scoped3A_101 = arith.constant 0 : i32
      "tpu.region"() ({
        %run_scoped3A_193 = tpu.sem_alloc : memref<!tpu.dma_semaphore, #tpu.memory_space<semaphore_mem>>
        %dma_start3A_194 = arith.constant 0 : i32
        %dma_start3A_195 = arith.constant 0 : i32
        %dma_start3A_196 = tpu.memref_slice %arg19[%run_scoped3A_101, %dma_start3A_194, %dma_start3A_195] : memref<2x40x128xf32, #tpu.memory_space<vmem>> -> memref<1x40x128xf32, #tpu.memory_space<vmem>>
        %dma_start3A_197 = tpu.memref_squeeze %dma_start3A_196 : memref<1x40x128xf32, #tpu.memory_space<vmem>> -> memref<40x128xf32, #tpu.memory_space<vmem>>
        %dma_start3A_198 = arith.constant 0 : i32
        %dma_start3A_199 = tpu.memref_slice %arg22[%add3A_100, %dma_start3A_198] : memref<10112x128xf32, #tpu.memory_space<vmem_shared>> -> memref<40x128xf32, #tpu.memory_space<vmem_shared>>
        %dma_start3A_200 = arith.constant 0 : i32
        %dma_start3A_201 = tpu.memref_slice %arg22[%add3A_100, %dma_start3A_200] : memref<10112x128xf32, #tpu.memory_space<vmem_shared>> -> memref<40x128xf32, #tpu.memory_space<vmem_shared>>
        %dma_start3A_202 = arith.constant 0 : i32
        %dma_start3A_203 = arith.constant 0 : i32
        %dma_start3A_204 = tpu.memref_slice %arg19[%run_scoped3A_101, %dma_start3A_202, %dma_start3A_203] : memref<2x40x128xf32, #tpu.memory_space<vmem>> -> memref<1x40x128xf32, #tpu.memory_space<vmem>>
        %dma_start3A_205 = tpu.memref_squeeze %dma_start3A_204 : memref<1x40x128xf32, #tpu.memory_space<vmem>> -> memref<40x128xf32, #tpu.memory_space<vmem>>
        tpu.enqueue_dma source(%dma_start3A_205 : memref<40x128xf32, #tpu.memory_space<vmem>>) target(%dma_start3A_201 : memref<40x128xf32, #tpu.memory_space<vmem_shared>>) target_semaphore(%run_scoped3A_193 : memref<!tpu.dma_semaphore, #tpu.memory_space<semaphore_mem>>)
        %dma_wait3A_206 = arith.constant 0 : i32
        %dma_wait3A_207 = arith.constant 0 : i32
        %dma_wait3A_208 = tpu.memref_slice %arg19[%run_scoped3A_101, %dma_wait3A_206, %dma_wait3A_207] : memref<2x40x128xf32, #tpu.memory_space<vmem>> -> memref<1x40x128xf32, #tpu.memory_space<vmem>>
        %dma_wait3A_209 = tpu.memref_squeeze %dma_wait3A_208 : memref<1x40x128xf32, #tpu.memory_space<vmem>> -> memref<40x128xf32, #tpu.memory_space<vmem>>
        %dma_wait3A_210 = arith.constant 0 : i32
        %dma_wait3A_211 = tpu.memref_slice %arg22[%add3A_100, %dma_wait3A_210] : memref<10112x128xf32, #tpu.memory_space<vmem_shared>> -> memref<40x128xf32, #tpu.memory_space<vmem_shared>>
        %dma_wait3A_212 = arith.constant 0 : i32
        %dma_wait3A_213 = tpu.memref_slice %arg22[%add3A_100, %dma_wait3A_212] : memref<10112x128xf32, #tpu.memory_space<vmem_shared>> -> memref<40x128xf32, #tpu.memory_space<vmem_shared>>
        %dma_wait3A_214 = arith.constant 0 : i32
        %dma_wait3A_215 = arith.constant 0 : i32
        %dma_wait3A_216 = tpu.memref_slice %arg19[%run_scoped3A_101, %dma_wait3A_214, %dma_wait3A_215] : memref<2x40x128xf32, #tpu.memory_space<vmem>> -> memref<1x40x128xf32, #tpu.memory_space<vmem>>
        %dma_wait3A_217 = tpu.memref_squeeze %dma_wait3A_216 : memref<1x40x128xf32, #tpu.memory_space<vmem>> -> memref<40x128xf32, #tpu.memory_space<vmem>>
        tpu.wait_dma2 semaphore(%run_scoped3A_193 : memref<!tpu.dma_semaphore, #tpu.memory_space<semaphore_mem>>) src(%dma_wait3A_217 : memref<40x128xf32, #tpu.memory_space<vmem>>) dst(%dma_wait3A_213 : memref<40x128xf32, #tpu.memory_space<vmem_shared>>)
        tpu.yield
      }) : () -> ()
      %add3A_102 = arith.constant 560 : i32
      %add3A_103 = arith.addi %mul3A_8, %add3A_102 : i32
      %run_scoped3A_104 = arith.constant 0 : i32
      "tpu.region"() ({
        %run_scoped3A_193 = tpu.sem_alloc : memref<!tpu.dma_semaphore, #tpu.memory_space<semaphore_mem>>
        %dma_start3A_194 = arith.constant 0 : i32
        %dma_start3A_195 = arith.constant 0 : i32
        %dma_start3A_196 = tpu.memref_slice %arg21[%run_scoped3A_104, %dma_start3A_194, %dma_start3A_195] : memref<2x40x16xf32, #tpu.memory_space<vmem>> -> memref<1x40x16xf32, #tpu.memory_space<vmem>>
        %dma_start3A_197 = tpu.memref_squeeze %dma_start3A_196 : memref<1x40x16xf32, #tpu.memory_space<vmem>> -> memref<40x16xf32, #tpu.memory_space<vmem>>
        %dma_start3A_198 = arith.constant 0 : i32
        %dma_start3A_199 = tpu.memref_slice %arg23[%add3A_103, %dma_start3A_198] : memref<10112x16xf32, #tpu.memory_space<vmem_shared>> -> memref<40x16xf32, #tpu.memory_space<vmem_shared>>
        %dma_start3A_200 = arith.constant 0 : i32
        %dma_start3A_201 = tpu.memref_slice %arg23[%add3A_103, %dma_start3A_200] : memref<10112x16xf32, #tpu.memory_space<vmem_shared>> -> memref<40x16xf32, #tpu.memory_space<vmem_shared>>
        %dma_start3A_202 = arith.constant 0 : i32
        %dma_start3A_203 = arith.constant 0 : i32
        %dma_start3A_204 = tpu.memref_slice %arg21[%run_scoped3A_104, %dma_start3A_202, %dma_start3A_203] : memref<2x40x16xf32, #tpu.memory_space<vmem>> -> memref<1x40x16xf32, #tpu.memory_space<vmem>>
        %dma_start3A_205 = tpu.memref_squeeze %dma_start3A_204 : memref<1x40x16xf32, #tpu.memory_space<vmem>> -> memref<40x16xf32, #tpu.memory_space<vmem>>
        tpu.enqueue_dma source(%dma_start3A_205 : memref<40x16xf32, #tpu.memory_space<vmem>>) target(%dma_start3A_201 : memref<40x16xf32, #tpu.memory_space<vmem_shared>>) target_semaphore(%run_scoped3A_193 : memref<!tpu.dma_semaphore, #tpu.memory_space<semaphore_mem>>)
        %dma_wait3A_206 = arith.constant 0 : i32
        %dma_wait3A_207 = arith.constant 0 : i32
        %dma_wait3A_208 = tpu.memref_slice %arg21[%run_scoped3A_104, %dma_wait3A_206, %dma_wait3A_207] : memref<2x40x16xf32, #tpu.memory_space<vmem>> -> memref<1x40x16xf32, #tpu.memory_space<vmem>>
        %dma_wait3A_209 = tpu.memref_squeeze %dma_wait3A_208 : memref<1x40x16xf32, #tpu.memory_space<vmem>> -> memref<40x16xf32, #tpu.memory_space<vmem>>
        %dma_wait3A_210 = arith.constant 0 : i32
        %dma_wait3A_211 = tpu.memref_slice %arg23[%add3A_103, %dma_wait3A_210] : memref<10112x16xf32, #tpu.memory_space<vmem_shared>> -> memref<40x16xf32, #tpu.memory_space<vmem_shared>>
        %dma_wait3A_212 = arith.constant 0 : i32
        %dma_wait3A_213 = tpu.memref_slice %arg23[%add3A_103, %dma_wait3A_212] : memref<10112x16xf32, #tpu.memory_space<vmem_shared>> -> memref<40x16xf32, #tpu.memory_space<vmem_shared>>
        %dma_wait3A_214 = arith.constant 0 : i32
        %dma_wait3A_215 = arith.constant 0 : i32
        %dma_wait3A_216 = tpu.memref_slice %arg21[%run_scoped3A_104, %dma_wait3A_214, %dma_wait3A_215] : memref<2x40x16xf32, #tpu.memory_space<vmem>> -> memref<1x40x16xf32, #tpu.memory_space<vmem>>
        %dma_wait3A_217 = tpu.memref_squeeze %dma_wait3A_216 : memref<1x40x16xf32, #tpu.memory_space<vmem>> -> memref<40x16xf32, #tpu.memory_space<vmem>>
        tpu.wait_dma2 semaphore(%run_scoped3A_193 : memref<!tpu.dma_semaphore, #tpu.memory_space<semaphore_mem>>) src(%dma_wait3A_217 : memref<40x16xf32, #tpu.memory_space<vmem>>) dst(%dma_wait3A_213 : memref<40x16xf32, #tpu.memory_space<vmem_shared>>)
        tpu.yield
      }) : () -> ()
      %add3A_105 = arith.constant 600 : i32
      %add3A_106 = arith.addi %mul3A_8, %add3A_105 : i32
      %run_scoped3A_107 = arith.constant 0 : i32
      "tpu.region"() ({
        %run_scoped3A_193 = tpu.sem_alloc : memref<!tpu.dma_semaphore, #tpu.memory_space<semaphore_mem>>
        %dma_start3A_194 = arith.constant 0 : i32
        %dma_start3A_195 = arith.constant 0 : i32
        %dma_start3A_196 = tpu.memref_slice %arg19[%run_scoped3A_107, %dma_start3A_194, %dma_start3A_195] : memref<2x40x128xf32, #tpu.memory_space<vmem>> -> memref<1x32x128xf32, #tpu.memory_space<vmem>>
        %dma_start3A_197 = tpu.memref_squeeze %dma_start3A_196 : memref<1x32x128xf32, #tpu.memory_space<vmem>> -> memref<32x128xf32, #tpu.memory_space<vmem>>
        %dma_start3A_198 = arith.constant 0 : i32
        %dma_start3A_199 = tpu.memref_slice %arg22[%add3A_106, %dma_start3A_198] : memref<10112x128xf32, #tpu.memory_space<vmem_shared>> -> memref<32x128xf32, #tpu.memory_space<vmem_shared>>
        %dma_start3A_200 = arith.constant 0 : i32
        %dma_start3A_201 = tpu.memref_slice %arg22[%add3A_106, %dma_start3A_200] : memref<10112x128xf32, #tpu.memory_space<vmem_shared>> -> memref<32x128xf32, #tpu.memory_space<vmem_shared>>
        %dma_start3A_202 = arith.constant 0 : i32
        %dma_start3A_203 = arith.constant 0 : i32
        %dma_start3A_204 = tpu.memref_slice %arg19[%run_scoped3A_107, %dma_start3A_202, %dma_start3A_203] : memref<2x40x128xf32, #tpu.memory_space<vmem>> -> memref<1x32x128xf32, #tpu.memory_space<vmem>>
        %dma_start3A_205 = tpu.memref_squeeze %dma_start3A_204 : memref<1x32x128xf32, #tpu.memory_space<vmem>> -> memref<32x128xf32, #tpu.memory_space<vmem>>
        tpu.enqueue_dma source(%dma_start3A_205 : memref<32x128xf32, #tpu.memory_space<vmem>>) target(%dma_start3A_201 : memref<32x128xf32, #tpu.memory_space<vmem_shared>>) target_semaphore(%run_scoped3A_193 : memref<!tpu.dma_semaphore, #tpu.memory_space<semaphore_mem>>)
        %dma_wait3A_206 = arith.constant 0 : i32
        %dma_wait3A_207 = arith.constant 0 : i32
        %dma_wait3A_208 = tpu.memref_slice %arg19[%run_scoped3A_107, %dma_wait3A_206, %dma_wait3A_207] : memref<2x40x128xf32, #tpu.memory_space<vmem>> -> memref<1x32x128xf32, #tpu.memory_space<vmem>>
        %dma_wait3A_209 = tpu.memref_squeeze %dma_wait3A_208 : memref<1x32x128xf32, #tpu.memory_space<vmem>> -> memref<32x128xf32, #tpu.memory_space<vmem>>
        %dma_wait3A_210 = arith.constant 0 : i32
        %dma_wait3A_211 = tpu.memref_slice %arg22[%add3A_106, %dma_wait3A_210] : memref<10112x128xf32, #tpu.memory_space<vmem_shared>> -> memref<32x128xf32, #tpu.memory_space<vmem_shared>>
        %dma_wait3A_212 = arith.constant 0 : i32
        %dma_wait3A_213 = tpu.memref_slice %arg22[%add3A_106, %dma_wait3A_212] : memref<10112x128xf32, #tpu.memory_space<vmem_shared>> -> memref<32x128xf32, #tpu.memory_space<vmem_shared>>
        %dma_wait3A_214 = arith.constant 0 : i32
        %dma_wait3A_215 = arith.constant 0 : i32
        %dma_wait3A_216 = tpu.memref_slice %arg19[%run_scoped3A_107, %dma_wait3A_214, %dma_wait3A_215] : memref<2x40x128xf32, #tpu.memory_space<vmem>> -> memref<1x32x128xf32, #tpu.memory_space<vmem>>
        %dma_wait3A_217 = tpu.memref_squeeze %dma_wait3A_216 : memref<1x32x128xf32, #tpu.memory_space<vmem>> -> memref<32x128xf32, #tpu.memory_space<vmem>>
        tpu.wait_dma2 semaphore(%run_scoped3A_193 : memref<!tpu.dma_semaphore, #tpu.memory_space<semaphore_mem>>) src(%dma_wait3A_217 : memref<32x128xf32, #tpu.memory_space<vmem>>) dst(%dma_wait3A_213 : memref<32x128xf32, #tpu.memory_space<vmem_shared>>)
        tpu.yield
      }) : () -> ()
      %add3A_108 = arith.constant 600 : i32
      %add3A_109 = arith.addi %mul3A_8, %add3A_108 : i32
      %run_scoped3A_110 = arith.constant 0 : i32
      "tpu.region"() ({
        %run_scoped3A_193 = tpu.sem_alloc : memref<!tpu.dma_semaphore, #tpu.memory_space<semaphore_mem>>
        %dma_start3A_194 = arith.constant 0 : i32
        %dma_start3A_195 = arith.constant 0 : i32
        %dma_start3A_196 = tpu.memref_slice %arg21[%run_scoped3A_110, %dma_start3A_194, %dma_start3A_195] : memref<2x40x16xf32, #tpu.memory_space<vmem>> -> memref<1x32x16xf32, #tpu.memory_space<vmem>>
        %dma_start3A_197 = tpu.memref_squeeze %dma_start3A_196 : memref<1x32x16xf32, #tpu.memory_space<vmem>> -> memref<32x16xf32, #tpu.memory_space<vmem>>
        %dma_start3A_198 = arith.constant 0 : i32
        %dma_start3A_199 = tpu.memref_slice %arg23[%add3A_109, %dma_start3A_198] : memref<10112x16xf32, #tpu.memory_space<vmem_shared>> -> memref<32x16xf32, #tpu.memory_space<vmem_shared>>
        %dma_start3A_200 = arith.constant 0 : i32
        %dma_start3A_201 = tpu.memref_slice %arg23[%add3A_109, %dma_start3A_200] : memref<10112x16xf32, #tpu.memory_space<vmem_shared>> -> memref<32x16xf32, #tpu.memory_space<vmem_shared>>
        %dma_start3A_202 = arith.constant 0 : i32
        %dma_start3A_203 = arith.constant 0 : i32
        %dma_start3A_204 = tpu.memref_slice %arg21[%run_scoped3A_110, %dma_start3A_202, %dma_start3A_203] : memref<2x40x16xf32, #tpu.memory_space<vmem>> -> memref<1x32x16xf32, #tpu.memory_space<vmem>>
        %dma_start3A_205 = tpu.memref_squeeze %dma_start3A_204 : memref<1x32x16xf32, #tpu.memory_space<vmem>> -> memref<32x16xf32, #tpu.memory_space<vmem>>
        tpu.enqueue_dma source(%dma_start3A_205 : memref<32x16xf32, #tpu.memory_space<vmem>>) target(%dma_start3A_201 : memref<32x16xf32, #tpu.memory_space<vmem_shared>>) target_semaphore(%run_scoped3A_193 : memref<!tpu.dma_semaphore, #tpu.memory_space<semaphore_mem>>)
        %dma_wait3A_206 = arith.constant 0 : i32
        %dma_wait3A_207 = arith.constant 0 : i32
        %dma_wait3A_208 = tpu.memref_slice %arg21[%run_scoped3A_110, %dma_wait3A_206, %dma_wait3A_207] : memref<2x40x16xf32, #tpu.memory_space<vmem>> -> memref<1x32x16xf32, #tpu.memory_space<vmem>>
        %dma_wait3A_209 = tpu.memref_squeeze %dma_wait3A_208 : memref<1x32x16xf32, #tpu.memory_space<vmem>> -> memref<32x16xf32, #tpu.memory_space<vmem>>
        %dma_wait3A_210 = arith.constant 0 : i32
        %dma_wait3A_211 = tpu.memref_slice %arg23[%add3A_109, %dma_wait3A_210] : memref<10112x16xf32, #tpu.memory_space<vmem_shared>> -> memref<32x16xf32, #tpu.memory_space<vmem_shared>>
        %dma_wait3A_212 = arith.constant 0 : i32
        %dma_wait3A_213 = tpu.memref_slice %arg23[%add3A_109, %dma_wait3A_212] : memref<10112x16xf32, #tpu.memory_space<vmem_shared>> -> memref<32x16xf32, #tpu.memory_space<vmem_shared>>
        %dma_wait3A_214 = arith.constant 0 : i32
        %dma_wait3A_215 = arith.constant 0 : i32
        %dma_wait3A_216 = tpu.memref_slice %arg21[%run_scoped3A_110, %dma_wait3A_214, %dma_wait3A_215] : memref<2x40x16xf32, #tpu.memory_space<vmem>> -> memref<1x32x16xf32, #tpu.memory_space<vmem>>
        %dma_wait3A_217 = tpu.memref_squeeze %dma_wait3A_216 : memref<1x32x16xf32, #tpu.memory_space<vmem>> -> memref<32x16xf32, #tpu.memory_space<vmem>>
        tpu.wait_dma2 semaphore(%run_scoped3A_193 : memref<!tpu.dma_semaphore, #tpu.memory_space<semaphore_mem>>) src(%dma_wait3A_217 : memref<32x16xf32, #tpu.memory_space<vmem>>) dst(%dma_wait3A_213 : memref<32x16xf32, #tpu.memory_space<vmem_shared>>)
        tpu.yield
      }) : () -> ()
      %barrier3A = arith.constant 0 : index
      tpu.barrier barrier_id(%barrier3A)
      %iota3A = tpu.iota {dimensions = array<i32: 0>} : vector<16xi32>
      %eq3A_111 = arith.constant 0 : i32
      %eq3A_112 = vector.broadcast %eq3A_111 : i32 to vector<16xi32>
      %eq3A_113 = arith.cmpi eq, %iota3A, %eq3A_112 : vector<16xi32>
      %eq3A_114 = arith.constant 1 : i32
      %eq3A_115 = vector.broadcast %eq3A_114 : i32 to vector<16xi32>
      %eq3A_116 = arith.cmpi eq, %iota3A, %eq3A_115 : vector<16xi32>
      %run_scoped3A_117 = arith.constant 0 : i32
      "tpu.region"() ({
        %run_scoped3A_193 = tpu.sem_alloc : memref<!tpu.dma_semaphore, #tpu.memory_space<semaphore_mem>>
        %dma_start3A_194 = arith.constant 0 : i32
        %dma_start3A_195 = tpu.memref_slice %arg16[%run_scoped3A_117, %dma_start3A_194] : memref<2x40xi32, #tpu.memory_space<vmem>> -> memref<1x40xi32, #tpu.memory_space<vmem>>
        %dma_start3A_196 = tpu.memref_squeeze %dma_start3A_195 : memref<1x40xi32, #tpu.memory_space<vmem>> -> memref<40xi32, #tpu.memory_space<vmem>>
        %dma_start3A_197 = tpu.memref_slice %arg2[%mul3A_10] : memref<160000xi32, #tpu.memory_space<hbm>> -> memref<40xi32, #tpu.memory_space<hbm>>
        %dma_start3A_198 = arith.constant 0 : i32
        %dma_start3A_199 = tpu.memref_slice %arg16[%run_scoped3A_117, %dma_start3A_198] : memref<2x40xi32, #tpu.memory_space<vmem>> -> memref<1x40xi32, #tpu.memory_space<vmem>>
        %dma_start3A_200 = tpu.memref_squeeze %dma_start3A_199 : memref<1x40xi32, #tpu.memory_space<vmem>> -> memref<40xi32, #tpu.memory_space<vmem>>
        %dma_start3A_201 = tpu.memref_slice %arg2[%mul3A_10] : memref<160000xi32, #tpu.memory_space<hbm>> -> memref<40xi32, #tpu.memory_space<hbm>>
        tpu.enqueue_dma source(%dma_start3A_201 : memref<40xi32, #tpu.memory_space<hbm>>) target(%dma_start3A_200 : memref<40xi32, #tpu.memory_space<vmem>>) target_semaphore(%run_scoped3A_193 : memref<!tpu.dma_semaphore, #tpu.memory_space<semaphore_mem>>)
        %dma_wait3A_202 = arith.constant 0 : i32
        %dma_wait3A_203 = tpu.memref_slice %arg16[%run_scoped3A_117, %dma_wait3A_202] : memref<2x40xi32, #tpu.memory_space<vmem>> -> memref<1x40xi32, #tpu.memory_space<vmem>>
        %dma_wait3A_204 = tpu.memref_squeeze %dma_wait3A_203 : memref<1x40xi32, #tpu.memory_space<vmem>> -> memref<40xi32, #tpu.memory_space<vmem>>
        %dma_wait3A_205 = tpu.memref_slice %arg2[%mul3A_10] : memref<160000xi32, #tpu.memory_space<hbm>> -> memref<40xi32, #tpu.memory_space<hbm>>
        %dma_wait3A_206 = arith.constant 0 : i32
        %dma_wait3A_207 = tpu.memref_slice %arg16[%run_scoped3A_117, %dma_wait3A_206] : memref<2x40xi32, #tpu.memory_space<vmem>> -> memref<1x40xi32, #tpu.memory_space<vmem>>
        %dma_wait3A_208 = tpu.memref_squeeze %dma_wait3A_207 : memref<1x40xi32, #tpu.memory_space<vmem>> -> memref<40xi32, #tpu.memory_space<vmem>>
        %dma_wait3A_209 = tpu.memref_slice %arg2[%mul3A_10] : memref<160000xi32, #tpu.memory_space<hbm>> -> memref<40xi32, #tpu.memory_space<hbm>>
        tpu.wait_dma2 semaphore(%run_scoped3A_193 : memref<!tpu.dma_semaphore, #tpu.memory_space<semaphore_mem>>) src(%dma_wait3A_209 : memref<40xi32, #tpu.memory_space<hbm>>) dst(%dma_wait3A_208 : memref<40xi32, #tpu.memory_space<vmem>>)
        tpu.yield
      }) : () -> ()
      %run_scoped3A_118 = arith.constant 0 : i32
      "tpu.region"() ({
        %run_scoped3A_193 = tpu.sem_alloc : memref<!tpu.dma_semaphore, #tpu.memory_space<semaphore_mem>>
        %dma_start3A_194 = arith.constant 0 : i32
        %dma_start3A_195 = tpu.memref_slice %arg17[%run_scoped3A_118, %dma_start3A_194] : memref<2x40xi32, #tpu.memory_space<vmem>> -> memref<1x40xi32, #tpu.memory_space<vmem>>
        %dma_start3A_196 = tpu.memref_squeeze %dma_start3A_195 : memref<1x40xi32, #tpu.memory_space<vmem>> -> memref<40xi32, #tpu.memory_space<vmem>>
        %dma_start3A_197 = tpu.memref_slice %arg3[%mul3A_10] : memref<160000xi32, #tpu.memory_space<hbm>> -> memref<40xi32, #tpu.memory_space<hbm>>
        %dma_start3A_198 = arith.constant 0 : i32
        %dma_start3A_199 = tpu.memref_slice %arg17[%run_scoped3A_118, %dma_start3A_198] : memref<2x40xi32, #tpu.memory_space<vmem>> -> memref<1x40xi32, #tpu.memory_space<vmem>>
        %dma_start3A_200 = tpu.memref_squeeze %dma_start3A_199 : memref<1x40xi32, #tpu.memory_space<vmem>> -> memref<40xi32, #tpu.memory_space<vmem>>
        %dma_start3A_201 = tpu.memref_slice %arg3[%mul3A_10] : memref<160000xi32, #tpu.memory_space<hbm>> -> memref<40xi32, #tpu.memory_space<hbm>>
        tpu.enqueue_dma source(%dma_start3A_201 : memref<40xi32, #tpu.memory_space<hbm>>) target(%dma_start3A_200 : memref<40xi32, #tpu.memory_space<vmem>>) target_semaphore(%run_scoped3A_193 : memref<!tpu.dma_semaphore, #tpu.memory_space<semaphore_mem>>)
        %dma_wait3A_202 = arith.constant 0 : i32
        %dma_wait3A_203 = tpu.memref_slice %arg17[%run_scoped3A_118, %dma_wait3A_202] : memref<2x40xi32, #tpu.memory_space<vmem>> -> memref<1x40xi32, #tpu.memory_space<vmem>>
        %dma_wait3A_204 = tpu.memref_squeeze %dma_wait3A_203 : memref<1x40xi32, #tpu.memory_space<vmem>> -> memref<40xi32, #tpu.memory_space<vmem>>
        %dma_wait3A_205 = tpu.memref_slice %arg3[%mul3A_10] : memref<160000xi32, #tpu.memory_space<hbm>> -> memref<40xi32, #tpu.memory_space<hbm>>
        %dma_wait3A_206 = arith.constant 0 : i32
        %dma_wait3A_207 = tpu.memref_slice %arg17[%run_scoped3A_118, %dma_wait3A_206] : memref<2x40xi32, #tpu.memory_space<vmem>> -> memref<1x40xi32, #tpu.memory_space<vmem>>
        %dma_wait3A_208 = tpu.memref_squeeze %dma_wait3A_207 : memref<1x40xi32, #tpu.memory_space<vmem>> -> memref<40xi32, #tpu.memory_space<vmem>>
        %dma_wait3A_209 = tpu.memref_slice %arg3[%mul3A_10] : memref<160000xi32, #tpu.memory_space<hbm>> -> memref<40xi32, #tpu.memory_space<hbm>>
        tpu.wait_dma2 semaphore(%run_scoped3A_193 : memref<!tpu.dma_semaphore, #tpu.memory_space<semaphore_mem>>) src(%dma_wait3A_209 : memref<40xi32, #tpu.memory_space<hbm>>) dst(%dma_wait3A_208 : memref<40xi32, #tpu.memory_space<vmem>>)
        tpu.yield
      }) : () -> ()
      %run_scoped3A_119 = arith.constant 0 : i32
      "tpu.region"() ({
        %run_scoped3A_193 = tpu.sem_alloc : memref<!tpu.dma_semaphore, #tpu.memory_space<semaphore_mem>>
        %dma_start3A_194 = arith.constant 0 : i32
        %dma_start3A_195 = arith.constant 0 : i32
        %dma_start3A_196 = tpu.memref_slice %arg19[%run_scoped3A_119, %dma_start3A_194, %dma_start3A_195] : memref<2x40x128xf32, #tpu.memory_space<vmem>> -> memref<1x40x128xf32, #tpu.memory_space<vmem>>
        %dma_start3A_197 = tpu.memref_squeeze %dma_start3A_196 : memref<1x40x128xf32, #tpu.memory_space<vmem>> -> memref<40x128xf32, #tpu.memory_space<vmem>>
        %dma_start3A_198 = arith.constant 0 : i32
        %dma_start3A_199 = tpu.memref_slice %arg11[%mul3A_10, %dma_start3A_198] : memref<160000x128xf32, #tpu.memory_space<hbm>> -> memref<40x128xf32, #tpu.memory_space<hbm>>
        %dma_start3A_200 = arith.constant 0 : i32
        %dma_start3A_201 = arith.constant 0 : i32
        %dma_start3A_202 = tpu.memref_slice %arg19[%run_scoped3A_119, %dma_start3A_200, %dma_start3A_201] : memref<2x40x128xf32, #tpu.memory_space<vmem>> -> memref<1x40x128xf32, #tpu.memory_space<vmem>>
        %dma_start3A_203 = tpu.memref_squeeze %dma_start3A_202 : memref<1x40x128xf32, #tpu.memory_space<vmem>> -> memref<40x128xf32, #tpu.memory_space<vmem>>
        %dma_start3A_204 = arith.constant 0 : i32
        %dma_start3A_205 = tpu.memref_slice %arg11[%mul3A_10, %dma_start3A_204] : memref<160000x128xf32, #tpu.memory_space<hbm>> -> memref<40x128xf32, #tpu.memory_space<hbm>>
        tpu.enqueue_dma source(%dma_start3A_205 : memref<40x128xf32, #tpu.memory_space<hbm>>) target(%dma_start3A_203 : memref<40x128xf32, #tpu.memory_space<vmem>>) target_semaphore(%run_scoped3A_193 : memref<!tpu.dma_semaphore, #tpu.memory_space<semaphore_mem>>)
        %dma_wait3A_206 = arith.constant 0 : i32
        %dma_wait3A_207 = arith.constant 0 : i32
        %dma_wait3A_208 = tpu.memref_slice %arg19[%run_scoped3A_119, %dma_wait3A_206, %dma_wait3A_207] : memref<2x40x128xf32, #tpu.memory_space<vmem>> -> memref<1x40x128xf32, #tpu.memory_space<vmem>>
        %dma_wait3A_209 = tpu.memref_squeeze %dma_wait3A_208 : memref<1x40x128xf32, #tpu.memory_space<vmem>> -> memref<40x128xf32, #tpu.memory_space<vmem>>
        %dma_wait3A_210 = arith.constant 0 : i32
        %dma_wait3A_211 = tpu.memref_slice %arg11[%mul3A_10, %dma_wait3A_210] : memref<160000x128xf32, #tpu.memory_space<hbm>> -> memref<40x128xf32, #tpu.memory_space<hbm>>
        %dma_wait3A_212 = arith.constant 0 : i32
        %dma_wait3A_213 = arith.constant 0 : i32
        %dma_wait3A_214 = tpu.memref_slice %arg19[%run_scoped3A_119, %dma_wait3A_212, %dma_wait3A_213] : memref<2x40x128xf32, #tpu.memory_space<vmem>> -> memref<1x40x128xf32, #tpu.memory_space<vmem>>
        %dma_wait3A_215 = tpu.memref_squeeze %dma_wait3A_214 : memref<1x40x128xf32, #tpu.memory_space<vmem>> -> memref<40x128xf32, #tpu.memory_space<vmem>>
        %dma_wait3A_216 = arith.constant 0 : i32
        %dma_wait3A_217 = tpu.memref_slice %arg11[%mul3A_10, %dma_wait3A_216] : memref<160000x128xf32, #tpu.memory_space<hbm>> -> memref<40x128xf32, #tpu.memory_space<hbm>>
        tpu.wait_dma2 semaphore(%run_scoped3A_193 : memref<!tpu.dma_semaphore, #tpu.memory_space<semaphore_mem>>) src(%dma_wait3A_217 : memref<40x128xf32, #tpu.memory_space<hbm>>) dst(%dma_wait3A_215 : memref<40x128xf32, #tpu.memory_space<vmem>>)
        tpu.yield
      }) : () -> ()
      %run_scoped3A_120 = arith.constant 0 : i32
      "tpu.region"() ({
        %run_scoped3A_193 = tpu.sem_alloc : memref<!tpu.dma_semaphore, #tpu.memory_space<semaphore_mem>>
        %dma_start3A_194 = arith.constant 0 : i32
        %dma_start3A_195 = arith.constant 0 : i32
        %dma_start3A_196 = tpu.memref_slice %arg20[%run_scoped3A_120, %dma_start3A_194, %dma_start3A_195] : memref<2x40x128xf32, #tpu.memory_space<vmem>> -> memref<1x40x128xf32, #tpu.memory_space<vmem>>
        %dma_start3A_197 = tpu.memref_squeeze %dma_start3A_196 : memref<1x40x128xf32, #tpu.memory_space<vmem>> -> memref<40x128xf32, #tpu.memory_space<vmem>>
        %dma_start3A_198 = arith.constant 0 : i32
        %dma_start3A_199 = tpu.memref_slice %arg11[%mul3A_10, %dma_start3A_198] : memref<160000x128xf32, #tpu.memory_space<hbm>> -> memref<40x128xf32, #tpu.memory_space<hbm>>
        %dma_start3A_200 = arith.constant 0 : i32
        %dma_start3A_201 = arith.constant 0 : i32
        %dma_start3A_202 = tpu.memref_slice %arg20[%run_scoped3A_120, %dma_start3A_200, %dma_start3A_201] : memref<2x40x128xf32, #tpu.memory_space<vmem>> -> memref<1x40x128xf32, #tpu.memory_space<vmem>>
        %dma_start3A_203 = tpu.memref_squeeze %dma_start3A_202 : memref<1x40x128xf32, #tpu.memory_space<vmem>> -> memref<40x128xf32, #tpu.memory_space<vmem>>
        %dma_start3A_204 = arith.constant 0 : i32
        %dma_start3A_205 = tpu.memref_slice %arg11[%mul3A_10, %dma_start3A_204] : memref<160000x128xf32, #tpu.memory_space<hbm>> -> memref<40x128xf32, #tpu.memory_space<hbm>>
        tpu.enqueue_dma source(%dma_start3A_205 : memref<40x128xf32, #tpu.memory_space<hbm>>) target(%dma_start3A_203 : memref<40x128xf32, #tpu.memory_space<vmem>>) target_semaphore(%run_scoped3A_193 : memref<!tpu.dma_semaphore, #tpu.memory_space<semaphore_mem>>)
        %dma_wait3A_206 = arith.constant 0 : i32
        %dma_wait3A_207 = arith.constant 0 : i32
        %dma_wait3A_208 = tpu.memref_slice %arg20[%run_scoped3A_120, %dma_wait3A_206, %dma_wait3A_207] : memref<2x40x128xf32, #tpu.memory_space<vmem>> -> memref<1x40x128xf32, #tpu.memory_space<vmem>>
        %dma_wait3A_209 = tpu.memref_squeeze %dma_wait3A_208 : memref<1x40x128xf32, #tpu.memory_space<vmem>> -> memref<40x128xf32, #tpu.memory_space<vmem>>
        %dma_wait3A_210 = arith.constant 0 : i32
        %dma_wait3A_211 = tpu.memref_slice %arg11[%mul3A_10, %dma_wait3A_210] : memref<160000x128xf32, #tpu.memory_space<hbm>> -> memref<40x128xf32, #tpu.memory_space<hbm>>
        %dma_wait3A_212 = arith.constant 0 : i32
        %dma_wait3A_213 = arith.constant 0 : i32
        %dma_wait3A_214 = tpu.memref_slice %arg20[%run_scoped3A_120, %dma_wait3A_212, %dma_wait3A_213] : memref<2x40x128xf32, #tpu.memory_space<vmem>> -> memref<1x40x128xf32, #tpu.memory_space<vmem>>
        %dma_wait3A_215 = tpu.memref_squeeze %dma_wait3A_214 : memref<1x40x128xf32, #tpu.memory_space<vmem>> -> memref<40x128xf32, #tpu.memory_space<vmem>>
        %dma_wait3A_216 = arith.constant 0 : i32
        %dma_wait3A_217 = tpu.memref_slice %arg11[%mul3A_10, %dma_wait3A_216] : memref<160000x128xf32, #tpu.memory_space<hbm>> -> memref<40x128xf32, #tpu.memory_space<hbm>>
        tpu.wait_dma2 semaphore(%run_scoped3A_193 : memref<!tpu.dma_semaphore, #tpu.memory_space<semaphore_mem>>) src(%dma_wait3A_217 : memref<40x128xf32, #tpu.memory_space<hbm>>) dst(%dma_wait3A_215 : memref<40x128xf32, #tpu.memory_space<vmem>>)
        tpu.yield
      }) : () -> ()
      %dma_start3A = arith.constant 0 : i32
      %dma_start3A_121 = arith.constant 0 : i32
      %dma_start3A_122 = arith.constant 0 : i32
      %dma_start3A_123 = arith.constant 0 : i32
      %dma_start3A_124 = tpu.memref_slice %arg18[%dma_start3A_121, %dma_start3A_122, %dma_start3A_123] : memref<2x40x128xf32, #tpu.memory_space<vmem>> -> memref<1x40x128xf32, #tpu.memory_space<vmem>>
      %dma_start3A_125 = tpu.memref_squeeze %dma_start3A_124 : memref<1x40x128xf32, #tpu.memory_space<vmem>> -> memref<40x128xf32, #tpu.memory_space<vmem>>
      %dma_start3A_126 = arith.constant 0 : i32
      %dma_start3A_127 = tpu.memref_slice %arg17[%dma_start3A, %dma_start3A_126] : memref<2x40xi32, #tpu.memory_space<vmem>> -> memref<1x40xi32, #tpu.memory_space<vmem>>
      %dma_start3A_128 = tpu.memref_squeeze %dma_start3A_127 : memref<1x40xi32, #tpu.memory_space<vmem>> -> memref<40xi32, #tpu.memory_space<vmem>>
      %dma_start3A_129 = arith.constant 0 : i32
      %dma_start3A_130 = arith.constant 0 : i32
      %dma_start3A_131 = tpu.memref_slice %arg8[%dma_start3A_129, %dma_start3A_130] : memref<10000x128xf32, #tpu.memory_space<hbm>> -> memref<10000x128xf32, #tpu.memory_space<hbm>>
      tpu.enqueue_indirect_dma source(%dma_start3A_131 : memref<10000x128xf32, #tpu.memory_space<hbm>>) target(%dma_start3A_125 : memref<40x128xf32, #tpu.memory_space<vmem>>) offsets(%dma_start3A_128 : memref<40xi32, #tpu.memory_space<vmem>>) semaphore(%arg24 : memref<!tpu.dma_semaphore, #tpu.memory_space<semaphore_mem>>)
      %dma_start3A_132 = arith.constant 0 : i32
      %dma_start3A_133 = arith.constant 0 : i32
      %dma_start3A_134 = arith.constant 0 : i32
      %dma_start3A_135 = arith.constant 0 : i32
      %dma_start3A_136 = tpu.memref_slice %arg19[%dma_start3A_133, %dma_start3A_134, %dma_start3A_135] : memref<2x40x128xf32, #tpu.memory_space<vmem>> -> memref<1x40x128xf32, #tpu.memory_space<vmem>>
      %dma_start3A_137 = tpu.memref_squeeze %dma_start3A_136 : memref<1x40x128xf32, #tpu.memory_space<vmem>> -> memref<40x128xf32, #tpu.memory_space<vmem>>
      %dma_start3A_138 = arith.constant 0 : i32
      %dma_start3A_139 = tpu.memref_slice %arg16[%dma_start3A_132, %dma_start3A_138] : memref<2x40xi32, #tpu.memory_space<vmem>> -> memref<1x40xi32, #tpu.memory_space<vmem>>
      %dma_start3A_140 = tpu.memref_squeeze %dma_start3A_139 : memref<1x40xi32, #tpu.memory_space<vmem>> -> memref<40xi32, #tpu.memory_space<vmem>>
      %dma_start3A_141 = arith.constant 0 : i32
      %dma_start3A_142 = arith.constant 0 : i32
      %dma_start3A_143 = tpu.memref_slice %arg9[%dma_start3A_141, %dma_start3A_142] : memref<10000x128xf32, #tpu.memory_space<hbm>> -> memref<10000x128xf32, #tpu.memory_space<hbm>>
      tpu.enqueue_indirect_dma source(%dma_start3A_143 : memref<10000x128xf32, #tpu.memory_space<hbm>>) target(%dma_start3A_137 : memref<40x128xf32, #tpu.memory_space<vmem>>) offsets(%dma_start3A_140 : memref<40xi32, #tpu.memory_space<vmem>>) semaphore(%arg24 : memref<!tpu.dma_semaphore, #tpu.memory_space<semaphore_mem>>)
      %dma_start3A_144 = arith.constant 0 : i32
      %dma_start3A_145 = arith.constant 0 : i32
      %dma_start3A_146 = arith.constant 0 : i32
      %dma_start3A_147 = arith.constant 0 : i32
      %dma_start3A_148 = tpu.memref_slice %arg20[%dma_start3A_145, %dma_start3A_146, %dma_start3A_147] : memref<2x40x128xf32, #tpu.memory_space<vmem>> -> memref<1x40x128xf32, #tpu.memory_space<vmem>>
      %dma_start3A_149 = tpu.memref_squeeze %dma_start3A_148 : memref<1x40x128xf32, #tpu.memory_space<vmem>> -> memref<40x128xf32, #tpu.memory_space<vmem>>
      %dma_start3A_150 = arith.constant 0 : i32
      %dma_start3A_151 = tpu.memref_slice %arg16[%dma_start3A_144, %dma_start3A_150] : memref<2x40xi32, #tpu.memory_space<vmem>> -> memref<1x40xi32, #tpu.memory_space<vmem>>
      %dma_start3A_152 = tpu.memref_squeeze %dma_start3A_151 : memref<1x40xi32, #tpu.memory_space<vmem>> -> memref<40xi32, #tpu.memory_space<vmem>>
      %dma_start3A_153 = arith.constant 0 : i32
      %dma_start3A_154 = arith.constant 0 : i32
      %dma_start3A_155 = tpu.memref_slice %arg10[%dma_start3A_153, %dma_start3A_154] : memref<10000x128xf32, #tpu.memory_space<hbm>> -> memref<10000x128xf32, #tpu.memory_space<hbm>>
      tpu.enqueue_indirect_dma source(%dma_start3A_155 : memref<10000x128xf32, #tpu.memory_space<hbm>>) target(%dma_start3A_149 : memref<40x128xf32, #tpu.memory_space<vmem>>) offsets(%dma_start3A_152 : memref<40xi32, #tpu.memory_space<vmem>>) semaphore(%arg24 : memref<!tpu.dma_semaphore, #tpu.memory_space<semaphore_mem>>)
      %scan3A_156 = arith.constant 0 : i32
      %scan3A_157 = arith.constant 0 : i32
      %scan3A_158 = arith.constant 250 : i32
      %scan3A_159 = arith.addi %scan3A_157, %scan3A_158 : i32
      %scan3A_160 = arith.constant 1 : i32
      %scan3A_161 = scf.for %scan3A_193 = %scan3A_157 to %scan3A_159 step %scan3A_160 iter_args(%scan3A_194 = %scan3A_156) -> (i32)  : i32 {
        %rem3A = arith.constant 2 : i32
        %rem3A_195 = arith.remsi %scan3A_193, %rem3A : i32
        %sub3A = arith.constant 1 : i32
        %sub3A_196 = arith.subi %sub3A, %rem3A_195 : i32
        %add3A_197 = arith.constant 1 : i32
        %add3A_198 = arith.addi %scan3A_193, %add3A_197 : i32
        %mul3A_199 = arith.constant 40 : i32
        %mul3A_200 = arith.muli %add3A_198, %mul3A_199 : i32
        %add3A_201 = arith.addi %mul3A_10, %mul3A_200 : i32
        %lt3A = arith.constant 249 : i32
        %lt3A_202 = arith.cmpi slt, %scan3A_193, %lt3A : i32
        %convert_element_type3A_203 = arith.extui %lt3A_202 : i1 to i32
        %cond3A_204 = arith.constant 0 : i32
        %cond3A_205 = arith.cmpi ne, %convert_element_type3A_203, %cond3A_204 : i32
        scf.if %cond3A_205 {
          %dma_start3A_286 = arith.constant 0 : i32
          %dma_start3A_287 = tpu.memref_slice %arg16[%sub3A_196, %dma_start3A_286] : memref<2x40xi32, #tpu.memory_space<vmem>> -> memref<1x40xi32, #tpu.memory_space<vmem>>
          %dma_start3A_288 = tpu.memref_squeeze %dma_start3A_287 : memref<1x40xi32, #tpu.memory_space<vmem>> -> memref<40xi32, #tpu.memory_space<vmem>>
          %dma_start3A_289 = tpu.memref_slice %arg2[%add3A_201] : memref<160000xi32, #tpu.memory_space<hbm>> -> memref<40xi32, #tpu.memory_space<hbm>>
          %dma_start3A_290 = arith.constant 0 : i32
          %dma_start3A_291 = tpu.memref_slice %arg16[%sub3A_196, %dma_start3A_290] : memref<2x40xi32, #tpu.memory_space<vmem>> -> memref<1x40xi32, #tpu.memory_space<vmem>>
          %dma_start3A_292 = tpu.memref_squeeze %dma_start3A_291 : memref<1x40xi32, #tpu.memory_space<vmem>> -> memref<40xi32, #tpu.memory_space<vmem>>
          %dma_start3A_293 = tpu.memref_slice %arg2[%add3A_201] : memref<160000xi32, #tpu.memory_space<hbm>> -> memref<40xi32, #tpu.memory_space<hbm>>
          tpu.enqueue_dma source(%dma_start3A_293 : memref<40xi32, #tpu.memory_space<hbm>>) target(%dma_start3A_292 : memref<40xi32, #tpu.memory_space<vmem>>) target_semaphore(%arg25 : memref<!tpu.dma_semaphore, #tpu.memory_space<semaphore_mem>>)
        } else {
        }
        %ge3A = arith.constant 1 : i32
        %ge3A_206 = arith.cmpi sge, %scan3A_193, %ge3A : i32
        %convert_element_type3A_207 = arith.extui %ge3A_206 : i1 to i32
        %cond3A_208 = arith.constant 0 : i32
        %cond3A_209 = arith.cmpi ne, %convert_element_type3A_207, %cond3A_208 : i32
        scf.if %cond3A_209 {
          %dma_wait3A_286 = arith.constant 0 : i32
          %dma_wait3A_287 = arith.constant 0 : i32
          %dma_wait3A_288 = tpu.memref_slice %arg20[%sub3A_196, %dma_wait3A_286, %dma_wait3A_287] : memref<2x40x128xf32, #tpu.memory_space<vmem>> -> memref<1x40x128xf32, #tpu.memory_space<vmem>>
          %dma_wait3A_289 = tpu.memref_squeeze %dma_wait3A_288 : memref<1x40x128xf32, #tpu.memory_space<vmem>> -> memref<40x128xf32, #tpu.memory_space<vmem>>
          %dma_wait3A_290 = arith.constant 0 : i32
          %dma_wait3A_291 = arith.constant 0 : i32
          %dma_wait3A_292 = tpu.memref_slice %arg11[%dma_wait3A_290, %dma_wait3A_291] : memref<160000x128xf32, #tpu.memory_space<hbm>> -> memref<40x128xf32, #tpu.memory_space<hbm>>
          %dma_wait3A_293 = arith.constant 0 : i32
          %dma_wait3A_294 = arith.constant 0 : i32
          %dma_wait3A_295 = tpu.memref_slice %arg20[%sub3A_196, %dma_wait3A_293, %dma_wait3A_294] : memref<2x40x128xf32, #tpu.memory_space<vmem>> -> memref<1x40x128xf32, #tpu.memory_space<vmem>>
          %dma_wait3A_296 = tpu.memref_squeeze %dma_wait3A_295 : memref<1x40x128xf32, #tpu.memory_space<vmem>> -> memref<40x128xf32, #tpu.memory_space<vmem>>
          %dma_wait3A_297 = arith.constant 0 : i32
          %dma_wait3A_298 = arith.constant 0 : i32
          %dma_wait3A_299 = tpu.memref_slice %arg11[%dma_wait3A_297, %dma_wait3A_298] : memref<160000x128xf32, #tpu.memory_space<hbm>> -> memref<40x128xf32, #tpu.memory_space<hbm>>
          tpu.wait_dma2 semaphore(%arg26 : memref<!tpu.dma_semaphore, #tpu.memory_space<semaphore_mem>>) src(%dma_wait3A_299 : memref<40x128xf32, #tpu.memory_space<hbm>>) dst(%dma_wait3A_296 : memref<40x128xf32, #tpu.memory_space<vmem>>)
          %dma_wait3A_300 = arith.constant 0 : i32
          %dma_wait3A_301 = arith.constant 0 : i32
          %dma_wait3A_302 = tpu.memref_slice %arg21[%sub3A_196, %dma_wait3A_300, %dma_wait3A_301] : memref<2x40x16xf32, #tpu.memory_space<vmem>> -> memref<1x40x16xf32, #tpu.memory_space<vmem>>
          %dma_wait3A_303 = tpu.memref_squeeze %dma_wait3A_302 : memref<1x40x16xf32, #tpu.memory_space<vmem>> -> memref<40x16xf32, #tpu.memory_space<vmem>>
          %dma_wait3A_304 = arith.constant 0 : i32
          %dma_wait3A_305 = arith.constant 0 : i32
          %dma_wait3A_306 = tpu.memref_slice %arg15[%dma_wait3A_304, %dma_wait3A_305] : memref<10112x16xf32, #tpu.memory_space<hbm>> -> memref<40x16xf32, #tpu.memory_space<hbm>>
          %dma_wait3A_307 = arith.constant 0 : i32
          %dma_wait3A_308 = arith.constant 0 : i32
          %dma_wait3A_309 = tpu.memref_slice %arg21[%sub3A_196, %dma_wait3A_307, %dma_wait3A_308] : memref<2x40x16xf32, #tpu.memory_space<vmem>> -> memref<1x40x16xf32, #tpu.memory_space<vmem>>
          %dma_wait3A_310 = tpu.memref_squeeze %dma_wait3A_309 : memref<1x40x16xf32, #tpu.memory_space<vmem>> -> memref<40x16xf32, #tpu.memory_space<vmem>>
          %dma_wait3A_311 = arith.constant 0 : i32
          %dma_wait3A_312 = arith.constant 0 : i32
          %dma_wait3A_313 = tpu.memref_slice %arg15[%dma_wait3A_311, %dma_wait3A_312] : memref<10112x16xf32, #tpu.memory_space<hbm>> -> memref<40x16xf32, #tpu.memory_space<hbm>>
          tpu.wait_dma2 semaphore(%arg27 : memref<!tpu.dma_semaphore, #tpu.memory_space<semaphore_mem>>) src(%dma_wait3A_313 : memref<40x16xf32, #tpu.memory_space<hbm>>) dst(%dma_wait3A_310 : memref<40x16xf32, #tpu.memory_space<vmem>>)
        } else {
        }
        %convert_element_type3A_210 = arith.extui %lt3A_202 : i1 to i32
        %cond3A_211 = arith.constant 0 : i32
        %cond3A_212 = arith.cmpi ne, %convert_element_type3A_210, %cond3A_211 : i32
        scf.if %cond3A_212 {
          %dma_start3A_286 = arith.constant 0 : i32
          %dma_start3A_287 = tpu.memref_slice %arg17[%sub3A_196, %dma_start3A_286] : memref<2x40xi32, #tpu.memory_space<vmem>> -> memref<1x40xi32, #tpu.memory_space<vmem>>
          %dma_start3A_288 = tpu.memref_squeeze %dma_start3A_287 : memref<1x40xi32, #tpu.memory_space<vmem>> -> memref<40xi32, #tpu.memory_space<vmem>>
          %dma_start3A_289 = tpu.memref_slice %arg3[%add3A_201] : memref<160000xi32, #tpu.memory_space<hbm>> -> memref<40xi32, #tpu.memory_space<hbm>>
          %dma_start3A_290 = arith.constant 0 : i32
          %dma_start3A_291 = tpu.memref_slice %arg17[%sub3A_196, %dma_start3A_290] : memref<2x40xi32, #tpu.memory_space<vmem>> -> memref<1x40xi32, #tpu.memory_space<vmem>>
          %dma_start3A_292 = tpu.memref_squeeze %dma_start3A_291 : memref<1x40xi32, #tpu.memory_space<vmem>> -> memref<40xi32, #tpu.memory_space<vmem>>
          %dma_start3A_293 = tpu.memref_slice %arg3[%add3A_201] : memref<160000xi32, #tpu.memory_space<hbm>> -> memref<40xi32, #tpu.memory_space<hbm>>
          tpu.enqueue_dma source(%dma_start3A_293 : memref<40xi32, #tpu.memory_space<hbm>>) target(%dma_start3A_292 : memref<40xi32, #tpu.memory_space<vmem>>) target_semaphore(%arg25 : memref<!tpu.dma_semaphore, #tpu.memory_space<semaphore_mem>>)
          %dma_start3A_294 = arith.constant 0 : i32
          %dma_start3A_295 = arith.constant 0 : i32
          %dma_start3A_296 = tpu.memref_slice %arg19[%sub3A_196, %dma_start3A_294, %dma_start3A_295] : memref<2x40x128xf32, #tpu.memory_space<vmem>> -> memref<1x40x128xf32, #tpu.memory_space<vmem>>
          %dma_start3A_297 = tpu.memref_squeeze %dma_start3A_296 : memref<1x40x128xf32, #tpu.memory_space<vmem>> -> memref<40x128xf32, #tpu.memory_space<vmem>>
          %dma_start3A_298 = arith.constant 0 : i32
          %dma_start3A_299 = tpu.memref_slice %arg11[%add3A_201, %dma_start3A_298] : memref<160000x128xf32, #tpu.memory_space<hbm>> -> memref<40x128xf32, #tpu.memory_space<hbm>>
          %dma_start3A_300 = arith.constant 0 : i32
          %dma_start3A_301 = arith.constant 0 : i32
          %dma_start3A_302 = tpu.memref_slice %arg19[%sub3A_196, %dma_start3A_300, %dma_start3A_301] : memref<2x40x128xf32, #tpu.memory_space<vmem>> -> memref<1x40x128xf32, #tpu.memory_space<vmem>>
          %dma_start3A_303 = tpu.memref_squeeze %dma_start3A_302 : memref<1x40x128xf32, #tpu.memory_space<vmem>> -> memref<40x128xf32, #tpu.memory_space<vmem>>
          %dma_start3A_304 = arith.constant 0 : i32
          %dma_start3A_305 = tpu.memref_slice %arg11[%add3A_201, %dma_start3A_304] : memref<160000x128xf32, #tpu.memory_space<hbm>> -> memref<40x128xf32, #tpu.memory_space<hbm>>
          tpu.enqueue_dma source(%dma_start3A_305 : memref<40x128xf32, #tpu.memory_space<hbm>>) target(%dma_start3A_303 : memref<40x128xf32, #tpu.memory_space<vmem>>) target_semaphore(%arg25 : memref<!tpu.dma_semaphore, #tpu.memory_space<semaphore_mem>>)
          %dma_start3A_306 = arith.constant 0 : i32
          %dma_start3A_307 = arith.constant 0 : i32
          %dma_start3A_308 = tpu.memref_slice %arg20[%sub3A_196, %dma_start3A_306, %dma_start3A_307] : memref<2x40x128xf32, #tpu.memory_space<vmem>> -> memref<1x40x128xf32, #tpu.memory_space<vmem>>
          %dma_start3A_309 = tpu.memref_squeeze %dma_start3A_308 : memref<1x40x128xf32, #tpu.memory_space<vmem>> -> memref<40x128xf32, #tpu.memory_space<vmem>>
          %dma_start3A_310 = arith.constant 0 : i32
          %dma_start3A_311 = tpu.memref_slice %arg11[%add3A_201, %dma_start3A_310] : memref<160000x128xf32, #tpu.memory_space<hbm>> -> memref<40x128xf32, #tpu.memory_space<hbm>>
          %dma_start3A_312 = arith.constant 0 : i32
          %dma_start3A_313 = arith.constant 0 : i32
          %dma_start3A_314 = tpu.memref_slice %arg20[%sub3A_196, %dma_start3A_312, %dma_start3A_313] : memref<2x40x128xf32, #tpu.memory_space<vmem>> -> memref<1x40x128xf32, #tpu.memory_space<vmem>>
          %dma_start3A_315 = tpu.memref_squeeze %dma_start3A_314 : memref<1x40x128xf32, #tpu.memory_space<vmem>> -> memref<40x128xf32, #tpu.memory_space<vmem>>
          %dma_start3A_316 = arith.constant 0 : i32
          %dma_start3A_317 = tpu.memref_slice %arg11[%add3A_201, %dma_start3A_316] : memref<160000x128xf32, #tpu.memory_space<hbm>> -> memref<40x128xf32, #tpu.memory_space<hbm>>
          tpu.enqueue_dma source(%dma_start3A_317 : memref<40x128xf32, #tpu.memory_space<hbm>>) target(%dma_start3A_315 : memref<40x128xf32, #tpu.memory_space<vmem>>) target_semaphore(%arg25 : memref<!tpu.dma_semaphore, #tpu.memory_space<semaphore_mem>>)
        } else {
        }
        %dma_wait3A_213 = arith.constant 0 : i32
        %dma_wait3A_214 = arith.constant 0 : i32
        %dma_wait3A_215 = tpu.memref_slice %arg18[%rem3A_195, %dma_wait3A_213, %dma_wait3A_214] : memref<2x40x128xf32, #tpu.memory_space<vmem>> -> memref<1x40x128xf32, #tpu.memory_space<vmem>>
        %dma_wait3A_216 = tpu.memref_squeeze %dma_wait3A_215 : memref<1x40x128xf32, #tpu.memory_space<vmem>> -> memref<40x128xf32, #tpu.memory_space<vmem>>
        %dma_wait3A_217 = arith.constant 0 : i32
        %dma_wait3A_218 = arith.constant 0 : i32
        %dma_wait3A_219 = tpu.memref_slice %arg11[%dma_wait3A_217, %dma_wait3A_218] : memref<160000x128xf32, #tpu.memory_space<hbm>> -> memref<40x128xf32, #tpu.memory_space<hbm>>
        %dma_wait3A_220 = arith.constant 0 : i32
        %dma_wait3A_221 = arith.constant 0 : i32
        %dma_wait3A_222 = tpu.memref_slice %arg18[%rem3A_195, %dma_wait3A_220, %dma_wait3A_221] : memref<2x40x128xf32, #tpu.memory_space<vmem>> -> memref<1x40x128xf32, #tpu.memory_space<vmem>>
        %dma_wait3A_223 = tpu.memref_squeeze %dma_wait3A_222 : memref<1x40x128xf32, #tpu.memory_space<vmem>> -> memref<40x128xf32, #tpu.memory_space<vmem>>
        %dma_wait3A_224 = arith.constant 0 : i32
        %dma_wait3A_225 = arith.constant 0 : i32
        %dma_wait3A_226 = tpu.memref_slice %arg11[%dma_wait3A_224, %dma_wait3A_225] : memref<160000x128xf32, #tpu.memory_space<hbm>> -> memref<40x128xf32, #tpu.memory_space<hbm>>
        tpu.wait_dma2 semaphore(%arg24 : memref<!tpu.dma_semaphore, #tpu.memory_space<semaphore_mem>>) src(%dma_wait3A_226 : memref<40x128xf32, #tpu.memory_space<hbm>>) dst(%dma_wait3A_223 : memref<40x128xf32, #tpu.memory_space<vmem>>)
        %dma_wait3A_227 = arith.constant 0 : i32
        %dma_wait3A_228 = arith.constant 0 : i32
        %dma_wait3A_229 = tpu.memref_slice %arg19[%rem3A_195, %dma_wait3A_227, %dma_wait3A_228] : memref<2x40x128xf32, #tpu.memory_space<vmem>> -> memref<1x40x128xf32, #tpu.memory_space<vmem>>
        %dma_wait3A_230 = tpu.memref_squeeze %dma_wait3A_229 : memref<1x40x128xf32, #tpu.memory_space<vmem>> -> memref<40x128xf32, #tpu.memory_space<vmem>>
        %dma_wait3A_231 = arith.constant 0 : i32
        %dma_wait3A_232 = arith.constant 0 : i32
        %dma_wait3A_233 = tpu.memref_slice %arg11[%dma_wait3A_231, %dma_wait3A_232] : memref<160000x128xf32, #tpu.memory_space<hbm>> -> memref<40x128xf32, #tpu.memory_space<hbm>>
        %dma_wait3A_234 = arith.constant 0 : i32
        %dma_wait3A_235 = arith.constant 0 : i32
        %dma_wait3A_236 = tpu.memref_slice %arg19[%rem3A_195, %dma_wait3A_234, %dma_wait3A_235] : memref<2x40x128xf32, #tpu.memory_space<vmem>> -> memref<1x40x128xf32, #tpu.memory_space<vmem>>
        %dma_wait3A_237 = tpu.memref_squeeze %dma_wait3A_236 : memref<1x40x128xf32, #tpu.memory_space<vmem>> -> memref<40x128xf32, #tpu.memory_space<vmem>>
        %dma_wait3A_238 = arith.constant 0 : i32
        %dma_wait3A_239 = arith.constant 0 : i32
        %dma_wait3A_240 = tpu.memref_slice %arg11[%dma_wait3A_238, %dma_wait3A_239] : memref<160000x128xf32, #tpu.memory_space<hbm>> -> memref<40x128xf32, #tpu.memory_space<hbm>>
        tpu.wait_dma2 semaphore(%arg24 : memref<!tpu.dma_semaphore, #tpu.memory_space<semaphore_mem>>) src(%dma_wait3A_240 : memref<40x128xf32, #tpu.memory_space<hbm>>) dst(%dma_wait3A_237 : memref<40x128xf32, #tpu.memory_space<vmem>>)
        %dma_wait3A_241 = arith.constant 0 : i32
        %dma_wait3A_242 = arith.constant 0 : i32
        %dma_wait3A_243 = tpu.memref_slice %arg20[%rem3A_195, %dma_wait3A_241, %dma_wait3A_242] : memref<2x40x128xf32, #tpu.memory_space<vmem>> -> memref<1x40x128xf32, #tpu.memory_space<vmem>>
        %dma_wait3A_244 = tpu.memref_squeeze %dma_wait3A_243 : memref<1x40x128xf32, #tpu.memory_space<vmem>> -> memref<40x128xf32, #tpu.memory_space<vmem>>
        %dma_wait3A_245 = arith.constant 0 : i32
        %dma_wait3A_246 = arith.constant 0 : i32
        %dma_wait3A_247 = tpu.memref_slice %arg11[%dma_wait3A_245, %dma_wait3A_246] : memref<160000x128xf32, #tpu.memory_space<hbm>> -> memref<40x128xf32, #tpu.memory_space<hbm>>
        %dma_wait3A_248 = arith.constant 0 : i32
        %dma_wait3A_249 = arith.constant 0 : i32
        %dma_wait3A_250 = tpu.memref_slice %arg20[%rem3A_195, %dma_wait3A_248, %dma_wait3A_249] : memref<2x40x128xf32, #tpu.memory_space<vmem>> -> memref<1x40x128xf32, #tpu.memory_space<vmem>>
        %dma_wait3A_251 = tpu.memref_squeeze %dma_wait3A_250 : memref<1x40x128xf32, #tpu.memory_space<vmem>> -> memref<40x128xf32, #tpu.memory_space<vmem>>
        %dma_wait3A_252 = arith.constant 0 : i32
        %dma_wait3A_253 = arith.constant 0 : i32
        %dma_wait3A_254 = tpu.memref_slice %arg11[%dma_wait3A_252, %dma_wait3A_253] : memref<160000x128xf32, #tpu.memory_space<hbm>> -> memref<40x128xf32, #tpu.memory_space<hbm>>
        tpu.wait_dma2 semaphore(%arg24 : memref<!tpu.dma_semaphore, #tpu.memory_space<semaphore_mem>>) src(%dma_wait3A_254 : memref<40x128xf32, #tpu.memory_space<hbm>>) dst(%dma_wait3A_251 : memref<40x128xf32, #tpu.memory_space<vmem>>)
        %convert_element_type3A_255 = arith.extui %lt3A_202 : i1 to i32
        %cond3A_256 = arith.constant 0 : i32
        %cond3A_257 = arith.cmpi ne, %convert_element_type3A_255, %cond3A_256 : i32
        scf.if %cond3A_257 {
          %dma_wait3A_286 = arith.constant 0 : i32
          %dma_wait3A_287 = tpu.memref_slice %arg16[%sub3A_196, %dma_wait3A_286] : memref<2x40xi32, #tpu.memory_space<vmem>> -> memref<1x40xi32, #tpu.memory_space<vmem>>
          %dma_wait3A_288 = tpu.memref_squeeze %dma_wait3A_287 : memref<1x40xi32, #tpu.memory_space<vmem>> -> memref<40xi32, #tpu.memory_space<vmem>>
          %dma_wait3A_289 = arith.constant 0 : i32
          %dma_wait3A_290 = tpu.memref_slice %arg2[%dma_wait3A_289] : memref<160000xi32, #tpu.memory_space<hbm>> -> memref<40xi32, #tpu.memory_space<hbm>>
          %dma_wait3A_291 = arith.constant 0 : i32
          %dma_wait3A_292 = tpu.memref_slice %arg16[%sub3A_196, %dma_wait3A_291] : memref<2x40xi32, #tpu.memory_space<vmem>> -> memref<1x40xi32, #tpu.memory_space<vmem>>
          %dma_wait3A_293 = tpu.memref_squeeze %dma_wait3A_292 : memref<1x40xi32, #tpu.memory_space<vmem>> -> memref<40xi32, #tpu.memory_space<vmem>>
          %dma_wait3A_294 = arith.constant 0 : i32
          %dma_wait3A_295 = tpu.memref_slice %arg2[%dma_wait3A_294] : memref<160000xi32, #tpu.memory_space<hbm>> -> memref<40xi32, #tpu.memory_space<hbm>>
          tpu.wait_dma2 semaphore(%arg25 : memref<!tpu.dma_semaphore, #tpu.memory_space<semaphore_mem>>) src(%dma_wait3A_295 : memref<40xi32, #tpu.memory_space<hbm>>) dst(%dma_wait3A_293 : memref<40xi32, #tpu.memory_space<vmem>>)
          %dma_wait3A_296 = arith.constant 0 : i32
          %dma_wait3A_297 = tpu.memref_slice %arg17[%sub3A_196, %dma_wait3A_296] : memref<2x40xi32, #tpu.memory_space<vmem>> -> memref<1x40xi32, #tpu.memory_space<vmem>>
          %dma_wait3A_298 = tpu.memref_squeeze %dma_wait3A_297 : memref<1x40xi32, #tpu.memory_space<vmem>> -> memref<40xi32, #tpu.memory_space<vmem>>
          %dma_wait3A_299 = arith.constant 0 : i32
          %dma_wait3A_300 = tpu.memref_slice %arg2[%dma_wait3A_299] : memref<160000xi32, #tpu.memory_space<hbm>> -> memref<40xi32, #tpu.memory_space<hbm>>
          %dma_wait3A_301 = arith.constant 0 : i32
          %dma_wait3A_302 = tpu.memref_slice %arg17[%sub3A_196, %dma_wait3A_301] : memref<2x40xi32, #tpu.memory_space<vmem>> -> memref<1x40xi32, #tpu.memory_space<vmem>>
          %dma_wait3A_303 = tpu.memref_squeeze %dma_wait3A_302 : memref<1x40xi32, #tpu.memory_space<vmem>> -> memref<40xi32, #tpu.memory_space<vmem>>
          %dma_wait3A_304 = arith.constant 0 : i32
          %dma_wait3A_305 = tpu.memref_slice %arg2[%dma_wait3A_304] : memref<160000xi32, #tpu.memory_space<hbm>> -> memref<40xi32, #tpu.memory_space<hbm>>
          tpu.wait_dma2 semaphore(%arg25 : memref<!tpu.dma_semaphore, #tpu.memory_space<semaphore_mem>>) src(%dma_wait3A_305 : memref<40xi32, #tpu.memory_space<hbm>>) dst(%dma_wait3A_303 : memref<40xi32, #tpu.memory_space<vmem>>)
          %dma_wait3A_306 = arith.constant 0 : i32
          %dma_wait3A_307 = arith.constant 0 : i32
          %dma_wait3A_308 = tpu.memref_slice %arg19[%sub3A_196, %dma_wait3A_306, %dma_wait3A_307] : memref<2x40x128xf32, #tpu.memory_space<vmem>> -> memref<1x40x128xf32, #tpu.memory_space<vmem>>
          %dma_wait3A_309 = tpu.memref_squeeze %dma_wait3A_308 : memref<1x40x128xf32, #tpu.memory_space<vmem>> -> memref<40x128xf32, #tpu.memory_space<vmem>>
          %dma_wait3A_310 = arith.constant 0 : i32
          %dma_wait3A_311 = arith.constant 0 : i32
          %dma_wait3A_312 = tpu.memref_slice %arg11[%dma_wait3A_310, %dma_wait3A_311] : memref<160000x128xf32, #tpu.memory_space<hbm>> -> memref<40x128xf32, #tpu.memory_space<hbm>>
          %dma_wait3A_313 = arith.constant 0 : i32
          %dma_wait3A_314 = arith.constant 0 : i32
          %dma_wait3A_315 = tpu.memref_slice %arg19[%sub3A_196, %dma_wait3A_313, %dma_wait3A_314] : memref<2x40x128xf32, #tpu.memory_space<vmem>> -> memref<1x40x128xf32, #tpu.memory_space<vmem>>
          %dma_wait3A_316 = tpu.memref_squeeze %dma_wait3A_315 : memref<1x40x128xf32, #tpu.memory_space<vmem>> -> memref<40x128xf32, #tpu.memory_space<vmem>>
          %dma_wait3A_317 = arith.constant 0 : i32
          %dma_wait3A_318 = arith.constant 0 : i32
          %dma_wait3A_319 = tpu.memref_slice %arg11[%dma_wait3A_317, %dma_wait3A_318] : memref<160000x128xf32, #tpu.memory_space<hbm>> -> memref<40x128xf32, #tpu.memory_space<hbm>>
          tpu.wait_dma2 semaphore(%arg25 : memref<!tpu.dma_semaphore, #tpu.memory_space<semaphore_mem>>) src(%dma_wait3A_319 : memref<40x128xf32, #tpu.memory_space<hbm>>) dst(%dma_wait3A_316 : memref<40x128xf32, #tpu.memory_space<vmem>>)
          %dma_wait3A_320 = arith.constant 0 : i32
          %dma_wait3A_321 = arith.constant 0 : i32
          %dma_wait3A_322 = tpu.memref_slice %arg20[%sub3A_196, %dma_wait3A_320, %dma_wait3A_321] : memref<2x40x128xf32, #tpu.memory_space<vmem>> -> memref<1x40x128xf32, #tpu.memory_space<vmem>>
          %dma_wait3A_323 = tpu.memref_squeeze %dma_wait3A_322 : memref<1x40x128xf32, #tpu.memory_space<vmem>> -> memref<40x128xf32, #tpu.memory_space<vmem>>
          %dma_wait3A_324 = arith.constant 0 : i32
          %dma_wait3A_325 = arith.constant 0 : i32
          %dma_wait3A_326 = tpu.memref_slice %arg11[%dma_wait3A_324, %dma_wait3A_325] : memref<160000x128xf32, #tpu.memory_space<hbm>> -> memref<40x128xf32, #tpu.memory_space<hbm>>
          %dma_wait3A_327 = arith.constant 0 : i32
          %dma_wait3A_328 = arith.constant 0 : i32
          %dma_wait3A_329 = tpu.memref_slice %arg20[%sub3A_196, %dma_wait3A_327, %dma_wait3A_328] : memref<2x40x128xf32, #tpu.memory_space<vmem>> -> memref<1x40x128xf32, #tpu.memory_space<vmem>>
          %dma_wait3A_330 = tpu.memref_squeeze %dma_wait3A_329 : memref<1x40x128xf32, #tpu.memory_space<vmem>> -> memref<40x128xf32, #tpu.memory_space<vmem>>
          %dma_wait3A_331 = arith.constant 0 : i32
          %dma_wait3A_332 = arith.constant 0 : i32
          %dma_wait3A_333 = tpu.memref_slice %arg11[%dma_wait3A_331, %dma_wait3A_332] : memref<160000x128xf32, #tpu.memory_space<hbm>> -> memref<40x128xf32, #tpu.memory_space<hbm>>
          tpu.wait_dma2 semaphore(%arg25 : memref<!tpu.dma_semaphore, #tpu.memory_space<semaphore_mem>>) src(%dma_wait3A_333 : memref<40x128xf32, #tpu.memory_space<hbm>>) dst(%dma_wait3A_330 : memref<40x128xf32, #tpu.memory_space<vmem>>)
          %dma_start3A_334 = arith.constant 0 : i32
          %dma_start3A_335 = arith.constant 0 : i32
          %dma_start3A_336 = tpu.memref_slice %arg18[%sub3A_196, %dma_start3A_334, %dma_start3A_335] : memref<2x40x128xf32, #tpu.memory_space<vmem>> -> memref<1x40x128xf32, #tpu.memory_space<vmem>>
          %dma_start3A_337 = tpu.memref_squeeze %dma_start3A_336 : memref<1x40x128xf32, #tpu.memory_space<vmem>> -> memref<40x128xf32, #tpu.memory_space<vmem>>
          %dma_start3A_338 = arith.constant 0 : i32
          %dma_start3A_339 = tpu.memref_slice %arg17[%sub3A_196, %dma_start3A_338] : memref<2x40xi32, #tpu.memory_space<vmem>> -> memref<1x40xi32, #tpu.memory_space<vmem>>
          %dma_start3A_340 = tpu.memref_squeeze %dma_start3A_339 : memref<1x40xi32, #tpu.memory_space<vmem>> -> memref<40xi32, #tpu.memory_space<vmem>>
          %dma_start3A_341 = arith.constant 0 : i32
          %dma_start3A_342 = arith.constant 0 : i32
          %dma_start3A_343 = tpu.memref_slice %arg8[%dma_start3A_341, %dma_start3A_342] : memref<10000x128xf32, #tpu.memory_space<hbm>> -> memref<10000x128xf32, #tpu.memory_space<hbm>>
          tpu.enqueue_indirect_dma source(%dma_start3A_343 : memref<10000x128xf32, #tpu.memory_space<hbm>>) target(%dma_start3A_337 : memref<40x128xf32, #tpu.memory_space<vmem>>) offsets(%dma_start3A_340 : memref<40xi32, #tpu.memory_space<vmem>>) semaphore(%arg24 : memref<!tpu.dma_semaphore, #tpu.memory_space<semaphore_mem>>)
          %dma_start3A_344 = arith.constant 0 : i32
          %dma_start3A_345 = arith.constant 0 : i32
          %dma_start3A_346 = tpu.memref_slice %arg19[%sub3A_196, %dma_start3A_344, %dma_start3A_345] : memref<2x40x128xf32, #tpu.memory_space<vmem>> -> memref<1x40x128xf32, #tpu.memory_space<vmem>>
          %dma_start3A_347 = tpu.memref_squeeze %dma_start3A_346 : memref<1x40x128xf32, #tpu.memory_space<vmem>> -> memref<40x128xf32, #tpu.memory_space<vmem>>
          %dma_start3A_348 = arith.constant 0 : i32
          %dma_start3A_349 = tpu.memref_slice %arg16[%sub3A_196, %dma_start3A_348] : memref<2x40xi32, #tpu.memory_space<vmem>> -> memref<1x40xi32, #tpu.memory_space<vmem>>
          %dma_start3A_350 = tpu.memref_squeeze %dma_start3A_349 : memref<1x40xi32, #tpu.memory_space<vmem>> -> memref<40xi32, #tpu.memory_space<vmem>>
          %dma_start3A_351 = arith.constant 0 : i32
          %dma_start3A_352 = arith.constant 0 : i32
          %dma_start3A_353 = tpu.memref_slice %arg9[%dma_start3A_351, %dma_start3A_352] : memref<10000x128xf32, #tpu.memory_space<hbm>> -> memref<10000x128xf32, #tpu.memory_space<hbm>>
          tpu.enqueue_indirect_dma source(%dma_start3A_353 : memref<10000x128xf32, #tpu.memory_space<hbm>>) target(%dma_start3A_347 : memref<40x128xf32, #tpu.memory_space<vmem>>) offsets(%dma_start3A_350 : memref<40xi32, #tpu.memory_space<vmem>>) semaphore(%arg24 : memref<!tpu.dma_semaphore, #tpu.memory_space<semaphore_mem>>)
          %dma_start3A_354 = arith.constant 0 : i32
          %dma_start3A_355 = arith.constant 0 : i32
          %dma_start3A_356 = tpu.memref_slice %arg20[%sub3A_196, %dma_start3A_354, %dma_start3A_355] : memref<2x40x128xf32, #tpu.memory_space<vmem>> -> memref<1x40x128xf32, #tpu.memory_space<vmem>>
          %dma_start3A_357 = tpu.memref_squeeze %dma_start3A_356 : memref<1x40x128xf32, #tpu.memory_space<vmem>> -> memref<40x128xf32, #tpu.memory_space<vmem>>
          %dma_start3A_358 = arith.constant 0 : i32
          %dma_start3A_359 = tpu.memref_slice %arg16[%sub3A_196, %dma_start3A_358] : memref<2x40xi32, #tpu.memory_space<vmem>> -> memref<1x40xi32, #tpu.memory_space<vmem>>
          %dma_start3A_360 = tpu.memref_squeeze %dma_start3A_359 : memref<1x40xi32, #tpu.memory_space<vmem>> -> memref<40xi32, #tpu.memory_space<vmem>>
          %dma_start3A_361 = arith.constant 0 : i32
          %dma_start3A_362 = arith.constant 0 : i32
          %dma_start3A_363 = tpu.memref_slice %arg10[%dma_start3A_361, %dma_start3A_362] : memref<10000x128xf32, #tpu.memory_space<hbm>> -> memref<10000x128xf32, #tpu.memory_space<hbm>>
          tpu.enqueue_indirect_dma source(%dma_start3A_363 : memref<10000x128xf32, #tpu.memory_space<hbm>>) target(%dma_start3A_357 : memref<40x128xf32, #tpu.memory_space<vmem>>) offsets(%dma_start3A_360 : memref<40xi32, #tpu.memory_space<vmem>>) semaphore(%arg24 : memref<!tpu.dma_semaphore, #tpu.memory_space<semaphore_mem>>)
        } else {
        }
        %scan3A_258 = arith.constant 0 : i32
        %scan3A_259 = arith.constant 0 : i32
        %scan3A_260 = arith.constant 40 : i32
        %scan3A_261 = arith.addi %scan3A_259, %scan3A_260 : i32
        %scan3A_262 = arith.constant 1 : i32
        %scan3A_263 = scf.for %scan3A_286 = %scan3A_259 to %scan3A_261 step %scan3A_262 iter_args(%scan3A_287 = %scan3A_258) -> (i32)  : i32 {
          %broadcast_in_dim3A_288 = arith.constant 0.000000e+00 : f32
          %broadcast_in_dim3A_289 = vector.broadcast %broadcast_in_dim3A_288 : f32 to vector<16xf32>
          %get3A = arith.index_cast %rem3A_195 : i32 to index
          %get3A_290 = arith.index_cast %scan3A_286 : i32 to index
          %get3A_291 = arith.constant 0 : index
          %get3A_292 = tpu.vector_load %arg18[%get3A, %get3A_290, %get3A_291] {strides = array<i32>} : memref<2x40x128xf32, #tpu.memory_space<vmem>>, vector<16xf32>,
          %get3A_293 = arith.index_cast %rem3A_195 : i32 to index
          %get3A_294 = arith.index_cast %scan3A_286 : i32 to index
          %get3A_295 = arith.constant 0 : index
          %get3A_296 = tpu.vector_load %arg19[%get3A_293, %get3A_294, %get3A_295] {strides = array<i32>} : memref<2x40x128xf32, #tpu.memory_space<vmem>>, vector<16xf32>,
          %mul3A_297 = arith.mulf %get3A_292, %get3A_296 : vector<16xf32>
          %add3A_298 = arith.addf %broadcast_in_dim3A_289, %mul3A_297 : vector<16xf32>
          %get3A_299 = arith.index_cast %rem3A_195 : i32 to index
          %get3A_300 = arith.index_cast %scan3A_286 : i32 to index
          %get3A_301 = arith.constant 16 : index
          %get3A_302 = tpu.vector_load %arg18[%get3A_299, %get3A_300, %get3A_301] {strides = array<i32>} : memref<2x40x128xf32, #tpu.memory_space<vmem>>, vector<16xf32>,
          %get3A_303 = arith.index_cast %rem3A_195 : i32 to index
          %get3A_304 = arith.index_cast %scan3A_286 : i32 to index
          %get3A_305 = arith.constant 16 : index
          %get3A_306 = tpu.vector_load %arg19[%get3A_303, %get3A_304, %get3A_305] {strides = array<i32>} : memref<2x40x128xf32, #tpu.memory_space<vmem>>, vector<16xf32>,
          %mul3A_307 = arith.mulf %get3A_302, %get3A_306 : vector<16xf32>
          %add3A_308 = arith.addf %add3A_298, %mul3A_307 : vector<16xf32>
          %get3A_309 = arith.index_cast %rem3A_195 : i32 to index
          %get3A_310 = arith.index_cast %scan3A_286 : i32 to index
          %get3A_311 = arith.constant 32 : index
          %get3A_312 = tpu.vector_load %arg18[%get3A_309, %get3A_310, %get3A_311] {strides = array<i32>} : memref<2x40x128xf32, #tpu.memory_space<vmem>>, vector<16xf32>,
          %get3A_313 = arith.index_cast %rem3A_195 : i32 to index
          %get3A_314 = arith.index_cast %scan3A_286 : i32 to index
          %get3A_315 = arith.constant 32 : index
          %get3A_316 = tpu.vector_load %arg19[%get3A_313, %get3A_314, %get3A_315] {strides = array<i32>} : memref<2x40x128xf32, #tpu.memory_space<vmem>>, vector<16xf32>,
          %mul3A_317 = arith.mulf %get3A_312, %get3A_316 : vector<16xf32>
          %add3A_318 = arith.addf %add3A_308, %mul3A_317 : vector<16xf32>
          %get3A_319 = arith.index_cast %rem3A_195 : i32 to index
          %get3A_320 = arith.index_cast %scan3A_286 : i32 to index
          %get3A_321 = arith.constant 48 : index
          %get3A_322 = tpu.vector_load %arg18[%get3A_319, %get3A_320, %get3A_321] {strides = array<i32>} : memref<2x40x128xf32, #tpu.memory_space<vmem>>, vector<16xf32>,
          %get3A_323 = arith.index_cast %rem3A_195 : i32 to index
          %get3A_324 = arith.index_cast %scan3A_286 : i32 to index
          %get3A_325 = arith.constant 48 : index
          %get3A_326 = tpu.vector_load %arg19[%get3A_323, %get3A_324, %get3A_325] {strides = array<i32>} : memref<2x40x128xf32, #tpu.memory_space<vmem>>, vector<16xf32>,
          %mul3A_327 = arith.mulf %get3A_322, %get3A_326 : vector<16xf32>
          %add3A_328 = arith.addf %add3A_318, %mul3A_327 : vector<16xf32>
          %reduce_sum3A = arith.constant true
          %reduce_sum3A_329 = vector.broadcast %reduce_sum3A : i1 to vector<16xi1>
          %reduce_sum3A_330 = tpu.scan <sum>, %add3A_328 masked %reduce_sum3A_329 : vector<16xf32>, vector<16xi1> -> vector<16xf32>
          %reduce_sum3A_331 = vector.extract %reduce_sum3A_330[15] : f32 from vector<16xf32>
          %mul3A_332 = arith.constant 1.250000e-01 : f32
          %mul3A_333 = arith.mulf %reduce_sum3A_331, %mul3A_332 : f32
          %broadcast_in_dim3A_334 = vector.broadcast %mul3A_333 : f32 to vector<16xf32>
          %exp3A = math.exp %broadcast_in_dim3A_334 : vector<16xf32>
          %get3A_335 = arith.index_cast %rem3A_195 : i32 to index
          %get3A_336 = arith.index_cast %scan3A_286 : i32 to index
          %get3A_337 = arith.constant 0 : index
          %get3A_338 = tpu.vector_load %arg20[%get3A_335, %get3A_336, %get3A_337] {strides = array<i32>} : memref<2x40x128xf32, #tpu.memory_space<vmem>>, vector<16xf32>,
          %mul3A_339 = arith.mulf %get3A_338, %exp3A : vector<16xf32>
          %swap3A = arith.index_cast %rem3A_195 : i32 to index
          %swap3A_340 = arith.index_cast %scan3A_286 : i32 to index
          %swap3A_341 = arith.constant 0 : index
          %swap3A_342 = tpu.vector_load %arg20[%swap3A, %swap3A_340, %swap3A_341] {strides = array<i32>} : memref<2x40x128xf32, #tpu.memory_space<vmem>>, vector<16xf32>,
          tpu.vector_store %arg20[%swap3A, %swap3A_340, %swap3A_341], %mul3A_339 {strides = array<i32>} : memref<2x40x128xf32, #tpu.memory_space<vmem>>, vector<16xf32>,
          %get3A_343 = arith.index_cast %rem3A_195 : i32 to index
          %get3A_344 = arith.index_cast %scan3A_286 : i32 to index
          %get3A_345 = arith.constant 16 : index
          %get3A_346 = tpu.vector_load %arg20[%get3A_343, %get3A_344, %get3A_345] {strides = array<i32>} : memref<2x40x128xf32, #tpu.memory_space<vmem>>, vector<16xf32>,
          %mul3A_347 = arith.mulf %get3A_346, %exp3A : vector<16xf32>
          %swap3A_348 = arith.index_cast %rem3A_195 : i32 to index
          %swap3A_349 = arith.index_cast %scan3A_286 : i32 to index
          %swap3A_350 = arith.constant 16 : index
          %swap3A_351 = tpu.vector_load %arg20[%swap3A_348, %swap3A_349, %swap3A_350] {strides = array<i32>} : memref<2x40x128xf32, #tpu.memory_space<vmem>>, vector<16xf32>,
          tpu.vector_store %arg20[%swap3A_348, %swap3A_349, %swap3A_350], %mul3A_347 {strides = array<i32>} : memref<2x40x128xf32, #tpu.memory_space<vmem>>, vector<16xf32>,
          %get3A_352 = arith.index_cast %rem3A_195 : i32 to index
          %get3A_353 = arith.index_cast %scan3A_286 : i32 to index
          %get3A_354 = arith.constant 32 : index
          %get3A_355 = tpu.vector_load %arg20[%get3A_352, %get3A_353, %get3A_354] {strides = array<i32>} : memref<2x40x128xf32, #tpu.memory_space<vmem>>, vector<16xf32>,
          %mul3A_356 = arith.mulf %get3A_355, %exp3A : vector<16xf32>
          %swap3A_357 = arith.index_cast %rem3A_195 : i32 to index
          %swap3A_358 = arith.index_cast %scan3A_286 : i32 to index
          %swap3A_359 = arith.constant 32 : index
          %swap3A_360 = tpu.vector_load %arg20[%swap3A_357, %swap3A_358, %swap3A_359] {strides = array<i32>} : memref<2x40x128xf32, #tpu.memory_space<vmem>>, vector<16xf32>,
          tpu.vector_store %arg20[%swap3A_357, %swap3A_358, %swap3A_359], %mul3A_356 {strides = array<i32>} : memref<2x40x128xf32, #tpu.memory_space<vmem>>, vector<16xf32>,
          %get3A_361 = arith.index_cast %rem3A_195 : i32 to index
          %get3A_362 = arith.index_cast %scan3A_286 : i32 to index
          %get3A_363 = arith.constant 48 : index
          %get3A_364 = tpu.vector_load %arg20[%get3A_361, %get3A_362, %get3A_363] {strides = array<i32>} : memref<2x40x128xf32, #tpu.memory_space<vmem>>, vector<16xf32>,
          %mul3A_365 = arith.mulf %get3A_364, %exp3A : vector<16xf32>
          %swap3A_366 = arith.index_cast %rem3A_195 : i32 to index
          %swap3A_367 = arith.index_cast %scan3A_286 : i32 to index
          %swap3A_368 = arith.constant 48 : index
          %swap3A_369 = tpu.vector_load %arg20[%swap3A_366, %swap3A_367, %swap3A_368] {strides = array<i32>} : memref<2x40x128xf32, #tpu.memory_space<vmem>>, vector<16xf32>,
          tpu.vector_store %arg20[%swap3A_366, %swap3A_367, %swap3A_368], %mul3A_365 {strides = array<i32>} : memref<2x40x128xf32, #tpu.memory_space<vmem>>, vector<16xf32>,
          %broadcast_in_dim3A_370 = arith.constant 0.000000e+00 : f32
          %broadcast_in_dim3A_371 = vector.broadcast %broadcast_in_dim3A_370 : f32 to vector<16xf32>
          %get3A_372 = arith.index_cast %rem3A_195 : i32 to index
          %get3A_373 = arith.index_cast %scan3A_286 : i32 to index
          %get3A_374 = arith.constant 64 : index
          %get3A_375 = tpu.vector_load %arg18[%get3A_372, %get3A_373, %get3A_374] {strides = array<i32>} : memref<2x40x128xf32, #tpu.memory_space<vmem>>, vector<16xf32>,
          %get3A_376 = arith.index_cast %rem3A_195 : i32 to index
          %get3A_377 = arith.index_cast %scan3A_286 : i32 to index
          %get3A_378 = arith.constant 64 : index
          %get3A_379 = tpu.vector_load %arg19[%get3A_376, %get3A_377, %get3A_378] {strides = array<i32>} : memref<2x40x128xf32, #tpu.memory_space<vmem>>, vector<16xf32>,
          %mul3A_380 = arith.mulf %get3A_375, %get3A_379 : vector<16xf32>
          %add3A_381 = arith.addf %broadcast_in_dim3A_371, %mul3A_380 : vector<16xf32>
          %get3A_382 = arith.index_cast %rem3A_195 : i32 to index
          %get3A_383 = arith.index_cast %scan3A_286 : i32 to index
          %get3A_384 = arith.constant 80 : index
          %get3A_385 = tpu.vector_load %arg18[%get3A_382, %get3A_383, %get3A_384] {strides = array<i32>} : memref<2x40x128xf32, #tpu.memory_space<vmem>>, vector<16xf32>,
          %get3A_386 = arith.index_cast %rem3A_195 : i32 to index
          %get3A_387 = arith.index_cast %scan3A_286 : i32 to index
          %get3A_388 = arith.constant 80 : index
          %get3A_389 = tpu.vector_load %arg19[%get3A_386, %get3A_387, %get3A_388] {strides = array<i32>} : memref<2x40x128xf32, #tpu.memory_space<vmem>>, vector<16xf32>,
          %mul3A_390 = arith.mulf %get3A_385, %get3A_389 : vector<16xf32>
          %add3A_391 = arith.addf %add3A_381, %mul3A_390 : vector<16xf32>
          %get3A_392 = arith.index_cast %rem3A_195 : i32 to index
          %get3A_393 = arith.index_cast %scan3A_286 : i32 to index
          %get3A_394 = arith.constant 96 : index
          %get3A_395 = tpu.vector_load %arg18[%get3A_392, %get3A_393, %get3A_394] {strides = array<i32>} : memref<2x40x128xf32, #tpu.memory_space<vmem>>, vector<16xf32>,
          %get3A_396 = arith.index_cast %rem3A_195 : i32 to index
          %get3A_397 = arith.index_cast %scan3A_286 : i32 to index
          %get3A_398 = arith.constant 96 : index
          %get3A_399 = tpu.vector_load %arg19[%get3A_396, %get3A_397, %get3A_398] {strides = array<i32>} : memref<2x40x128xf32, #tpu.memory_space<vmem>>, vector<16xf32>,
          %mul3A_400 = arith.mulf %get3A_395, %get3A_399 : vector<16xf32>
          %add3A_401 = arith.addf %add3A_391, %mul3A_400 : vector<16xf32>
          %get3A_402 = arith.index_cast %rem3A_195 : i32 to index
          %get3A_403 = arith.index_cast %scan3A_286 : i32 to index
          %get3A_404 = arith.constant 112 : index
          %get3A_405 = tpu.vector_load %arg18[%get3A_402, %get3A_403, %get3A_404] {strides = array<i32>} : memref<2x40x128xf32, #tpu.memory_space<vmem>>, vector<16xf32>,
          %get3A_406 = arith.index_cast %rem3A_195 : i32 to index
          %get3A_407 = arith.index_cast %scan3A_286 : i32 to index
          %get3A_408 = arith.constant 112 : index
          %get3A_409 = tpu.vector_load %arg19[%get3A_406, %get3A_407, %get3A_408] {strides = array<i32>} : memref<2x40x128xf32, #tpu.memory_space<vmem>>, vector<16xf32>,
          %mul3A_410 = arith.mulf %get3A_405, %get3A_409 : vector<16xf32>
          %add3A_411 = arith.addf %add3A_401, %mul3A_410 : vector<16xf32>
          %reduce_sum3A_412 = arith.constant true
          %reduce_sum3A_413 = vector.broadcast %reduce_sum3A_412 : i1 to vector<16xi1>
          %reduce_sum3A_414 = tpu.scan <sum>, %add3A_411 masked %reduce_sum3A_413 : vector<16xf32>, vector<16xi1> -> vector<16xf32>
          %reduce_sum3A_415 = vector.extract %reduce_sum3A_414[15] : f32 from vector<16xf32>
          %mul3A_416 = arith.constant 1.250000e-01 : f32
          %mul3A_417 = arith.mulf %reduce_sum3A_415, %mul3A_416 : f32
          %broadcast_in_dim3A_418 = vector.broadcast %mul3A_417 : f32 to vector<16xf32>
          %exp3A_419 = math.exp %broadcast_in_dim3A_418 : vector<16xf32>
          %get3A_420 = arith.index_cast %rem3A_195 : i32 to index
          %get3A_421 = arith.index_cast %scan3A_286 : i32 to index
          %get3A_422 = arith.constant 64 : index
          %get3A_423 = tpu.vector_load %arg20[%get3A_420, %get3A_421, %get3A_422] {strides = array<i32>} : memref<2x40x128xf32, #tpu.memory_space<vmem>>, vector<16xf32>,
          %mul3A_424 = arith.mulf %get3A_423, %exp3A_419 : vector<16xf32>
          %swap3A_425 = arith.index_cast %rem3A_195 : i32 to index
          %swap3A_426 = arith.index_cast %scan3A_286 : i32 to index
          %swap3A_427 = arith.constant 64 : index
          %swap3A_428 = tpu.vector_load %arg20[%swap3A_425, %swap3A_426, %swap3A_427] {strides = array<i32>} : memref<2x40x128xf32, #tpu.memory_space<vmem>>, vector<16xf32>,
          tpu.vector_store %arg20[%swap3A_425, %swap3A_426, %swap3A_427], %mul3A_424 {strides = array<i32>} : memref<2x40x128xf32, #tpu.memory_space<vmem>>, vector<16xf32>,
          %get3A_429 = arith.index_cast %rem3A_195 : i32 to index
          %get3A_430 = arith.index_cast %scan3A_286 : i32 to index
          %get3A_431 = arith.constant 80 : index
          %get3A_432 = tpu.vector_load %arg20[%get3A_429, %get3A_430, %get3A_431] {strides = array<i32>} : memref<2x40x128xf32, #tpu.memory_space<vmem>>, vector<16xf32>,
          %mul3A_433 = arith.mulf %get3A_432, %exp3A_419 : vector<16xf32>
          %swap3A_434 = arith.index_cast %rem3A_195 : i32 to index
          %swap3A_435 = arith.index_cast %scan3A_286 : i32 to index
          %swap3A_436 = arith.constant 80 : index
          %swap3A_437 = tpu.vector_load %arg20[%swap3A_434, %swap3A_435, %swap3A_436] {strides = array<i32>} : memref<2x40x128xf32, #tpu.memory_space<vmem>>, vector<16xf32>,
          tpu.vector_store %arg20[%swap3A_434, %swap3A_435, %swap3A_436], %mul3A_433 {strides = array<i32>} : memref<2x40x128xf32, #tpu.memory_space<vmem>>, vector<16xf32>,
          %get3A_438 = arith.index_cast %rem3A_195 : i32 to index
          %get3A_439 = arith.index_cast %scan3A_286 : i32 to index
          %get3A_440 = arith.constant 96 : index
          %get3A_441 = tpu.vector_load %arg20[%get3A_438, %get3A_439, %get3A_440] {strides = array<i32>} : memref<2x40x128xf32, #tpu.memory_space<vmem>>, vector<16xf32>,
          %mul3A_442 = arith.mulf %get3A_441, %exp3A_419 : vector<16xf32>
          %swap3A_443 = arith.index_cast %rem3A_195 : i32 to index
          %swap3A_444 = arith.index_cast %scan3A_286 : i32 to index
          %swap3A_445 = arith.constant 96 : index
          %swap3A_446 = tpu.vector_load %arg20[%swap3A_443, %swap3A_444, %swap3A_445] {strides = array<i32>} : memref<2x40x128xf32, #tpu.memory_space<vmem>>, vector<16xf32>,
          tpu.vector_store %arg20[%swap3A_443, %swap3A_444, %swap3A_445], %mul3A_442 {strides = array<i32>} : memref<2x40x128xf32, #tpu.memory_space<vmem>>, vector<16xf32>,
          %get3A_447 = arith.index_cast %rem3A_195 : i32 to index
          %get3A_448 = arith.index_cast %scan3A_286 : i32 to index
          %get3A_449 = arith.constant 112 : index
          %get3A_450 = tpu.vector_load %arg20[%get3A_447, %get3A_448, %get3A_449] {strides = array<i32>} : memref<2x40x128xf32, #tpu.memory_space<vmem>>, vector<16xf32>,
          %mul3A_451 = arith.mulf %get3A_450, %exp3A_419 : vector<16xf32>
          %swap3A_452 = arith.index_cast %rem3A_195 : i32 to index
          %swap3A_453 = arith.index_cast %scan3A_286 : i32 to index
          %swap3A_454 = arith.constant 112 : index
          %swap3A_455 = tpu.vector_load %arg20[%swap3A_452, %swap3A_453, %swap3A_454] {strides = array<i32>} : memref<2x40x128xf32, #tpu.memory_space<vmem>>, vector<16xf32>,
          tpu.vector_store %arg20[%swap3A_452, %swap3A_453, %swap3A_454], %mul3A_451 {strides = array<i32>} : memref<2x40x128xf32, #tpu.memory_space<vmem>>, vector<16xf32>,
          %select_n3A = arith.select %eq3A_116, %exp3A_419, %broadcast_in_dim3A_7 : vector<16xi1>, vector<16xf32>
          %select_n3A_456 = arith.select %eq3A_113, %exp3A, %select_n3A : vector<16xi1>, vector<16xf32>
          %swap3A_457 = arith.index_cast %rem3A_195 : i32 to index
          %swap3A_458 = arith.index_cast %scan3A_286 : i32 to index
          %swap3A_459 = arith.constant 0 : index
          %swap3A_460 = tpu.vector_load %arg21[%swap3A_457, %swap3A_458, %swap3A_459] {strides = array<i32>} : memref<2x40x16xf32, #tpu.memory_space<vmem>>, vector<16xf32>,
          tpu.vector_store %arg21[%swap3A_457, %swap3A_458, %swap3A_459], %select_n3A_456 {strides = array<i32>} : memref<2x40x16xf32, #tpu.memory_space<vmem>>, vector<16xf32>,
          %scan3A_461 = arith.constant 0 : i32
          scf.yield %scan3A_461 : i32
        }
        %scan3A_264 = arith.constant 40 : i32
        %dma_start3A_265 = arith.constant 0 : i32
        %dma_start3A_266 = arith.constant 0 : i32
        %dma_start3A_267 = tpu.memref_slice %arg20[%rem3A_195, %dma_start3A_265, %dma_start3A_266] : memref<2x40x128xf32, #tpu.memory_space<vmem>> -> memref<1x40x128xf32, #tpu.memory_space<vmem>>
        %dma_start3A_268 = tpu.memref_squeeze %dma_start3A_267 : memref<1x40x128xf32, #tpu.memory_space<vmem>> -> memref<40x128xf32, #tpu.memory_space<vmem>>
        %dma_start3A_269 = arith.constant 0 : i32
        %dma_start3A_270 = tpu.memref_slice %arg17[%rem3A_195, %dma_start3A_269] : memref<2x40xi32, #tpu.memory_space<vmem>> -> memref<1x40xi32, #tpu.memory_space<vmem>>
        %dma_start3A_271 = tpu.memref_squeeze %dma_start3A_270 : memref<1x40xi32, #tpu.memory_space<vmem>> -> memref<40xi32, #tpu.memory_space<vmem>>
        %dma_start3A_272 = arith.constant 0 : i32
        %dma_start3A_273 = arith.constant 0 : i32
        %dma_start3A_274 = tpu.memref_slice %arg22[%dma_start3A_272, %dma_start3A_273] : memref<10112x128xf32, #tpu.memory_space<vmem_shared>> -> memref<10112x128xf32, #tpu.memory_space<vmem_shared>>
        tpu.enqueue_indirect_dma source(%dma_start3A_268 : memref<40x128xf32, #tpu.memory_space<vmem>>) target(%dma_start3A_274 : memref<10112x128xf32, #tpu.memory_space<vmem_shared>>) offsets(%dma_start3A_271 : memref<40xi32, #tpu.memory_space<vmem>>) semaphore(%arg26 : memref<!tpu.dma_semaphore, #tpu.memory_space<semaphore_mem>>) {add = true}
        %dma_start3A_275 = arith.constant 0 : i32
        %dma_start3A_276 = arith.constant 0 : i32
        %dma_start3A_277 = tpu.memref_slice %arg21[%rem3A_195, %dma_start3A_275, %dma_start3A_276] : memref<2x40x16xf32, #tpu.memory_space<vmem>> -> memref<1x40x16xf32, #tpu.memory_space<vmem>>
        %dma_start3A_278 = tpu.memref_squeeze %dma_start3A_277 : memref<1x40x16xf32, #tpu.memory_space<vmem>> -> memref<40x16xf32, #tpu.memory_space<vmem>>
        %dma_start3A_279 = arith.constant 0 : i32
        %dma_start3A_280 = tpu.memref_slice %arg17[%rem3A_195, %dma_start3A_279] : memref<2x40xi32, #tpu.memory_space<vmem>> -> memref<1x40xi32, #tpu.memory_space<vmem>>
        %dma_start3A_281 = tpu.memref_squeeze %dma_start3A_280 : memref<1x40xi32, #tpu.memory_space<vmem>> -> memref<40xi32, #tpu.memory_space<vmem>>
        %dma_start3A_282 = arith.constant 0 : i32
        %dma_start3A_283 = arith.constant 0 : i32
        %dma_start3A_284 = tpu.memref_slice %arg23[%dma_start3A_282, %dma_start3A_283] : memref<10112x16xf32, #tpu.memory_space<vmem_shared>> -> memref<10112x16xf32, #tpu.memory_space<vmem_shared>>
        tpu.enqueue_indirect_dma source(%dma_start3A_278 : memref<40x16xf32, #tpu.memory_space<vmem>>) target(%dma_start3A_284 : memref<10112x16xf32, #tpu.memory_space<vmem_shared>>) offsets(%dma_start3A_281 : memref<40xi32, #tpu.memory_space<vmem>>) semaphore(%arg27 : memref<!tpu.dma_semaphore, #tpu.memory_space<semaphore_mem>>) {add = true}
        %scan3A_285 = arith.constant 0 : i32
        scf.yield %scan3A_285 : i32
      }
      %scan3A_162 = arith.constant 250 : i32
      %dma_wait3A = arith.constant 1 : i32
      %dma_wait3A_163 = arith.constant 0 : i32
      %dma_wait3A_164 = arith.constant 0 : i32
      %dma_wait3A_165 = tpu.memref_slice %arg20[%dma_wait3A, %dma_wait3A_163, %dma_wait3A_164] : memref<2x40x128xf32, #tpu.memory_space<vmem>> -> memref<1x40x128xf32, #tpu.memory_space<vmem>>
      %dma_wait3A_166 = tpu.memref_squeeze %dma_wait3A_165 : memref<1x40x128xf32, #tpu.memory_space<vmem>> -> memref<40x128xf32, #tpu.memory_space<vmem>>
      %dma_wait3A_167 = arith.constant 0 : i32
      %dma_wait3A_168 = arith.constant 0 : i32
      %dma_wait3A_169 = tpu.memref_slice %arg11[%dma_wait3A_167, %dma_wait3A_168] : memref<160000x128xf32, #tpu.memory_space<hbm>> -> memref<40x128xf32, #tpu.memory_space<hbm>>
      %dma_wait3A_170 = arith.constant 0 : i32
      %dma_wait3A_171 = arith.constant 0 : i32
      %dma_wait3A_172 = tpu.memref_slice %arg20[%dma_wait3A, %dma_wait3A_170, %dma_wait3A_171] : memref<2x40x128xf32, #tpu.memory_space<vmem>> -> memref<1x40x128xf32, #tpu.memory_space<vmem>>
      %dma_wait3A_173 = tpu.memref_squeeze %dma_wait3A_172 : memref<1x40x128xf32, #tpu.memory_space<vmem>> -> memref<40x128xf32, #tpu.memory_space<vmem>>
      %dma_wait3A_174 = arith.constant 0 : i32
      %dma_wait3A_175 = arith.constant 0 : i32
      %dma_wait3A_176 = tpu.memref_slice %arg11[%dma_wait3A_174, %dma_wait3A_175] : memref<160000x128xf32, #tpu.memory_space<hbm>> -> memref<40x128xf32, #tpu.memory_space<hbm>>
      tpu.wait_dma2 semaphore(%arg26 : memref<!tpu.dma_semaphore, #tpu.memory_space<semaphore_mem>>) src(%dma_wait3A_176 : memref<40x128xf32, #tpu.memory_space<hbm>>) dst(%dma_wait3A_173 : memref<40x128xf32, #tpu.memory_space<vmem>>)
      %dma_wait3A_177 = arith.constant 1 : i32
      %dma_wait3A_178 = arith.constant 0 : i32
      %dma_wait3A_179 = arith.constant 0 : i32
      %dma_wait3A_180 = tpu.memref_slice %arg21[%dma_wait3A_177, %dma_wait3A_178, %dma_wait3A_179] : memref<2x40x16xf32, #tpu.memory_space<vmem>> -> memref<1x40x16xf32, #tpu.memory_space<vmem>>
      %dma_wait3A_181 = tpu.memref_squeeze %dma_wait3A_180 : memref<1x40x16xf32, #tpu.memory_space<vmem>> -> memref<40x16xf32, #tpu.memory_space<vmem>>
      %dma_wait3A_182 = arith.constant 0 : i32
      %dma_wait3A_183 = arith.constant 0 : i32
      %dma_wait3A_184 = tpu.memref_slice %arg15[%dma_wait3A_182, %dma_wait3A_183] : memref<10112x16xf32, #tpu.memory_space<hbm>> -> memref<40x16xf32, #tpu.memory_space<hbm>>
      %dma_wait3A_185 = arith.constant 0 : i32
      %dma_wait3A_186 = arith.constant 0 : i32
      %dma_wait3A_187 = tpu.memref_slice %arg21[%dma_wait3A_177, %dma_wait3A_185, %dma_wait3A_186] : memref<2x40x16xf32, #tpu.memory_space<vmem>> -> memref<1x40x16xf32, #tpu.memory_space<vmem>>
      %dma_wait3A_188 = tpu.memref_squeeze %dma_wait3A_187 : memref<1x40x16xf32, #tpu.memory_space<vmem>> -> memref<40x16xf32, #tpu.memory_space<vmem>>
      %dma_wait3A_189 = arith.constant 0 : i32
      %dma_wait3A_190 = arith.constant 0 : i32
      %dma_wait3A_191 = tpu.memref_slice %arg15[%dma_wait3A_189, %dma_wait3A_190] : memref<10112x16xf32, #tpu.memory_space<hbm>> -> memref<40x16xf32, #tpu.memory_space<hbm>>
      tpu.wait_dma2 semaphore(%arg27 : memref<!tpu.dma_semaphore, #tpu.memory_space<semaphore_mem>>) src(%dma_wait3A_191 : memref<40x16xf32, #tpu.memory_space<hbm>>) dst(%dma_wait3A_188 : memref<40x16xf32, #tpu.memory_space<vmem>>)
      %barrier3A_192 = arith.constant 0 : index
      tpu.barrier barrier_id(%barrier3A_192)
      "tpu.region"() ({
        %run_scoped3A_193 = tpu.sem_alloc : memref<!tpu.dma_semaphore, #tpu.memory_space<semaphore_mem>>
        %dma_start3A_194 = arith.constant 0 : i32
        %dma_start3A_195 = tpu.memref_slice %arg13[%mul3A_8, %dma_start3A_194] : memref<10112x128xf32, #tpu.memory_space<hbm>> -> memref<632x128xf32, #tpu.memory_space<hbm>>
        %dma_start3A_196 = arith.constant 0 : i32
        %dma_start3A_197 = tpu.memref_slice %arg22[%mul3A_8, %dma_start3A_196] : memref<10112x128xf32, #tpu.memory_space<vmem_shared>> -> memref<632x128xf32, #tpu.memory_space<vmem_shared>>
        tpu.enqueue_dma source(%dma_start3A_197 : memref<632x128xf32, #tpu.memory_space<vmem_shared>>) target(%dma_start3A_195 : memref<632x128xf32, #tpu.memory_space<hbm>>) target_semaphore(%run_scoped3A_193 : memref<!tpu.dma_semaphore, #tpu.memory_space<semaphore_mem>>)
        %dma_wait3A_198 = arith.constant 0 : i32
        %dma_wait3A_199 = tpu.memref_slice %arg13[%mul3A_8, %dma_wait3A_198] : memref<10112x128xf32, #tpu.memory_space<hbm>> -> memref<632x128xf32, #tpu.memory_space<hbm>>
        %dma_wait3A_200 = arith.constant 0 : i32
        %dma_wait3A_201 = tpu.memref_slice %arg22[%mul3A_8, %dma_wait3A_200] : memref<10112x128xf32, #tpu.memory_space<vmem_shared>> -> memref<632x128xf32, #tpu.memory_space<vmem_shared>>
        tpu.wait_dma2 semaphore(%run_scoped3A_193 : memref<!tpu.dma_semaphore, #tpu.memory_space<semaphore_mem>>) src(%dma_wait3A_201 : memref<632x128xf32, #tpu.memory_space<vmem_shared>>) dst(%dma_wait3A_199 : memref<632x128xf32, #tpu.memory_space<hbm>>)
        tpu.yield
      }) : () -> ()
      "tpu.region"() ({
        %run_scoped3A_193 = tpu.sem_alloc : memref<!tpu.dma_semaphore, #tpu.memory_space<semaphore_mem>>
        %dma_start3A_194 = arith.constant 0 : i32
        %dma_start3A_195 = tpu.memref_slice %arg15[%mul3A_8, %dma_start3A_194] : memref<10112x16xf32, #tpu.memory_space<hbm>> -> memref<632x16xf32, #tpu.memory_space<hbm>>
        %dma_start3A_196 = arith.constant 0 : i32
        %dma_start3A_197 = tpu.memref_slice %arg23[%mul3A_8, %dma_start3A_196] : memref<10112x16xf32, #tpu.memory_space<vmem_shared>> -> memref<632x16xf32, #tpu.memory_space<vmem_shared>>
        tpu.enqueue_dma source(%dma_start3A_197 : memref<632x16xf32, #tpu.memory_space<vmem_shared>>) target(%dma_start3A_195 : memref<632x16xf32, #tpu.memory_space<hbm>>) target_semaphore(%run_scoped3A_193 : memref<!tpu.dma_semaphore, #tpu.memory_space<semaphore_mem>>)
        %dma_wait3A_198 = arith.constant 0 : i32
        %dma_wait3A_199 = tpu.memref_slice %arg15[%mul3A_8, %dma_wait3A_198] : memref<10112x16xf32, #tpu.memory_space<hbm>> -> memref<632x16xf32, #tpu.memory_space<hbm>>
        %dma_wait3A_200 = arith.constant 0 : i32
        %dma_wait3A_201 = tpu.memref_slice %arg23[%mul3A_8, %dma_wait3A_200] : memref<10112x16xf32, #tpu.memory_space<vmem_shared>> -> memref<632x16xf32, #tpu.memory_space<vmem_shared>>
        tpu.wait_dma2 semaphore(%run_scoped3A_193 : memref<!tpu.dma_semaphore, #tpu.memory_space<semaphore_mem>>) src(%dma_wait3A_201 : memref<632x16xf32, #tpu.memory_space<vmem_shared>>) dst(%dma_wait3A_199 : memref<632x16xf32, #tpu.memory_space<hbm>>)
        tpu.yield
      }) : () -> ()
    } else {
    }
    return
  }
}

module attributes {stable_mosaic.version = 14 : i64} {
  func.func @_eproj_body(%arg0: i32, %arg1: memref<2000x256xf32, #tpu.memory_space<vmem>>, %arg2: memref<256x256xf32, #tpu.memory_space<vmem>>, %arg3: memref<2000x128xf32, #tpu.memory_space<vmem>>, %arg4: memref<2000x128xf32, #tpu.memory_space<vmem>>) attributes {dimension_semantics = [#tpu.dimension_semantics<arbitrary>], iteration_bounds = array<i64: 80>, scalar_prefetch = 0 : i64, scratch_operands = 0 : i64, tpu.core_type = #tpu.core_type<tc>, window_params = [{transform_indices = @transform_0, window_bounds = array<i64: 2000, 256>}, {pipeline_mode = #tpu.pipeline_mode<synchronous>, transform_indices = @transform_1, window_bounds = array<i64: 256, 256>}, {transform_indices = @transform_2, window_bounds = array<i64: 2000, 128>}, {transform_indices = @transform_3, window_bounds = array<i64: 2000, 128>}]} {
    %get3A = arith.constant 0 : index
    %get3A_0 = arith.constant 0 : index
    %get3A_1 = vector.load %arg1[%get3A, %get3A_0] : memref<2000x256xf32, #tpu.memory_space<vmem>>, vector<2000x256xf32>
    %get3A_2 = arith.constant 0 : index
    %get3A_3 = arith.constant 0 : index
    %get3A_4 = vector.load %arg2[%get3A_2, %get3A_3] : memref<256x256xf32, #tpu.memory_space<vmem>>, vector<256x256xf32>
    %dot_general3A = arith.constant dense<0.000000e+00> : vector<2000x256xf32>
    %dot_general3A_5 = tpu.matmul %get3A_1, %get3A_4, %dot_general3A {dimension_numbers = #tpu.dot_dimension_numbers<[1], [0], [0], [1], [0, 0, 1, 1], [], []>, transpose_lhs_hint = false} : vector<2000x256xf32>, vector<256x256xf32>, vector<2000x256xf32> -> vector<2000x256xf32>
    %slice3A = vector.extract_strided_slice %dot_general3A_5 {offsets = [0, 0], sizes = [2000, 128], strides = [1, 1]} : vector<2000x256xf32> to vector<2000x128xf32>
    %swap3A = arith.constant 0 : index
    %swap3A_6 = arith.constant 0 : index
    %swap3A_7 = vector.load %arg3[%swap3A, %swap3A_6] : memref<2000x128xf32, #tpu.memory_space<vmem>>, vector<2000x128xf32>
    tpu.vector_store %arg3[%swap3A, %swap3A_6], %slice3A {strides = array<i32>} : memref<2000x128xf32, #tpu.memory_space<vmem>>, vector<2000x128xf32>,
    %slice3A_8 = vector.extract_strided_slice %dot_general3A_5 {offsets = [0, 128], sizes = [2000, 128], strides = [1, 1]} : vector<2000x256xf32> to vector<2000x128xf32>
    %swap3A_9 = arith.constant 0 : index
    %swap3A_10 = arith.constant 0 : index
    %swap3A_11 = vector.load %arg4[%swap3A_9, %swap3A_10] : memref<2000x128xf32, #tpu.memory_space<vmem>>, vector<2000x128xf32>
    tpu.vector_store %arg4[%swap3A_9, %swap3A_10], %slice3A_8 {strides = array<i32>} : memref<2000x128xf32, #tpu.memory_space<vmem>>, vector<2000x128xf32>,
    return
  }
  func.func @transform_0(%arg0: i32) -> (i32, i32) {
    %c0_i32 = arith.constant 0 : i32
    %c0_i32_0 = arith.constant 0 : i32
    return %arg0, %c0_i32 : i32, i32
  }
  func.func @transform_1(%arg0: i32) -> (i32, i32) {
    %c0_i32 = arith.constant 0 : i32
    %c0_i32_0 = arith.constant 0 : i32
    %c0_i32_1 = arith.constant 0 : i32
    return %c0_i32, %c0_i32_0 : i32, i32
  }
  func.func @transform_2(%arg0: i32) -> (i32, i32) {
    %c0_i32 = arith.constant 0 : i32
    %c0_i32_0 = arith.constant 0 : i32
    return %arg0, %c0_i32 : i32, i32
  }
  func.func @transform_3(%arg0: i32) -> (i32, i32) {
    %c0_i32 = arith.constant 0 : i32
    %c0_i32_0 = arith.constant 0 : i32
    return %arg0, %c0_i32 : i32, i32
  }
}

module attributes {stable_mosaic.version = 14 : i64} {
  func.func @_proj_body(%arg0: i32, %arg1: memref<2000x256xf32, #tpu.memory_space<vmem>>, %arg2: memref<256x1024xf32, #tpu.memory_space<vmem>>, %arg3: memref<1x1024xf32, #tpu.memory_space<vmem>>, %arg4: memref<2000x128xf32, #tpu.memory_space<vmem>>, %arg5: memref<2000x128xf32, #tpu.memory_space<vmem>>, %arg6: memref<2000x128xf32, #tpu.memory_space<vmem>>, %arg7: memref<2000x128xf32, #tpu.memory_space<vmem>>, %arg8: memref<2000x128xf32, #tpu.memory_space<vmem>>, %arg9: memref<2000x128xf32, #tpu.memory_space<vmem>>, %arg10: memref<2000x256xf32, #tpu.memory_space<vmem>>) attributes {dimension_semantics = [#tpu.dimension_semantics<arbitrary>], iteration_bounds = array<i64: 5>, scalar_prefetch = 0 : i64, scratch_operands = 0 : i64, tpu.core_type = #tpu.core_type<tc>, window_params = [{transform_indices = @transform_0, window_bounds = array<i64: 2000, 256>}, {pipeline_mode = #tpu.pipeline_mode<synchronous>, transform_indices = @transform_1, window_bounds = array<i64: 256, 1024>}, {pipeline_mode = #tpu.pipeline_mode<synchronous>, transform_indices = @transform_2, window_bounds = array<i64: 1, 1024>}, {transform_indices = @transform_3, window_bounds = array<i64: 2000, 128>}, {transform_indices = @transform_4, window_bounds = array<i64: 2000, 128>}, {transform_indices = @transform_5, window_bounds = array<i64: 2000, 128>}, {transform_indices = @transform_6, window_bounds = array<i64: 2000, 128>}, {transform_indices = @transform_7, window_bounds = array<i64: 2000, 128>}, {transform_indices = @transform_8, window_bounds = array<i64: 2000, 128>}, {transform_indices = @transform_9, window_bounds = array<i64: 2000, 256>}]} {
    %get3A = arith.constant 0 : index
    %get3A_0 = arith.constant 0 : index
    %get3A_1 = vector.load %arg1[%get3A, %get3A_0] : memref<2000x256xf32, #tpu.memory_space<vmem>>, vector<2000x256xf32>
    %get3A_2 = arith.constant 0 : index
    %get3A_3 = arith.constant 0 : index
    %get3A_4 = vector.load %arg2[%get3A_2, %get3A_3] : memref<256x1024xf32, #tpu.memory_space<vmem>>, vector<256x1024xf32>
    %dot_general3A = arith.constant dense<0.000000e+00> : vector<2000x1024xf32>
    %dot_general3A_5 = tpu.matmul %get3A_1, %get3A_4, %dot_general3A {dimension_numbers = #tpu.dot_dimension_numbers<[1], [0], [0], [1], [0, 0, 1, 1], [], []>, transpose_lhs_hint = false} : vector<2000x256xf32>, vector<256x1024xf32>, vector<2000x1024xf32> -> vector<2000x1024xf32>
    %get3A_6 = arith.constant 0 : index
    %get3A_7 = arith.constant 0 : index
    %get3A_8 = vector.load %arg3[%get3A_6, %get3A_7] : memref<1x1024xf32, #tpu.memory_space<vmem>>, vector<1x1024xf32>
    %add3A = vector.broadcast %get3A_8 : vector<1x1024xf32> to vector<2000x1024xf32>
    %add3A_9 = arith.addf %dot_general3A_5, %add3A : vector<2000x1024xf32>
    %slice3A = vector.extract_strided_slice %add3A_9 {offsets = [0, 0], sizes = [2000, 128], strides = [1, 1]} : vector<2000x1024xf32> to vector<2000x128xf32>
    %swap3A = arith.constant 0 : index
    %swap3A_10 = arith.constant 0 : index
    %swap3A_11 = vector.load %arg4[%swap3A, %swap3A_10] : memref<2000x128xf32, #tpu.memory_space<vmem>>, vector<2000x128xf32>
    tpu.vector_store %arg4[%swap3A, %swap3A_10], %slice3A {strides = array<i32>} : memref<2000x128xf32, #tpu.memory_space<vmem>>, vector<2000x128xf32>,
    %slice3A_12 = vector.extract_strided_slice %add3A_9 {offsets = [0, 128], sizes = [2000, 128], strides = [1, 1]} : vector<2000x1024xf32> to vector<2000x128xf32>
    %swap3A_13 = arith.constant 0 : index
    %swap3A_14 = arith.constant 0 : index
    %swap3A_15 = vector.load %arg5[%swap3A_13, %swap3A_14] : memref<2000x128xf32, #tpu.memory_space<vmem>>, vector<2000x128xf32>
    tpu.vector_store %arg5[%swap3A_13, %swap3A_14], %slice3A_12 {strides = array<i32>} : memref<2000x128xf32, #tpu.memory_space<vmem>>, vector<2000x128xf32>,
    %slice3A_16 = vector.extract_strided_slice %add3A_9 {offsets = [0, 256], sizes = [2000, 128], strides = [1, 1]} : vector<2000x1024xf32> to vector<2000x128xf32>
    %swap3A_17 = arith.constant 0 : index
    %swap3A_18 = arith.constant 0 : index
    %swap3A_19 = vector.load %arg6[%swap3A_17, %swap3A_18] : memref<2000x128xf32, #tpu.memory_space<vmem>>, vector<2000x128xf32>
    tpu.vector_store %arg6[%swap3A_17, %swap3A_18], %slice3A_16 {strides = array<i32>} : memref<2000x128xf32, #tpu.memory_space<vmem>>, vector<2000x128xf32>,
    %slice3A_20 = vector.extract_strided_slice %add3A_9 {offsets = [0, 384], sizes = [2000, 128], strides = [1, 1]} : vector<2000x1024xf32> to vector<2000x128xf32>
    %swap3A_21 = arith.constant 0 : index
    %swap3A_22 = arith.constant 0 : index
    %swap3A_23 = vector.load %arg7[%swap3A_21, %swap3A_22] : memref<2000x128xf32, #tpu.memory_space<vmem>>, vector<2000x128xf32>
    tpu.vector_store %arg7[%swap3A_21, %swap3A_22], %slice3A_20 {strides = array<i32>} : memref<2000x128xf32, #tpu.memory_space<vmem>>, vector<2000x128xf32>,
    %slice3A_24 = vector.extract_strided_slice %add3A_9 {offsets = [0, 512], sizes = [2000, 128], strides = [1, 1]} : vector<2000x1024xf32> to vector<2000x128xf32>
    %swap3A_25 = arith.constant 0 : index
    %swap3A_26 = arith.constant 0 : index
    %swap3A_27 = vector.load %arg8[%swap3A_25, %swap3A_26] : memref<2000x128xf32, #tpu.memory_space<vmem>>, vector<2000x128xf32>
    tpu.vector_store %arg8[%swap3A_25, %swap3A_26], %slice3A_24 {strides = array<i32>} : memref<2000x128xf32, #tpu.memory_space<vmem>>, vector<2000x128xf32>,
    %slice3A_28 = vector.extract_strided_slice %add3A_9 {offsets = [0, 640], sizes = [2000, 128], strides = [1, 1]} : vector<2000x1024xf32> to vector<2000x128xf32>
    %swap3A_29 = arith.constant 0 : index
    %swap3A_30 = arith.constant 0 : index
    %swap3A_31 = vector.load %arg9[%swap3A_29, %swap3A_30] : memref<2000x128xf32, #tpu.memory_space<vmem>>, vector<2000x128xf32>
    tpu.vector_store %arg9[%swap3A_29, %swap3A_30], %slice3A_28 {strides = array<i32>} : memref<2000x128xf32, #tpu.memory_space<vmem>>, vector<2000x128xf32>,
    %slice3A_32 = vector.extract_strided_slice %add3A_9 {offsets = [0, 768], sizes = [2000, 256], strides = [1, 1]} : vector<2000x1024xf32> to vector<2000x256xf32>
    %swap3A_33 = arith.constant 0 : index
    %swap3A_34 = arith.constant 0 : index
    %swap3A_35 = vector.load %arg10[%swap3A_33, %swap3A_34] : memref<2000x256xf32, #tpu.memory_space<vmem>>, vector<2000x256xf32>
    tpu.vector_store %arg10[%swap3A_33, %swap3A_34], %slice3A_32 {strides = array<i32>} : memref<2000x256xf32, #tpu.memory_space<vmem>>, vector<2000x256xf32>,
    return
  }
  func.func @transform_0(%arg0: i32) -> (i32, i32) {
    %c0_i32 = arith.constant 0 : i32
    %c0_i32_0 = arith.constant 0 : i32
    return %arg0, %c0_i32 : i32, i32
  }
  func.func @transform_1(%arg0: i32) -> (i32, i32) {
    %c0_i32 = arith.constant 0 : i32
    %c0_i32_0 = arith.constant 0 : i32
    %c0_i32_1 = arith.constant 0 : i32
    return %c0_i32, %c0_i32_0 : i32, i32
  }
  func.func @transform_2(%arg0: i32) -> (i32, i32) {
    %c0_i32 = arith.constant 0 : i32
    %c0_i32_0 = arith.constant 0 : i32
    %c0_i32_1 = arith.constant 0 : i32
    return %c0_i32, %c0_i32_0 : i32, i32
  }
  func.func @transform_3(%arg0: i32) -> (i32, i32) {
    %c0_i32 = arith.constant 0 : i32
    %c0_i32_0 = arith.constant 0 : i32
    return %arg0, %c0_i32 : i32, i32
  }
  func.func @transform_4(%arg0: i32) -> (i32, i32) {
    %c0_i32 = arith.constant 0 : i32
    %c0_i32_0 = arith.constant 0 : i32
    return %arg0, %c0_i32 : i32, i32
  }
  func.func @transform_5(%arg0: i32) -> (i32, i32) {
    %c0_i32 = arith.constant 0 : i32
    %c0_i32_0 = arith.constant 0 : i32
    return %arg0, %c0_i32 : i32, i32
  }
  func.func @transform_6(%arg0: i32) -> (i32, i32) {
    %c0_i32 = arith.constant 0 : i32
    %c0_i32_0 = arith.constant 0 : i32
    return %arg0, %c0_i32 : i32, i32
  }
  func.func @transform_7(%arg0: i32) -> (i32, i32) {
    %c0_i32 = arith.constant 0 : i32
    %c0_i32_0 = arith.constant 0 : i32
    return %arg0, %c0_i32 : i32, i32
  }
  func.func @transform_8(%arg0: i32) -> (i32, i32) {
    %c0_i32 = arith.constant 0 : i32
    %c0_i32_0 = arith.constant 0 : i32
    return %arg0, %c0_i32 : i32, i32
  }
  func.func @transform_9(%arg0: i32) -> (i32, i32) {
    %c0_i32 = arith.constant 0 : i32
    %c0_i32_0 = arith.constant 0 : i32
    return %arg0, %c0_i32 : i32, i32
  }
}

module attributes {stable_mosaic.version = 14 : i64} {
  func.func @_final_body(%arg0: i32, %arg1: memref<2000x256xf32, #tpu.memory_space<vmem>>, %arg2: memref<2000x128xf32, #tpu.memory_space<vmem>>, %arg3: memref<2000x128xf32, #tpu.memory_space<vmem>>, %arg4: memref<2000x16xf32, #tpu.memory_space<vmem>>, %arg5: memref<2000x16xf32, #tpu.memory_space<vmem>>, %arg6: memref<2000x256xf32, #tpu.memory_space<vmem>>, %arg7: memref<1x256xf32, #tpu.memory_space<vmem>>, %arg8: memref<1x256xf32, #tpu.memory_space<vmem>>, %arg9: memref<256x512xf32, #tpu.memory_space<vmem>>, %arg10: memref<1x512xf32, #tpu.memory_space<vmem>>, %arg11: memref<512x256xf32, #tpu.memory_space<vmem>>, %arg12: memref<1x256xf32, #tpu.memory_space<vmem>>, %arg13: memref<1x256xf32, #tpu.memory_space<vmem>>, %arg14: memref<1x256xf32, #tpu.memory_space<vmem>>, %arg15: memref<2000x256xf32, #tpu.memory_space<vmem>>) attributes {dimension_semantics = [#tpu.dimension_semantics<arbitrary>], iteration_bounds = array<i64: 5>, scalar_prefetch = 0 : i64, scratch_operands = 0 : i64, tpu.core_type = #tpu.core_type<tc>, window_params = [{transform_indices = @transform_0, window_bounds = array<i64: 2000, 256>}, {transform_indices = @transform_1, window_bounds = array<i64: 2000, 128>}, {transform_indices = @transform_2, window_bounds = array<i64: 2000, 128>}, {transform_indices = @transform_3, window_bounds = array<i64: 2000, 16>}, {transform_indices = @transform_4, window_bounds = array<i64: 2000, 16>}, {transform_indices = @transform_5, window_bounds = array<i64: 2000, 256>}, {pipeline_mode = #tpu.pipeline_mode<synchronous>, transform_indices = @transform_6, window_bounds = array<i64: 1, 256>}, {pipeline_mode = #tpu.pipeline_mode<synchronous>, transform_indices = @transform_7, window_bounds = array<i64: 1, 256>}, {pipeline_mode = #tpu.pipeline_mode<synchronous>, transform_indices = @transform_8, window_bounds = array<i64: 256, 512>}, {pipeline_mode = #tpu.pipeline_mode<synchronous>, transform_indices = @transform_9, window_bounds = array<i64: 1, 512>}, {pipeline_mode = #tpu.pipeline_mode<synchronous>, transform_indices = @transform_10, window_bounds = array<i64: 512, 256>}, {pipeline_mode = #tpu.pipeline_mode<synchronous>, transform_indices = @transform_11, window_bounds = array<i64: 1, 256>}, {pipeline_mode = #tpu.pipeline_mode<synchronous>, transform_indices = @transform_12, window_bounds = array<i64: 1, 256>}, {pipeline_mode = #tpu.pipeline_mode<synchronous>, transform_indices = @transform_13, window_bounds = array<i64: 1, 256>}, {transform_indices = @transform_14, window_bounds = array<i64: 2000, 256>}]} {
    %get3A = arith.constant 0 : index
    %get3A_0 = arith.constant 0 : index
    %get3A_1 = vector.load %arg4[%get3A, %get3A_0] : memref<2000x16xf32, #tpu.memory_space<vmem>>, vector<2000x16xf32>
    %get3A_2 = arith.constant 0 : index
    %get3A_3 = arith.constant 0 : index
    %get3A_4 = vector.load %arg5[%get3A_2, %get3A_3] : memref<2000x16xf32, #tpu.memory_space<vmem>>, vector<2000x16xf32>
    %slice3A = vector.extract_strided_slice %get3A_1 {offsets = [0, 0], sizes = [2000, 1], strides = [1, 1]} : vector<2000x16xf32> to vector<2000x1xf32>
    %broadcast_in_dim3A = vector.shape_cast %slice3A : vector<2000x1xf32> to vector<2000x1xf32>
    %broadcast_in_dim3A_5 = vector.broadcast %broadcast_in_dim3A : vector<2000x1xf32> to vector<2000x64xf32>
    %slice3A_6 = vector.extract_strided_slice %get3A_1 {offsets = [0, 1], sizes = [2000, 1], strides = [1, 1]} : vector<2000x16xf32> to vector<2000x1xf32>
    %broadcast_in_dim3A_7 = vector.shape_cast %slice3A_6 : vector<2000x1xf32> to vector<2000x1xf32>
    %broadcast_in_dim3A_8 = vector.broadcast %broadcast_in_dim3A_7 : vector<2000x1xf32> to vector<2000x64xf32>
    %concatenate3A = tpu.concatenate %broadcast_in_dim3A_5, %broadcast_in_dim3A_8 in 1 : vector<2000x64xf32>, vector<2000x64xf32> -> vector<2000x128xf32>
    %slice3A_9 = vector.extract_strided_slice %get3A_4 {offsets = [0, 0], sizes = [2000, 1], strides = [1, 1]} : vector<2000x16xf32> to vector<2000x1xf32>
    %broadcast_in_dim3A_10 = vector.shape_cast %slice3A_9 : vector<2000x1xf32> to vector<2000x1xf32>
    %broadcast_in_dim3A_11 = vector.broadcast %broadcast_in_dim3A_10 : vector<2000x1xf32> to vector<2000x64xf32>
    %slice3A_12 = vector.extract_strided_slice %get3A_4 {offsets = [0, 1], sizes = [2000, 1], strides = [1, 1]} : vector<2000x16xf32> to vector<2000x1xf32>
    %broadcast_in_dim3A_13 = vector.shape_cast %slice3A_12 : vector<2000x1xf32> to vector<2000x1xf32>
    %broadcast_in_dim3A_14 = vector.broadcast %broadcast_in_dim3A_13 : vector<2000x1xf32> to vector<2000x64xf32>
    %concatenate3A_15 = tpu.concatenate %broadcast_in_dim3A_11, %broadcast_in_dim3A_14 in 1 : vector<2000x64xf32>, vector<2000x64xf32> -> vector<2000x128xf32>
    %get3A_16 = arith.constant 0 : index
    %get3A_17 = arith.constant 0 : index
    %get3A_18 = vector.load %arg2[%get3A_16, %get3A_17] : memref<2000x128xf32, #tpu.memory_space<vmem>>, vector<2000x128xf32>
    %add3A = arith.constant 1.000000e-16 : f32
    %add3A_19 = vector.broadcast %add3A : f32 to vector<2000x128xf32>
    %add3A_20 = arith.addf %concatenate3A, %add3A_19 : vector<2000x128xf32>
    %div3A = arith.divf %get3A_18, %add3A_20 : vector<2000x128xf32>
    %get3A_21 = arith.constant 0 : index
    %get3A_22 = arith.constant 0 : index
    %get3A_23 = vector.load %arg3[%get3A_21, %get3A_22] : memref<2000x128xf32, #tpu.memory_space<vmem>>, vector<2000x128xf32>
    %add3A_24 = arith.constant 1.000000e-16 : f32
    %add3A_25 = vector.broadcast %add3A_24 : f32 to vector<2000x128xf32>
    %add3A_26 = arith.addf %concatenate3A_15, %add3A_25 : vector<2000x128xf32>
    %div3A_27 = arith.divf %get3A_23, %add3A_26 : vector<2000x128xf32>
    %concatenate3A_28 = tpu.concatenate %div3A, %div3A_27 in 1 : vector<2000x128xf32>, vector<2000x128xf32> -> vector<2000x256xf32>
    %get3A_29 = arith.constant 0 : index
    %get3A_30 = arith.constant 0 : index
    %get3A_31 = vector.load %arg1[%get3A_29, %get3A_30] : memref<2000x256xf32, #tpu.memory_space<vmem>>, vector<2000x256xf32>
    %get3A_32 = arith.constant 0 : index
    %get3A_33 = arith.constant 0 : index
    %get3A_34 = vector.load %arg6[%get3A_32, %get3A_33] : memref<2000x256xf32, #tpu.memory_space<vmem>>, vector<2000x256xf32>
    %add3A_35 = arith.addf %concatenate3A_28, %get3A_34 : vector<2000x256xf32>
    %add3A_36 = arith.addf %get3A_31, %add3A_35 : vector<2000x256xf32>
    %reduce_sum3A = arith.constant dense<0.000000e+00> : vector<2000xf32>
    %reduce_sum3A_37 = vector.multi_reduction <add>, %add3A_36, %reduce_sum3A [1] : vector<2000x256xf32> to vector<2000xf32>
    %broadcast_in_dim3A_38 = vector.shape_cast %reduce_sum3A_37 : vector<2000xf32> to vector<2000x1xf32>
    %div3A_39 = arith.constant 2.560000e+02 : f32
    %div3A_40 = vector.broadcast %div3A_39 : f32 to vector<2000x1xf32>
    %div3A_41 = arith.divf %broadcast_in_dim3A_38, %div3A_40 : vector<2000x1xf32>
    %sub3A = vector.broadcast %div3A_41 : vector<2000x1xf32> to vector<2000x256xf32>
    %sub3A_42 = arith.subf %add3A_36, %sub3A : vector<2000x256xf32>
    %integer_pow3A = arith.mulf %sub3A_42, %sub3A_42 : vector<2000x256xf32>
    %reduce_sum3A_43 = arith.constant dense<0.000000e+00> : vector<2000xf32>
    %reduce_sum3A_44 = vector.multi_reduction <add>, %integer_pow3A, %reduce_sum3A_43 [1] : vector<2000x256xf32> to vector<2000xf32>
    %broadcast_in_dim3A_45 = vector.shape_cast %reduce_sum3A_44 : vector<2000xf32> to vector<2000x1xf32>
    %div3A_46 = arith.constant 2.560000e+02 : f32
    %div3A_47 = vector.broadcast %div3A_46 : f32 to vector<2000x1xf32>
    %div3A_48 = arith.divf %broadcast_in_dim3A_45, %div3A_47 : vector<2000x1xf32>
    %sub3A_49 = vector.broadcast %div3A_41 : vector<2000x1xf32> to vector<2000x256xf32>
    %sub3A_50 = arith.subf %add3A_36, %sub3A_49 : vector<2000x256xf32>
    %add3A_51 = arith.constant 9.99999974E-6 : f32
    %add3A_52 = vector.broadcast %add3A_51 : f32 to vector<2000x1xf32>
    %add3A_53 = arith.addf %div3A_48, %add3A_52 : vector<2000x1xf32>
    %rsqrt3A = math.rsqrt %add3A_53 : vector<2000x1xf32>
    %mul3A = vector.broadcast %rsqrt3A : vector<2000x1xf32> to vector<2000x256xf32>
    %mul3A_54 = arith.mulf %sub3A_50, %mul3A : vector<2000x256xf32>
    %get3A_55 = arith.constant 0 : index
    %get3A_56 = arith.constant 0 : index
    %get3A_57 = vector.load %arg7[%get3A_55, %get3A_56] : memref<1x256xf32, #tpu.memory_space<vmem>>, vector<1x256xf32>
    %mul3A_58 = vector.broadcast %get3A_57 : vector<1x256xf32> to vector<2000x256xf32>
    %mul3A_59 = arith.mulf %mul3A_54, %mul3A_58 : vector<2000x256xf32>
    %get3A_60 = arith.constant 0 : index
    %get3A_61 = arith.constant 0 : index
    %get3A_62 = vector.load %arg8[%get3A_60, %get3A_61] : memref<1x256xf32, #tpu.memory_space<vmem>>, vector<1x256xf32>
    %add3A_63 = vector.broadcast %get3A_62 : vector<1x256xf32> to vector<2000x256xf32>
    %add3A_64 = arith.addf %mul3A_59, %add3A_63 : vector<2000x256xf32>
    %get3A_65 = arith.constant 0 : index
    %get3A_66 = arith.constant 0 : index
    %get3A_67 = vector.load %arg9[%get3A_65, %get3A_66] : memref<256x512xf32, #tpu.memory_space<vmem>>, vector<256x512xf32>
    %dot_general3A = arith.constant dense<0.000000e+00> : vector<2000x512xf32>
    %dot_general3A_68 = tpu.matmul %add3A_64, %get3A_67, %dot_general3A {dimension_numbers = #tpu.dot_dimension_numbers<[1], [0], [0], [1], [0, 0, 1, 1], [], []>, transpose_lhs_hint = false} : vector<2000x256xf32>, vector<256x512xf32>, vector<2000x512xf32> -> vector<2000x512xf32>
    %get3A_69 = arith.constant 0 : index
    %get3A_70 = arith.constant 0 : index
    %get3A_71 = vector.load %arg10[%get3A_69, %get3A_70] : memref<1x512xf32, #tpu.memory_space<vmem>>, vector<1x512xf32>
    %add3A_72 = vector.broadcast %get3A_71 : vector<1x512xf32> to vector<2000x512xf32>
    %add3A_73 = arith.addf %dot_general3A_68, %add3A_72 : vector<2000x512xf32>
    %ge3A = arith.constant 0.000000e+00 : f32
    %ge3A_74 = vector.broadcast %ge3A : f32 to vector<2000x512xf32>
    %ge3A_75 = arith.cmpf oge, %add3A_73, %ge3A_74 : vector<2000x512xf32>
    %mul3A_76 = arith.constant 0.00999999977 : f32
    %mul3A_77 = vector.broadcast %mul3A_76 : f32 to vector<2000x512xf32>
    %mul3A_78 = arith.mulf %mul3A_77, %add3A_73 : vector<2000x512xf32>
    %select_n3A = arith.select %ge3A_75, %add3A_73, %mul3A_78 : vector<2000x512xi1>, vector<2000x512xf32>
    %get3A_79 = arith.constant 0 : index
    %get3A_80 = arith.constant 0 : index
    %get3A_81 = vector.load %arg11[%get3A_79, %get3A_80] : memref<512x256xf32, #tpu.memory_space<vmem>>, vector<512x256xf32>
    %dot_general3A_82 = arith.constant dense<0.000000e+00> : vector<2000x256xf32>
    %dot_general3A_83 = tpu.matmul %select_n3A, %get3A_81, %dot_general3A_82 {dimension_numbers = #tpu.dot_dimension_numbers<[1], [0], [0], [1], [0, 0, 1, 1], [], []>, transpose_lhs_hint = false} : vector<2000x512xf32>, vector<512x256xf32>, vector<2000x256xf32> -> vector<2000x256xf32>
    %get3A_84 = arith.constant 0 : index
    %get3A_85 = arith.constant 0 : index
    %get3A_86 = vector.load %arg12[%get3A_84, %get3A_85] : memref<1x256xf32, #tpu.memory_space<vmem>>, vector<1x256xf32>
    %add3A_87 = vector.broadcast %get3A_86 : vector<1x256xf32> to vector<2000x256xf32>
    %add3A_88 = arith.addf %dot_general3A_83, %add3A_87 : vector<2000x256xf32>
    %add3A_89 = arith.addf %add3A_64, %add3A_88 : vector<2000x256xf32>
    %reduce_sum3A_90 = arith.constant dense<0.000000e+00> : vector<2000xf32>
    %reduce_sum3A_91 = vector.multi_reduction <add>, %add3A_89, %reduce_sum3A_90 [1] : vector<2000x256xf32> to vector<2000xf32>
    %broadcast_in_dim3A_92 = vector.shape_cast %reduce_sum3A_91 : vector<2000xf32> to vector<2000x1xf32>
    %div3A_93 = arith.constant 2.560000e+02 : f32
    %div3A_94 = vector.broadcast %div3A_93 : f32 to vector<2000x1xf32>
    %div3A_95 = arith.divf %broadcast_in_dim3A_92, %div3A_94 : vector<2000x1xf32>
    %sub3A_96 = vector.broadcast %div3A_95 : vector<2000x1xf32> to vector<2000x256xf32>
    %sub3A_97 = arith.subf %add3A_89, %sub3A_96 : vector<2000x256xf32>
    %integer_pow3A_98 = arith.mulf %sub3A_97, %sub3A_97 : vector<2000x256xf32>
    %reduce_sum3A_99 = arith.constant dense<0.000000e+00> : vector<2000xf32>
    %reduce_sum3A_100 = vector.multi_reduction <add>, %integer_pow3A_98, %reduce_sum3A_99 [1] : vector<2000x256xf32> to vector<2000xf32>
    %broadcast_in_dim3A_101 = vector.shape_cast %reduce_sum3A_100 : vector<2000xf32> to vector<2000x1xf32>
    %div3A_102 = arith.constant 2.560000e+02 : f32
    %div3A_103 = vector.broadcast %div3A_102 : f32 to vector<2000x1xf32>
    %div3A_104 = arith.divf %broadcast_in_dim3A_101, %div3A_103 : vector<2000x1xf32>
    %sub3A_105 = vector.broadcast %div3A_95 : vector<2000x1xf32> to vector<2000x256xf32>
    %sub3A_106 = arith.subf %add3A_89, %sub3A_105 : vector<2000x256xf32>
    %add3A_107 = arith.constant 9.99999974E-6 : f32
    %add3A_108 = vector.broadcast %add3A_107 : f32 to vector<2000x1xf32>
    %add3A_109 = arith.addf %div3A_104, %add3A_108 : vector<2000x1xf32>
    %rsqrt3A_110 = math.rsqrt %add3A_109 : vector<2000x1xf32>
    %mul3A_111 = vector.broadcast %rsqrt3A_110 : vector<2000x1xf32> to vector<2000x256xf32>
    %mul3A_112 = arith.mulf %sub3A_106, %mul3A_111 : vector<2000x256xf32>
    %get3A_113 = arith.constant 0 : index
    %get3A_114 = arith.constant 0 : index
    %get3A_115 = vector.load %arg13[%get3A_113, %get3A_114] : memref<1x256xf32, #tpu.memory_space<vmem>>, vector<1x256xf32>
    %mul3A_116 = vector.broadcast %get3A_115 : vector<1x256xf32> to vector<2000x256xf32>
    %mul3A_117 = arith.mulf %mul3A_112, %mul3A_116 : vector<2000x256xf32>
    %get3A_118 = arith.constant 0 : index
    %get3A_119 = arith.constant 0 : index
    %get3A_120 = vector.load %arg14[%get3A_118, %get3A_119] : memref<1x256xf32, #tpu.memory_space<vmem>>, vector<1x256xf32>
    %add3A_121 = vector.broadcast %get3A_120 : vector<1x256xf32> to vector<2000x256xf32>
    %add3A_122 = arith.addf %mul3A_117, %add3A_121 : vector<2000x256xf32>
    %swap3A = arith.constant 0 : index
    %swap3A_123 = arith.constant 0 : index
    %swap3A_124 = vector.load %arg15[%swap3A, %swap3A_123] : memref<2000x256xf32, #tpu.memory_space<vmem>>, vector<2000x256xf32>
    tpu.vector_store %arg15[%swap3A, %swap3A_123], %add3A_122 {strides = array<i32>} : memref<2000x256xf32, #tpu.memory_space<vmem>>, vector<2000x256xf32>,
    return
  }
  func.func @transform_0(%arg0: i32) -> (i32, i32) {
    %c0_i32 = arith.constant 0 : i32
    %c0_i32_0 = arith.constant 0 : i32
    return %arg0, %c0_i32 : i32, i32
  }
  func.func @transform_1(%arg0: i32) -> (i32, i32) {
    %c0_i32 = arith.constant 0 : i32
    %c0_i32_0 = arith.constant 0 : i32
    return %arg0, %c0_i32 : i32, i32
  }
  func.func @transform_2(%arg0: i32) -> (i32, i32) {
    %c0_i32 = arith.constant 0 : i32
    %c0_i32_0 = arith.constant 0 : i32
    return %arg0, %c0_i32 : i32, i32
  }
  func.func @transform_3(%arg0: i32) -> (i32, i32) {
    %c0_i32 = arith.constant 0 : i32
    %c0_i32_0 = arith.constant 0 : i32
    return %arg0, %c0_i32 : i32, i32
  }
  func.func @transform_4(%arg0: i32) -> (i32, i32) {
    %c0_i32 = arith.constant 0 : i32
    %c0_i32_0 = arith.constant 0 : i32
    return %arg0, %c0_i32 : i32, i32
  }
  func.func @transform_5(%arg0: i32) -> (i32, i32) {
    %c0_i32 = arith.constant 0 : i32
    %c0_i32_0 = arith.constant 0 : i32
    return %arg0, %c0_i32 : i32, i32
  }
  func.func @transform_6(%arg0: i32) -> (i32, i32) {
    %c0_i32 = arith.constant 0 : i32
    %c0_i32_0 = arith.constant 0 : i32
    %c0_i32_1 = arith.constant 0 : i32
    return %c0_i32, %c0_i32_0 : i32, i32
  }
  func.func @transform_7(%arg0: i32) -> (i32, i32) {
    %c0_i32 = arith.constant 0 : i32
    %c0_i32_0 = arith.constant 0 : i32
    %c0_i32_1 = arith.constant 0 : i32
    return %c0_i32, %c0_i32_0 : i32, i32
  }
  func.func @transform_8(%arg0: i32) -> (i32, i32) {
    %c0_i32 = arith.constant 0 : i32
    %c0_i32_0 = arith.constant 0 : i32
    %c0_i32_1 = arith.constant 0 : i32
    return %c0_i32, %c0_i32_0 : i32, i32
  }
  func.func @transform_9(%arg0: i32) -> (i32, i32) {
    %c0_i32 = arith.constant 0 : i32
    %c0_i32_0 = arith.constant 0 : i32
    %c0_i32_1 = arith.constant 0 : i32
    return %c0_i32, %c0_i32_0 : i32, i32
  }
  func.func @transform_10(%arg0: i32) -> (i32, i32) {
    %c0_i32 = arith.constant 0 : i32
    %c0_i32_0 = arith.constant 0 : i32
    %c0_i32_1 = arith.constant 0 : i32
    return %c0_i32, %c0_i32_0 : i32, i32
  }
  func.func @transform_11(%arg0: i32) -> (i32, i32) {
    %c0_i32 = arith.constant 0 : i32
    %c0_i32_0 = arith.constant 0 : i32
    %c0_i32_1 = arith.constant 0 : i32
    return %c0_i32, %c0_i32_0 : i32, i32
  }
  func.func @transform_12(%arg0: i32) -> (i32, i32) {
    %c0_i32 = arith.constant 0 : i32
    %c0_i32_0 = arith.constant 0 : i32
    %c0_i32_1 = arith.constant 0 : i32
    return %c0_i32, %c0_i32_0 : i32, i32
  }
  func.func @transform_13(%arg0: i32) -> (i32, i32) {
    %c0_i32 = arith.constant 0 : i32
    %c0_i32_0 = arith.constant 0 : i32
    %c0_i32_1 = arith.constant 0 : i32
    return %c0_i32, %c0_i32_0 : i32, i32
  }
  func.func @transform_14(%arg0: i32) -> (i32, i32) {
    %c0_i32 = arith.constant 0 : i32
    %c0_i32_0 = arith.constant 0 : i32
    return %arg0, %c0_i32 : i32, i32
  }
}

</mosaic_0001>

<sc_bundles>
// kernel: kernel.6.cloned.1.call-start
scs
__scs_entry_jumppad:
0x0: {  	(pc) =	sbr.rel $0x88, $3  }
0x1: {  	(tag) =	ssettag $0x0;
	lr =	simm.s32 $0x1  }
0x2: {  	[smem:$0x3F8D] =	sst lr;
	_ =	strace $0xD0000000  }
0x3: {  	_ = 	snop  }
0x4: {  	_ = 	snop  }
0x5: {  	_ = 	snop  }
0x6: {  	_ = 	snop  }
0x7: {  	_ = 	snop  }
__scs_overlays_trampoline_lowered:
0x8: {  	[smem:$0x3F9C] =	sst s0  }
0x9: {  	[smem:$0x3F9D] =	sst s1  }
0xa: {  	[smem:$0x3F9E] =	sst s2  }
0xb: {  	[smem:$0x3F9F] =	sst s3  }
0xc: {  	[smem:$0x3FA0] =	sst s4  }
0xd: {  	[smem:$0x3FA1] =	sst s5  }
0xe: {  	[smem:$0x3FA2] =	sst s6  }
0xf: {  	[smem:$0x3FA3] =	sst s7  }
0x10: {  	[smem:$0x3FA4] =	sst s8  }
0x11: {  	[smem:$0x3FA5] =	sst s9;
	s0 =	simm.s32 @!p0 $0x0  }
0x12: {  	s1 =	sld [smem:$0x3F8B];
	s0 =	simm.s32 @p0 $0x1  }
0x13: {  	[smem:$0x3FA6] =	sst s0;
	s0 =	simm.s32 @!p1 $0x0  }
0x14: {  	s2 =	sld [smem:$0x3F8A];
	s0 =	simm.s32 @p1 $0x1  }
0x15: {  	[smem:$0x3FA7] =	sst s0;
	s0 =	simm.s32 @!p2 $0x0  }
0x16: {  	s3 =	sld [smem:$0x3FDB];
	s0 =	simm.s32 @p2 $0x1  }
0x17: {  	s4 =	simm.s32 $0x1BF5;
	[smem:$0x3FA9] =	sst s0  }
0x18: {  	s0 =	sld [smem:$0x3F8C];
	_ =	swait.ge [sflag:s4], $0x0  }
0x19: {  	s7 =	sld [smem:$0x3F8D]  }
0x1a: {  	s8 =	sadd.s32 $0xFFFFE003, lr  }
0x1b: {  	s9 =	sadd.s32 $0xFFFFFEF7, lr;
	s5 =	simm.s32 $0xFFFFFFFF;
	p2 =	slt.u32 s8, $0xFFFFF086  }
0x1c: {  	p1 =	slt.u32 s9, $0xF7A;
	s5 =	simm.s32 @!p2 $0x0  }
0x1d: {  	s5 =	simm.s32 @p1 $0x1;
	p0 =	seq.s32 s7, s2  }
0x1e: {  	s7 =	smul.u32 @!p0 $0xF7A, s2;
	p2 =	seq.s32 @!p0 s5, $0x0  }
0x1f: {  	s9 =	smul.u32 $0xF7A, s1;
	s8 =	simm.s32 @!p0 $0x1BF5;
	p2 =	por !p2, p0  }
0x20: {  	[sflag:s8] =	ssyncset.s32 @!p0 $0xFFFFF086;
	s6 =	sadd.s32 @!p0 s3, s7;
	s7 =	simm.s32 @!p0 $0x108  }
0x21: {  	s3 =	sadd.s32 s3, s9;
	s6 =	sadd.s32 @!p0 $0x88, s6;
	s7 =	simm.s32 @p2 $0x1082  }
0x22: {  	[simem:s7], [sflag:s8] =	dma.local @!p0 [hbm:s6], $0xF7A  }
0x23: {  	s9 =	sor.u32 $0xD0000000, s2;
	s6 =	simm.s32 $0x108;
	_ =	swait.ge @!p0 [sflag:s8], $0x0  }
0x24: {  	s3 =	sadd.s32 $0x88, s3;
	s6 =	simm.s32 @!p1 $0x1082;
	[sflag:s4] =	ssyncset.s32 $0xFFFFF086  }
0x25: {  	[simem:s6], [sflag:s4] =	dma.local [hbm:s3], $0xF7A  }
0x26: {  	[smem:$0x3F8D] =	sst s1;
	(tag) =	ssettag s2;
	_ =	strace s9  }
0x27: {  	s1 =	sld [smem:$0x3F9D]  }
0x28: {  	s2 =	sld [smem:$0x3F9E]  }
0x29: {  	s4 =	sld [smem:$0x3FA0]  }
0x2a: {  	p0 =	seq.s32 s5, $0x0;
	s5 =	sld [smem:$0x3FA1]  }
0x2b: {  	s6 =	sld [smem:$0x3FA2]  }
0x2c: {  	s7 =	sld [smem:$0x3FA3]  }
0x2d: {  	s3 =	simm.s32 $0x108;
	s8 =	sld [smem:$0x3FA4]  }
0x2e: {  	s3 =	simm.s32 @!p0 $0x1082;
	s9 =	sld [smem:$0x3FA5]  }
0x2f: {  	lr =	sadd.s32 s0, s3;
	s0 =	sld [smem:$0x3F9C]  }
0x30: {  	s3 =	sld [smem:$0x3F9F]  }
0x31: {  	[smem:$0x3FA8] =	sst s10  }
0x32: {  	s10 =	sld [smem:$0x3FA6];
	_ =	sdelay $0x3  }
0x33: {  	p0 =	seq.s32 s10, $0x1;
	s10 =	sld [smem:$0x3FA8];
	_ =	sdelay $0x3  }
0x34: {  	[smem:$0x3FA8] =	sst s10  }
0x35: {  	s10 =	sld [smem:$0x3FA7];
	_ =	sdelay $0x3  }
0x36: {  	p1 =	seq.s32 s10, $0x1;
	s10 =	sld [smem:$0x3FA8];
	_ =	sdelay $0x3  }
0x37: {  	[smem:$0x3FA8] =	sst s10  }
0x38: {  	s10 =	sld [smem:$0x3FA9]  }
0x39: {  	_ = 	snop;
	(pc) =	sbr.ind lr, $3  }
0x3a: {  	_ = 	snop  }
0x3b: {  	_ = 	snop  }
0x3c: {  	p2 =	seq.s32 s10, $0x1;
	s10 =	sld [smem:$0x3FA8]  }
0x3d: {  	_ =	shalt  }
0x3e: {  	_ =	shalt  }
0x3f: {  	_ =	shalt  }
0x40: {  	_ =	shalt  }
0x41: {  	_ =	shalt  }
0x42: {  	_ =	shalt  }
0x43: {  	_ =	shalt  }
0x44: {  	_ =	shalt  }
0x45: {  	_ =	shalt  }
0x46: {  	_ =	shalt  }
0x47: {  	_ =	shalt  }
0x48: {  	_ =	shalt  }
0x49: {  	_ =	shalt  }
0x4a: {  	_ =	shalt  }
0x4b: {  	_ =	shalt  }
0x4c: {  	_ =	shalt  }
0x4d: {  	_ =	shalt  }
0x4e: {  	_ =	shalt  }
0x4f: {  	_ =	shalt  }
0x50: {  	_ =	shalt  }
0x51: {  	_ =	shalt  }
0x52: {  	_ =	shalt  }
0x53: {  	_ =	shalt  }
0x54: {  	_ =	shalt  }
0x55: {  	_ =	shalt  }
0x56: {  	_ =	shalt  }
0x57: {  	_ =	shalt  }
0x58: {  	_ =	shalt  }
0x59: {  	_ =	shalt  }
0x5a: {  	_ =	shalt  }
0x5b: {  	_ =	shalt  }
0x5c: {  	_ =	shalt  }
0x5d: {  	_ =	shalt  }
0x5e: {  	_ =	shalt  }
0x5f: {  	_ =	shalt  }
0x60: {  	_ =	shalt  }
0x61: {  	_ =	shalt  }
0x62: {  	_ =	shalt  }
0x63: {  	_ =	shalt  }
0x64: {  	_ =	shalt  }
0x65: {  	_ =	shalt  }
0x66: {  	_ =	shalt  }
0x67: {  	_ =	shalt  }
0x68: {  	_ =	shalt  }
0x69: {  	_ =	shalt  }
0x6a: {  	_ =	shalt  }
0x6b: {  	_ =	shalt  }
0x6c: {  	_ =	shalt  }
0x6d: {  	_ =	shalt  }
0x6e: {  	_ =	shalt  }
0x6f: {  	_ =	shalt  }
0x70: {  	_ =	shalt  }
0x71: {  	_ =	shalt  }
0x72: {  	_ =	shalt  }
0x73: {  	_ =	shalt  }
0x74: {  	_ =	shalt  }
0x75: {  	_ =	shalt  }
0x76: {  	_ =	shalt  }
0x77: {  	_ =	shalt  }
0x78: {  	_ =	shalt  }
0x79: {  	_ =	shalt  }
0x7a: {  	_ =	shalt  }
0x7b: {  	_ =	shalt  }
0x7c: {  	_ =	shalt  }
0x7d: {  	_ =	shalt  }
0x7e: {  	_ =	shalt  }
0x7f: {  	_ =	shalt  }
0x80: {  	_ =	shalt  }
0x81: {  	_ =	shalt  }
0x82: {  	_ =	shalt  }
0x83: {  	_ =	shalt  }
0x84: {  	_ =	shalt  }
0x85: {  	_ =	shalt  }
0x86: {  	_ =	shalt  }
0x87: {  	_ =	shalt  }
.Lfunc_end0:
.L_simem_size_0:
called_computation_lowered:
.L_overlay_start_0:
0x88: {  	s2 =	sld [smem:$0x3FD9]  }
0x89: {  	s3 =	sld [smem:$0x3FFE];
	_ =	sdelay $0x1  }
0x8a: {  	s1 =	srdreg.scid  }
0x8b: {  	s0 =	sand.u32 $0x1, s1  }
0x8c: {  	s17 =	sshll.u32 s0, $0xA;
	s2 =	sadd.s32 s3, s2  }
0x8d: {  	s2 =	sadd.s32 s2, s17  }
0x8e: {  	[smem:$0x3FB4] =	sst s2  }
0x8f: {  	_ = 	snop  }
0x90: {  	s2 =	sld [smem:$0x3FD0];
	(tm) =	ssettm $0x1  }
0x91: {  	s18 =	sld [smem:$0x3FFB];
	_ =	sdelay $0x3  }
0x92: {  	_ =	strace s18  }
0x93: {  	s3 =	sld [smem:$0x3FFC];
	_ =	sdelay $0x3  }
0x94: {  	_ =	strace s3  }
0x95: {  	s3 =	sld [smem:$0x3FFD];
	_ =	sdelay $0x3  }
0x96: {  	_ =	strace s3  }
0x97: {  	_ =	strace $0x8FFFFFFF  }
0x98: {  	s19 =	sld [smem:$0x3FDB];
	_ =	sdelay $0x1  }
0x99: {  	s4 =	simm.s32 $_scs_section_size  }
0x9a: {  	s5 =	simm.s32 $_size__tile_overlayer_lowered;
	s6 =	simm.s32 $_tile_overlayer_lowered  }
0x9b: {  	s22 =	simm.s32 $0x1BFF;
	s21 =	sshll.u32 s6, $0x1;
	s3 =	sadd.s32 s4, s19  }
0x9c: {  	s7 =	simm.s32 $0x0;
	s20 =	sshll.u32 s5, $0x1;
	s5 =	sadd.s32 s21, s3  }
0x9d: {  	[timem:s7], [sflag:s22] =	dma.local [hbm:s5], s20  }
0x9e: {  	_ =	swait.ge [sflag:s22], s20  }
0x9f: {  	s4 =	ssub.s32 $0x0, s20;
	[sflag:s22] =	ssyncset.done $0x0  }
0xa0: {  	[sflag:s22] =	ssyncadd.s32 s4;
	_ =	sdelay $0x1  }
0xa1: {  	s23 =	simm.s32 $0x1B8B  }
0xa2: {  	_ =	swait.ge [sflag:s23], $0x1  }
0xa3: {  	[sflag:s23] =	ssyncset.done $0x0  }
0xa4: {  	s25 =	simm.s32 $0x1B8E;
	s24 =	sld [smem:$0x3FFE];
	[sflag:s23] =	ssyncadd.s32 $0xFFFFFFFF  }
0xa5: {  	s26 =	simm.s32 $execute0_lowered;
	[smem:$0x3FD2] =	sst s25  }
0xa6: {  	s5 =	sshll.u32 s26, $0x1;
	_ =	strace $0x80000046;
	[dreg:$0x1] =	wrdreg $0xFFFFFFFF  }
0xa7: {  	s28 =	simm.s32 $_size_execute0_lowered;
	s3 =	sadd.s32 s3, s5;
	[dreg:$0x0] =	wrdreg $0x0  }
0xa8: {  	s5 =	sshll.u32 s28, $0x1;
	[dreg:$0x2] =	wrdreg s3  }
0xa9: {  	[dreg:$0x3] =	wrdreg s5  }
0xaa: {  	[dreg:$0x4] =	wrdreg $0xC0  }
0xab: {  	_ =	task [dreg:s7], $0x5FFFF  }
0xac: {  	[dreg:$0x1] =	wrdreg $0xFFFFFFFF  }
0xad: {  	[dreg:$0x0] =	wrdreg $0x60  }
0xae: {  	[dreg:$0x2] =	wrdreg s24  }
0xaf: {  	[dreg:$0x3] =	wrdreg s2  }
0xb0: {  	[dreg:$0x4] =	wrdreg $0x7DA00  }
0xb1: {  	[dreg:$0x5] =	wrdreg $0x1B9A00  }
0xb2: {  	[dreg:$0x6] =	wrdreg $0x9  }
0xb3: {  	_ =	task.clear_ibuf [dreg:s7], $0x7FFFF;
	_ =	strace $0x90000046  }
0xb4: {  	s29 =	simm.s32 $0x9;
	_ =	strace $0x80000048  }
0xb5: {  	_ =	swait.ge [sflag:s29], $0x1  }
0xb6: {  	[sflag:s29] =	ssyncadd.s32 $0xFFFFFFFF  }
0xb7: {  	_ =	strace $0x90000048  }
0xb8: {  	_ =	sfence  }
0xb9: {  	s30 =	sld [smem:$0x0];
	_ =	sdelay $0x2  }
0xba: {  	s31 =	sshll.u32 s1, $0xD;
	s1 =	sshrl.u32 s1, $0x2  }
0xbb: {  	s3 =	sand.u32 $0x4000, s31;
	s1 =	sadd.s32 s1, s30  }
0xbc: {  	s0 =	sor.u32 s3, s0;
	s1 =	sshll.u32 s1, $0x11  }
0xbd: {  	s0 =	sor.u32 s1, s0  }
0xbe: {  	s0 =	sadd.s32 $0x8F2B, s0  }
0xbf: {  	[sflag:s0] =	ssyncadd.remote.s32 $0x1  }
0xc0: {  	_ =	sfence.sel $0xFFFF  }
0xc1: {  	[dreg:$0x0] =	wrdreg $0xFFFFFFFF;
	(pc) =	sbr.abs _section_cstart, $3  }
0xc2: {  	[dreg:$0x1] =	wrdreg $0xFFFFFFFF  }
0xc3: {  	_ =	task.clear_ibuf [dreg:s7], $0x2FFFF;
	_ =	strace $0x9FFFFFFF  }
0xc4: {  	(tm) =	ssettm $0x7FFFFFFF  }
0xc5: {  	_ =	shalt  }
tec
execute0_lowered:
.L_overlay_start_1:
0x0: {  	(tag) =	ssettag $0x1  }
0x1: {  	s0 =	rddreg [dreg:$0x0]  }
0x2: {  	s2 =	rddreg [dreg:$0x2];
	s1 =	simm.s32 $0x0  }
0x3: {  	[smem:$0x7FF] =	sst s1;
	s5 =	sadd.s32 $0x8200, s0  }
0x4: {  	s3 =	rddreg [dreg:$0x3];
	s6 =	sadd.s32 $0x58B800, s0;
	s7 =	sadd.s32 $0x5D9C00, s0  }
0x5: {  	s8 =	sadd.s32 $0x4EF200, s0;
	s9 =	sadd.s32 $0x3200, s0;
	s10 =	sadd.s32 $0xD200, s0  }
0x6: {  	s25 =	srdreg.scid;
	s11 =	sadd.s32 $0x5B2A00, s0;
	s13 =	sadd.s32 $0x600E00, s0  }
0x7: {  	s17 =	stileid.u32;
	s14 =	sadd.s32 $0x516400, s0;
	s15 =	sadd.s32 $0x27E200, s0  }
0x8: {  	s4 =	sand.u32 $0x1, s25;
	s26 =	sadd.s32 $0x632000, s0;
	s1 =	smul.u32 $0x278, s17  }
0x9: {  	s16 =	sadd.s32 $0x628000, s0;
	_ =	strace $0x80000047;
	[dreg:$0x5] =	wrdreg s26  }
0xa: {  	s0 =	sadd.s32 $0x62D000, s0;
	s29 =	smul.u32 $0x2710, s17;
	[dreg:$0x6] =	wrdreg s16  }
0xb: {  	s12 =	ssub.s32 $0x2, s4;
	[dreg:$0x7] =	wrdreg s0;
	p0 =	seq.s32 s4, $0x1  }
0xc: {  	s31 =	sshrl.u32 s12, $0x1;
	s16 =	sadd.s32 $0x28, s1;
	s19 =	sadd.s32 $0x50, s1  }
0xd: {  	s22 =	sadd.s32 $0x78, s1;
	s25 =	sadd.s32 $0xA0, s1;
	s0 =	ssub.s32 s12, s31  }
0xe: {  	s18 =	sshll.u32 s16, $0x7;
	s4 =	sshll.u32 s16, $0x4;
	s20 =	sshll.u32 s19, $0x7  }
0xf: {  	s21 =	sshll.u32 s19, $0x4;
	s23 =	sshll.u32 s22, $0x7;
	s26 =	sshll.u32 s25, $0x7  }
0x10: {  	s31 =	sadd.s32 $0xC8, s1;
	s12 =	sadd.s32 s18, s2;
	s4 =	sadd.s32 s4, s3  }
0x11: {  	s16 =	sshll.u32 s31, $0x4;
	s18 =	sadd.s32 $0xF0, s1;
	[dreg:$0x8] =	wrdreg s12  }
0x12: {  	s0 =	smax.u32 s0, $0x1;
	[dreg:$0x9] =	wrdreg s4;
	s4 =	sadd.s32 s20, s2  }
0x13: {  	s12 =	sshll.u32 s22, $0x4;
	s19 =	sshll.u32 s18, $0x7;
	[smem:$0x7FC] =	sst s0  }
0x14: {  	[dreg:$0xa] =	wrdreg s4;
	s4 =	sadd.s32 s21, s3;
	s24 =	sadd.s32 s12, s3  }
0x15: {  	s12 =	sadd.s32 s26, s2;
	s21 =	sadd.s32 $0x118, s1;
	[dreg:$0xb] =	wrdreg s4  }
0x16: {  	s26 =	sadd.s32 $0x168, s1;
	s4 =	sadd.s32 s23, s2;
	[dreg:$0xd] =	wrdreg s24  }
0x17: {  	[dreg:$0xe] =	wrdreg s12;
	s12 =	sshll.u32 s31, $0x7;
	s22 =	sshll.u32 s21, $0x7  }
0x18: {  	s23 =	sadd.s32 $0x140, s1;
	[dreg:$0xc] =	wrdreg s4;
	s4 =	sshll.u32 s25, $0x4  }
0x19: {  	s31 =	sshll.u32 s26, $0x7;
	s24 =	sshll.u32 s23, $0x7;
	s4 =	sadd.s32 s4, s3  }
0x1a: {  	s25 =	sshll.u32 s23, $0x4;
	[dreg:$0xf] =	wrdreg s4;
	s4 =	sadd.s32 s12, s2  }
0x1b: {  	s12 =	sshll.u32 s18, $0x4;
	[dreg:$0x10] =	wrdreg s4;
	s4 =	sadd.s32 s16, s3  }
0x1c: {  	s20 =	sadd.s32 s12, s3;
	s12 =	sadd.s32 s22, s2;
	[dreg:$0x11] =	wrdreg s4  }
0x1d: {  	s16 =	sadd.s32 $0x190, s1;
	s22 =	sadd.s32 $0x1E0, s1;
	[dreg:$0x13] =	wrdreg s20  }
0x1e: {  	s4 =	sadd.s32 s19, s2;
	[dreg:$0x14] =	wrdreg s12;
	s12 =	sshll.u32 s26, $0x4  }
0x1f: {  	s18 =	sshll.u32 s16, $0x7;
	s19 =	sadd.s32 $0x1B8, s1;
	s23 =	sshll.u32 s22, $0x7  }
0x20: {  	[dreg:$0x12] =	wrdreg s4;
	s4 =	sshll.u32 s21, $0x4;
	s12 =	sadd.s32 s12, s3  }
0x21: {  	s20 =	sshll.u32 s19, $0x7;
	s4 =	sadd.s32 s4, s3;
	[dreg:$0x19] =	wrdreg s12  }
0x22: {  	s21 =	sshll.u32 s19, $0x4;
	s12 =	sadd.s32 s18, s2;
	[dreg:$0x15] =	wrdreg s4  }
0x23: {  	s4 =	sadd.s32 s24, s2;
	[dreg:$0x1a] =	wrdreg s12;
	s12 =	sshll.u32 s22, $0x4  }
0x24: {  	[dreg:$0x16] =	wrdreg s4;
	s4 =	sadd.s32 s25, s3;
	s24 =	sadd.s32 s12, s3  }
0x25: {  	s25 =	sadd.s32 $0x208, s1;
	[dreg:$0x17] =	wrdreg s4;
	s4 =	sadd.s32 s31, s2  }
0x26: {  	[dreg:$0x1f] =	wrdreg s24;
	s26 =	sshll.u32 s25, $0x7;
	s31 =	sadd.s32 $0x230, s1  }
0x27: {  	[dreg:$0x18] =	wrdreg s4;
	s4 =	sshll.u32 s16, $0x4;
	s12 =	sadd.s32 s26, s2  }
0x28: {  	s1 =	sadd.s32 $0x258, s1;
	s4 =	sadd.s32 s4, s3;
	[smem:$0x7F0] =	sst s12  }
0x29: {  	[dreg:$0x1b] =	wrdreg s4;
	s4 =	sadd.s32 s20, s2;
	s20 =	sshll.u32 s1, $0x7  }
0x2a: {  	s1 =	sshll.u32 s1, $0x4;
	[dreg:$0x1c] =	wrdreg s4;
	s4 =	sadd.s32 s21, s3  }
0x2b: {  	s22 =	smul.u32 $0x2780, s17;
	s1 =	sadd.s32 s1, s3;
	[dreg:$0x1d] =	wrdreg s4  }
0x2c: {  	s28 =	simm.s32 $0x1;
	s4 =	sadd.s32 s23, s2;
	[smem:$0x7F5] =	sst s1  }
0x2d: {  	s23 =	sshrl.u32 s29, $0x3;
	s1 =	sshrl.u32 s22, $0x3;
	[dreg:$0x1e] =	wrdreg s4  }
0x2e: {  	s21 =	smul.u32 $0x13C00, s17;
	s24 =	sadd.s32 s5, s23;
	[smem:$0x7F9] =	sst s1  }
0x2f: {  	s18 =	sshll.u32 s31, $0x7;
	s12 =	sadd.s32 s9, s23;
	[smem:$0x7F6] =	sst s24  }
0x30: {  	s4 =	sshll.u32 s25, $0x4;
	s16 =	sadd.s32 s21, s2;
	[smem:$0x7F7] =	sst s12  }
0x31: {  	s25 =	smul.u32 $0x27100, s17;
	s4 =	sadd.s32 s4, s3;
	[smem:$0x7FD] =	sst s16  }
0x32: {  	s30 =	simm.s32 $0x0;
	[smem:$0x7F1] =	sst s4;
	s4 =	sadd.s32 s18, s2  }
0x33: {  	s19 =	sshll.u32 s31, $0x4;
	s26 =	sadd.s32 s10, s25;
	[smem:$0x7F2] =	sst s4  }
.Ltmp0:
0x34: {  	s31 =	sadd.s32 s15, s25;
	[smem:$0x7FA] =	sst s26;
	(pc) =	sbr.rel .LBB2_1-.Ltmp0, $4  }
0x35: {  	s23 =	simm.s32 $0x78A0;
	s4 =	sadd.s32 s19, s3;
	[smem:$0x7FB] =	sst s31  }
0x36: {  	s18 =	sadd.s32 s22, s3;
	[smem:$0x7F3] =	sst s4;
	s4 =	sadd.s32 s20, s2  }
0x37: {  	s22 =	simm.s32 $0x5;
	[smem:$0x7F4] =	sst s4;
	s4 =	sshrl.u32 s21, $0x3  }
0x38: {  	v0 =	vimm.f32 $0.0e+00;
	vm0 =	vcmask $0x3F08;
	vm1 =	vmmov $0x1;
	s26 =	simm.s32 $0x28;
	s21 =	simm.s32 $0x28A0;
	[smem:$0x7F8] =	sst s4  }
.LBB2_16:
0x39: {  	s4 =	simm.s32 $0x3  }
0x3a: {  	_ =	swait.ge [sflag:s4], $0x1400  }
0x3b: {  	[sflag:s4] =	ssyncset.done $0x0  }
0x3c: {  	s12 =	simm.s32 $0x4;
	[sflag:s4] =	ssyncadd.s32 $0xFFFFEC00  }
0x3d: {  	_ =	swait.ge [sflag:s12], $0x280  }
0x3e: {  	[sflag:s12] =	ssyncset.done $0x0  }
0x3f: {  	[sflag:s12] =	ssyncadd.s32 $0xFFFFFD80  }
0x40: {  	s17 =	sld [smem:$0x7F8];
	[bflag:$0x0] =	sbarrier.arrive $0xFFFF  }
0x41: {  	s16 =	sld [smem:$0x7FD]  }
0x42: {  	s19 =	stileid.u32  }
0x43: {  	s4 =	sshll.u32 s19, $0x6  }
0x44: {  	s4 =	sor.u32 $0x1C05, s4;
	s1 =	sadd.s32 s1, s17;
	s20 =	sshrl.u32 s16, $0x3  }
0x45: {  	[hbm:s1], [sflag:s4] =	dma.local [spmem:s20], $0x2780  }
0x46: {  	_ =	swait.ge [sflag:s22], $0x2780  }
0x47: {  	s24 =	sld [smem:$0x7F9];
	_ =	sdelay $0x1  }
0x48: {  	[sflag:s22] =	ssyncset.done $0x0  }
0x49: {  	s25 =	sshrl.u32 s18, $0x3;
	[sflag:s22] =	ssyncadd.s32 $0xFFFFD880;
	s0 =	sadd.s32 s0, s24  }
0x4a: {  	[hbm:s0], [sflag:s4] =	dma.local [spmem:s25], $0x4F0  }
0x4b: {  	_ =	swait.ge [sflag:s22], $0x4F0  }
0x4c: {  	s31 =	sld [smem:$0x7FC];
	_ =	sdelay $0x1  }
0x4d: {  	s30 =	sadd.s32 $0x1, s30  }
0x4e: {  	p1 =	sne.s32 s30, s31  }
.Ltmp1:
0x4f: {  	_ = 	snop;
	(pc) =	sbr.rel @!p1 .LBB2_17-.Ltmp1, $3  }
0x50: {  	_ =	sdelay $0x1  }
0x51: {  	[sflag:s22] =	ssyncset.done $0x0  }
0x52: {  	[sflag:s22] =	ssyncadd.s32 $0xFFFFFB10  }
.LBB2_1:
.Ltmp2:
0x53: {  	(pc) =	sbr.rel @!p0 .LBB2_2-.Ltmp2, $2  }
0x54: {  	_ =	sdelay $0x2  }
0x55: {  	s0 =	simm.s32 $0x28E0  }
0x56: {  	[tilespmem:s0+$0xFFFFFFD0] =	vst v0  }
0x57: {  	[tilespmem:s0+$0xFFFFFFE0] =	vst v0  }
0x58: {  	[tilespmem:s0+$0xFFFFFFF0] =	vst v0  }
0x59: {  	[tilespmem:s0+$0x0] =	vst v0  }
0x5a: {  	[tilespmem:s0+$0x10] =	vst v0  }
0x5b: {  	[tilespmem:s0+$0x20] =	vst v0  }
0x5c: {  	[tilespmem:s0+$0x30] =	vst v0;
	s1 =	simm.s32 $0x0  }
0x5d: {  	[tilespmem:s0+$0xFFFFFFC0] =	vst v0;
	s4 =	sshra.s32 s1, $0x2;
	s1 =	sadd.s32 $0x40, s1  }
.LBB2_10:
0x5e: {  	p1 =	sne.s32 s1, $0x9C0;
	[tilespmem:s4+$0x78A0] =	vst v0;
	s0 =	sadd.s32 $0x80, s0  }
0x5f: {  	[tilespmem:s0+$0xFFFFFFD0] =	vst v0  }
0x60: {  	[tilespmem:s0+$0xFFFFFFE0] =	vst v0  }
0x61: {  	[tilespmem:s0+$0xFFFFFFF0] =	vst v0  }
.Ltmp3:
0x62: {  	[tilespmem:s0+$0x0] =	vst v0;
	(pc) =	sbr.rel @p1 .LBB2_10-.Ltmp3, $4  }
0x63: {  	[tilespmem:s0+$0x10] =	vst v0  }
0x64: {  	[tilespmem:s0+$0x20] =	vst v0  }
0x65: {  	[tilespmem:s0+$0x30] =	vst v0  }
0x66: {  	s4 =	sshra.s32 s1, $0x2;
	s1 =	sadd.s32 $0x40, s1;
	[tilespmem:s0+$0xFFFFFFC0] =	vst v0  }
0x67: {  	[tilespmem:s4+$0x78A0] =	vst v0  }
0x68: {  	[spmem:s16] =	stream.linear.scatter [tilespmem:s21], [sflag:$0x5], $0x1400, $0x38;
	[tilespmem:$0x1E120] =	vst v63  }
0x69: {  	_ =	swait.ge [sflag:s22], $0x1400  }
0x6a: {  	[sflag:s22] =	ssyncset.done $0x0  }
0x6b: {  	[sflag:s22] =	ssyncadd.s32 $0xFFFFEC00  }
0x6c: {  	[spmem:s18] =	stream.linear.scatter [tilespmem:s23], [sflag:$0x5], $0x280, $0x38;
	[tilespmem:$0x1E120] =	vst v63  }
0x6d: {  	_ =	swait.ge [sflag:s22], $0x280  }
0x6e: {  	[sflag:s22] =	ssyncset.done $0x0  }
0x6f: {  	s0 =	rddreg [dreg:$0x8];
	[sflag:s22] =	ssyncadd.s32 $0xFFFFFD80  }
0x70: {  	[spmem:s0] =	stream.linear.scatter [tilespmem:s21], [sflag:$0x5], $0x1400, $0x38;
	[tilespmem:$0x1E120] =	vst v63  }
0x71: {  	_ =	swait.ge [sflag:s22], $0x1400  }
0x72: {  	[sflag:s22] =	ssyncset.done $0x0  }
0x73: {  	s12 =	rddreg [dreg:$0x9];
	[sflag:s22] =	ssyncadd.s32 $0xFFFFEC00  }
0x74: {  	[spmem:s12] =	stream.linear.scatter [tilespmem:s23], [sflag:$0x5], $0x280, $0x38;
	[tilespmem:$0x1E120] =	vst v63  }
0x75: {  	_ =	swait.ge [sflag:s22], $0x280  }
0x76: {  	[sflag:s22] =	ssyncset.done $0x0  }
0x77: {  	s16 =	rddreg [dreg:$0xa];
	[sflag:s22] =	ssyncadd.s32 $0xFFFFFD80  }
0x78: {  	[spmem:s16] =	stream.linear.scatter [tilespmem:s21], [sflag:$0x5], $0x1400, $0x38;
	[tilespmem:$0x1E120] =	vst v63  }
0x79: {  	_ =	swait.ge [sflag:s22], $0x1400  }
0x7a: {  	[sflag:s22] =	ssyncset.done $0x0  }
0x7b: {  	s17 =	rddreg [dreg:$0xb];
	[sflag:s22] =	ssyncadd.s32 $0xFFFFEC00  }
0x7c: {  	[spmem:s17] =	stream.linear.scatter [tilespmem:s23], [sflag:$0x5], $0x280, $0x38;
	[tilespmem:$0x1E120] =	vst v63  }
0x7d: {  	_ =	swait.ge [sflag:s22], $0x280  }
0x7e: {  	[sflag:s22] =	ssyncset.done $0x0  }
0x7f: {  	s19 =	rddreg [dreg:$0xc];
	[sflag:s22] =	ssyncadd.s32 $0xFFFFFD80  }
0x80: {  	[spmem:s19] =	stream.linear.scatter [tilespmem:s21], [sflag:$0x5], $0x1400, $0x38;
	[tilespmem:$0x1E120] =	vst v63  }
0x81: {  	_ =	swait.ge [sflag:s22], $0x1400  }
0x82: {  	[sflag:s22] =	ssyncset.done $0x0  }
0x83: {  	s20 =	rddreg [dreg:$0xd];
	[sflag:s22] =	ssyncadd.s32 $0xFFFFEC00  }
0x84: {  	[spmem:s20] =	stream.linear.scatter [tilespmem:s23], [sflag:$0x5], $0x280, $0x38;
	[tilespmem:$0x1E120] =	vst v63  }
0x85: {  	_ =	swait.ge [sflag:s22], $0x280  }
0x86: {  	[sflag:s22] =	ssyncset.done $0x0  }
0x87: {  	s24 =	rddreg [dreg:$0xe];
	[sflag:s22] =	ssyncadd.s32 $0xFFFFFD80  }
0x88: {  	[spmem:s24] =	stream.linear.scatter [tilespmem:s21], [sflag:$0x5], $0x1400, $0x38;
	[tilespmem:$0x1E120] =	vst v63  }
0x89: {  	_ =	swait.ge [sflag:s22], $0x1400  }
0x8a: {  	[sflag:s22] =	ssyncset.done $0x0  }
0x8b: {  	s25 =	rddreg [dreg:$0xf];
	[sflag:s22] =	ssyncadd.s32 $0xFFFFEC00  }
0x8c: {  	[spmem:s25] =	stream.linear.scatter [tilespmem:s23], [sflag:$0x5], $0x280, $0x38;
	[tilespmem:$0x1E120] =	vst v63  }
0x8d: {  	_ =	swait.ge [sflag:s22], $0x280  }
0x8e: {  	[sflag:s22] =	ssyncset.done $0x0  }
0x8f: {  	s1 =	rddreg [dreg:$0x10];
	[sflag:s22] =	ssyncadd.s32 $0xFFFFFD80  }
0x90: {  	[spmem:s1] =	stream.linear.scatter [tilespmem:s21], [sflag:$0x5], $0x1400, $0x38;
	[tilespmem:$0x1E120] =	vst v63  }
0x91: {  	_ =	swait.ge [sflag:s22], $0x1400  }
0x92: {  	[sflag:s22] =	ssyncset.done $0x0  }
0x93: {  	s4 =	rddreg [dreg:$0x11];
	[sflag:s22] =	ssyncadd.s32 $0xFFFFEC00  }
0x94: {  	[spmem:s4] =	stream.linear.scatter [tilespmem:s23], [sflag:$0x5], $0x280, $0x38;
	[tilespmem:$0x1E120] =	vst v63  }
0x95: {  	_ =	swait.ge [sflag:s22], $0x280  }
0x96: {  	[sflag:s22] =	ssyncset.done $0x0  }
0x97: {  	s12 =	rddreg [dreg:$0x12];
	[sflag:s22] =	ssyncadd.s32 $0xFFFFFD80  }
0x98: {  	[spmem:s12] =	stream.linear.scatter [tilespmem:s21], [sflag:$0x5], $0x1400, $0x38;
	[tilespmem:$0x1E120] =	vst v63  }
0x99: {  	_ =	swait.ge [sflag:s22], $0x1400  }
0x9a: {  	[sflag:s22] =	ssyncset.done $0x0  }
0x9b: {  	s16 =	rddreg [dreg:$0x13];
	[sflag:s22] =	ssyncadd.s32 $0xFFFFEC00  }
0x9c: {  	[spmem:s16] =	stream.linear.scatter [tilespmem:s23], [sflag:$0x5], $0x280, $0x38;
	[tilespmem:$0x1E120] =	vst v63  }
0x9d: {  	_ =	swait.ge [sflag:s22], $0x280  }
0x9e: {  	[sflag:s22] =	ssyncset.done $0x0  }
0x9f: {  	s17 =	rddreg [dreg:$0x14];
	[sflag:s22] =	ssyncadd.s32 $0xFFFFFD80  }
0xa0: {  	[spmem:s17] =	stream.linear.scatter [tilespmem:s21], [sflag:$0x5], $0x1400, $0x38;
	[tilespmem:$0x1E120] =	vst v63  }
0xa1: {  	_ =	swait.ge [sflag:s22], $0x1400  }
0xa2: {  	[sflag:s22] =	ssyncset.done $0x0  }
0xa3: {  	s19 =	rddreg [dreg:$0x15];
	[sflag:s22] =	ssyncadd.s32 $0xFFFFEC00  }
0xa4: {  	[spmem:s19] =	stream.linear.scatter [tilespmem:s23], [sflag:$0x5], $0x280, $0x38;
	[tilespmem:$0x1E120] =	vst v63  }
0xa5: {  	_ =	swait.ge [sflag:s22], $0x280  }
0xa6: {  	[sflag:s22] =	ssyncset.done $0x0  }
0xa7: {  	s20 =	rddreg [dreg:$0x16];
	[sflag:s22] =	ssyncadd.s32 $0xFFFFFD80  }
0xa8: {  	[spmem:s20] =	stream.linear.scatter [tilespmem:s21], [sflag:$0x5], $0x1400, $0x38;
	[tilespmem:$0x1E120] =	vst v63  }
0xa9: {  	_ =	swait.ge [sflag:s22], $0x1400  }
0xaa: {  	[sflag:s22] =	ssyncset.done $0x0  }
0xab: {  	s24 =	rddreg [dreg:$0x17];
	[sflag:s22] =	ssyncadd.s32 $0xFFFFEC00  }
0xac: {  	[spmem:s24] =	stream.linear.scatter [tilespmem:s23], [sflag:$0x5], $0x280, $0x38;
	[tilespmem:$0x1E120] =	vst v63  }
0xad: {  	_ =	swait.ge [sflag:s22], $0x280  }
0xae: {  	[sflag:s22] =	ssyncset.done $0x0  }
0xaf: {  	s25 =	rddreg [dreg:$0x18];
	[sflag:s22] =	ssyncadd.s32 $0xFFFFFD80  }
0xb0: {  	[spmem:s25] =	stream.linear.scatter [tilespmem:s21], [sflag:$0x5], $0x1400, $0x38;
	[tilespmem:$0x1E120] =	vst v63  }
0xb1: {  	_ =	swait.ge [sflag:s22], $0x1400  }
0xb2: {  	[sflag:s22] =	ssyncset.done $0x0  }
0xb3: {  	s1 =	rddreg [dreg:$0x19];
	[sflag:s22] =	ssyncadd.s32 $0xFFFFEC00  }
0xb4: {  	[spmem:s1] =	stream.linear.scatter [tilespmem:s23], [sflag:$0x5], $0x280, $0x38;
	[tilespmem:$0x1E120] =	vst v63  }
0xb5: {  	_ =	swait.ge [sflag:s22], $0x280  }
0xb6: {  	[sflag:s22] =	ssyncset.done $0x0  }
0xb7: {  	s4 =	rddreg [dreg:$0x1a];
	[sflag:s22] =	ssyncadd.s32 $0xFFFFFD80  }
0xb8: {  	[spmem:s4] =	stream.linear.scatter [tilespmem:s21], [sflag:$0x5], $0x1400, $0x38;
	[tilespmem:$0x1E120] =	vst v63  }
0xb9: {  	_ =	swait.ge [sflag:s22], $0x1400  }
0xba: {  	[sflag:s22] =	ssyncset.done $0x0  }
0xbb: {  	s12 =	rddreg [dreg:$0x1b];
	[sflag:s22] =	ssyncadd.s32 $0xFFFFEC00  }
0xbc: {  	[spmem:s12] =	stream.linear.scatter [tilespmem:s23], [sflag:$0x5], $0x280, $0x38;
	[tilespmem:$0x1E120] =	vst v63  }
0xbd: {  	_ =	swait.ge [sflag:s22], $0x280  }
0xbe: {  	[sflag:s22] =	ssyncset.done $0x0  }
0xbf: {  	s16 =	rddreg [dreg:$0x1c];
	[sflag:s22] =	ssyncadd.s32 $0xFFFFFD80  }
0xc0: {  	[spmem:s16] =	stream.linear.scatter [tilespmem:s21], [sflag:$0x5], $0x1400, $0x38;
	[tilespmem:$0x1E120] =	vst v63  }
0xc1: {  	_ =	swait.ge [sflag:s22], $0x1400  }
0xc2: {  	[sflag:s22] =	ssyncset.done $0x0  }
0xc3: {  	s17 =	rddreg [dreg:$0x1d];
	[sflag:s22] =	ssyncadd.s32 $0xFFFFEC00  }
0xc4: {  	[spmem:s17] =	stream.linear.scatter [tilespmem:s23], [sflag:$0x5], $0x280, $0x38;
	[tilespmem:$0x1E120] =	vst v63  }
0xc5: {  	_ =	swait.ge [sflag:s22], $0x280  }
0xc6: {  	[sflag:s22] =	ssyncset.done $0x0  }
0xc7: {  	s19 =	rddreg [dreg:$0x1e];
	[sflag:s22] =	ssyncadd.s32 $0xFFFFFD80  }
0xc8: {  	[spmem:s19] =	stream.linear.scatter [tilespmem:s21], [sflag:$0x5], $0x1400, $0x38;
	[tilespmem:$0x1E120] =	vst v63  }
0xc9: {  	_ =	swait.ge [sflag:s22], $0x1400  }
0xca: {  	[sflag:s22] =	ssyncset.done $0x0  }
0xcb: {  	s20 =	rddreg [dreg:$0x1f];
	[sflag:s22] =	ssyncadd.s32 $0xFFFFEC00  }
0xcc: {  	[spmem:s20] =	stream.linear.scatter [tilespmem:s23], [sflag:$0x5], $0x280, $0x38;
	[tilespmem:$0x1E120] =	vst v63  }
0xcd: {  	_ =	swait.ge [sflag:s22], $0x280  }
0xce: {  	s24 =	sld [smem:$0x7F0]  }
0xcf: {  	[sflag:s22] =	ssyncset.done $0x0  }
0xd0: {  	[sflag:s22] =	ssyncadd.s32 $0xFFFFFD80  }
0xd1: {  	[spmem:s24] =	stream.linear.scatter [tilespmem:s21], [sflag:$0x5], $0x1400, $0x38;
	[tilespmem:$0x1E120] =	vst v63  }
0xd2: {  	_ =	swait.ge [sflag:s22], $0x1400  }
0xd3: {  	s25 =	sld [smem:$0x7F1]  }
0xd4: {  	[sflag:s22] =	ssyncset.done $0x0  }
0xd5: {  	[sflag:s22] =	ssyncadd.s32 $0xFFFFEC00  }
0xd6: {  	[spmem:s25] =	stream.linear.scatter [tilespmem:s23], [sflag:$0x5], $0x280, $0x38;
	[tilespmem:$0x1E120] =	vst v63  }
0xd7: {  	_ =	swait.ge [sflag:s22], $0x280  }
0xd8: {  	s1 =	sld [smem:$0x7F2]  }
0xd9: {  	[sflag:s22] =	ssyncset.done $0x0  }
0xda: {  	[sflag:s22] =	ssyncadd.s32 $0xFFFFFD80  }
0xdb: {  	[spmem:s1] =	stream.linear.scatter [tilespmem:s21], [sflag:$0x5], $0x1400, $0x38;
	[tilespmem:$0x1E120] =	vst v63  }
0xdc: {  	_ =	swait.ge [sflag:s22], $0x1400  }
0xdd: {  	s4 =	sld [smem:$0x7F3]  }
0xde: {  	[sflag:s22] =	ssyncset.done $0x0  }
0xdf: {  	[sflag:s22] =	ssyncadd.s32 $0xFFFFEC00  }
0xe0: {  	[spmem:s4] =	stream.linear.scatter [tilespmem:s23], [sflag:$0x5], $0x280, $0x38;
	[tilespmem:$0x1E120] =	vst v63  }
0xe1: {  	_ =	swait.ge [sflag:s22], $0x280  }
0xe2: {  	s12 =	sld [smem:$0x7F4]  }
0xe3: {  	[sflag:s22] =	ssyncset.done $0x0  }
0xe4: {  	[sflag:s22] =	ssyncadd.s32 $0xFFFFFD80  }
0xe5: {  	[spmem:s12] =	stream.linear.scatter [tilespmem:s21], [sflag:$0x5], $0x1000, $0x38;
	[tilespmem:$0x1E120] =	vst v63  }
0xe6: {  	_ =	swait.ge [sflag:s22], $0x1000  }
0xe7: {  	s16 =	sld [smem:$0x7F5]  }
0xe8: {  	[sflag:s22] =	ssyncset.done $0x0  }
0xe9: {  	[sflag:s22] =	ssyncadd.s32 $0xFFFFF000  }
0xea: {  	[spmem:s16] =	stream.linear.scatter [tilespmem:s23], [sflag:$0x5], $0x200, $0x38;
	[tilespmem:$0x1E120] =	vst v63  }
0xeb: {  	_ =	swait.ge [sflag:s22], $0x200  }
0xec: {  	[sflag:s22] =	ssyncset.done $0x0  }
0xed: {  	[sflag:s22] =	ssyncadd.s32 $0xFFFFFE00  }
0xee: {  	[bflag:$0x0] =	sbarrier.arrive $0xFFFF  }
0xef: {  	s17 =	sld [smem:$0x7F6];
	_ =	sdelay $0x1  }
0xf0: {  	s31 =	simm.s32 $0x0  }
0xf1: {  	[tilespmem:s31], [sflag:$0x5] =	stream.linear.gather [hbm4b:s17+s31], $0x28, $0x38;
	[tilespmem:$0x1E120] =	vst v63  }
0xf2: {  	_ =	swait.ge [sflag:s22], $0x28  }
0xf3: {  	s19 =	sld [smem:$0x7F7]  }
0xf4: {  	[sflag:s22] =	ssyncset.done $0x0  }
0xf5: {  	s1 =	simm.s32 $0x50;
	[sflag:s22] =	ssyncadd.s32 $0xFFFFFFD8  }
0xf6: {  	[tilespmem:s1], [sflag:$0x5] =	stream.linear.gather [hbm4b:s19+s31], $0x28, $0x38;
	[tilespmem:$0x1E120] =	vst v63  }
0xf7: {  	_ =	swait.ge [sflag:s22], $0x28  }
0xf8: {  	s20 =	sld [smem:$0x7FB]  }
0xf9: {  	[sflag:s22] =	ssyncset.done $0x0  }
0xfa: {  	[sflag:s22] =	ssyncadd.s32 $0xFFFFFFD8  }
0xfb: {  	[tilespmem:s21], [sflag:$0x5] =	stream.linear.gather [hbm4b:s20+s31], $0x1400, $0x38;
	[tilespmem:$0x1E120] =	vst v63  }
0xfc: {  	_ =	swait.ge [sflag:s22], $0x1400  }
0xfd: {  	[sflag:s22] =	ssyncset.done $0x0  }
0xfe: {  	s24 =	simm.s32 $0x50A0;
	[sflag:s22] =	ssyncadd.s32 $0xFFFFEC00  }
0xff: {  	[tilespmem:s24], [sflag:$0x5] =	stream.linear.gather [hbm4b:s20+s31], $0x1400, $0x38;
	[tilespmem:$0x1E120] =	vst v63  }
0x100: {  	_ =	swait.ge [sflag:s22], $0x1400  }
0x101: {  	[sflag:s22] =	ssyncset.done $0x0  }
0x102: {  	s25 =	simm.s32 $0xA0;
	[sflag:s22] =	ssyncadd.s32 $0xFFFFEC00  }
0x103: {  	[tilespmem:s25], [sflag:$0x1] =	stream.indirect.gather [hbm4b:s11+s26], $0x80, s1, s26, $0xb8;
	[tilespmem:$0x1E120] =	vst v63  }
0x104: {  	_ = 	snop  }
0x105: {  	[tilespmem:s21], [sflag:$0x1] =	stream.indirect.gather [hbm4b:s13+s26], $0x80, s31, s26, $0xb8;
	[tilespmem:$0x1E120] =	vst v63  }
0x106: {  	p1 =	por $0x0, $0x0  }
0x107: {  	[tilespmem:s24], [sflag:$0x1] =	stream.indirect.gather [hbm4b:s14+s26], $0x80, s31, s26, $0xb8;
	[tilespmem:$0x1E120] =	vst v63  }
.LBB2_12:
0x108: {  	p2 =	seq.s32 s31, $0xF9  }
0x109: {  	s1 =	smov.u32 s31;
	s4 =	simm.s32 @p2 $0x3  }
0x10a: {  	s0 =	sand.u32 $0x1, s31;
	s31 =	sadd.s32 $0x1, s31;
	_ =	swait.ge @p2 [sflag:s4], $0x1400  }
0x10b: {  	s12 =	smul.u32 $0x28, s31;
	[sflag:s4] =	ssyncset.done @p2 $0x0  }
0x10c: {  	s16 =	sxor.u32 $0x1, s0;
	[sflag:s4] =	ssyncadd.s32 @p2 $0xFFFFEC00;
	s4 =	simm.s32 @p2 $0x4  }
0x10d: {  	s20 =	simm.s32 @!p2 $0x0;
	p3 =	seq.s32 @!p2 s1, $0x0;
	_ =	swait.ge @p2 [sflag:s4], $0x280  }
0x10e: {  	s17 =	smul.u32 @!p2 $0xA0, s16;
	s12 =	sadd.s32 s29, s12;
	[sflag:s4] =	ssyncset.done @p2 $0x0  }
0x10f: {  	p3 =	por p3, p2;
	[sflag:s4] =	ssyncadd.s32 @p2 $0xFFFFFD80;
	s4 =	sshrl.u32 @!p2 s12, $0x3  }
0x110: {  	s1 =	simm.s32 @!p3 $0x3;
	s17 =	sshrl.u32 @!p2 s17, $0x2;
	s19 =	sadd.s32 @!p2 s5, s4  }
0x111: {  	[tilespmem:s17], [sflag:$0x2] =	stream.linear.gather @!p2 [hbm4b:s19+s20], $0x28, $0x38;
	[tilespmem:$0x1E120] =	vst v63  }
0x112: {  	_ =	swait.ge @!p3 [sflag:s1], $0x1400  }
0x113: {  	[sflag:s1] =	ssyncset.done @!p3 $0x0  }
0x114: {  	[sflag:s1] =	ssyncadd.s32 @!p3 $0xFFFFEC00;
	s1 =	simm.s32 @!p3 $0x4  }
0x115: {  	_ =	swait.ge @!p3 [sflag:s1], $0x280  }
0x116: {  	[sflag:s1] =	ssyncset.done @!p3 $0x0  }
0x117: {  	s4 =	sadd.s32 @!p2 s9, s4;
	[sflag:s1] =	ssyncadd.s32 @!p3 $0xFFFFFD80;
	s1 =	sadd.s32 @!p2 $0x50, s17  }
0x118: {  	[tilespmem:s1], [sflag:$0x2] =	stream.linear.gather @!p2 [hbm4b:s4+s20], $0x28, $0x38;
	[tilespmem:$0x1E120] =	vst v63  }
0x119: {  	s1 =	smul.u32 @!p2 $0x1400, s16  }
0x11a: {  	s4 =	sshll.u32 @!p2 s12, $0x4  }
0x11b: {  	s4 =	sadd.s32 @!p2 s15, s4;
	s12 =	sadd.s32 @!p2 $0x28A0, s1  }
0x11c: {  	[tilespmem:s12], [sflag:$0x2] =	stream.linear.gather @!p2 [hbm4b:s4+s20], $0x1400, $0x38;
	[tilespmem:$0x1E120] =	vst v63  }
0x11d: {  	s17 =	sadd.s32 @!p2 $0x50A0, s1  }
0x11e: {  	[tilespmem:s17], [sflag:$0x2] =	stream.linear.gather @!p2 [hbm4b:s4+s20], $0x1400, $0x38;
	[tilespmem:$0x1E120] =	vst v63  }
0x11f: {  	_ =	swait.ge [sflag:s28], $0x1400  }
0x120: {  	[sflag:s28] =	ssyncset.done $0x0  }
0x121: {  	[sflag:s28] =	ssyncadd.s32 $0xFFFFEC00  }
0x122: {  	_ =	swait.ge [sflag:s28], $0x1400  }
0x123: {  	[sflag:s28] =	ssyncset.done $0x0  }
0x124: {  	[sflag:s28] =	ssyncadd.s32 $0xFFFFEC00  }
0x125: {  	_ =	swait.ge [sflag:s28], $0x1400  }
0x126: {  	[sflag:s28] =	ssyncset.done $0x0  }
0x127: {  	s19 =	simm.s32 @!p2 $0x2;
	[sflag:s28] =	ssyncadd.s32 $0xFFFFEC00  }
0x128: {  	_ =	swait.ge @!p2 [sflag:s19], $0x28  }
0x129: {  	[sflag:s19] =	ssyncset.done @!p2 $0x0  }
0x12a: {  	[sflag:s19] =	ssyncadd.s32 @!p2 $0xFFFFFFD8  }
0x12b: {  	_ =	swait.ge @!p2 [sflag:s19], $0x28  }
0x12c: {  	[sflag:s19] =	ssyncset.done @!p2 $0x0  }
0x12d: {  	[sflag:s19] =	ssyncadd.s32 @!p2 $0xFFFFFFD8  }
0x12e: {  	s4 =	simm.s32 $0x1;
	_ =	swait.ge @!p2 [sflag:s19], $0x1400  }
0x12f: {  	s16 =	smul.u32 @!p2 $0x28, s16;
	s4 =	simm.s32 @!p1 $0x0;
	[sflag:s19] =	ssyncset.done @!p2 $0x0  }
0x130: {  	s24 =	smul.u32 $0x5000, s4;
	[sflag:s19] =	ssyncadd.s32 @!p2 $0xFFFFEC00  }
0x131: {  	s25 =	sadd.s32 @!p2 $0x50, s16;
	_ =	swait.ge @!p2 [sflag:s19], $0x1400  }
0x132: {  	s1 =	sor.u32 @!p2 $0xA0, s1;
	s20 =	sshrl.u32 s24, $0x2;
	[sflag:s19] =	ssyncset.done @!p2 $0x0  }
0x133: {  	s24 =	sor.u32 $0xE0, s20;
	[sflag:s19] =	ssyncadd.s32 @!p2 $0xFFFFEC00;
	s19 =	simm.s32 @!p2 $0x28  }
0x134: {  	[tilespmem:s1], [sflag:$0x1] =	stream.indirect.gather @!p2 [hbm4b:s11+s19], $0x80, s25, s19, $0xb8;
	[tilespmem:$0x1E120] =	vst v63  }
0x135: {  	v1 =	vmov s24;
	s25 =	sadd.s32 $0x2910, s20  }
0x136: {  	v2 =	vmov s25  }
0x137: {  	[tilespmem:s12], [sflag:$0x1] =	stream.indirect.gather @!p2 [hbm4b:s13+s19], $0x80, s16, s19, $0xb8;
	[tilespmem:$0x1E120] =	vst v63  }
0x138: {  	s1 =	simm.s32 $0x0  }
0x139: {  	[tilespmem:s17], [sflag:$0x1] =	stream.indirect.gather @!p2 [hbm4b:s14+s19], $0x80, s16, s19, $0xb8;
	[tilespmem:$0x1E120] =	vst v63  }
0x13a: {  	v3 =	vld.idx.msk [tilespmem:v1+s1+$0xFFFFFFC0 ss:$0x1], $0xffff  }
0x13b: {  	v4 =	vld.idx.msk [tilespmem:v2+s1+$0xFFFFFF90 ss:$0x1], $0xffff  }
0x13c: {  	v6 =	vld.idx.msk [tilespmem:v1+s1+$0xFFFFFFD0 ss:$0x1], $0xffff  }
0x13d: {  	v5 =	vld.idx.msk [tilespmem:v2+s1+$0xFFFFFFA0 ss:$0x1], $0xffff  }
0x13e: {  	v8 =	vld.idx.msk [tilespmem:v1+s1+$0xFFFFFFE0 ss:$0x1], $0xffff  }
0x13f: {  	v7 =	vld.idx.msk [tilespmem:v2+s1+$0xFFFFFFB0 ss:$0x1], $0xffff  }
0x140: {  	v9 =	vld.idx.msk [tilespmem:v2+s1+$0xFFFFFFC0 ss:$0x1], $0xffff;
	v3 =	vmul.f32 v4, v3  }
0x141: {  	v4 =	vld.idx.msk [tilespmem:v1+s1+$0xFFFFFFF0 ss:$0x1], $0xffff  }
0x142: {  	v5 =	vmul.f32 v5, v6;
	v3 =	vadd.f32 $0.0e+00, v3;
	_ =	sdelay $0x1  }
0x143: {  	v3 =	vadd.f32 v5, v3;
	v5 =	vmul.f32 v7, v8;
	_ =	sdelay $0x1  }
0x144: {  	v4 =	vmul.f32 v9, v4;
	v3 =	vadd.f32 v5, v3;
	_ =	sdelay $0x1  }
0x145: {  	v3 =	vadd.f32 v4, v3;
	_ =	sdelay $0x1  }
0x146: {  	(xrf2) =	vadd.scan.msk.f32 $0xffff, v3;
	_ =	sdelay $0x9  }
0x147: {  	v3, _, _ =	vpop (xrf2)  }
0x148: {  	(v2sf) =	vpush v3, $0xF;
	_ =	sdelay $0xe  }
0x149: {  	s16 =	spop (v2sf)  }
0x14a: {  	s12 =	smul.f32 $1.250000000e-01, s16;
	_ =	sdelay $0x1  }
0x14b: {  	v3 =	vmov s12  }
0x14c: {  	v3 =	vmul.f32 $1.442695020e+00, v3;
	_ =	sdelay $0x1  }
0x14d: {  	v4 =	vbroadcast v3, $0x0  }
0x14e: {  	s17 =	sadd.s32 $0x5110, s20  }
0x14f: {  	v3 =	vmov s17;
	(erf) = vpow2.f32 v4;
	_ =	sdelay $0x4  }
0x150: {  	v4 =	vld.idx.msk [tilespmem:v3+s1+$0xFFFFFF90 ss:$0x1], $0xffff;
	_ =	sdelay $0x3  }
0x151: {  	v6 =	vpop (erf)  }
0x152: {  	v4 =	vmul.f32 v6, v4;
	_ =	sdelay $0x1  }
0x153: {  	[tilespmem:v3+s1+$0xFFFFFF90 ss:$0x1] =	vst.idx.msk $0xffff, v4  }
0x154: {  	v4 =	vld.idx.msk [tilespmem:v3+s1+$0xFFFFFFA0 ss:$0x1], $0xffff;
	_ =	sdelay $0x4  }
0x155: {  	v4 =	vmul.f32 v6, v4;
	_ =	sdelay $0x1  }
0x156: {  	[tilespmem:v3+s1+$0xFFFFFFA0 ss:$0x1] =	vst.idx.msk $0xffff, v4  }
0x157: {  	v4 =	vld.idx.msk [tilespmem:v3+s1+$0xFFFFFFB0 ss:$0x1], $0xffff;
	_ =	sdelay $0x4  }
0x158: {  	v4 =	vmul.f32 v6, v4;
	_ =	sdelay $0x1  }
0x159: {  	[tilespmem:v3+s1+$0xFFFFFFB0 ss:$0x1] =	vst.idx.msk $0xffff, v4  }
0x15a: {  	v4 =	vld.idx.msk [tilespmem:v3+s1+$0xFFFFFFC0 ss:$0x1], $0xffff;
	_ =	sdelay $0x4  }
0x15b: {  	v4 =	vmul.f32 v6, v4;
	_ =	sdelay $0x1  }
0x15c: {  	[tilespmem:v3+s1+$0xFFFFFFC0 ss:$0x1] =	vst.idx.msk $0xffff, v4  }
0x15d: {  	v4 =	vld.idx.msk [tilespmem:v1+s1+$0x0 ss:$0x1], $0xffff  }
0x15e: {  	v5 =	vld.idx.msk [tilespmem:v2+s1+$0xFFFFFFD0 ss:$0x1], $0xffff  }
0x15f: {  	v7 =	vld.idx.msk [tilespmem:v2+s1+$0xFFFFFFE0 ss:$0x1], $0xffff  }
0x160: {  	v8 =	vld.idx.msk [tilespmem:v1+s1+$0x10 ss:$0x1], $0xffff  }
0x161: {  	v63 =	vld.idx.msk [tilespmem:v2+s1+$0xFFFFFFF0 ss:$0x1], $0xffff  }
0x162: {  	v10 =	vld.idx.msk [tilespmem:v1+s1+$0x20 ss:$0x1], $0xffff  }
0x163: {  	v11 =	vld.idx.msk [tilespmem:v2+s1+$0x0 ss:$0x1], $0xffff;
	v4 =	vmul.f32 v5, v4  }
0x164: {  	v5 =	vld.idx.msk [tilespmem:v1+s1+$0x30 ss:$0x1], $0xffff  }
0x165: {  	v7 =	vmul.f32 v7, v8;
	v4 =	vadd.f32 $0.0e+00, v4;
	_ =	sdelay $0x1  }
0x166: {  	v4 =	vadd.f32 v7, v4;
	v7 =	vmul.f32 v63, v10;
	_ =	sdelay $0x1  }
0x167: {  	v5 =	vmul.f32 v11, v5;
	v4 =	vadd.f32 v7, v4;
	_ =	sdelay $0x1  }
0x168: {  	v4 =	vadd.f32 v5, v4;
	_ =	sdelay $0x1  }
0x169: {  	(xrf2) =	vadd.scan.msk.f32 $0xffff, v4;
	_ =	sdelay $0x9  }
0x16a: {  	v4, _, _ =	vpop (xrf2)  }
0x16b: {  	(v2sf) =	vpush v4, $0xF;
	_ =	sdelay $0xe  }
0x16c: {  	s19 =	spop (v2sf)  }
0x16d: {  	s12 =	smul.f32 $1.250000000e-01, s19;
	_ =	sdelay $0x1  }
0x16e: {  	v4 =	vmov s12  }
0x16f: {  	v4 =	vmul.f32 $1.442695020e+00, v4;
	_ =	sdelay $0x1  }
0x170: {  	v4 =	vbroadcast v4, $0x0;
	_ =	sdelay $0x1  }
0x171: {  	(erf) = vpow2.f32 v4;
	_ =	sdelay $0x4  }
0x172: {  	v4 =	vld.idx.msk [tilespmem:v3+s1+$0xFFFFFFD0 ss:$0x1], $0xffff;
	_ =	sdelay $0x3  }
0x173: {  	v5 =	vpop (erf)  }
0x174: {  	v4 =	vmul.f32 v5, v4;
	_ =	sdelay $0x1  }
0x175: {  	[tilespmem:v3+s1+$0xFFFFFFD0 ss:$0x1] =	vst.idx.msk $0xffff, v4  }
0x176: {  	v4 =	vld.idx.msk [tilespmem:v3+s1+$0xFFFFFFE0 ss:$0x1], $0xffff;
	_ =	sdelay $0x4  }
0x177: {  	v4 =	vmul.f32 v5, v4;
	_ =	sdelay $0x1  }
0x178: {  	[tilespmem:v3+s1+$0xFFFFFFE0 ss:$0x1] =	vst.idx.msk $0xffff, v4  }
0x179: {  	v4 =	vld.idx.msk [tilespmem:v3+s1+$0xFFFFFFF0 ss:$0x1], $0xffff;
	_ =	sdelay $0x3  }
0x17a: {  	s4 =	smul.u32 $0xA00, s4  }
0x17b: {  	s20 =	smul.u32 $0xA00, s0;
	v4 =	vmul.f32 v5, v4  }
0x17c: {  	s4 =	sshrl.u32 s4, $0x2;
	s24 =	smul.u32 $0x1400, s0  }
0x17d: {  	s4 =	sadd.s32 $0x78A0, s4;
	s25 =	sshrl.u32 s20, $0x2;
	s20 =	simm.s32 $0x200;
	v7 =	vsel vm0, $0x0, v5;
	[tilespmem:v3+s1+$0xFFFFFFF0 ss:$0x1] =	vst.idx.msk $0xffff, v4  }
0x17e: {  	s17 =	sadd.s32 $0x78A0, s25;
	s19 =	smov.u32 s4;
	s12 =	sadd.s32 $0x50A0, s24;
	v4 =	vsel vm1, v6, v7;
	v6 =	vld.idx.msk [tilespmem:v3+s1+$0x0 ss:$0x1], $0xffff  }
.LBB2_13:
0x17f: {  	_ =	sdelay $0x2  }
0x180: {  	p2 =	sne.s32 s20, $0x4E00  }
0x181: {  	s4 =	sadd.s32 $0x10, s4;
	s16 =	smov.u32 s20;
	s20 =	sadd.s32 $0x200, s20;
	v5 =	vmul.f32 v5, v6  }
0x182: {  	_ = 	snop  }
0x183: {  	[tilespmem:v3+s1+$0x0 ss:$0x1] =	vst.idx.msk $0xffff, v5  }
0x184: {  	s1 =	sshra.s32 s16, $0x2;
	[tilespmem:s19+$0x0] =	vst v4;
	s19 =	smov.u32 s4  }
0x185: {  	v4 =	vld.idx.msk [tilespmem:v2+s1+$0xFFFFFFA0 ss:$0x1], $0xffff  }
0x186: {  	v5 =	vld.idx.msk [tilespmem:v1+s1+$0xFFFFFFC0 ss:$0x1], $0xffff  }
0x187: {  	v6 =	vld.idx.msk [tilespmem:v2+s1+$0xFFFFFF90 ss:$0x1], $0xffff;
	_ =	sdelay $0x1  }
0x188: {  	v7 =	vld.idx.msk [tilespmem:v1+s1+$0xFFFFFFD0 ss:$0x1], $0xffff  }
0x189: {  	v8 =	vld.idx.msk [tilespmem:v2+s1+$0xFFFFFFB0 ss:$0x1], $0xffff  }
0x18a: {  	v9 =	vld.idx.msk [tilespmem:v1+s1+$0xFFFFFFE0 ss:$0x1], $0xffff  }
0x18b: {  	v10 =	vld.idx.msk [tilespmem:v2+s1+$0xFFFFFFC0 ss:$0x1], $0xffff  }
0x18c: {  	v5 =	vmul.f32 v6, v5;
	v6 =	vld.idx.msk [tilespmem:v1+s1+$0xFFFFFFF0 ss:$0x1], $0xffff;
	_ =	sdelay $0x1  }
0x18d: {  	v5 =	vadd.f32 $0.0e+00, v5;
	v4 =	vmul.f32 v4, v7;
	_ =	sdelay $0x1  }
0x18e: {  	v4 =	vadd.f32 v4, v5;
	v5 =	vmul.f32 v8, v9;
	_ =	sdelay $0x1  }
0x18f: {  	v4 =	vadd.f32 v5, v4;
	v5 =	vmul.f32 v10, v6;
	_ =	sdelay $0x1  }
0x190: {  	v4 =	vadd.f32 v5, v4;
	_ =	sdelay $0x1  }
0x191: {  	(xrf2) =	vadd.scan.msk.f32 $0xffff, v4;
	_ =	sdelay $0x9  }
0x192: {  	v4, _, _ =	vpop (xrf2)  }
0x193: {  	(v2sf) =	vpush v4, $0xF;
	_ =	sdelay $0xe  }
0x194: {  	s16 =	spop (v2sf)  }
0x195: {  	s16 =	smul.f32 $1.250000000e-01, s16;
	_ =	sdelay $0x1  }
0x196: {  	v4 =	vmov s16  }
0x197: {  	v4 =	vmul.f32 $1.442695020e+00, v4;
	_ =	sdelay $0x1  }
0x198: {  	v4 =	vbroadcast v4, $0x0;
	_ =	sdelay $0x1  }
0x199: {  	(erf) = vpow2.f32 v4;
	_ =	sdelay $0x3  }
0x19a: {  	v5 =	vld.idx.msk [tilespmem:v3+s1+$0xFFFFFF90 ss:$0x1], $0xffff;
	_ =	sdelay $0x4  }
0x19b: {  	v4 =	vpop (erf)  }
0x19c: {  	v5 =	vmul.f32 v4, v5;
	_ =	sdelay $0x1  }
0x19d: {  	[tilespmem:v3+s1+$0xFFFFFF90 ss:$0x1] =	vst.idx.msk $0xffff, v5  }
0x19e: {  	v5 =	vld.idx.msk [tilespmem:v3+s1+$0xFFFFFFA0 ss:$0x1], $0xffff;
	_ =	sdelay $0x5  }
0x19f: {  	v5 =	vmul.f32 v4, v5;
	_ =	sdelay $0x1  }
0x1a0: {  	[tilespmem:v3+s1+$0xFFFFFFA0 ss:$0x1] =	vst.idx.msk $0xffff, v5  }
0x1a1: {  	v5 =	vld.idx.msk [tilespmem:v3+s1+$0xFFFFFFB0 ss:$0x1], $0xffff;
	_ =	sdelay $0x5  }
0x1a2: {  	v5 =	vmul.f32 v4, v5;
	_ =	sdelay $0x1  }
0x1a3: {  	[tilespmem:v3+s1+$0xFFFFFFB0 ss:$0x1] =	vst.idx.msk $0xffff, v5  }
0x1a4: {  	v5 =	vld.idx.msk [tilespmem:v3+s1+$0xFFFFFFC0 ss:$0x1], $0xffff;
	_ =	sdelay $0x5  }
0x1a5: {  	v5 =	vmul.f32 v4, v5;
	_ =	sdelay $0x1  }
0x1a6: {  	[tilespmem:v3+s1+$0xFFFFFFC0 ss:$0x1] =	vst.idx.msk $0xffff, v5  }
0x1a7: {  	v5 =	vld.idx.msk [tilespmem:v1+s1+$0x0 ss:$0x1], $0xffff  }
0x1a8: {  	v6 =	vld.idx.msk [tilespmem:v2+s1+$0xFFFFFFD0 ss:$0x1], $0xffff  }
0x1a9: {  	v7 =	vld.idx.msk [tilespmem:v2+s1+$0xFFFFFFE0 ss:$0x1], $0xffff  }
0x1aa: {  	v8 =	vld.idx.msk [tilespmem:v1+s1+$0x10 ss:$0x1], $0xffff  }
0x1ab: {  	v9 =	vld.idx.msk [tilespmem:v2+s1+$0xFFFFFFF0 ss:$0x1], $0xffff  }
0x1ac: {  	v10 =	vld.idx.msk [tilespmem:v1+s1+$0x20 ss:$0x1], $0xffff  }
0x1ad: {  	v11 =	vld.idx.msk [tilespmem:v2+s1+$0x0 ss:$0x1], $0xffff  }
0x1ae: {  	v5 =	vmul.f32 v6, v5;
	v6 =	vld.idx.msk [tilespmem:v1+s1+$0x30 ss:$0x1], $0xffff;
	_ =	sdelay $0x1  }
0x1af: {  	v5 =	vadd.f32 $0.0e+00, v5;
	v7 =	vmul.f32 v7, v8;
	_ =	sdelay $0x1  }
0x1b0: {  	v5 =	vadd.f32 v7, v5;
	v7 =	vmul.f32 v9, v10;
	_ =	sdelay $0x1  }
0x1b1: {  	v5 =	vadd.f32 v7, v5;
	v6 =	vmul.f32 v11, v6;
	_ =	sdelay $0x1  }
0x1b2: {  	v5 =	vadd.f32 v6, v5;
	_ =	sdelay $0x1  }
0x1b3: {  	(xrf2) =	vadd.scan.msk.f32 $0xffff, v5;
	_ =	sdelay $0x9  }
0x1b4: {  	v5, _, _ =	vpop (xrf2)  }
0x1b5: {  	(v2sf) =	vpush v5, $0xF;
	_ =	sdelay $0xe  }
0x1b6: {  	s16 =	spop (v2sf)  }
0x1b7: {  	s16 =	smul.f32 $1.250000000e-01, s16;
	_ =	sdelay $0x1  }
0x1b8: {  	v5 =	vmov s16  }
0x1b9: {  	v5 =	vmul.f32 $1.442695020e+00, v5;
	_ =	sdelay $0x1  }
0x1ba: {  	v5 =	vbroadcast v5, $0x0;
	_ =	sdelay $0x1  }
0x1bb: {  	(erf) = vpow2.f32 v5;
	_ =	sdelay $0x3  }
0x1bc: {  	v6 =	vld.idx.msk [tilespmem:v3+s1+$0xFFFFFFD0 ss:$0x1], $0xffff;
	_ =	sdelay $0x4  }
0x1bd: {  	v5 =	vpop (erf)  }
0x1be: {  	v6 =	vmul.f32 v5, v6;
	v7 =	vsel vm0, $0x0, v5  }
0x1bf: {  	v4 =	vsel vm1, v4, v7  }
0x1c0: {  	[tilespmem:v3+s1+$0xFFFFFFD0 ss:$0x1] =	vst.idx.msk $0xffff, v6  }
0x1c1: {  	v6 =	vld.idx.msk [tilespmem:v3+s1+$0xFFFFFFE0 ss:$0x1], $0xffff;
	_ =	sdelay $0x5  }
0x1c2: {  	v6 =	vmul.f32 v5, v6;
	_ =	sdelay $0x1  }
0x1c3: {  	[tilespmem:v3+s1+$0xFFFFFFE0 ss:$0x1] =	vst.idx.msk $0xffff, v6  }
0x1c4: {  	v6 =	vld.idx.msk [tilespmem:v3+s1+$0xFFFFFFF0 ss:$0x1], $0xffff;
	_ =	sdelay $0x4  }
.Ltmp4:
0x1c5: {  	(pc) =	sbr.rel @p2 .LBB2_13-.Ltmp4, $3  }
0x1c6: {  	v6 =	vmul.f32 v5, v6;
	_ =	sdelay $0x1  }
0x1c7: {  	[tilespmem:v3+s1+$0xFFFFFFF0 ss:$0x1] =	vst.idx.msk $0xffff, v6  }
0x1c8: {  	v6 =	vld.idx.msk [tilespmem:v3+s1+$0x0 ss:$0x1], $0xffff  }
0x1c9: {  	_ =	sdelay $0x3  }
0x1ca: {  	s0 =	smul.u32 $0xA0, s0;
	v1 =	vmul.f32 v5, v6  }
0x1cb: {  	p2 =	sne.s32 s31, $0xFA  }
.Ltmp5:
0x1cc: {  	s0 =	sshrl.u32 s0, $0x2;
	[tilespmem:v3+s1+$0x0 ss:$0x1] =	vst.idx.msk $0xffff, v1;
	(pc) =	sbr.rel @p2 .LBB2_12-.Ltmp5, $4  }
0x1cd: {  	s0 =	sadd.s32 $0x50, s0;
	[tilespmem:s19+$0x0] =	vst v4  }
0x1ce: {  	[spmem:s2] =	stream.indirect.scatter.add.f32 [tilespmem:s12], [sflag:$0x3], $0x80, s0, s26, $0xb8;
	[tilespmem:$0x1E120] =	vst v63  }
0x1cf: {  	p1 =	por !p1, !p1  }
0x1d0: {  	[spmem:s3] =	stream.indirect.scatter.add.f32 [tilespmem:s17], [sflag:$0x4], $0x10, s0, s26, $0xb8;
	[tilespmem:$0x1E120] =	vst v63  }
.Ltmp6:
0x1d1: {  	(pc) =	sbr.rel .LBB2_16-.Ltmp6, $3  }
0x1d2: {  	_ =	sdelay $0x1  }
0x1d3: {  	s1 =	rddreg [dreg:$0x5]  }
0x1d4: {  	s0 =	rddreg [dreg:$0x7]  }
.LBB2_2:
0x1d5: {  	[tilespmem:s0+$0xFFFFFFD0] =	vst v0  }
0x1d6: {  	[tilespmem:s0+$0xFFFFFFE0] =	vst v0  }
0x1d7: {  	[tilespmem:s0+$0xFFFFFFF0] =	vst v0  }
0x1d8: {  	[tilespmem:s0+$0x0] =	vst v0  }
0x1d9: {  	[tilespmem:s0+$0x10] =	vst v0  }
0x1da: {  	[tilespmem:s0+$0x20] =	vst v0  }
0x1db: {  	[tilespmem:s0+$0x30] =	vst v0;
	s1 =	simm.s32 $0x0  }
0x1dc: {  	[tilespmem:s0+$0xFFFFFFC0] =	vst v0;
	s4 =	sshra.s32 s1, $0x2;
	s1 =	sadd.s32 $0x40, s1  }
.LBB2_3:
0x1dd: {  	p1 =	sne.s32 s1, $0x9C0;
	[tilespmem:s4+$0x78A0] =	vst v0;
	s0 =	sadd.s32 $0x80, s0  }
0x1de: {  	[tilespmem:s0+$0xFFFFFFD0] =	vst v0  }
0x1df: {  	[tilespmem:s0+$0xFFFFFFE0] =	vst v0  }
0x1e0: {  	[tilespmem:s0+$0xFFFFFFF0] =	vst v0  }
.Ltmp7:
0x1e1: {  	[tilespmem:s0+$0x0] =	vst v0;
	(pc) =	sbr.rel @p1 .LBB2_3-.Ltmp7, $4  }
0x1e2: {  	[tilespmem:s0+$0x10] =	vst v0  }
0x1e3: {  	[tilespmem:s0+$0x20] =	vst v0  }
0x1e4: {  	[tilespmem:s0+$0x30] =	vst v0  }
0x1e5: {  	s4 =	sshra.s32 s1, $0x2;
	s1 =	sadd.s32 $0x40, s1;
	[tilespmem:s0+$0xFFFFFFC0] =	vst v0  }
0x1e6: {  	[tilespmem:s4+$0x78A0] =	vst v0  }
0x1e7: {  	[spmem:s16] =	stream.linear.scatter [tilespmem:s21], [sflag:$0x5], $0x1400, $0x38;
	[tilespmem:$0x1E120] =	vst v63  }
0x1e8: {  	_ =	swait.ge [sflag:s22], $0x1400  }
0x1e9: {  	[sflag:s22] =	ssyncset.done $0x0  }
0x1ea: {  	[sflag:s22] =	ssyncadd.s32 $0xFFFFEC00  }
0x1eb: {  	[spmem:s18] =	stream.linear.scatter [tilespmem:s23], [sflag:$0x5], $0x280, $0x38;
	[tilespmem:$0x1E120] =	vst v63  }
0x1ec: {  	_ =	swait.ge [sflag:s22], $0x280  }
0x1ed: {  	[sflag:s22] =	ssyncset.done $0x0  }
0x1ee: {  	s0 =	rddreg [dreg:$0x8];
	[sflag:s22] =	ssyncadd.s32 $0xFFFFFD80  }
0x1ef: {  	[spmem:s0] =	stream.linear.scatter [tilespmem:s21], [sflag:$0x5], $0x1400, $0x38;
	[tilespmem:$0x1E120] =	vst v63  }
0x1f0: {  	_ =	swait.ge [sflag:s22], $0x1400  }
0x1f1: {  	[sflag:s22] =	ssyncset.done $0x0  }
0x1f2: {  	s12 =	rddreg [dreg:$0x9];
	[sflag:s22] =	ssyncadd.s32 $0xFFFFEC00  }
0x1f3: {  	[spmem:s12] =	stream.linear.scatter [tilespmem:s23], [sflag:$0x5], $0x280, $0x38;
	[tilespmem:$0x1E120] =	vst v63  }
0x1f4: {  	_ =	swait.ge [sflag:s22], $0x280  }
0x1f5: {  	[sflag:s22] =	ssyncset.done $0x0  }
0x1f6: {  	s16 =	rddreg [dreg:$0xa];
	[sflag:s22] =	ssyncadd.s32 $0xFFFFFD80  }
0x1f7: {  	[spmem:s16] =	stream.linear.scatter [tilespmem:s21], [sflag:$0x5], $0x1400, $0x38;
	[tilespmem:$0x1E120] =	vst v63  }
0x1f8: {  	_ =	swait.ge [sflag:s22], $0x1400  }
0x1f9: {  	[sflag:s22] =	ssyncset.done $0x0  }
0x1fa: {  	s17 =	rddreg [dreg:$0xb];
	[sflag:s22] =	ssyncadd.s32 $0xFFFFEC00  }
0x1fb: {  	[spmem:s17] =	stream.linear.scatter [tilespmem:s23], [sflag:$0x5], $0x280, $0x38;
	[tilespmem:$0x1E120] =	vst v63  }
0x1fc: {  	_ =	swait.ge [sflag:s22], $0x280  }
0x1fd: {  	[sflag:s22] =	ssyncset.done $0x0  }
0x1fe: {  	s19 =	rddreg [dreg:$0xc];
	[sflag:s22] =	ssyncadd.s32 $0xFFFFFD80  }
0x1ff: {  	[spmem:s19] =	stream.linear.scatter [tilespmem:s21], [sflag:$0x5], $0x1400, $0x38;
	[tilespmem:$0x1E120] =	vst v63  }
0x200: {  	_ =	swait.ge [sflag:s22], $0x1400  }
0x201: {  	[sflag:s22] =	ssyncset.done $0x0  }
0x202: {  	s20 =	rddreg [dreg:$0xd];
	[sflag:s22] =	ssyncadd.s32 $0xFFFFEC00  }
0x203: {  	[spmem:s20] =	stream.linear.scatter [tilespmem:s23], [sflag:$0x5], $0x280, $0x38;
	[tilespmem:$0x1E120] =	vst v63  }
0x204: {  	_ =	swait.ge [sflag:s22], $0x280  }
0x205: {  	[sflag:s22] =	ssyncset.done $0x0  }
0x206: {  	s24 =	rddreg [dreg:$0xe];
	[sflag:s22] =	ssyncadd.s32 $0xFFFFFD80  }
0x207: {  	[spmem:s24] =	stream.linear.scatter [tilespmem:s21], [sflag:$0x5], $0x1400, $0x38;
	[tilespmem:$0x1E120] =	vst v63  }
0x208: {  	_ =	swait.ge [sflag:s22], $0x1400  }
0x209: {  	[sflag:s22] =	ssyncset.done $0x0  }
0x20a: {  	s25 =	rddreg [dreg:$0xf];
	[sflag:s22] =	ssyncadd.s32 $0xFFFFEC00  }
0x20b: {  	[spmem:s25] =	stream.linear.scatter [tilespmem:s23], [sflag:$0x5], $0x280, $0x38;
	[tilespmem:$0x1E120] =	vst v63  }
0x20c: {  	_ =	swait.ge [sflag:s22], $0x280  }
0x20d: {  	[sflag:s22] =	ssyncset.done $0x0  }
0x20e: {  	s1 =	rddreg [dreg:$0x10];
	[sflag:s22] =	ssyncadd.s32 $0xFFFFFD80  }
0x20f: {  	[spmem:s1] =	stream.linear.scatter [tilespmem:s21], [sflag:$0x5], $0x1400, $0x38;
	[tilespmem:$0x1E120] =	vst v63  }
0x210: {  	_ =	swait.ge [sflag:s22], $0x1400  }
0x211: {  	[sflag:s22] =	ssyncset.done $0x0  }
0x212: {  	s4 =	rddreg [dreg:$0x11];
	[sflag:s22] =	ssyncadd.s32 $0xFFFFEC00  }
0x213: {  	[spmem:s4] =	stream.linear.scatter [tilespmem:s23], [sflag:$0x5], $0x280, $0x38;
	[tilespmem:$0x1E120] =	vst v63  }
0x214: {  	_ =	swait.ge [sflag:s22], $0x280  }
0x215: {  	[sflag:s22] =	ssyncset.done $0x0  }
0x216: {  	s12 =	rddreg [dreg:$0x12];
	[sflag:s22] =	ssyncadd.s32 $0xFFFFFD80  }
0x217: {  	[spmem:s12] =	stream.linear.scatter [tilespmem:s21], [sflag:$0x5], $0x1400, $0x38;
	[tilespmem:$0x1E120] =	vst v63  }
0x218: {  	_ =	swait.ge [sflag:s22], $0x1400  }
0x219: {  	[sflag:s22] =	ssyncset.done $0x0  }
0x21a: {  	s16 =	rddreg [dreg:$0x13];
	[sflag:s22] =	ssyncadd.s32 $0xFFFFEC00  }
0x21b: {  	[spmem:s16] =	stream.linear.scatter [tilespmem:s23], [sflag:$0x5], $0x280, $0x38;
	[tilespmem:$0x1E120] =	vst v63  }
0x21c: {  	_ =	swait.ge [sflag:s22], $0x280  }
0x21d: {  	[sflag:s22] =	ssyncset.done $0x0  }
0x21e: {  	s17 =	rddreg [dreg:$0x14];
	[sflag:s22] =	ssyncadd.s32 $0xFFFFFD80  }
0x21f: {  	[spmem:s17] =	stream.linear.scatter [tilespmem:s21], [sflag:$0x5], $0x1400, $0x38;
	[tilespmem:$0x1E120] =	vst v63  }
0x220: {  	_ =	swait.ge [sflag:s22], $0x1400  }
0x221: {  	[sflag:s22] =	ssyncset.done $0x0  }
0x222: {  	s19 =	rddreg [dreg:$0x15];
	[sflag:s22] =	ssyncadd.s32 $0xFFFFEC00  }
0x223: {  	[spmem:s19] =	stream.linear.scatter [tilespmem:s23], [sflag:$0x5], $0x280, $0x38;
	[tilespmem:$0x1E120] =	vst v63  }
0x224: {  	_ =	swait.ge [sflag:s22], $0x280  }
0x225: {  	[sflag:s22] =	ssyncset.done $0x0  }
0x226: {  	s20 =	rddreg [dreg:$0x16];
	[sflag:s22] =	ssyncadd.s32 $0xFFFFFD80  }
0x227: {  	[spmem:s20] =	stream.linear.scatter [tilespmem:s21], [sflag:$0x5], $0x1400, $0x38;
	[tilespmem:$0x1E120] =	vst v63  }
0x228: {  	_ =	swait.ge [sflag:s22], $0x1400  }
0x229: {  	[sflag:s22] =	ssyncset.done $0x0  }
0x22a: {  	s24 =	rddreg [dreg:$0x17];
	[sflag:s22] =	ssyncadd.s32 $0xFFFFEC00  }
0x22b: {  	[spmem:s24] =	stream.linear.scatter [tilespmem:s23], [sflag:$0x5], $0x280, $0x38;
	[tilespmem:$0x1E120] =	vst v63  }
0x22c: {  	_ =	swait.ge [sflag:s22], $0x280  }
0x22d: {  	[sflag:s22] =	ssyncset.done $0x0  }
0x22e: {  	s25 =	rddreg [dreg:$0x18];
	[sflag:s22] =	ssyncadd.s32 $0xFFFFFD80  }
0x22f: {  	[spmem:s25] =	stream.linear.scatter [tilespmem:s21], [sflag:$0x5], $0x1400, $0x38;
	[tilespmem:$0x1E120] =	vst v63  }
0x230: {  	_ =	swait.ge [sflag:s22], $0x1400  }
0x231: {  	[sflag:s22] =	ssyncset.done $0x0  }
0x232: {  	s1 =	rddreg [dreg:$0x19];
	[sflag:s22] =	ssyncadd.s32 $0xFFFFEC00  }
0x233: {  	[spmem:s1] =	stream.linear.scatter [tilespmem:s23], [sflag:$0x5], $0x280, $0x38;
	[tilespmem:$0x1E120] =	vst v63  }
0x234: {  	_ =	swait.ge [sflag:s22], $0x280  }
0x235: {  	[sflag:s22] =	ssyncset.done $0x0  }
0x236: {  	s4 =	rddreg [dreg:$0x1a];
	[sflag:s22] =	ssyncadd.s32 $0xFFFFFD80  }
0x237: {  	[spmem:s4] =	stream.linear.scatter [tilespmem:s21], [sflag:$0x5], $0x1400, $0x38;
	[tilespmem:$0x1E120] =	vst v63  }
0x238: {  	_ =	swait.ge [sflag:s22], $0x1400  }
0x239: {  	[sflag:s22] =	ssyncset.done $0x0  }
0x23a: {  	s12 =	rddreg [dreg:$0x1b];
	[sflag:s22] =	ssyncadd.s32 $0xFFFFEC00  }
0x23b: {  	[spmem:s12] =	stream.linear.scatter [tilespmem:s23], [sflag:$0x5], $0x280, $0x38;
	[tilespmem:$0x1E120] =	vst v63  }
0x23c: {  	_ =	swait.ge [sflag:s22], $0x280  }
0x23d: {  	[sflag:s22] =	ssyncset.done $0x0  }
0x23e: {  	s16 =	rddreg [dreg:$0x1c];
	[sflag:s22] =	ssyncadd.s32 $0xFFFFFD80  }
0x23f: {  	[spmem:s16] =	stream.linear.scatter [tilespmem:s21], [sflag:$0x5], $0x1400, $0x38;
	[tilespmem:$0x1E120] =	vst v63  }
0x240: {  	_ =	swait.ge [sflag:s22], $0x1400  }
0x241: {  	[sflag:s22] =	ssyncset.done $0x0  }
0x242: {  	s17 =	rddreg [dreg:$0x1d];
	[sflag:s22] =	ssyncadd.s32 $0xFFFFEC00  }
0x243: {  	[spmem:s17] =	stream.linear.scatter [tilespmem:s23], [sflag:$0x5], $0x280, $0x38;
	[tilespmem:$0x1E120] =	vst v63  }
0x244: {  	_ =	swait.ge [sflag:s22], $0x280  }
0x245: {  	[sflag:s22] =	ssyncset.done $0x0  }
0x246: {  	s19 =	rddreg [dreg:$0x1e];
	[sflag:s22] =	ssyncadd.s32 $0xFFFFFD80  }
0x247: {  	[spmem:s19] =	stream.linear.scatter [tilespmem:s21], [sflag:$0x5], $0x1400, $0x38;
	[tilespmem:$0x1E120] =	vst v63  }
0x248: {  	_ =	swait.ge [sflag:s22], $0x1400  }
0x249: {  	[sflag:s22] =	ssyncset.done $0x0  }
0x24a: {  	s20 =	rddreg [dreg:$0x1f];
	[sflag:s22] =	ssyncadd.s32 $0xFFFFEC00  }
0x24b: {  	[spmem:s20] =	stream.linear.scatter [tilespmem:s23], [sflag:$0x5], $0x280, $0x38;
	[tilespmem:$0x1E120] =	vst v63  }
0x24c: {  	_ =	swait.ge [sflag:s22], $0x280  }
0x24d: {  	s24 =	sld [smem:$0x7F0]  }
0x24e: {  	[sflag:s22] =	ssyncset.done $0x0  }
0x24f: {  	[sflag:s22] =	ssyncadd.s32 $0xFFFFFD80  }
0x250: {  	[spmem:s24] =	stream.linear.scatter [tilespmem:s21], [sflag:$0x5], $0x1400, $0x38;
	[tilespmem:$0x1E120] =	vst v63  }
0x251: {  	_ =	swait.ge [sflag:s22], $0x1400  }
0x252: {  	s25 =	sld [smem:$0x7F1]  }
0x253: {  	[sflag:s22] =	ssyncset.done $0x0  }
0x254: {  	[sflag:s22] =	ssyncadd.s32 $0xFFFFEC00  }
0x255: {  	[spmem:s25] =	stream.linear.scatter [tilespmem:s23], [sflag:$0x5], $0x280, $0x38;
	[tilespmem:$0x1E120] =	vst v63  }
0x256: {  	_ =	swait.ge [sflag:s22], $0x280  }
0x257: {  	s1 =	sld [smem:$0x7F2]  }
0x258: {  	[sflag:s22] =	ssyncset.done $0x0  }
0x259: {  	[sflag:s22] =	ssyncadd.s32 $0xFFFFFD80  }
0x25a: {  	[spmem:s1] =	stream.linear.scatter [tilespmem:s21], [sflag:$0x5], $0x1400, $0x38;
	[tilespmem:$0x1E120] =	vst v63  }
0x25b: {  	_ =	swait.ge [sflag:s22], $0x1400  }
0x25c: {  	s4 =	sld [smem:$0x7F3]  }
0x25d: {  	[sflag:s22] =	ssyncset.done $0x0  }
0x25e: {  	[sflag:s22] =	ssyncadd.s32 $0xFFFFEC00  }
0x25f: {  	[spmem:s4] =	stream.linear.scatter [tilespmem:s23], [sflag:$0x5], $0x280, $0x38;
	[tilespmem:$0x1E120] =	vst v63  }
0x260: {  	_ =	swait.ge [sflag:s22], $0x280  }
0x261: {  	s12 =	sld [smem:$0x7F4]  }
0x262: {  	[sflag:s22] =	ssyncset.done $0x0  }
0x263: {  	[sflag:s22] =	ssyncadd.s32 $0xFFFFFD80  }
0x264: {  	[spmem:s12] =	stream.linear.scatter [tilespmem:s21], [sflag:$0x5], $0x1000, $0x38;
	[tilespmem:$0x1E120] =	vst v63  }
0x265: {  	_ =	swait.ge [sflag:s22], $0x1000  }
0x266: {  	s16 =	sld [smem:$0x7F5]  }
0x267: {  	[sflag:s22] =	ssyncset.done $0x0  }
0x268: {  	[sflag:s22] =	ssyncadd.s32 $0xFFFFF000  }
0x269: {  	[spmem:s16] =	stream.linear.scatter [tilespmem:s23], [sflag:$0x5], $0x200, $0x38;
	[tilespmem:$0x1E120] =	vst v63  }
0x26a: {  	_ =	swait.ge [sflag:s22], $0x200  }
0x26b: {  	[sflag:s22] =	ssyncset.done $0x0  }
0x26c: {  	[sflag:s22] =	ssyncadd.s32 $0xFFFFFE00  }
0x26d: {  	[bflag:$0x0] =	sbarrier.arrive $0xFFFF  }
0x26e: {  	s17 =	sld [smem:$0x7F6];
	_ =	sdelay $0x1  }
0x26f: {  	s31 =	simm.s32 $0x0  }
0x270: {  	[tilespmem:s31], [sflag:$0x5] =	stream.linear.gather [hbm4b:s17+s31], $0x28, $0x38;
	[tilespmem:$0x1E120] =	vst v63  }
0x271: {  	_ =	swait.ge [sflag:s22], $0x28  }
0x272: {  	s19 =	sld [smem:$0x7F7]  }
0x273: {  	[sflag:s22] =	ssyncset.done $0x0  }
0x274: {  	s1 =	simm.s32 $0x50;
	[sflag:s22] =	ssyncadd.s32 $0xFFFFFFD8  }
0x275: {  	[tilespmem:s1], [sflag:$0x5] =	stream.linear.gather [hbm4b:s19+s31], $0x28, $0x38;
	[tilespmem:$0x1E120] =	vst v63  }
0x276: {  	_ =	swait.ge [sflag:s22], $0x28  }
0x277: {  	s20 =	sld [smem:$0x7FA]  }
0x278: {  	[sflag:s22] =	ssyncset.done $0x0  }
0x279: {  	[sflag:s22] =	ssyncadd.s32 $0xFFFFFFD8  }
0x27a: {  	[tilespmem:s21], [sflag:$0x5] =	stream.linear.gather [hbm4b:s20+s31], $0x1400, $0x38;
	[tilespmem:$0x1E120] =	vst v63  }
0x27b: {  	_ =	swait.ge [sflag:s22], $0x1400  }
0x27c: {  	[sflag:s22] =	ssyncset.done $0x0  }
0x27d: {  	s24 =	simm.s32 $0x50A0;
	[sflag:s22] =	ssyncadd.s32 $0xFFFFEC00  }
0x27e: {  	[tilespmem:s24], [sflag:$0x5] =	stream.linear.gather [hbm4b:s20+s31], $0x1400, $0x38;
	[tilespmem:$0x1E120] =	vst v63  }
0x27f: {  	_ =	swait.ge [sflag:s22], $0x1400  }
0x280: {  	[sflag:s22] =	ssyncset.done $0x0  }
0x281: {  	s25 =	simm.s32 $0xA0;
	[sflag:s22] =	ssyncadd.s32 $0xFFFFEC00  }
0x282: {  	[tilespmem:s25], [sflag:$0x1] =	stream.indirect.gather [hbm4b:s6+s26], $0x80, s1, s26, $0xb8;
	[tilespmem:$0x1E120] =	vst v63  }
0x283: {  	_ = 	snop  }
0x284: {  	[tilespmem:s21], [sflag:$0x1] =	stream.indirect.gather [hbm4b:s7+s26], $0x80, s31, s26, $0xb8;
	[tilespmem:$0x1E120] =	vst v63  }
0x285: {  	p1 =	por $0x0, $0x0  }
0x286: {  	[tilespmem:s24], [sflag:$0x1] =	stream.indirect.gather [hbm4b:s8+s26], $0x80, s31, s26, $0xb8;
	[tilespmem:$0x1E120] =	vst v63  }
.LBB2_5:
0x287: {  	p2 =	seq.s32 s31, $0xF9  }
0x288: {  	s1 =	smov.u32 s31;
	s4 =	simm.s32 @p2 $0x3  }
0x289: {  	s0 =	sand.u32 $0x1, s31;
	s31 =	sadd.s32 $0x1, s31;
	_ =	swait.ge @p2 [sflag:s4], $0x1400  }
0x28a: {  	s12 =	smul.u32 $0x28, s31;
	[sflag:s4] =	ssyncset.done @p2 $0x0  }
0x28b: {  	s17 =	sxor.u32 $0x1, s0;
	[sflag:s4] =	ssyncadd.s32 @p2 $0xFFFFEC00;
	s4 =	simm.s32 @p2 $0x4  }
0x28c: {  	s24 =	simm.s32 @!p2 $0x0;
	p3 =	seq.s32 @!p2 s1, $0x0;
	_ =	swait.ge @p2 [sflag:s4], $0x280  }
0x28d: {  	s19 =	smul.u32 @!p2 $0xA0, s17;
	s12 =	sadd.s32 s29, s12;
	[sflag:s4] =	ssyncset.done @p2 $0x0  }
0x28e: {  	p3 =	por p3, p2;
	[sflag:s4] =	ssyncadd.s32 @p2 $0xFFFFFD80;
	s4 =	sshrl.u32 @!p2 s12, $0x3  }
0x28f: {  	s1 =	simm.s32 @!p3 $0x3;
	s19 =	sshrl.u32 @!p2 s19, $0x2;
	s20 =	sadd.s32 @!p2 s5, s4  }
0x290: {  	[tilespmem:s19], [sflag:$0x2] =	stream.linear.gather @!p2 [hbm4b:s20+s24], $0x28, $0x38;
	[tilespmem:$0x1E120] =	vst v63  }
0x291: {  	_ =	swait.ge @!p3 [sflag:s1], $0x1400  }
0x292: {  	[sflag:s1] =	ssyncset.done @!p3 $0x0  }
0x293: {  	[sflag:s1] =	ssyncadd.s32 @!p3 $0xFFFFEC00;
	s1 =	simm.s32 @!p3 $0x4  }
0x294: {  	_ =	swait.ge @!p3 [sflag:s1], $0x280  }
0x295: {  	[sflag:s1] =	ssyncset.done @!p3 $0x0  }
0x296: {  	s4 =	sadd.s32 @!p2 s9, s4;
	[sflag:s1] =	ssyncadd.s32 @!p3 $0xFFFFFD80;
	s1 =	sadd.s32 @!p2 $0x50, s19  }
0x297: {  	[tilespmem:s1], [sflag:$0x2] =	stream.linear.gather @!p2 [hbm4b:s4+s24], $0x28, $0x38;
	[tilespmem:$0x1E120] =	vst v63  }
0x298: {  	s1 =	smul.u32 @!p2 $0x1400, s17  }
0x299: {  	s4 =	sshll.u32 @!p2 s12, $0x4  }
0x29a: {  	s4 =	sadd.s32 @!p2 s10, s4;
	s12 =	sadd.s32 @!p2 $0x28A0, s1  }
0x29b: {  	[tilespmem:s12], [sflag:$0x2] =	stream.linear.gather @!p2 [hbm4b:s4+s24], $0x1400, $0x38;
	[tilespmem:$0x1E120] =	vst v63  }
0x29c: {  	s19 =	sadd.s32 @!p2 $0x50A0, s1  }
0x29d: {  	[tilespmem:s19], [sflag:$0x2] =	stream.linear.gather @!p2 [hbm4b:s4+s24], $0x1400, $0x38;
	[tilespmem:$0x1E120] =	vst v63  }
0x29e: {  	_ =	swait.ge [sflag:s28], $0x1400  }
0x29f: {  	[sflag:s28] =	ssyncset.done $0x0  }
0x2a0: {  	[sflag:s28] =	ssyncadd.s32 $0xFFFFEC00  }
0x2a1: {  	_ =	swait.ge [sflag:s28], $0x1400  }
0x2a2: {  	[sflag:s28] =	ssyncset.done $0x0  }
0x2a3: {  	[sflag:s28] =	ssyncadd.s32 $0xFFFFEC00  }
0x2a4: {  	_ =	swait.ge [sflag:s28], $0x1400  }
0x2a5: {  	[sflag:s28] =	ssyncset.done $0x0  }
0x2a6: {  	s20 =	simm.s32 @!p2 $0x2;
	[sflag:s28] =	ssyncadd.s32 $0xFFFFEC00  }
0x2a7: {  	_ =	swait.ge @!p2 [sflag:s20], $0x28  }
0x2a8: {  	[sflag:s20] =	ssyncset.done @!p2 $0x0  }
0x2a9: {  	[sflag:s20] =	ssyncadd.s32 @!p2 $0xFFFFFFD8  }
0x2aa: {  	_ =	swait.ge @!p2 [sflag:s20], $0x28  }
0x2ab: {  	[sflag:s20] =	ssyncset.done @!p2 $0x0  }
0x2ac: {  	[sflag:s20] =	ssyncadd.s32 @!p2 $0xFFFFFFD8  }
0x2ad: {  	s4 =	simm.s32 $0x1;
	_ =	swait.ge @!p2 [sflag:s20], $0x1400  }
0x2ae: {  	s17 =	smul.u32 @!p2 $0x28, s17;
	s4 =	simm.s32 @!p1 $0x0;
	[sflag:s20] =	ssyncset.done @!p2 $0x0  }
0x2af: {  	s25 =	smul.u32 $0x5000, s4;
	[sflag:s20] =	ssyncadd.s32 @!p2 $0xFFFFEC00  }
0x2b0: {  	s16 =	sadd.s32 @!p2 $0x50, s17;
	_ =	swait.ge @!p2 [sflag:s20], $0x1400  }
0x2b1: {  	s1 =	sor.u32 @!p2 $0xA0, s1;
	s24 =	sshrl.u32 s25, $0x2;
	[sflag:s20] =	ssyncset.done @!p2 $0x0  }
0x2b2: {  	s25 =	sor.u32 $0xE0, s24;
	[sflag:s20] =	ssyncadd.s32 @!p2 $0xFFFFEC00;
	s20 =	simm.s32 @!p2 $0x28  }
0x2b3: {  	[tilespmem:s1], [sflag:$0x1] =	stream.indirect.gather @!p2 [hbm4b:s6+s20], $0x80, s16, s20, $0xb8;
	[tilespmem:$0x1E120] =	vst v63  }
0x2b4: {  	v1 =	vmov s25;
	s16 =	sadd.s32 $0x2910, s24  }
0x2b5: {  	v2 =	vmov s16  }
0x2b6: {  	[tilespmem:s12], [sflag:$0x1] =	stream.indirect.gather @!p2 [hbm4b:s7+s20], $0x80, s17, s20, $0xb8;
	[tilespmem:$0x1E120] =	vst v63  }
0x2b7: {  	s1 =	simm.s32 $0x0  }
0x2b8: {  	[tilespmem:s19], [sflag:$0x1] =	stream.indirect.gather @!p2 [hbm4b:s8+s20], $0x80, s17, s20, $0xb8;
	[tilespmem:$0x1E120] =	vst v63  }
0x2b9: {  	v3 =	vld.idx.msk [tilespmem:v1+s1+$0xFFFFFFC0 ss:$0x1], $0xffff  }
0x2ba: {  	v4 =	vld.idx.msk [tilespmem:v2+s1+$0xFFFFFF90 ss:$0x1], $0xffff  }
0x2bb: {  	v6 =	vld.idx.msk [tilespmem:v1+s1+$0xFFFFFFD0 ss:$0x1], $0xffff  }
0x2bc: {  	v5 =	vld.idx.msk [tilespmem:v2+s1+$0xFFFFFFA0 ss:$0x1], $0xffff  }
0x2bd: {  	v8 =	vld.idx.msk [tilespmem:v1+s1+$0xFFFFFFE0 ss:$0x1], $0xffff  }
0x2be: {  	v7 =	vld.idx.msk [tilespmem:v2+s1+$0xFFFFFFB0 ss:$0x1], $0xffff  }
0x2bf: {  	v9 =	vld.idx.msk [tilespmem:v2+s1+$0xFFFFFFC0 ss:$0x1], $0xffff;
	v3 =	vmul.f32 v4, v3  }
0x2c0: {  	v4 =	vld.idx.msk [tilespmem:v1+s1+$0xFFFFFFF0 ss:$0x1], $0xffff  }
0x2c1: {  	v5 =	vmul.f32 v5, v6;
	v3 =	vadd.f32 $0.0e+00, v3;
	_ =	sdelay $0x1  }
0x2c2: {  	v3 =	vadd.f32 v5, v3;
	v5 =	vmul.f32 v7, v8;
	_ =	sdelay $0x1  }
0x2c3: {  	v4 =	vmul.f32 v9, v4;
	v3 =	vadd.f32 v5, v3;
	_ =	sdelay $0x1  }
0x2c4: {  	v3 =	vadd.f32 v4, v3;
	_ =	sdelay $0x1  }
0x2c5: {  	(xrf2) =	vadd.scan.msk.f32 $0xffff, v3;
	_ =	sdelay $0x9  }
0x2c6: {  	v3, _, _ =	vpop (xrf2)  }
0x2c7: {  	(v2sf) =	vpush v3, $0xF;
	_ =	sdelay $0xe  }
0x2c8: {  	s17 =	spop (v2sf)  }
0x2c9: {  	s12 =	smul.f32 $1.250000000e-01, s17;
	_ =	sdelay $0x1  }
0x2ca: {  	v3 =	vmov s12  }
0x2cb: {  	v3 =	vmul.f32 $1.442695020e+00, v3;
	_ =	sdelay $0x1  }
0x2cc: {  	v4 =	vbroadcast v3, $0x0  }
0x2cd: {  	s19 =	sadd.s32 $0x5110, s24  }
0x2ce: {  	v3 =	vmov s19;
	(erf) = vpow2.f32 v4;
	_ =	sdelay $0x4  }
0x2cf: {  	v4 =	vld.idx.msk [tilespmem:v3+s1+$0xFFFFFF90 ss:$0x1], $0xffff;
	_ =	sdelay $0x3  }
0x2d0: {  	v6 =	vpop (erf)  }
0x2d1: {  	v4 =	vmul.f32 v6, v4;
	_ =	sdelay $0x1  }
0x2d2: {  	[tilespmem:v3+s1+$0xFFFFFF90 ss:$0x1] =	vst.idx.msk $0xffff, v4  }
0x2d3: {  	v4 =	vld.idx.msk [tilespmem:v3+s1+$0xFFFFFFA0 ss:$0x1], $0xffff;
	_ =	sdelay $0x4  }
0x2d4: {  	v4 =	vmul.f32 v6, v4;
	_ =	sdelay $0x1  }
0x2d5: {  	[tilespmem:v3+s1+$0xFFFFFFA0 ss:$0x1] =	vst.idx.msk $0xffff, v4  }
0x2d6: {  	v4 =	vld.idx.msk [tilespmem:v3+s1+$0xFFFFFFB0 ss:$0x1], $0xffff;
	_ =	sdelay $0x4  }
0x2d7: {  	v4 =	vmul.f32 v6, v4;
	_ =	sdelay $0x1  }
0x2d8: {  	[tilespmem:v3+s1+$0xFFFFFFB0 ss:$0x1] =	vst.idx.msk $0xffff, v4  }
0x2d9: {  	v4 =	vld.idx.msk [tilespmem:v3+s1+$0xFFFFFFC0 ss:$0x1], $0xffff;
	_ =	sdelay $0x4  }
0x2da: {  	v4 =	vmul.f32 v6, v4;
	_ =	sdelay $0x1  }
0x2db: {  	[tilespmem:v3+s1+$0xFFFFFFC0 ss:$0x1] =	vst.idx.msk $0xffff, v4  }
0x2dc: {  	v4 =	vld.idx.msk [tilespmem:v1+s1+$0x0 ss:$0x1], $0xffff  }
0x2dd: {  	v5 =	vld.idx.msk [tilespmem:v2+s1+$0xFFFFFFD0 ss:$0x1], $0xffff  }
0x2de: {  	v7 =	vld.idx.msk [tilespmem:v2+s1+$0xFFFFFFE0 ss:$0x1], $0xffff  }
0x2df: {  	v8 =	vld.idx.msk [tilespmem:v1+s1+$0x10 ss:$0x1], $0xffff  }
0x2e0: {  	v63 =	vld.idx.msk [tilespmem:v2+s1+$0xFFFFFFF0 ss:$0x1], $0xffff  }
0x2e1: {  	v10 =	vld.idx.msk [tilespmem:v1+s1+$0x20 ss:$0x1], $0xffff  }
0x2e2: {  	v11 =	vld.idx.msk [tilespmem:v2+s1+$0x0 ss:$0x1], $0xffff;
	v4 =	vmul.f32 v5, v4  }
0x2e3: {  	v5 =	vld.idx.msk [tilespmem:v1+s1+$0x30 ss:$0x1], $0xffff  }
0x2e4: {  	v7 =	vmul.f32 v7, v8;
	v4 =	vadd.f32 $0.0e+00, v4;
	_ =	sdelay $0x1  }
0x2e5: {  	v4 =	vadd.f32 v7, v4;
	v7 =	vmul.f32 v63, v10;
	_ =	sdelay $0x1  }
0x2e6: {  	v5 =	vmul.f32 v11, v5;
	v4 =	vadd.f32 v7, v4;
	_ =	sdelay $0x1  }
0x2e7: {  	v4 =	vadd.f32 v5, v4;
	_ =	sdelay $0x1  }
0x2e8: {  	(xrf2) =	vadd.scan.msk.f32 $0xffff, v4;
	_ =	sdelay $0x9  }
0x2e9: {  	v4, _, _ =	vpop (xrf2)  }
0x2ea: {  	(v2sf) =	vpush v4, $0xF;
	_ =	sdelay $0xe  }
0x2eb: {  	s20 =	spop (v2sf)  }
0x2ec: {  	s12 =	smul.f32 $1.250000000e-01, s20;
	_ =	sdelay $0x1  }
0x2ed: {  	v4 =	vmov s12  }
0x2ee: {  	v4 =	vmul.f32 $1.442695020e+00, v4;
	_ =	sdelay $0x1  }
0x2ef: {  	v4 =	vbroadcast v4, $0x0;
	_ =	sdelay $0x1  }
0x2f0: {  	(erf) = vpow2.f32 v4;
	_ =	sdelay $0x4  }
0x2f1: {  	v4 =	vld.idx.msk [tilespmem:v3+s1+$0xFFFFFFD0 ss:$0x1], $0xffff;
	_ =	sdelay $0x3  }
0x2f2: {  	v5 =	vpop (erf)  }
0x2f3: {  	v4 =	vmul.f32 v5, v4;
	_ =	sdelay $0x1  }
0x2f4: {  	[tilespmem:v3+s1+$0xFFFFFFD0 ss:$0x1] =	vst.idx.msk $0xffff, v4  }
0x2f5: {  	v4 =	vld.idx.msk [tilespmem:v3+s1+$0xFFFFFFE0 ss:$0x1], $0xffff;
	_ =	sdelay $0x4  }
0x2f6: {  	v4 =	vmul.f32 v5, v4;
	_ =	sdelay $0x1  }
0x2f7: {  	[tilespmem:v3+s1+$0xFFFFFFE0 ss:$0x1] =	vst.idx.msk $0xffff, v4  }
0x2f8: {  	v4 =	vld.idx.msk [tilespmem:v3+s1+$0xFFFFFFF0 ss:$0x1], $0xffff;
	_ =	sdelay $0x2  }
0x2f9: {  	s4 =	smul.u32 $0xA00, s4  }
0x2fa: {  	s25 =	smul.u32 $0x1400, s0  }
0x2fb: {  	s24 =	smul.u32 $0xA00, s0;
	v4 =	vmul.f32 v5, v4  }
0x2fc: {  	s4 =	sshrl.u32 s4, $0x2  }
0x2fd: {  	s4 =	sadd.s32 $0x78A0, s4;
	s17 =	sadd.s32 $0x50A0, s25;
	s12 =	sshrl.u32 s24, $0x2;
	v7 =	vsel vm0, $0x0, v5;
	[tilespmem:v3+s1+$0xFFFFFFF0 ss:$0x1] =	vst.idx.msk $0xffff, v4  }
0x2fe: {  	s19 =	smov.u32 s4;
	s20 =	simm.s32 $0x200;
	s12 =	sadd.s32 $0x78A0, s12;
	v4 =	vsel vm1, v6, v7;
	v6 =	vld.idx.msk [tilespmem:v3+s1+$0x0 ss:$0x1], $0xffff  }
.LBB2_6:
0x2ff: {  	_ =	sdelay $0x2  }
0x300: {  	p2 =	sne.s32 s20, $0x4E00  }
0x301: {  	s4 =	sadd.s32 $0x10, s4;
	s16 =	smov.u32 s20;
	s20 =	sadd.s32 $0x200, s20;
	v5 =	vmul.f32 v5, v6  }
0x302: {  	_ = 	snop  }
0x303: {  	[tilespmem:v3+s1+$0x0 ss:$0x1] =	vst.idx.msk $0xffff, v5  }
0x304: {  	s1 =	sshra.s32 s16, $0x2;
	[tilespmem:s19+$0x0] =	vst v4;
	s19 =	smov.u32 s4  }
0x305: {  	v4 =	vld.idx.msk [tilespmem:v2+s1+$0xFFFFFFA0 ss:$0x1], $0xffff  }
0x306: {  	v5 =	vld.idx.msk [tilespmem:v1+s1+$0xFFFFFFC0 ss:$0x1], $0xffff  }
0x307: {  	v6 =	vld.idx.msk [tilespmem:v2+s1+$0xFFFFFF90 ss:$0x1], $0xffff;
	_ =	sdelay $0x1  }
0x308: {  	v7 =	vld.idx.msk [tilespmem:v1+s1+$0xFFFFFFD0 ss:$0x1], $0xffff  }
0x309: {  	v8 =	vld.idx.msk [tilespmem:v2+s1+$0xFFFFFFB0 ss:$0x1], $0xffff  }
0x30a: {  	v9 =	vld.idx.msk [tilespmem:v1+s1+$0xFFFFFFE0 ss:$0x1], $0xffff  }
0x30b: {  	v10 =	vld.idx.msk [tilespmem:v2+s1+$0xFFFFFFC0 ss:$0x1], $0xffff  }
0x30c: {  	v5 =	vmul.f32 v6, v5;
	v6 =	vld.idx.msk [tilespmem:v1+s1+$0xFFFFFFF0 ss:$0x1], $0xffff;
	_ =	sdelay $0x1  }
0x30d: {  	v5 =	vadd.f32 $0.0e+00, v5;
	v4 =	vmul.f32 v4, v7;
	_ =	sdelay $0x1  }
0x30e: {  	v4 =	vadd.f32 v4, v5;
	v5 =	vmul.f32 v8, v9;
	_ =	sdelay $0x1  }
0x30f: {  	v4 =	vadd.f32 v5, v4;
	v5 =	vmul.f32 v10, v6;
	_ =	sdelay $0x1  }
0x310: {  	v4 =	vadd.f32 v5, v4;
	_ =	sdelay $0x1  }
0x311: {  	(xrf2) =	vadd.scan.msk.f32 $0xffff, v4;
	_ =	sdelay $0x9  }
0x312: {  	v4, _, _ =	vpop (xrf2)  }
0x313: {  	(v2sf) =	vpush v4, $0xF;
	_ =	sdelay $0xe  }
0x314: {  	s16 =	spop (v2sf)  }
0x315: {  	s16 =	smul.f32 $1.250000000e-01, s16;
	_ =	sdelay $0x1  }
0x316: {  	v4 =	vmov s16  }
0x317: {  	v4 =	vmul.f32 $1.442695020e+00, v4;
	_ =	sdelay $0x1  }
0x318: {  	v4 =	vbroadcast v4, $0x0;
	_ =	sdelay $0x1  }
0x319: {  	(erf) = vpow2.f32 v4;
	_ =	sdelay $0x3  }
0x31a: {  	v5 =	vld.idx.msk [tilespmem:v3+s1+$0xFFFFFF90 ss:$0x1], $0xffff;
	_ =	sdelay $0x4  }
0x31b: {  	v4 =	vpop (erf)  }
0x31c: {  	v5 =	vmul.f32 v4, v5;
	_ =	sdelay $0x1  }
0x31d: {  	[tilespmem:v3+s1+$0xFFFFFF90 ss:$0x1] =	vst.idx.msk $0xffff, v5  }
0x31e: {  	v5 =	vld.idx.msk [tilespmem:v3+s1+$0xFFFFFFA0 ss:$0x1], $0xffff;
	_ =	sdelay $0x5  }
0x31f: {  	v5 =	vmul.f32 v4, v5;
	_ =	sdelay $0x1  }
0x320: {  	[tilespmem:v3+s1+$0xFFFFFFA0 ss:$0x1] =	vst.idx.msk $0xffff, v5  }
0x321: {  	v5 =	vld.idx.msk [tilespmem:v3+s1+$0xFFFFFFB0 ss:$0x1], $0xffff;
	_ =	sdelay $0x5  }
0x322: {  	v5 =	vmul.f32 v4, v5;
	_ =	sdelay $0x1  }
0x323: {  	[tilespmem:v3+s1+$0xFFFFFFB0 ss:$0x1] =	vst.idx.msk $0xffff, v5  }
0x324: {  	v5 =	vld.idx.msk [tilespmem:v3+s1+$0xFFFFFFC0 ss:$0x1], $0xffff;
	_ =	sdelay $0x5  }
0x325: {  	v5 =	vmul.f32 v4, v5;
	_ =	sdelay $0x1  }
0x326: {  	[tilespmem:v3+s1+$0xFFFFFFC0 ss:$0x1] =	vst.idx.msk $0xffff, v5  }
0x327: {  	v5 =	vld.idx.msk [tilespmem:v1+s1+$0x0 ss:$0x1], $0xffff  }
0x328: {  	v6 =	vld.idx.msk [tilespmem:v2+s1+$0xFFFFFFD0 ss:$0x1], $0xffff  }
0x329: {  	v7 =	vld.idx.msk [tilespmem:v2+s1+$0xFFFFFFE0 ss:$0x1], $0xffff  }
0x32a: {  	v8 =	vld.idx.msk [tilespmem:v1+s1+$0x10 ss:$0x1], $0xffff  }
0x32b: {  	v9 =	vld.idx.msk [tilespmem:v2+s1+$0xFFFFFFF0 ss:$0x1], $0xffff  }
0x32c: {  	v10 =	vld.idx.msk [tilespmem:v1+s1+$0x20 ss:$0x1], $0xffff  }
0x32d: {  	v11 =	vld.idx.msk [tilespmem:v2+s1+$0x0 ss:$0x1], $0xffff  }
0x32e: {  	v5 =	vmul.f32 v6, v5;
	v6 =	vld.idx.msk [tilespmem:v1+s1+$0x30 ss:$0x1], $0xffff;
	_ =	sdelay $0x1  }
0x32f: {  	v5 =	vadd.f32 $0.0e+00, v5;
	v7 =	vmul.f32 v7, v8;
	_ =	sdelay $0x1  }
0x330: {  	v5 =	vadd.f32 v7, v5;
	v7 =	vmul.f32 v9, v10;
	_ =	sdelay $0x1  }
0x331: {  	v5 =	vadd.f32 v7, v5;
	v6 =	vmul.f32 v11, v6;
	_ =	sdelay $0x1  }
0x332: {  	v5 =	vadd.f32 v6, v5;
	_ =	sdelay $0x1  }
0x333: {  	(xrf2) =	vadd.scan.msk.f32 $0xffff, v5;
	_ =	sdelay $0x9  }
0x334: {  	v5, _, _ =	vpop (xrf2)  }
0x335: {  	(v2sf) =	vpush v5, $0xF;
	_ =	sdelay $0xe  }
0x336: {  	s16 =	spop (v2sf)  }
0x337: {  	s16 =	smul.f32 $1.250000000e-01, s16;
	_ =	sdelay $0x1  }
0x338: {  	v5 =	vmov s16  }
0x339: {  	v5 =	vmul.f32 $1.442695020e+00, v5;
	_ =	sdelay $0x1  }
0x33a: {  	v5 =	vbroadcast v5, $0x0;
	_ =	sdelay $0x1  }
0x33b: {  	(erf) = vpow2.f32 v5;
	_ =	sdelay $0x3  }
0x33c: {  	v6 =	vld.idx.msk [tilespmem:v3+s1+$0xFFFFFFD0 ss:$0x1], $0xffff;
	_ =	sdelay $0x4  }
0x33d: {  	v5 =	vpop (erf)  }
0x33e: {  	v6 =	vmul.f32 v5, v6;
	v7 =	vsel vm0, $0x0, v5  }
0x33f: {  	v4 =	vsel vm1, v4, v7  }
0x340: {  	[tilespmem:v3+s1+$0xFFFFFFD0 ss:$0x1] =	vst.idx.msk $0xffff, v6  }
0x341: {  	v6 =	vld.idx.msk [tilespmem:v3+s1+$0xFFFFFFE0 ss:$0x1], $0xffff;
	_ =	sdelay $0x5  }
0x342: {  	v6 =	vmul.f32 v5, v6;
	_ =	sdelay $0x1  }
0x343: {  	[tilespmem:v3+s1+$0xFFFFFFE0 ss:$0x1] =	vst.idx.msk $0xffff, v6  }
0x344: {  	v6 =	vld.idx.msk [tilespmem:v3+s1+$0xFFFFFFF0 ss:$0x1], $0xffff;
	_ =	sdelay $0x4  }
.Ltmp8:
0x345: {  	(pc) =	sbr.rel @p2 .LBB2_6-.Ltmp8, $3  }
0x346: {  	v6 =	vmul.f32 v5, v6;
	_ =	sdelay $0x1  }
0x347: {  	[tilespmem:v3+s1+$0xFFFFFFF0 ss:$0x1] =	vst.idx.msk $0xffff, v6  }
0x348: {  	v6 =	vld.idx.msk [tilespmem:v3+s1+$0x0 ss:$0x1], $0xffff  }
0x349: {  	_ =	sdelay $0x3  }
0x34a: {  	s0 =	smul.u32 $0xA0, s0;
	v1 =	vmul.f32 v5, v6  }
0x34b: {  	p2 =	seq.s32 s31, $0xFA  }
.Ltmp9:
0x34c: {  	s0 =	sshrl.u32 s0, $0x2;
	[tilespmem:v3+s1+$0x0 ss:$0x1] =	vst.idx.msk $0xffff, v1;
	(pc) =	sbr.rel @!p2 .LBB2_5-.Ltmp9, $4  }
0x34d: {  	s0 =	sadd.s32 $0x50, s0;
	[tilespmem:s19+$0x0] =	vst v4  }
0x34e: {  	[spmem:s2] =	stream.indirect.scatter.add.f32 [tilespmem:s17], [sflag:$0x3], $0x80, s0, s26, $0xb8;
	[tilespmem:$0x1E120] =	vst v63  }
0x34f: {  	p1 =	por !p1, !p1  }
0x350: {  	[spmem:s3] =	stream.indirect.scatter.add.f32 [tilespmem:s12], [sflag:$0x4], $0x10, s0, s26, $0xb8;
	[tilespmem:$0x1E120] =	vst v63  }
.Ltmp10:
0x351: {  	(pc) =	sbr.rel .LBB2_16-.Ltmp10, $3  }
0x352: {  	_ =	sdelay $0x1  }
0x353: {  	s1 =	rddreg [dreg:$0x1]  }
0x354: {  	s0 =	rddreg [dreg:$0x6]  }
.LBB2_17:
0x355: {  	_ =	sfence.sel $0x180000  }
0x356: {  	[bflag:$0x0] =	sbarrier.arrive $0xFFFF  }
0x357: {  	_ =	strace $0x90000047  }
0x358: {  	s0 =	stileid.u32;
	[bflag:$0x2] =	sbarrier.arrive $0xFFFF  }
0x359: {  	p0 =	sne.s32 s0, $0x0;
	s0 =	rddreg [dreg:$0x4]  }
0x35a: {  	s0 =	sadd.s32 @!p0 $0x100000, s0  }
0x35b: {  	[sflag:s0] =	ssyncadd.tile.s32 @!p0 $0x1;
	_ =	shalt  }
.Lfunc_end2:
_tile_overlayer_lowered:
.L_overlay_start_2:
0x35c: {  	(tag) =	ssettag $0x2  }
0x35d: {  	s0 =	rddreg [dreg:$0x0];
	s2 =	stileid.u32  }
0x35e: {  	s1 =	rddreg [dreg:$0x1];
	p0 =	sne.s32 s2, $0x0  }
0x35f: {  	s3 =	rddreg [dreg:$0x2];
	[bflag:$0x3] =	sbarrier.arrive $0xFFFF;
	s2 =	simm.s32 @!p0 $0x1C05  }
0x360: {  	[timem:s3], [sflag:s2] =	dma.local @!p0 [hbm:s0], s1  }
0x361: {  	s0 =	simm.s32 @!p0 $0x5  }
0x362: {  	_ =	swait.ge @!p0 [sflag:s0], s1  }
0x363: {  	s1 =	ssub.s32 @!p0 $0x0, s1;
	[sflag:s0] =	ssyncset.done @!p0 $0x0  }
0x364: {  	[sflag:s0] =	ssyncadd.s32 @!p0 s1  }
0x365: {  	[bflag:$0x3] =	sbarrier.arrive $0xFFFF  }
0x366: {  	_ =	shalt  }

</sc_bundles>
